<compile_context>
chip_gen: v7x
topology: tpu7x:2x2x1
jax: 0.10.2.dev20260603
libtpu: 0.0.44.dev20260713+nightly
codegen_flags: <defaults>
</compile_context>

<pallas_src>
import functools

import jax
import jax.numpy as jnp
from jax import lax
from jax.experimental import pallas as pl
from jax.experimental.pallas import tpu as pltpu
from jax.experimental.pallas import tpu_sc as plsc

N = 10000
E = 320000
H = 128
G = 16

NW = 32
PER_W = E // NW
KCH = 80
NCH = PER_W // KCH
NPAD = 10240
RPT = NPAD // 16
BE = 2000
BNB = 1000
EPS = 1e-5

_f32 = jnp.float32


def _mesh():
    return plsc.VectorSubcoreMesh(core_axis_name="c", subcore_axis_name="s")


def _sc_gather(table, idx):
    D = table.shape[1]

    @functools.partial(
        pl.kernel,
        out_type=jax.ShapeDtypeStruct((E, D), _f32),
        mesh=_mesh(),
        scratch_types=[
            pltpu.VMEM((KCH,), jnp.int32),
            pltpu.VMEM((KCH, D), _f32),
            pltpu.SemaphoreType.DMA,
        ],
    )
    def k(t_hbm, i_hbm, o_hbm, idx_v, buf_v, sem):
        wid = lax.axis_index("s") * 2 + lax.axis_index("c")
        base = wid * PER_W

        @pl.loop(0, NCH)
        def _(c):
            off = base + c * KCH
            pltpu.sync_copy(i_hbm.at[pl.ds(off, KCH)], idx_v)
            pltpu.async_copy(t_hbm.at[idx_v], buf_v, sem).wait()
            pltpu.sync_copy(buf_v, o_hbm.at[pl.ds(off, KCH)])

    return k(table, idx)


def _sc_scatter_add(data, idx):
    D = data.shape[1]
    zeros = jnp.zeros((RPT, D), _f32)

    @functools.partial(
        pl.kernel,
        out_type=jax.ShapeDtypeStruct((2, NPAD, D), _f32),
        mesh=_mesh(),
        scratch_types=[
            pltpu.VMEM((KCH,), jnp.int32),
            pltpu.VMEM((KCH, D), _f32),
            pltpu.VMEM_SHARED((NPAD, D), _f32),
            pltpu.SemaphoreType.DMA,
        ],
    )
    def k(d_hbm, i_hbm, z_hbm, o_hbm, idx_v, buf_v, acc_sh, sem):
        cid = lax.axis_index("c")
        sid = lax.axis_index("s")
        pltpu.sync_copy(z_hbm, acc_sh.at[pl.ds(sid * RPT, RPT)])
        plsc.subcore_barrier()
        base = (sid * 2 + cid) * PER_W

        @pl.loop(0, NCH)
        def _(c):
            off = base + c * KCH
            pltpu.sync_copy(i_hbm.at[pl.ds(off, KCH)], idx_v)
            pltpu.sync_copy(d_hbm.at[pl.ds(off, KCH)], buf_v)
            pltpu.sync_copy(buf_v, acc_sh.at[idx_v], add=True)

        plsc.subcore_barrier()
        pltpu.sync_copy(
            acc_sh.at[pl.ds(sid * RPT, RPT)],
            o_hbm.at[cid].at[pl.ds(sid * RPT, RPT)],
        )

    return k(data, idx, zeros)


def _sc_count(idx):
    ones = jnp.ones((KCH, H), _f32)
    zeros = jnp.zeros((RPT, H), _f32)

    @functools.partial(
        pl.kernel,
        out_type=jax.ShapeDtypeStruct((2, NPAD, H), _f32),
        mesh=_mesh(),
        scratch_types=[
            pltpu.VMEM((KCH,), jnp.int32),
            pltpu.VMEM((KCH, H), _f32),
            pltpu.VMEM_SHARED((NPAD, H), _f32),
            pltpu.SemaphoreType.DMA,
        ],
    )
    def k(i_hbm, on_hbm, z_hbm, o_hbm, idx_v, buf_v, acc_sh, sem):
        cid = lax.axis_index("c")
        sid = lax.axis_index("s")
        pltpu.sync_copy(z_hbm, acc_sh.at[pl.ds(sid * RPT, RPT)])
        pltpu.sync_copy(on_hbm, buf_v)
        plsc.subcore_barrier()
        base = (sid * 2 + cid) * PER_W

        @pl.loop(0, NCH)
        def _(c):
            off = base + c * KCH
            pltpu.sync_copy(i_hbm.at[pl.ds(off, KCH)], idx_v)
            pltpu.sync_copy(buf_v, acc_sh.at[idx_v], add=True)

        plsc.subcore_barrier()
        pltpu.sync_copy(
            acc_sh.at[pl.ds(sid * RPT, RPT)],
            o_hbm.at[cid].at[pl.ds(sid * RPT, RPT)],
        )

    return k(idx, ones, zeros)



def _espec():
    return pl.BlockSpec((BE, H), lambda i: (i, 0))


def _nspec():
    return pl.BlockSpec((BNB, H), lambda i: (i, 0))


def _wspec(k):
    return pl.BlockSpec((k, H), lambda i: (0, 0))


def _cspec():
    return pl.BlockSpec((8, H), lambda i: (0, 0))


def _stspec():
    return pl.BlockSpec((16, H), lambda i: (0, 0))


def _st_accum(st_ref, v):
    p = v.reshape(v.shape[0] // 8, 8, H)
    st_ref[0:8, :] += jnp.sum(p, axis=0)
    st_ref[8:16, :] += jnp.sum(p * p, axis=0)


def _bn_apply(h, cf):
    return (h - cf[0:1, :]) / jnp.sqrt(cf[1:2, :] + EPS) * cf[2:3, :] + cf[3:4, :]


def _lin1e_body(xs_ref, xd_ref, ea_ref, w_ref, cf_ref, e1_ref, st_ref):
    @pl.when(pl.program_id(0) == 0)
    def _():
        st_ref[...] = jnp.zeros_like(st_ref)

    eh = jnp.concatenate([xs_ref[...], xd_ref[...], ea_ref[...]], axis=1)
    e1 = jnp.dot(eh, w_ref[...], preferred_element_type=_f32) + cf_ref[0:1, :]
    e1_ref[...] = e1
    _st_accum(st_ref, e1)


def _tc_lin1e(xs, xd, ea, w1, cf):
    return pl.pallas_call(
        _lin1e_body,
        grid=(E // BE,),
        in_specs=[_espec(), _espec(), _espec(), _wspec(3 * H), _cspec()],
        out_specs=[_espec(), _stspec()],
        out_shape=[jax.ShapeDtypeStruct((E, H), _f32),
                   jax.ShapeDtypeStruct((16, H), _f32)],
    )(xs, xd, ea, w1, cf)


def _lin2e_lin1n_body(round_ea, e1_ref, xs_ref, w2_ref, v1_ref, cf_ref,
                      cf2_ref, ea_ref, n1_ref, st_ref):
    @pl.when(pl.program_id(0) == 0)
    def _():
        st_ref[...] = jnp.zeros_like(st_ref)

    h = jnp.maximum(_bn_apply(e1_ref[...], cf_ref), 0.0)
    ea = jnp.dot(h, w2_ref[...], preferred_element_type=_f32) + cf2_ref[0:1, :]
    if round_ea:
        ea = ea.astype(jnp.bfloat16).astype(_f32)
    ea_ref[...] = ea
    nh = jnp.concatenate([xs_ref[...], ea], axis=1)
    n1 = jnp.dot(nh, v1_ref[...], preferred_element_type=_f32) + cf2_ref[1:2, :]
    n1_ref[...] = n1
    _st_accum(st_ref, n1)


def _tc_lin2e_lin1n(e1, xs, w2e, v1, cf, cf2, round_ea):
    return pl.pallas_call(
        functools.partial(_lin2e_lin1n_body, round_ea),
        grid=(E // BE,),
        in_specs=[_espec(), _espec(), _wspec(H), _wspec(2 * H),
                  _cspec(), _cspec()],
        out_specs=[_espec(), _espec(), _stspec()],
        out_shape=[jax.ShapeDtypeStruct((E, H), _f32),
                   jax.ShapeDtypeStruct((E, H), _f32),
                   jax.ShapeDtypeStruct((16, H), _f32)],
    )(e1, xs, w2e, v1, cf, cf2)


def _lin2n_body(n1_ref, v2_ref, cf_ref, cf2_ref, nh_ref):
    h = jnp.maximum(_bn_apply(n1_ref[...], cf_ref), 0.0)
    nh_ref[...] = jnp.dot(h, v2_ref[...], preferred_element_type=_f32) + cf2_ref[0:1, :]


def _tc_lin2n(n1, v2, cf, cf2):
    return pl.pallas_call(
        _lin2n_body,
        grid=(E // BE,),
        in_specs=[_espec(), _wspec(H), _cspec(), _cspec()],
        out_specs=_espec(),
        out_shape=jax.ShapeDtypeStruct((E, H), _f32),
    )(n1, v2, cf, cf2)


def _n2lin1_body(x_ref, a0_ref, a1_ref, u1_ref, cf_ref, m1_ref, st_ref):
    @pl.when(pl.program_id(0) == 0)
    def _():
        st_ref[...] = jnp.zeros_like(st_ref)

    agg = a0_ref[0] + a1_ref[0]
    nh = jnp.concatenate([x_ref[...], agg], axis=1)
    m1 = jnp.dot(nh, u1_ref[...], preferred_element_type=_f32) + cf_ref[0:1, :]
    m1_ref[...] = m1
    _st_accum(st_ref, m1)


def _tc_n2lin1(x, ap, u1, cf):
    return pl.pallas_call(
        _n2lin1_body,
        grid=(N // BNB,),
        in_specs=[_nspec(),
                  pl.BlockSpec((1, BNB, H), lambda i: (0, i, 0)),
                  pl.BlockSpec((1, BNB, H), lambda i: (1, i, 0)),
                  _wspec(2 * H), _cspec()],
        out_specs=[_nspec(), _stspec()],
        out_shape=[jax.ShapeDtypeStruct((N, H), _f32),
                   jax.ShapeDtypeStruct((16, H), _f32)],
    )(x, ap, ap, u1, cf)


def _n2lin2_body(m1_ref, u2_ref, cf_ref, cf2_ref, bf_ref, e0_ref, e1_ref,
                 x_ref, ns_ref, es_ref):
    @pl.when(pl.program_id(0) == 0)
    def _():
        ns_ref[...] = jnp.zeros_like(ns_ref)
        es_ref[...] = jnp.zeros_like(es_ref)

    h = jnp.maximum(_bn_apply(m1_ref[...], cf_ref), 0.0)
    xn = jnp.dot(h, u2_ref[...], preferred_element_type=_f32) + cf2_ref[0:1, :]
    x_ref[...] = xn
    eb = e0_ref[0] + e1_ref[0]
    bf = bf_ref[...]
    for g in range(G):
        m = bf == float(g)
        ns_ref[g:g + 1, :] += jnp.sum(jnp.where(m, xn, 0.0), axis=0,
                                      keepdims=True)
        es_ref[g:g + 1, :] += jnp.sum(jnp.where(m, eb, 0.0), axis=0,
                                      keepdims=True)


def _tc_n2lin2(m1, u2, cf, cf2, bf, ep):
    return pl.pallas_call(
        _n2lin2_body,
        grid=(N // BNB,),
        in_specs=[_nspec(), _wspec(H), _cspec(), _cspec(), _nspec(),
                  pl.BlockSpec((1, BNB, H), lambda i: (0, i, 0)),
                  pl.BlockSpec((1, BNB, H), lambda i: (1, i, 0))],
        out_specs=[_nspec(), _stspec(), _stspec()],
        out_shape=[jax.ShapeDtypeStruct((N, H), _f32),
                   jax.ShapeDtypeStruct((16, H), _f32),
                   jax.ShapeDtypeStruct((16, H), _f32)],
    )(m1, u2, cf, cf2, bf, ep, ep)


def _n2lin2_nobins_body(m1_ref, u2_ref, cf_ref, cf2_ref, x_ref):
    h = jnp.maximum(_bn_apply(m1_ref[...], cf_ref), 0.0)
    xn = jnp.dot(h, u2_ref[...], preferred_element_type=_f32) + cf2_ref[0:1, :]
    x_ref[...] = xn.astype(jnp.bfloat16).astype(_f32)


def _tc_n2lin2_nobins(m1, u2, cf, cf2):
    return pl.pallas_call(
        _n2lin2_nobins_body,
        grid=(N // BNB,),
        in_specs=[_nspec(), _wspec(H), _cspec(), _cspec()],
        out_specs=_nspec(),
        out_shape=jax.ShapeDtypeStruct((N, H), _f32),
    )(m1, u2, cf, cf2)


def _proj_body(x_ref, bf_ref, u_ref, wp_ref, cf_ref, pe_ref):
    bf = bf_ref[...]
    ue = jnp.zeros((BNB, H), _f32)
    for g in range(G):
        ue = ue + jnp.where(bf == float(g), 1.0, 0.0) * u_ref[g:g + 1, :]
    ne = jnp.concatenate([x_ref[...], ue], axis=1)
    pe = jnp.dot(ne, wp_ref[...], preferred_element_type=_f32) + cf_ref[0:1, :]
    pe_ref[...] = jnp.maximum(pe, 0.0)


def _tc_proj(x, bf, u, wp, cf):
    return pl.pallas_call(
        _proj_body,
        grid=(N // BNB,),
        in_specs=[_nspec(), _nspec(),
                  pl.BlockSpec((16, H), lambda i: (0, 0)),
                  _wspec(2 * H), _cspec()],
        out_specs=_nspec(),
        out_shape=jax.ShapeDtypeStruct((N, H), _f32),
    )(x, bf, u, wp, cf)



def _coefs(*rows):
    cf = jnp.zeros((8, H), _f32)
    for r, v in enumerate(rows):
        cf = cf.at[r].set(v)
    return cf


def _bn_coefs(st, count, bn):
    mu = jnp.sum(st[0:8], axis=0) / count
    var = jnp.sum(st[8:16], axis=0) / count - mu * mu
    return _coefs(mu, var, bn["gamma"], bn["beta"])


def _jnp_bn(v, bn):
    mu = jnp.mean(v, axis=0)
    var = jnp.var(v, axis=0)
    return _coefs(mu, var, bn["gamma"], bn["beta"])


def _mlp16(h, p):
    h1 = h @ p["lin1"]["W"] + p["lin1"]["b"]
    mu = jnp.mean(h1, axis=0, keepdims=True)
    var = jnp.var(h1, axis=0, keepdims=True)
    h1 = (h1 - mu) / jnp.sqrt(var + EPS) * p["bn1"]["gamma"] + p["bn1"]["beta"]
    h1 = jnp.maximum(h1, 0.0)
    return h1 @ p["lin2"]["W"] + p["lin2"]["b"]


def _layer(x, ea, row, col, bf, lp, want_global):
    em, n1m, n2m = lp["edge_mlp"], lp["node_mlp1"], lp["node_mlp2"]

    xs = _sc_gather(x, row)
    xd = _sc_gather(x, col)

    e1, st_e = _tc_lin1e(xs, xd, ea, em["lin1"]["W"], _coefs(em["lin1"]["b"]))
    ea_new, n1v, st_n = _tc_lin2e_lin1n(
        e1, xs, em["lin2"]["W"], n1m["lin1"]["W"],
        _jnp_bn(e1, em["bn1"]),
        _coefs(em["lin2"]["b"], n1m["lin1"]["b"]), not want_global)

    nh = _tc_lin2n(n1v, n1m["lin2"]["W"],
                   _jnp_bn(n1v, n1m["bn1"]),
                   _coefs(n1m["lin2"]["b"]))
    ap = _sc_scatter_add(nh, col)

    m1, st_m = _tc_n2lin1(x, ap, n2m["lin1"]["W"], _coefs(n2m["lin1"]["b"]))
    cfm = _jnp_bn(m1, n2m["bn1"])
    cf2m = _coefs(n2m["lin2"]["b"])
    if want_global:
        ep = _sc_scatter_add(ea_new, row)
        x_new, ns, es = _tc_n2lin2(m1, n2m["lin2"]["W"], cfm, cf2m, bf, ep)
        return x_new, ea_new, ns, es
    return _tc_n2lin2_nobins(m1, n2m["lin2"]["W"], cfm, cf2m), ea_new, None, None


def kernel(x, edge_index, edge_attr, batch, params):
    row = edge_index[0].astype(jnp.int32)
    col = edge_index[1].astype(jnp.int32)
    bf = jnp.broadcast_to(batch.astype(_f32)[:, None], (N, H))


    deg = _sc_count(row)
    outdeg = deg[0, :N, 0] + deg[1, :N, 0]
    oh = (batch[None, :] == jnp.arange(G, dtype=batch.dtype)[:, None]).astype(_f32)
    cnt_n_raw = jnp.sum(oh, axis=1)
    cnt_n = jnp.clip(cnt_n_raw, 1.0, None)
    cnt_e = jnp.clip(jnp.sum(oh * outdeg[None, :], axis=1), 1.0, None)

    layers = params["layers"]
    x1, ea1, _, _ = _layer(x, edge_attr, row, col, bf, layers[0], False)
    x2, ea2, ns, es = _layer(x1, ea1, row, col, bf, layers[1], True)

    gm_nodes = ns / cnt_n[:, None]
    gm_edges = es / cnt_e[:, None]
    u = _mlp16(jnp.concatenate([gm_nodes, gm_edges], axis=1),
               layers[1]["global_mlp"])

    proj = params["proj"]
    wp = proj["W"]
    pe = _tc_proj(x2, bf, u, wp, _coefs(proj["b"]))

    u_masked = u * (cnt_n_raw > 0).astype(_f32)[:, None]
    graph_emb = jnp.concatenate([gm_nodes, u_masked], axis=1)
    proj_graph = jnp.maximum(graph_emb @ wp + proj["b"], 0.0)
    return (proj_graph, (pe, x2, ea2, u))

# --- scband reference (transcript-rebuilt; emitter-appended) ---
"""Pipeline reference for scband-meta-7464653160948 (READ-ONLY COPY).

The authoritative reference and input builder live on the scoring server;
editing this copy changes nothing except your own understanding.
"""

import jax, jax.numpy as jnp
import numpy as np

N = 10000
E = 320000
H = 128
OUT = 128
L = 2
G = 16


def _linear(key, din, dout):
    k1, _ = jax.random.split(key)
    return {"W": jax.random.normal(k1, (din, dout), dtype=jnp.float32) * (1.0 / np.sqrt(din)),
            "b": jnp.zeros((dout,), dtype=jnp.float32)}


def _bn(dim):
    return {"gamma": jnp.ones((dim,), dtype=jnp.float32), "beta": jnp.zeros((dim,), dtype=jnp.float32)}


def _mlp(key, din, dh, dout):
    k1, k2 = jax.random.split(key)
    return {"lin1": _linear(k1, din, dh), "bn1": _bn(dh), "lin2": _linear(k2, dh, dout)}


def setup_inputs(seed: int = 0):
    key = jax.random.key(seed)
    ks = jax.random.split(key, 16)
    x = jax.random.normal(ks[0], (N, H), dtype=jnp.float32)
    edge_index = jax.random.randint(ks[1], (2, E), 0, N, dtype=jnp.int64) if jax.config.jax_enable_x64 else jax.random.randint(ks[1], (2, E), 0, N).astype(jnp.int32)
    edge_attr = jax.random.normal(ks[2], (E, H), dtype=jnp.float32)
    batch = jnp.sort(jax.random.randint(ks[3], (N,), 0, G))
    layers = []
    for i in range(L):
        kk = jax.random.split(ks[4 + i], 4)
        layers.append({
            "edge_mlp": _mlp(kk[0], 3 * H, H, H),
            "node_mlp1": _mlp(kk[1], 2 * H, H, H),
            "node_mlp2": _mlp(kk[2], 2 * H, H, H),
            "global_mlp": _mlp(kk[3], 2 * H, H, H),
        })
    params = {"layers": layers, "proj": _linear(ks[10], 2 * H, OUT)}
    return {"x": x, "edge_index": edge_index, "edge_attr": edge_attr, "batch": batch, "params": params}


def _batchnorm(h, p, eps=1e-5):
    mu = jnp.mean(h, axis=0, keepdims=True)
    var = jnp.var(h, axis=0, keepdims=True)
    return (h - mu) / jnp.sqrt(var + eps) * p["gamma"] + p["beta"]


def _apply_mlp(h, p):
    h = h @ p["lin1"]["W"] + p["lin1"]["b"]
    h = _batchnorm(h, p["bn1"])
    h = jax.nn.relu(h)
    # dropout = 0.0 -> identity
    h = h @ p["lin2"]["W"] + p["lin2"]["b"]
    return h


def _segment_mean(data, seg, num):
    s = jax.ops.segment_sum(data, seg, num_segments=num)
    c = jax.ops.segment_sum(jnp.ones((data.shape[0], 1), dtype=data.dtype), seg, num_segments=num)
    return s / jnp.clip(c, 1.0, None)


def reference(x, edge_index, edge_attr, batch, params):
    num_graphs = G
    # u = torch.randn(batch.max()+1, x.size(1)) -> deterministic key for reproducibility
    u = jax.random.normal(jax.random.key(42), (num_graphs, x.shape[1]), dtype=jnp.float32)
    row = edge_index[0]
    col = edge_index[1]
    for lp in params["layers"]:
        # EdgeModel: src=x[row], dest=x[col]
        eh = jnp.concatenate([x[row], x[col], edge_attr], axis=1)
        edge_attr = _apply_mlp(eh, lp["edge_mlp"])
        # NodeModel
        nh = jnp.concatenate([x[row], edge_attr], axis=1)
        nh = _apply_mlp(nh, lp["node_mlp1"])
        agg = jax.ops.segment_sum(nh, col, num_segments=x.shape[0])
        x = _apply_mlp(jnp.concatenate([x, agg], axis=1), lp["node_mlp2"])
        # GlobalModel
        gh = jnp.concatenate([_segment_mean(x, batch, num_graphs),
                              _segment_mean(edge_attr, batch[row], num_graphs)], axis=1)
        u = _apply_mlp(gh, lp["global_mlp"])
    # embedding_type == 'combined'
    node_emb = jnp.concatenate([x, u[batch]], axis=1)
    graph_emb = _segment_mean(node_emb, batch, num_graphs)
    proj = params["proj"]
    proj_emb = jax.nn.relu(node_emb @ proj["W"] + proj["b"])
    proj_graph = jax.nn.relu(graph_emb @ proj["W"] + proj["b"])
    return (proj_graph, (proj_emb, x, edge_attr, u))

if __name__ == "__main__":
    import jax
    _d = setup_inputs()
    print(jax.jit(kernel)(*tuple(_d.values())))

</pallas_src>

<mosaic_0001>
#map = affine_map<(d0, d1) -> (0, 0)>
#map1 = affine_map<(d0, d1) -> (0)>
module attributes {stable_mosaic.version = 14 : i64} {
  func.func @k(%arg0: i32, %arg1: i32, %arg2: memref<10000x128xf32, #tpu.memory_space<hbm>>, %arg3: memref<320000xi32, #tpu.memory_space<hbm>>, %arg4: memref<320000x128xf32, #tpu.memory_space<hbm>>, %arg5: memref<80xi32, #tpu.memory_space<vmem>>, %arg6: memref<80x128xf32, #tpu.memory_space<vmem>>, %arg7: memref<!tpu.dma_semaphore, #tpu.memory_space<semaphore_mem>>) attributes {dimension_semantics = [#tpu.dimension_semantics<core_parallel>, #tpu.dimension_semantics<subcore_parallel>], iteration_bounds = array<i64: 2, 16>, scalar_prefetch = 0 : i64, scratch_operands = 3 : i64, tpu.core_type = #tpu.core_type<sc_vector_subcore>, window_params = [{transform_indices = #map}, {transform_indices = #map1}, {transform_indices = #map}]} {
    %mul3A = arith.constant 2 : i32
    %mul3A_0 = arith.muli %arg1, %mul3A : i32
    %add3A = arith.addi %mul3A_0, %arg0 : i32
    %mul3A_1 = arith.constant 10000 : i32
    %mul3A_2 = arith.muli %add3A, %mul3A_1 : i32
    %scan3A = arith.constant 0 : i32
    %scan3A_3 = arith.constant 125 : i32
    %scan3A_4 = arith.addi %scan3A, %scan3A_3 : i32
    %scan3A_5 = arith.constant 1 : i32
    scf.for %scan3A_7 = %scan3A to %scan3A_4 step %scan3A_5  : i32 {
      %mul3A_8 = arith.constant 1 : i32
      %mul3A_9 = arith.muli %scan3A_7, %mul3A_8 : i32
      %add3A_10 = arith.constant 0 : i32
      %add3A_11 = arith.addi %add3A_10, %mul3A_9 : i32
      %mul3A_12 = arith.constant 80 : i32
      %mul3A_13 = arith.muli %add3A_11, %mul3A_12 : i32
      %add3A_14 = arith.addi %mul3A_2, %mul3A_13 : i32
      "tpu.region"() ({
        %run_scoped3A = tpu.sem_alloc : memref<!tpu.dma_semaphore, #tpu.memory_space<semaphore_mem>>
        %dma_start3A_19 = tpu.memref_slice %arg3[%add3A_14] : memref<320000xi32, #tpu.memory_space<hbm>> -> memref<80xi32, #tpu.memory_space<hbm>>
        %dma_start3A_20 = tpu.memref_slice %arg3[%add3A_14] : memref<320000xi32, #tpu.memory_space<hbm>> -> memref<80xi32, #tpu.memory_space<hbm>>
        tpu.enqueue_dma source(%dma_start3A_20 : memref<80xi32, #tpu.memory_space<hbm>>) target(%arg5 : memref<80xi32, #tpu.memory_space<vmem>>) target_semaphore(%run_scoped3A : memref<!tpu.dma_semaphore, #tpu.memory_space<semaphore_mem>>)
        %dma_wait3A_21 = tpu.memref_slice %arg3[%add3A_14] : memref<320000xi32, #tpu.memory_space<hbm>> -> memref<80xi32, #tpu.memory_space<hbm>>
        %dma_wait3A_22 = tpu.memref_slice %arg3[%add3A_14] : memref<320000xi32, #tpu.memory_space<hbm>> -> memref<80xi32, #tpu.memory_space<hbm>>
        tpu.wait_dma2 semaphore(%run_scoped3A : memref<!tpu.dma_semaphore, #tpu.memory_space<semaphore_mem>>) src(%dma_wait3A_22 : memref<80xi32, #tpu.memory_space<hbm>>) dst(%arg5 : memref<80xi32, #tpu.memory_space<vmem>>)
        tpu.yield
      }) : () -> ()
      %dma_start3A = arith.constant 0 : i32
      %dma_start3A_15 = arith.constant 0 : i32
      %dma_start3A_16 = tpu.memref_slice %arg2[%dma_start3A, %dma_start3A_15] : memref<10000x128xf32, #tpu.memory_space<hbm>> -> memref<10000x128xf32, #tpu.memory_space<hbm>>
      tpu.enqueue_indirect_dma source(%dma_start3A_16 : memref<10000x128xf32, #tpu.memory_space<hbm>>) target(%arg6 : memref<80x128xf32, #tpu.memory_space<vmem>>) offsets(%arg5 : memref<80xi32, #tpu.memory_space<vmem>>) semaphore(%arg7 : memref<!tpu.dma_semaphore, #tpu.memory_space<semaphore_mem>>)
      %dma_wait3A = arith.constant 0 : i32
      %dma_wait3A_17 = arith.constant 0 : i32
      %dma_wait3A_18 = tpu.memref_slice %arg2[%dma_wait3A, %dma_wait3A_17] : memref<10000x128xf32, #tpu.memory_space<hbm>> -> memref<10000x128xf32, #tpu.memory_space<hbm>>
      tpu.wait_indirect_dma semaphore(%arg7 : memref<!tpu.dma_semaphore, #tpu.memory_space<semaphore_mem>>) src(%dma_wait3A_18 : memref<10000x128xf32, #tpu.memory_space<hbm>>) dst(%arg6 : memref<80x128xf32, #tpu.memory_space<vmem>>)
      "tpu.region"() ({
        %run_scoped3A = tpu.sem_alloc : memref<!tpu.dma_semaphore, #tpu.memory_space<semaphore_mem>>
        %dma_start3A_19 = arith.constant 0 : i32
        %dma_start3A_20 = tpu.memref_slice %arg4[%add3A_14, %dma_start3A_19] : memref<320000x128xf32, #tpu.memory_space<hbm>> -> memref<80x128xf32, #tpu.memory_space<hbm>>
        %dma_start3A_21 = arith.constant 0 : i32
        %dma_start3A_22 = tpu.memref_slice %arg4[%add3A_14, %dma_start3A_21] : memref<320000x128xf32, #tpu.memory_space<hbm>> -> memref<80x128xf32, #tpu.memory_space<hbm>>
        tpu.enqueue_dma source(%arg6 : memref<80x128xf32, #tpu.memory_space<vmem>>) target(%dma_start3A_22 : memref<80x128xf32, #tpu.memory_space<hbm>>) target_semaphore(%run_scoped3A : memref<!tpu.dma_semaphore, #tpu.memory_space<semaphore_mem>>)
        %dma_wait3A_23 = arith.constant 0 : i32
        %dma_wait3A_24 = tpu.memref_slice %arg4[%add3A_14, %dma_wait3A_23] : memref<320000x128xf32, #tpu.memory_space<hbm>> -> memref<80x128xf32, #tpu.memory_space<hbm>>
        %dma_wait3A_25 = arith.constant 0 : i32
        %dma_wait3A_26 = tpu.memref_slice %arg4[%add3A_14, %dma_wait3A_25] : memref<320000x128xf32, #tpu.memory_space<hbm>> -> memref<80x128xf32, #tpu.memory_space<hbm>>
        tpu.wait_dma2 semaphore(%run_scoped3A : memref<!tpu.dma_semaphore, #tpu.memory_space<semaphore_mem>>) src(%arg6 : memref<80x128xf32, #tpu.memory_space<vmem>>) dst(%dma_wait3A_26 : memref<80x128xf32, #tpu.memory_space<hbm>>)
        tpu.yield
      }) : () -> ()
    }
    %scan3A_6 = arith.constant 125 : i32
    return
  }
}

#map = affine_map<(d0, d1) -> (0, 0)>
#map1 = affine_map<(d0, d1) -> (0)>
#map2 = affine_map<(d0, d1) -> (0, 0, 0)>
module attributes {stable_mosaic.version = 14 : i64} {
  func.func @k(%arg0: i32, %arg1: i32, %arg2: memref<320000x128xf32, #tpu.memory_space<hbm>>, %arg3: memref<320000xi32, #tpu.memory_space<hbm>>, %arg4: memref<640x128xf32, #tpu.memory_space<hbm>>, %arg5: memref<2x10240x128xf32, #tpu.memory_space<hbm>>, %arg6: memref<80xi32, #tpu.memory_space<vmem>>, %arg7: memref<80x128xf32, #tpu.memory_space<vmem>>, %arg8: memref<10240x128xf32, #tpu.memory_space<vmem_shared>>, %arg9: memref<!tpu.dma_semaphore, #tpu.memory_space<semaphore_mem>>) attributes {dimension_semantics = [#tpu.dimension_semantics<core_parallel>, #tpu.dimension_semantics<subcore_parallel>], iteration_bounds = array<i64: 2, 16>, scalar_prefetch = 0 : i64, scratch_operands = 4 : i64, tpu.core_type = #tpu.core_type<sc_vector_subcore>, window_params = [{transform_indices = #map}, {transform_indices = #map1}, {transform_indices = #map}, {transform_indices = #map2}]} {
    %mul3A = arith.constant 640 : i32
    %mul3A_0 = arith.muli %arg1, %mul3A : i32
    "tpu.region"() ({
      %run_scoped3A = tpu.sem_alloc : memref<!tpu.dma_semaphore, #tpu.memory_space<semaphore_mem>>
      %dma_start3A = arith.constant 0 : i32
      %dma_start3A_14 = tpu.memref_slice %arg8[%mul3A_0, %dma_start3A] : memref<10240x128xf32, #tpu.memory_space<vmem_shared>> -> memref<640x128xf32, #tpu.memory_space<vmem_shared>>
      tpu.enqueue_dma source(%arg4 : memref<640x128xf32, #tpu.memory_space<hbm>>) target(%dma_start3A_14 : memref<640x128xf32, #tpu.memory_space<vmem_shared>>) target_semaphore(%run_scoped3A : memref<!tpu.dma_semaphore, #tpu.memory_space<semaphore_mem>>)
      %dma_wait3A = arith.constant 0 : i32
      %dma_wait3A_15 = tpu.memref_slice %arg8[%mul3A_0, %dma_wait3A] : memref<10240x128xf32, #tpu.memory_space<vmem_shared>> -> memref<640x128xf32, #tpu.memory_space<vmem_shared>>
      tpu.wait_dma2 semaphore(%run_scoped3A : memref<!tpu.dma_semaphore, #tpu.memory_space<semaphore_mem>>) src(%arg4 : memref<640x128xf32, #tpu.memory_space<hbm>>) dst(%dma_wait3A_15 : memref<640x128xf32, #tpu.memory_space<vmem_shared>>)
      tpu.yield
    }) : () -> ()
    %barrier3A = arith.constant 0 : index
    tpu.barrier barrier_id(%barrier3A)
    %mul3A_1 = arith.constant 2 : i32
    %mul3A_2 = arith.muli %arg1, %mul3A_1 : i32
    %add3A = arith.addi %mul3A_2, %arg0 : i32
    %mul3A_3 = arith.constant 10000 : i32
    %mul3A_4 = arith.muli %add3A, %mul3A_3 : i32
    %scan3A = arith.constant 0 : i32
    %scan3A_5 = arith.constant 125 : i32
    %scan3A_6 = arith.addi %scan3A, %scan3A_5 : i32
    %scan3A_7 = arith.constant 1 : i32
    scf.for %scan3A_14 = %scan3A to %scan3A_6 step %scan3A_7  : i32 {
      %mul3A_15 = arith.constant 1 : i32
      %mul3A_16 = arith.muli %scan3A_14, %mul3A_15 : i32
      %add3A_17 = arith.constant 0 : i32
      %add3A_18 = arith.addi %add3A_17, %mul3A_16 : i32
      %mul3A_19 = arith.constant 80 : i32
      %mul3A_20 = arith.muli %add3A_18, %mul3A_19 : i32
      %add3A_21 = arith.addi %mul3A_4, %mul3A_20 : i32
      "tpu.region"() ({
        %run_scoped3A = tpu.sem_alloc : memref<!tpu.dma_semaphore, #tpu.memory_space<semaphore_mem>>
        %dma_start3A = tpu.memref_slice %arg3[%add3A_21] : memref<320000xi32, #tpu.memory_space<hbm>> -> memref<80xi32, #tpu.memory_space<hbm>>
        %dma_start3A_22 = tpu.memref_slice %arg3[%add3A_21] : memref<320000xi32, #tpu.memory_space<hbm>> -> memref<80xi32, #tpu.memory_space<hbm>>
        tpu.enqueue_dma source(%dma_start3A_22 : memref<80xi32, #tpu.memory_space<hbm>>) target(%arg6 : memref<80xi32, #tpu.memory_space<vmem>>) target_semaphore(%run_scoped3A : memref<!tpu.dma_semaphore, #tpu.memory_space<semaphore_mem>>)
        %dma_wait3A = tpu.memref_slice %arg3[%add3A_21] : memref<320000xi32, #tpu.memory_space<hbm>> -> memref<80xi32, #tpu.memory_space<hbm>>
        %dma_wait3A_23 = tpu.memref_slice %arg3[%add3A_21] : memref<320000xi32, #tpu.memory_space<hbm>> -> memref<80xi32, #tpu.memory_space<hbm>>
        tpu.wait_dma2 semaphore(%run_scoped3A : memref<!tpu.dma_semaphore, #tpu.memory_space<semaphore_mem>>) src(%dma_wait3A_23 : memref<80xi32, #tpu.memory_space<hbm>>) dst(%arg6 : memref<80xi32, #tpu.memory_space<vmem>>)
        tpu.yield
      }) : () -> ()
      "tpu.region"() ({
        %run_scoped3A = tpu.sem_alloc : memref<!tpu.dma_semaphore, #tpu.memory_space<semaphore_mem>>
        %dma_start3A = arith.constant 0 : i32
        %dma_start3A_22 = tpu.memref_slice %arg2[%add3A_21, %dma_start3A] : memref<320000x128xf32, #tpu.memory_space<hbm>> -> memref<80x128xf32, #tpu.memory_space<hbm>>
        %dma_start3A_23 = arith.constant 0 : i32
        %dma_start3A_24 = tpu.memref_slice %arg2[%add3A_21, %dma_start3A_23] : memref<320000x128xf32, #tpu.memory_space<hbm>> -> memref<80x128xf32, #tpu.memory_space<hbm>>
        tpu.enqueue_dma source(%dma_start3A_24 : memref<80x128xf32, #tpu.memory_space<hbm>>) target(%arg7 : memref<80x128xf32, #tpu.memory_space<vmem>>) target_semaphore(%run_scoped3A : memref<!tpu.dma_semaphore, #tpu.memory_space<semaphore_mem>>)
        %dma_wait3A = arith.constant 0 : i32
        %dma_wait3A_25 = tpu.memref_slice %arg2[%add3A_21, %dma_wait3A] : memref<320000x128xf32, #tpu.memory_space<hbm>> -> memref<80x128xf32, #tpu.memory_space<hbm>>
        %dma_wait3A_26 = arith.constant 0 : i32
        %dma_wait3A_27 = tpu.memref_slice %arg2[%add3A_21, %dma_wait3A_26] : memref<320000x128xf32, #tpu.memory_space<hbm>> -> memref<80x128xf32, #tpu.memory_space<hbm>>
        tpu.wait_dma2 semaphore(%run_scoped3A : memref<!tpu.dma_semaphore, #tpu.memory_space<semaphore_mem>>) src(%dma_wait3A_27 : memref<80x128xf32, #tpu.memory_space<hbm>>) dst(%arg7 : memref<80x128xf32, #tpu.memory_space<vmem>>)
        tpu.yield
      }) : () -> ()
      "tpu.region"() ({
        %run_scoped3A = tpu.sem_alloc : memref<!tpu.dma_semaphore, #tpu.memory_space<semaphore_mem>>
        %dma_start3A = arith.constant 0 : i32
        %dma_start3A_22 = arith.constant 0 : i32
        %dma_start3A_23 = tpu.memref_slice %arg8[%dma_start3A, %dma_start3A_22] : memref<10240x128xf32, #tpu.memory_space<vmem_shared>> -> memref<10240x128xf32, #tpu.memory_space<vmem_shared>>
        tpu.enqueue_indirect_dma source(%arg7 : memref<80x128xf32, #tpu.memory_space<vmem>>) target(%dma_start3A_23 : memref<10240x128xf32, #tpu.memory_space<vmem_shared>>) offsets(%arg6 : memref<80xi32, #tpu.memory_space<vmem>>) semaphore(%run_scoped3A : memref<!tpu.dma_semaphore, #tpu.memory_space<semaphore_mem>>) {add = true}
        %dma_wait3A = arith.constant 0 : i32
        %dma_wait3A_24 = arith.constant 0 : i32
        %dma_wait3A_25 = tpu.memref_slice %arg8[%dma_wait3A, %dma_wait3A_24] : memref<10240x128xf32, #tpu.memory_space<vmem_shared>> -> memref<10240x128xf32, #tpu.memory_space<vmem_shared>>
        tpu.wait_indirect_dma semaphore(%run_scoped3A : memref<!tpu.dma_semaphore, #tpu.memory_space<semaphore_mem>>) src(%arg7 : memref<80x128xf32, #tpu.memory_space<vmem>>) dst(%dma_wait3A_25 : memref<10240x128xf32, #tpu.memory_space<vmem_shared>>)
        tpu.yield
      }) : () -> ()
    }
    %scan3A_8 = arith.constant 125 : i32
    %barrier3A_9 = arith.constant 0 : index
    tpu.barrier barrier_id(%barrier3A_9)
    %mul3A_10 = arith.constant 640 : i32
    %mul3A_11 = arith.muli %arg1, %mul3A_10 : i32
    %mul3A_12 = arith.constant 640 : i32
    %mul3A_13 = arith.muli %arg1, %mul3A_12 : i32
    "tpu.region"() ({
      %run_scoped3A = tpu.sem_alloc : memref<!tpu.dma_semaphore, #tpu.memory_space<semaphore_mem>>
      %dma_start3A = arith.constant 0 : i32
      %dma_start3A_14 = arith.constant 0 : i32
      %dma_start3A_15 = tpu.memref_slice %arg5[%arg0, %dma_start3A, %dma_start3A_14] : memref<2x10240x128xf32, #tpu.memory_space<hbm>> -> memref<1x10240x128xf32, #tpu.memory_space<hbm>>
      %dma_start3A_16 = tpu.memref_squeeze %dma_start3A_15 : memref<1x10240x128xf32, #tpu.memory_space<hbm>> -> memref<10240x128xf32, #tpu.memory_space<hbm>>
      %dma_start3A_17 = arith.constant 0 : i32
      %dma_start3A_18 = tpu.memref_slice %dma_start3A_16[%mul3A_13, %dma_start3A_17] : memref<10240x128xf32, #tpu.memory_space<hbm>> -> memref<640x128xf32, #tpu.memory_space<hbm>>
      %dma_start3A_19 = arith.constant 0 : i32
      %dma_start3A_20 = tpu.memref_slice %arg8[%mul3A_11, %dma_start3A_19] : memref<10240x128xf32, #tpu.memory_space<vmem_shared>> -> memref<640x128xf32, #tpu.memory_space<vmem_shared>>
      tpu.enqueue_dma source(%dma_start3A_20 : memref<640x128xf32, #tpu.memory_space<vmem_shared>>) target(%dma_start3A_18 : memref<640x128xf32, #tpu.memory_space<hbm>>) target_semaphore(%run_scoped3A : memref<!tpu.dma_semaphore, #tpu.memory_space<semaphore_mem>>)
      %dma_wait3A = arith.constant 0 : i32
      %dma_wait3A_21 = arith.constant 0 : i32
      %dma_wait3A_22 = tpu.memref_slice %arg5[%arg0, %dma_wait3A, %dma_wait3A_21] : memref<2x10240x128xf32, #tpu.memory_space<hbm>> -> memref<1x10240x128xf32, #tpu.memory_space<hbm>>
      %dma_wait3A_23 = tpu.memref_squeeze %dma_wait3A_22 : memref<1x10240x128xf32, #tpu.memory_space<hbm>> -> memref<10240x128xf32, #tpu.memory_space<hbm>>
      %dma_wait3A_24 = arith.constant 0 : i32
      %dma_wait3A_25 = tpu.memref_slice %dma_wait3A_23[%mul3A_13, %dma_wait3A_24] : memref<10240x128xf32, #tpu.memory_space<hbm>> -> memref<640x128xf32, #tpu.memory_space<hbm>>
      %dma_wait3A_26 = arith.constant 0 : i32
      %dma_wait3A_27 = tpu.memref_slice %arg8[%mul3A_11, %dma_wait3A_26] : memref<10240x128xf32, #tpu.memory_space<vmem_shared>> -> memref<640x128xf32, #tpu.memory_space<vmem_shared>>
      tpu.wait_dma2 semaphore(%run_scoped3A : memref<!tpu.dma_semaphore, #tpu.memory_space<semaphore_mem>>) src(%dma_wait3A_27 : memref<640x128xf32, #tpu.memory_space<vmem_shared>>) dst(%dma_wait3A_25 : memref<640x128xf32, #tpu.memory_space<hbm>>)
      tpu.yield
    }) : () -> ()
    return
  }
}

#map = affine_map<(d0, d1) -> (0, 0)>
#map1 = affine_map<(d0, d1) -> (0)>
module attributes {stable_mosaic.version = 14 : i64} {
  func.func @k(%arg0: i32, %arg1: i32, %arg2: memref<10000x128xf32, #tpu.memory_space<hbm>>, %arg3: memref<320000xi32, #tpu.memory_space<hbm>>, %arg4: memref<320000x128xf32, #tpu.memory_space<hbm>>, %arg5: memref<80xi32, #tpu.memory_space<vmem>>, %arg6: memref<80x128xf32, #tpu.memory_space<vmem>>, %arg7: memref<!tpu.dma_semaphore, #tpu.memory_space<semaphore_mem>>) attributes {dimension_semantics = [#tpu.dimension_semantics<core_parallel>, #tpu.dimension_semantics<subcore_parallel>], iteration_bounds = array<i64: 2, 16>, scalar_prefetch = 0 : i64, scratch_operands = 3 : i64, tpu.core_type = #tpu.core_type<sc_vector_subcore>, window_params = [{transform_indices = #map}, {transform_indices = #map1}, {transform_indices = #map}]} {
    %mul3A = arith.constant 2 : i32
    %mul3A_0 = arith.muli %arg1, %mul3A : i32
    %add3A = arith.addi %mul3A_0, %arg0 : i32
    %mul3A_1 = arith.constant 10000 : i32
    %mul3A_2 = arith.muli %add3A, %mul3A_1 : i32
    %scan3A = arith.constant 0 : i32
    %scan3A_3 = arith.constant 125 : i32
    %scan3A_4 = arith.addi %scan3A, %scan3A_3 : i32
    %scan3A_5 = arith.constant 1 : i32
    scf.for %scan3A_7 = %scan3A to %scan3A_4 step %scan3A_5  : i32 {
      %mul3A_8 = arith.constant 1 : i32
      %mul3A_9 = arith.muli %scan3A_7, %mul3A_8 : i32
      %add3A_10 = arith.constant 0 : i32
      %add3A_11 = arith.addi %add3A_10, %mul3A_9 : i32
      %mul3A_12 = arith.constant 80 : i32
      %mul3A_13 = arith.muli %add3A_11, %mul3A_12 : i32
      %add3A_14 = arith.addi %mul3A_2, %mul3A_13 : i32
      "tpu.region"() ({
        %run_scoped3A = tpu.sem_alloc : memref<!tpu.dma_semaphore, #tpu.memory_space<semaphore_mem>>
        %dma_start3A_19 = tpu.memref_slice %arg3[%add3A_14] : memref<320000xi32, #tpu.memory_space<hbm>> -> memref<80xi32, #tpu.memory_space<hbm>>
        %dma_start3A_20 = tpu.memref_slice %arg3[%add3A_14] : memref<320000xi32, #tpu.memory_space<hbm>> -> memref<80xi32, #tpu.memory_space<hbm>>
        tpu.enqueue_dma source(%dma_start3A_20 : memref<80xi32, #tpu.memory_space<hbm>>) target(%arg5 : memref<80xi32, #tpu.memory_space<vmem>>) target_semaphore(%run_scoped3A : memref<!tpu.dma_semaphore, #tpu.memory_space<semaphore_mem>>)
        %dma_wait3A_21 = tpu.memref_slice %arg3[%add3A_14] : memref<320000xi32, #tpu.memory_space<hbm>> -> memref<80xi32, #tpu.memory_space<hbm>>
        %dma_wait3A_22 = tpu.memref_slice %arg3[%add3A_14] : memref<320000xi32, #tpu.memory_space<hbm>> -> memref<80xi32, #tpu.memory_space<hbm>>
        tpu.wait_dma2 semaphore(%run_scoped3A : memref<!tpu.dma_semaphore, #tpu.memory_space<semaphore_mem>>) src(%dma_wait3A_22 : memref<80xi32, #tpu.memory_space<hbm>>) dst(%arg5 : memref<80xi32, #tpu.memory_space<vmem>>)
        tpu.yield
      }) : () -> ()
      %dma_start3A = arith.constant 0 : i32
      %dma_start3A_15 = arith.constant 0 : i32
      %dma_start3A_16 = tpu.memref_slice %arg2[%dma_start3A, %dma_start3A_15] : memref<10000x128xf32, #tpu.memory_space<hbm>> -> memref<10000x128xf32, #tpu.memory_space<hbm>>
      tpu.enqueue_indirect_dma source(%dma_start3A_16 : memref<10000x128xf32, #tpu.memory_space<hbm>>) target(%arg6 : memref<80x128xf32, #tpu.memory_space<vmem>>) offsets(%arg5 : memref<80xi32, #tpu.memory_space<vmem>>) semaphore(%arg7 : memref<!tpu.dma_semaphore, #tpu.memory_space<semaphore_mem>>)
      %dma_wait3A = arith.constant 0 : i32
      %dma_wait3A_17 = arith.constant 0 : i32
      %dma_wait3A_18 = tpu.memref_slice %arg2[%dma_wait3A, %dma_wait3A_17] : memref<10000x128xf32, #tpu.memory_space<hbm>> -> memref<10000x128xf32, #tpu.memory_space<hbm>>
      tpu.wait_indirect_dma semaphore(%arg7 : memref<!tpu.dma_semaphore, #tpu.memory_space<semaphore_mem>>) src(%dma_wait3A_18 : memref<10000x128xf32, #tpu.memory_space<hbm>>) dst(%arg6 : memref<80x128xf32, #tpu.memory_space<vmem>>)
      "tpu.region"() ({
        %run_scoped3A = tpu.sem_alloc : memref<!tpu.dma_semaphore, #tpu.memory_space<semaphore_mem>>
        %dma_start3A_19 = arith.constant 0 : i32
        %dma_start3A_20 = tpu.memref_slice %arg4[%add3A_14, %dma_start3A_19] : memref<320000x128xf32, #tpu.memory_space<hbm>> -> memref<80x128xf32, #tpu.memory_space<hbm>>
        %dma_start3A_21 = arith.constant 0 : i32
        %dma_start3A_22 = tpu.memref_slice %arg4[%add3A_14, %dma_start3A_21] : memref<320000x128xf32, #tpu.memory_space<hbm>> -> memref<80x128xf32, #tpu.memory_space<hbm>>
        tpu.enqueue_dma source(%arg6 : memref<80x128xf32, #tpu.memory_space<vmem>>) target(%dma_start3A_22 : memref<80x128xf32, #tpu.memory_space<hbm>>) target_semaphore(%run_scoped3A : memref<!tpu.dma_semaphore, #tpu.memory_space<semaphore_mem>>)
        %dma_wait3A_23 = arith.constant 0 : i32
        %dma_wait3A_24 = tpu.memref_slice %arg4[%add3A_14, %dma_wait3A_23] : memref<320000x128xf32, #tpu.memory_space<hbm>> -> memref<80x128xf32, #tpu.memory_space<hbm>>
        %dma_wait3A_25 = arith.constant 0 : i32
        %dma_wait3A_26 = tpu.memref_slice %arg4[%add3A_14, %dma_wait3A_25] : memref<320000x128xf32, #tpu.memory_space<hbm>> -> memref<80x128xf32, #tpu.memory_space<hbm>>
        tpu.wait_dma2 semaphore(%run_scoped3A : memref<!tpu.dma_semaphore, #tpu.memory_space<semaphore_mem>>) src(%arg6 : memref<80x128xf32, #tpu.memory_space<vmem>>) dst(%dma_wait3A_26 : memref<80x128xf32, #tpu.memory_space<hbm>>)
        tpu.yield
      }) : () -> ()
    }
    %scan3A_6 = arith.constant 125 : i32
    return
  }
}

#map = affine_map<(d0, d1) -> (0, 0)>
#map1 = affine_map<(d0, d1) -> (0)>
module attributes {stable_mosaic.version = 14 : i64} {
  func.func @k(%arg0: i32, %arg1: i32, %arg2: memref<10000x128xf32, #tpu.memory_space<hbm>>, %arg3: memref<320000xi32, #tpu.memory_space<hbm>>, %arg4: memref<320000x128xf32, #tpu.memory_space<hbm>>, %arg5: memref<80xi32, #tpu.memory_space<vmem>>, %arg6: memref<80x128xf32, #tpu.memory_space<vmem>>, %arg7: memref<!tpu.dma_semaphore, #tpu.memory_space<semaphore_mem>>) attributes {dimension_semantics = [#tpu.dimension_semantics<core_parallel>, #tpu.dimension_semantics<subcore_parallel>], iteration_bounds = array<i64: 2, 16>, scalar_prefetch = 0 : i64, scratch_operands = 3 : i64, tpu.core_type = #tpu.core_type<sc_vector_subcore>, window_params = [{transform_indices = #map}, {transform_indices = #map1}, {transform_indices = #map}]} {
    %mul3A = arith.constant 2 : i32
    %mul3A_0 = arith.muli %arg1, %mul3A : i32
    %add3A = arith.addi %mul3A_0, %arg0 : i32
    %mul3A_1 = arith.constant 10000 : i32
    %mul3A_2 = arith.muli %add3A, %mul3A_1 : i32
    %scan3A = arith.constant 0 : i32
    %scan3A_3 = arith.constant 125 : i32
    %scan3A_4 = arith.addi %scan3A, %scan3A_3 : i32
    %scan3A_5 = arith.constant 1 : i32
    scf.for %scan3A_7 = %scan3A to %scan3A_4 step %scan3A_5  : i32 {
      %mul3A_8 = arith.constant 1 : i32
      %mul3A_9 = arith.muli %scan3A_7, %mul3A_8 : i32
      %add3A_10 = arith.constant 0 : i32
      %add3A_11 = arith.addi %add3A_10, %mul3A_9 : i32
      %mul3A_12 = arith.constant 80 : i32
      %mul3A_13 = arith.muli %add3A_11, %mul3A_12 : i32
      %add3A_14 = arith.addi %mul3A_2, %mul3A_13 : i32
      "tpu.region"() ({
        %run_scoped3A = tpu.sem_alloc : memref<!tpu.dma_semaphore, #tpu.memory_space<semaphore_mem>>
        %dma_start3A_19 = tpu.memref_slice %arg3[%add3A_14] : memref<320000xi32, #tpu.memory_space<hbm>> -> memref<80xi32, #tpu.memory_space<hbm>>
        %dma_start3A_20 = tpu.memref_slice %arg3[%add3A_14] : memref<320000xi32, #tpu.memory_space<hbm>> -> memref<80xi32, #tpu.memory_space<hbm>>
        tpu.enqueue_dma source(%dma_start3A_20 : memref<80xi32, #tpu.memory_space<hbm>>) target(%arg5 : memref<80xi32, #tpu.memory_space<vmem>>) target_semaphore(%run_scoped3A : memref<!tpu.dma_semaphore, #tpu.memory_space<semaphore_mem>>)
        %dma_wait3A_21 = tpu.memref_slice %arg3[%add3A_14] : memref<320000xi32, #tpu.memory_space<hbm>> -> memref<80xi32, #tpu.memory_space<hbm>>
        %dma_wait3A_22 = tpu.memref_slice %arg3[%add3A_14] : memref<320000xi32, #tpu.memory_space<hbm>> -> memref<80xi32, #tpu.memory_space<hbm>>
        tpu.wait_dma2 semaphore(%run_scoped3A : memref<!tpu.dma_semaphore, #tpu.memory_space<semaphore_mem>>) src(%dma_wait3A_22 : memref<80xi32, #tpu.memory_space<hbm>>) dst(%arg5 : memref<80xi32, #tpu.memory_space<vmem>>)
        tpu.yield
      }) : () -> ()
      %dma_start3A = arith.constant 0 : i32
      %dma_start3A_15 = arith.constant 0 : i32
      %dma_start3A_16 = tpu.memref_slice %arg2[%dma_start3A, %dma_start3A_15] : memref<10000x128xf32, #tpu.memory_space<hbm>> -> memref<10000x128xf32, #tpu.memory_space<hbm>>
      tpu.enqueue_indirect_dma source(%dma_start3A_16 : memref<10000x128xf32, #tpu.memory_space<hbm>>) target(%arg6 : memref<80x128xf32, #tpu.memory_space<vmem>>) offsets(%arg5 : memref<80xi32, #tpu.memory_space<vmem>>) semaphore(%arg7 : memref<!tpu.dma_semaphore, #tpu.memory_space<semaphore_mem>>)
      %dma_wait3A = arith.constant 0 : i32
      %dma_wait3A_17 = arith.constant 0 : i32
      %dma_wait3A_18 = tpu.memref_slice %arg2[%dma_wait3A, %dma_wait3A_17] : memref<10000x128xf32, #tpu.memory_space<hbm>> -> memref<10000x128xf32, #tpu.memory_space<hbm>>
      tpu.wait_indirect_dma semaphore(%arg7 : memref<!tpu.dma_semaphore, #tpu.memory_space<semaphore_mem>>) src(%dma_wait3A_18 : memref<10000x128xf32, #tpu.memory_space<hbm>>) dst(%arg6 : memref<80x128xf32, #tpu.memory_space<vmem>>)
      "tpu.region"() ({
        %run_scoped3A = tpu.sem_alloc : memref<!tpu.dma_semaphore, #tpu.memory_space<semaphore_mem>>
        %dma_start3A_19 = arith.constant 0 : i32
        %dma_start3A_20 = tpu.memref_slice %arg4[%add3A_14, %dma_start3A_19] : memref<320000x128xf32, #tpu.memory_space<hbm>> -> memref<80x128xf32, #tpu.memory_space<hbm>>
        %dma_start3A_21 = arith.constant 0 : i32
        %dma_start3A_22 = tpu.memref_slice %arg4[%add3A_14, %dma_start3A_21] : memref<320000x128xf32, #tpu.memory_space<hbm>> -> memref<80x128xf32, #tpu.memory_space<hbm>>
        tpu.enqueue_dma source(%arg6 : memref<80x128xf32, #tpu.memory_space<vmem>>) target(%dma_start3A_22 : memref<80x128xf32, #tpu.memory_space<hbm>>) target_semaphore(%run_scoped3A : memref<!tpu.dma_semaphore, #tpu.memory_space<semaphore_mem>>)
        %dma_wait3A_23 = arith.constant 0 : i32
        %dma_wait3A_24 = tpu.memref_slice %arg4[%add3A_14, %dma_wait3A_23] : memref<320000x128xf32, #tpu.memory_space<hbm>> -> memref<80x128xf32, #tpu.memory_space<hbm>>
        %dma_wait3A_25 = arith.constant 0 : i32
        %dma_wait3A_26 = tpu.memref_slice %arg4[%add3A_14, %dma_wait3A_25] : memref<320000x128xf32, #tpu.memory_space<hbm>> -> memref<80x128xf32, #tpu.memory_space<hbm>>
        tpu.wait_dma2 semaphore(%run_scoped3A : memref<!tpu.dma_semaphore, #tpu.memory_space<semaphore_mem>>) src(%arg6 : memref<80x128xf32, #tpu.memory_space<vmem>>) dst(%dma_wait3A_26 : memref<80x128xf32, #tpu.memory_space<hbm>>)
        tpu.yield
      }) : () -> ()
    }
    %scan3A_6 = arith.constant 125 : i32
    return
  }
}

#map = affine_map<(d0, d1) -> (0)>
#map1 = affine_map<(d0, d1) -> (0, 0)>
#map2 = affine_map<(d0, d1) -> (0, 0, 0)>
module attributes {stable_mosaic.version = 14 : i64} {
  func.func @k(%arg0: i32, %arg1: i32, %arg2: memref<320000xi32, #tpu.memory_space<hbm>>, %arg3: memref<80x128xf32, #tpu.memory_space<hbm>>, %arg4: memref<640x128xf32, #tpu.memory_space<hbm>>, %arg5: memref<2x10240x128xf32, #tpu.memory_space<hbm>>, %arg6: memref<80xi32, #tpu.memory_space<vmem>>, %arg7: memref<80x128xf32, #tpu.memory_space<vmem>>, %arg8: memref<10240x128xf32, #tpu.memory_space<vmem_shared>>, %arg9: memref<!tpu.dma_semaphore, #tpu.memory_space<semaphore_mem>>) attributes {dimension_semantics = [#tpu.dimension_semantics<core_parallel>, #tpu.dimension_semantics<subcore_parallel>], iteration_bounds = array<i64: 2, 16>, scalar_prefetch = 0 : i64, scratch_operands = 4 : i64, tpu.core_type = #tpu.core_type<sc_vector_subcore>, window_params = [{transform_indices = #map}, {transform_indices = #map1}, {transform_indices = #map1}, {transform_indices = #map2}]} {
    %mul3A = arith.constant 640 : i32
    %mul3A_0 = arith.muli %arg1, %mul3A : i32
    "tpu.region"() ({
      %run_scoped3A = tpu.sem_alloc : memref<!tpu.dma_semaphore, #tpu.memory_space<semaphore_mem>>
      %dma_start3A = arith.constant 0 : i32
      %dma_start3A_14 = tpu.memref_slice %arg8[%mul3A_0, %dma_start3A] : memref<10240x128xf32, #tpu.memory_space<vmem_shared>> -> memref<640x128xf32, #tpu.memory_space<vmem_shared>>
      tpu.enqueue_dma source(%arg4 : memref<640x128xf32, #tpu.memory_space<hbm>>) target(%dma_start3A_14 : memref<640x128xf32, #tpu.memory_space<vmem_shared>>) target_semaphore(%run_scoped3A : memref<!tpu.dma_semaphore, #tpu.memory_space<semaphore_mem>>)
      %dma_wait3A = arith.constant 0 : i32
      %dma_wait3A_15 = tpu.memref_slice %arg8[%mul3A_0, %dma_wait3A] : memref<10240x128xf32, #tpu.memory_space<vmem_shared>> -> memref<640x128xf32, #tpu.memory_space<vmem_shared>>
      tpu.wait_dma2 semaphore(%run_scoped3A : memref<!tpu.dma_semaphore, #tpu.memory_space<semaphore_mem>>) src(%arg4 : memref<640x128xf32, #tpu.memory_space<hbm>>) dst(%dma_wait3A_15 : memref<640x128xf32, #tpu.memory_space<vmem_shared>>)
      tpu.yield
    }) : () -> ()
    "tpu.region"() ({
      %run_scoped3A = tpu.sem_alloc : memref<!tpu.dma_semaphore, #tpu.memory_space<semaphore_mem>>
      tpu.enqueue_dma source(%arg3 : memref<80x128xf32, #tpu.memory_space<hbm>>) target(%arg7 : memref<80x128xf32, #tpu.memory_space<vmem>>) target_semaphore(%run_scoped3A : memref<!tpu.dma_semaphore, #tpu.memory_space<semaphore_mem>>)
      tpu.wait_dma2 semaphore(%run_scoped3A : memref<!tpu.dma_semaphore, #tpu.memory_space<semaphore_mem>>) src(%arg3 : memref<80x128xf32, #tpu.memory_space<hbm>>) dst(%arg7 : memref<80x128xf32, #tpu.memory_space<vmem>>)
      tpu.yield
    }) : () -> ()
    %barrier3A = arith.constant 0 : index
    tpu.barrier barrier_id(%barrier3A)
    %mul3A_1 = arith.constant 2 : i32
    %mul3A_2 = arith.muli %arg1, %mul3A_1 : i32
    %add3A = arith.addi %mul3A_2, %arg0 : i32
    %mul3A_3 = arith.constant 10000 : i32
    %mul3A_4 = arith.muli %add3A, %mul3A_3 : i32
    %scan3A = arith.constant 0 : i32
    %scan3A_5 = arith.constant 125 : i32
    %scan3A_6 = arith.addi %scan3A, %scan3A_5 : i32
    %scan3A_7 = arith.constant 1 : i32
    scf.for %scan3A_14 = %scan3A to %scan3A_6 step %scan3A_7  : i32 {
      %mul3A_15 = arith.constant 1 : i32
      %mul3A_16 = arith.muli %scan3A_14, %mul3A_15 : i32
      %add3A_17 = arith.constant 0 : i32
      %add3A_18 = arith.addi %add3A_17, %mul3A_16 : i32
      %mul3A_19 = arith.constant 80 : i32
      %mul3A_20 = arith.muli %add3A_18, %mul3A_19 : i32
      %add3A_21 = arith.addi %mul3A_4, %mul3A_20 : i32
      "tpu.region"() ({
        %run_scoped3A = tpu.sem_alloc : memref<!tpu.dma_semaphore, #tpu.memory_space<semaphore_mem>>
        %dma_start3A = tpu.memref_slice %arg2[%add3A_21] : memref<320000xi32, #tpu.memory_space<hbm>> -> memref<80xi32, #tpu.memory_space<hbm>>
        %dma_start3A_22 = tpu.memref_slice %arg2[%add3A_21] : memref<320000xi32, #tpu.memory_space<hbm>> -> memref<80xi32, #tpu.memory_space<hbm>>
        tpu.enqueue_dma source(%dma_start3A_22 : memref<80xi32, #tpu.memory_space<hbm>>) target(%arg6 : memref<80xi32, #tpu.memory_space<vmem>>) target_semaphore(%run_scoped3A : memref<!tpu.dma_semaphore, #tpu.memory_space<semaphore_mem>>)
        %dma_wait3A = tpu.memref_slice %arg2[%add3A_21] : memref<320000xi32, #tpu.memory_space<hbm>> -> memref<80xi32, #tpu.memory_space<hbm>>
        %dma_wait3A_23 = tpu.memref_slice %arg2[%add3A_21] : memref<320000xi32, #tpu.memory_space<hbm>> -> memref<80xi32, #tpu.memory_space<hbm>>
        tpu.wait_dma2 semaphore(%run_scoped3A : memref<!tpu.dma_semaphore, #tpu.memory_space<semaphore_mem>>) src(%dma_wait3A_23 : memref<80xi32, #tpu.memory_space<hbm>>) dst(%arg6 : memref<80xi32, #tpu.memory_space<vmem>>)
        tpu.yield
      }) : () -> ()
      "tpu.region"() ({
        %run_scoped3A = tpu.sem_alloc : memref<!tpu.dma_semaphore, #tpu.memory_space<semaphore_mem>>
        %dma_start3A = arith.constant 0 : i32
        %dma_start3A_22 = arith.constant 0 : i32
        %dma_start3A_23 = tpu.memref_slice %arg8[%dma_start3A, %dma_start3A_22] : memref<10240x128xf32, #tpu.memory_space<vmem_shared>> -> memref<10240x128xf32, #tpu.memory_space<vmem_shared>>
        tpu.enqueue_indirect_dma source(%arg7 : memref<80x128xf32, #tpu.memory_space<vmem>>) target(%dma_start3A_23 : memref<10240x128xf32, #tpu.memory_space<vmem_shared>>) offsets(%arg6 : memref<80xi32, #tpu.memory_space<vmem>>) semaphore(%run_scoped3A : memref<!tpu.dma_semaphore, #tpu.memory_space<semaphore_mem>>) {add = true}
        %dma_wait3A = arith.constant 0 : i32
        %dma_wait3A_24 = arith.constant 0 : i32
        %dma_wait3A_25 = tpu.memref_slice %arg8[%dma_wait3A, %dma_wait3A_24] : memref<10240x128xf32, #tpu.memory_space<vmem_shared>> -> memref<10240x128xf32, #tpu.memory_space<vmem_shared>>
        tpu.wait_indirect_dma semaphore(%run_scoped3A : memref<!tpu.dma_semaphore, #tpu.memory_space<semaphore_mem>>) src(%arg7 : memref<80x128xf32, #tpu.memory_space<vmem>>) dst(%dma_wait3A_25 : memref<10240x128xf32, #tpu.memory_space<vmem_shared>>)
        tpu.yield
      }) : () -> ()
    }
    %scan3A_8 = arith.constant 125 : i32
    %barrier3A_9 = arith.constant 0 : index
    tpu.barrier barrier_id(%barrier3A_9)
    %mul3A_10 = arith.constant 640 : i32
    %mul3A_11 = arith.muli %arg1, %mul3A_10 : i32
    %mul3A_12 = arith.constant 640 : i32
    %mul3A_13 = arith.muli %arg1, %mul3A_12 : i32
    "tpu.region"() ({
      %run_scoped3A = tpu.sem_alloc : memref<!tpu.dma_semaphore, #tpu.memory_space<semaphore_mem>>
      %dma_start3A = arith.constant 0 : i32
      %dma_start3A_14 = arith.constant 0 : i32
      %dma_start3A_15 = tpu.memref_slice %arg5[%arg0, %dma_start3A, %dma_start3A_14] : memref<2x10240x128xf32, #tpu.memory_space<hbm>> -> memref<1x10240x128xf32, #tpu.memory_space<hbm>>
      %dma_start3A_16 = tpu.memref_squeeze %dma_start3A_15 : memref<1x10240x128xf32, #tpu.memory_space<hbm>> -> memref<10240x128xf32, #tpu.memory_space<hbm>>
      %dma_start3A_17 = arith.constant 0 : i32
      %dma_start3A_18 = tpu.memref_slice %dma_start3A_16[%mul3A_13, %dma_start3A_17] : memref<10240x128xf32, #tpu.memory_space<hbm>> -> memref<640x128xf32, #tpu.memory_space<hbm>>
      %dma_start3A_19 = arith.constant 0 : i32
      %dma_start3A_20 = tpu.memref_slice %arg8[%mul3A_11, %dma_start3A_19] : memref<10240x128xf32, #tpu.memory_space<vmem_shared>> -> memref<640x128xf32, #tpu.memory_space<vmem_shared>>
      tpu.enqueue_dma source(%dma_start3A_20 : memref<640x128xf32, #tpu.memory_space<vmem_shared>>) target(%dma_start3A_18 : memref<640x128xf32, #tpu.memory_space<hbm>>) target_semaphore(%run_scoped3A : memref<!tpu.dma_semaphore, #tpu.memory_space<semaphore_mem>>)
      %dma_wait3A = arith.constant 0 : i32
      %dma_wait3A_21 = arith.constant 0 : i32
      %dma_wait3A_22 = tpu.memref_slice %arg5[%arg0, %dma_wait3A, %dma_wait3A_21] : memref<2x10240x128xf32, #tpu.memory_space<hbm>> -> memref<1x10240x128xf32, #tpu.memory_space<hbm>>
      %dma_wait3A_23 = tpu.memref_squeeze %dma_wait3A_22 : memref<1x10240x128xf32, #tpu.memory_space<hbm>> -> memref<10240x128xf32, #tpu.memory_space<hbm>>
      %dma_wait3A_24 = arith.constant 0 : i32
      %dma_wait3A_25 = tpu.memref_slice %dma_wait3A_23[%mul3A_13, %dma_wait3A_24] : memref<10240x128xf32, #tpu.memory_space<hbm>> -> memref<640x128xf32, #tpu.memory_space<hbm>>
      %dma_wait3A_26 = arith.constant 0 : i32
      %dma_wait3A_27 = tpu.memref_slice %arg8[%mul3A_11, %dma_wait3A_26] : memref<10240x128xf32, #tpu.memory_space<vmem_shared>> -> memref<640x128xf32, #tpu.memory_space<vmem_shared>>
      tpu.wait_dma2 semaphore(%run_scoped3A : memref<!tpu.dma_semaphore, #tpu.memory_space<semaphore_mem>>) src(%dma_wait3A_27 : memref<640x128xf32, #tpu.memory_space<vmem_shared>>) dst(%dma_wait3A_25 : memref<640x128xf32, #tpu.memory_space<hbm>>)
      tpu.yield
    }) : () -> ()
    return
  }
}

#map = affine_map<(d0, d1) -> (0, 0)>
#map1 = affine_map<(d0, d1) -> (0)>
module attributes {stable_mosaic.version = 14 : i64} {
  func.func @k(%arg0: i32, %arg1: i32, %arg2: memref<10000x128xf32, #tpu.memory_space<hbm>>, %arg3: memref<320000xi32, #tpu.memory_space<hbm>>, %arg4: memref<320000x128xf32, #tpu.memory_space<hbm>>, %arg5: memref<80xi32, #tpu.memory_space<vmem>>, %arg6: memref<80x128xf32, #tpu.memory_space<vmem>>, %arg7: memref<!tpu.dma_semaphore, #tpu.memory_space<semaphore_mem>>) attributes {dimension_semantics = [#tpu.dimension_semantics<core_parallel>, #tpu.dimension_semantics<subcore_parallel>], iteration_bounds = array<i64: 2, 16>, scalar_prefetch = 0 : i64, scratch_operands = 3 : i64, tpu.core_type = #tpu.core_type<sc_vector_subcore>, window_params = [{transform_indices = #map}, {transform_indices = #map1}, {transform_indices = #map}]} {
    %mul3A = arith.constant 2 : i32
    %mul3A_0 = arith.muli %arg1, %mul3A : i32
    %add3A = arith.addi %mul3A_0, %arg0 : i32
    %mul3A_1 = arith.constant 10000 : i32
    %mul3A_2 = arith.muli %add3A, %mul3A_1 : i32
    %scan3A = arith.constant 0 : i32
    %scan3A_3 = arith.constant 125 : i32
    %scan3A_4 = arith.addi %scan3A, %scan3A_3 : i32
    %scan3A_5 = arith.constant 1 : i32
    scf.for %scan3A_7 = %scan3A to %scan3A_4 step %scan3A_5  : i32 {
      %mul3A_8 = arith.constant 1 : i32
      %mul3A_9 = arith.muli %scan3A_7, %mul3A_8 : i32
      %add3A_10 = arith.constant 0 : i32
      %add3A_11 = arith.addi %add3A_10, %mul3A_9 : i32
      %mul3A_12 = arith.constant 80 : i32
      %mul3A_13 = arith.muli %add3A_11, %mul3A_12 : i32
      %add3A_14 = arith.addi %mul3A_2, %mul3A_13 : i32
      "tpu.region"() ({
        %run_scoped3A = tpu.sem_alloc : memref<!tpu.dma_semaphore, #tpu.memory_space<semaphore_mem>>
        %dma_start3A_19 = tpu.memref_slice %arg3[%add3A_14] : memref<320000xi32, #tpu.memory_space<hbm>> -> memref<80xi32, #tpu.memory_space<hbm>>
        %dma_start3A_20 = tpu.memref_slice %arg3[%add3A_14] : memref<320000xi32, #tpu.memory_space<hbm>> -> memref<80xi32, #tpu.memory_space<hbm>>
        tpu.enqueue_dma source(%dma_start3A_20 : memref<80xi32, #tpu.memory_space<hbm>>) target(%arg5 : memref<80xi32, #tpu.memory_space<vmem>>) target_semaphore(%run_scoped3A : memref<!tpu.dma_semaphore, #tpu.memory_space<semaphore_mem>>)
        %dma_wait3A_21 = tpu.memref_slice %arg3[%add3A_14] : memref<320000xi32, #tpu.memory_space<hbm>> -> memref<80xi32, #tpu.memory_space<hbm>>
        %dma_wait3A_22 = tpu.memref_slice %arg3[%add3A_14] : memref<320000xi32, #tpu.memory_space<hbm>> -> memref<80xi32, #tpu.memory_space<hbm>>
        tpu.wait_dma2 semaphore(%run_scoped3A : memref<!tpu.dma_semaphore, #tpu.memory_space<semaphore_mem>>) src(%dma_wait3A_22 : memref<80xi32, #tpu.memory_space<hbm>>) dst(%arg5 : memref<80xi32, #tpu.memory_space<vmem>>)
        tpu.yield
      }) : () -> ()
      %dma_start3A = arith.constant 0 : i32
      %dma_start3A_15 = arith.constant 0 : i32
      %dma_start3A_16 = tpu.memref_slice %arg2[%dma_start3A, %dma_start3A_15] : memref<10000x128xf32, #tpu.memory_space<hbm>> -> memref<10000x128xf32, #tpu.memory_space<hbm>>
      tpu.enqueue_indirect_dma source(%dma_start3A_16 : memref<10000x128xf32, #tpu.memory_space<hbm>>) target(%arg6 : memref<80x128xf32, #tpu.memory_space<vmem>>) offsets(%arg5 : memref<80xi32, #tpu.memory_space<vmem>>) semaphore(%arg7 : memref<!tpu.dma_semaphore, #tpu.memory_space<semaphore_mem>>)
      %dma_wait3A = arith.constant 0 : i32
      %dma_wait3A_17 = arith.constant 0 : i32
      %dma_wait3A_18 = tpu.memref_slice %arg2[%dma_wait3A, %dma_wait3A_17] : memref<10000x128xf32, #tpu.memory_space<hbm>> -> memref<10000x128xf32, #tpu.memory_space<hbm>>
      tpu.wait_indirect_dma semaphore(%arg7 : memref<!tpu.dma_semaphore, #tpu.memory_space<semaphore_mem>>) src(%dma_wait3A_18 : memref<10000x128xf32, #tpu.memory_space<hbm>>) dst(%arg6 : memref<80x128xf32, #tpu.memory_space<vmem>>)
      "tpu.region"() ({
        %run_scoped3A = tpu.sem_alloc : memref<!tpu.dma_semaphore, #tpu.memory_space<semaphore_mem>>
        %dma_start3A_19 = arith.constant 0 : i32
        %dma_start3A_20 = tpu.memref_slice %arg4[%add3A_14, %dma_start3A_19] : memref<320000x128xf32, #tpu.memory_space<hbm>> -> memref<80x128xf32, #tpu.memory_space<hbm>>
        %dma_start3A_21 = arith.constant 0 : i32
        %dma_start3A_22 = tpu.memref_slice %arg4[%add3A_14, %dma_start3A_21] : memref<320000x128xf32, #tpu.memory_space<hbm>> -> memref<80x128xf32, #tpu.memory_space<hbm>>
        tpu.enqueue_dma source(%arg6 : memref<80x128xf32, #tpu.memory_space<vmem>>) target(%dma_start3A_22 : memref<80x128xf32, #tpu.memory_space<hbm>>) target_semaphore(%run_scoped3A : memref<!tpu.dma_semaphore, #tpu.memory_space<semaphore_mem>>)
        %dma_wait3A_23 = arith.constant 0 : i32
        %dma_wait3A_24 = tpu.memref_slice %arg4[%add3A_14, %dma_wait3A_23] : memref<320000x128xf32, #tpu.memory_space<hbm>> -> memref<80x128xf32, #tpu.memory_space<hbm>>
        %dma_wait3A_25 = arith.constant 0 : i32
        %dma_wait3A_26 = tpu.memref_slice %arg4[%add3A_14, %dma_wait3A_25] : memref<320000x128xf32, #tpu.memory_space<hbm>> -> memref<80x128xf32, #tpu.memory_space<hbm>>
        tpu.wait_dma2 semaphore(%run_scoped3A : memref<!tpu.dma_semaphore, #tpu.memory_space<semaphore_mem>>) src(%arg6 : memref<80x128xf32, #tpu.memory_space<vmem>>) dst(%dma_wait3A_26 : memref<80x128xf32, #tpu.memory_space<hbm>>)
        tpu.yield
      }) : () -> ()
    }
    %scan3A_6 = arith.constant 125 : i32
    return
  }
}

#map = affine_map<(d0, d1) -> (0, 0)>
#map1 = affine_map<(d0, d1) -> (0)>
#map2 = affine_map<(d0, d1) -> (0, 0, 0)>
module attributes {stable_mosaic.version = 14 : i64} {
  func.func @k(%arg0: i32, %arg1: i32, %arg2: memref<320000x128xf32, #tpu.memory_space<hbm>>, %arg3: memref<320000xi32, #tpu.memory_space<hbm>>, %arg4: memref<640x128xf32, #tpu.memory_space<hbm>>, %arg5: memref<2x10240x128xf32, #tpu.memory_space<hbm>>, %arg6: memref<80xi32, #tpu.memory_space<vmem>>, %arg7: memref<80x128xf32, #tpu.memory_space<vmem>>, %arg8: memref<10240x128xf32, #tpu.memory_space<vmem_shared>>, %arg9: memref<!tpu.dma_semaphore, #tpu.memory_space<semaphore_mem>>) attributes {dimension_semantics = [#tpu.dimension_semantics<core_parallel>, #tpu.dimension_semantics<subcore_parallel>], iteration_bounds = array<i64: 2, 16>, scalar_prefetch = 0 : i64, scratch_operands = 4 : i64, tpu.core_type = #tpu.core_type<sc_vector_subcore>, window_params = [{transform_indices = #map}, {transform_indices = #map1}, {transform_indices = #map}, {transform_indices = #map2}]} {
    %mul3A = arith.constant 640 : i32
    %mul3A_0 = arith.muli %arg1, %mul3A : i32
    "tpu.region"() ({
      %run_scoped3A = tpu.sem_alloc : memref<!tpu.dma_semaphore, #tpu.memory_space<semaphore_mem>>
      %dma_start3A = arith.constant 0 : i32
      %dma_start3A_14 = tpu.memref_slice %arg8[%mul3A_0, %dma_start3A] : memref<10240x128xf32, #tpu.memory_space<vmem_shared>> -> memref<640x128xf32, #tpu.memory_space<vmem_shared>>
      tpu.enqueue_dma source(%arg4 : memref<640x128xf32, #tpu.memory_space<hbm>>) target(%dma_start3A_14 : memref<640x128xf32, #tpu.memory_space<vmem_shared>>) target_semaphore(%run_scoped3A : memref<!tpu.dma_semaphore, #tpu.memory_space<semaphore_mem>>)
      %dma_wait3A = arith.constant 0 : i32
      %dma_wait3A_15 = tpu.memref_slice %arg8[%mul3A_0, %dma_wait3A] : memref<10240x128xf32, #tpu.memory_space<vmem_shared>> -> memref<640x128xf32, #tpu.memory_space<vmem_shared>>
      tpu.wait_dma2 semaphore(%run_scoped3A : memref<!tpu.dma_semaphore, #tpu.memory_space<semaphore_mem>>) src(%arg4 : memref<640x128xf32, #tpu.memory_space<hbm>>) dst(%dma_wait3A_15 : memref<640x128xf32, #tpu.memory_space<vmem_shared>>)
      tpu.yield
    }) : () -> ()
    %barrier3A = arith.constant 0 : index
    tpu.barrier barrier_id(%barrier3A)
    %mul3A_1 = arith.constant 2 : i32
    %mul3A_2 = arith.muli %arg1, %mul3A_1 : i32
    %add3A = arith.addi %mul3A_2, %arg0 : i32
    %mul3A_3 = arith.constant 10000 : i32
    %mul3A_4 = arith.muli %add3A, %mul3A_3 : i32
    %scan3A = arith.constant 0 : i32
    %scan3A_5 = arith.constant 125 : i32
    %scan3A_6 = arith.addi %scan3A, %scan3A_5 : i32
    %scan3A_7 = arith.constant 1 : i32
    scf.for %scan3A_14 = %scan3A to %scan3A_6 step %scan3A_7  : i32 {
      %mul3A_15 = arith.constant 1 : i32
      %mul3A_16 = arith.muli %scan3A_14, %mul3A_15 : i32
      %add3A_17 = arith.constant 0 : i32
      %add3A_18 = arith.addi %add3A_17, %mul3A_16 : i32
      %mul3A_19 = arith.constant 80 : i32
      %mul3A_20 = arith.muli %add3A_18, %mul3A_19 : i32
      %add3A_21 = arith.addi %mul3A_4, %mul3A_20 : i32
      "tpu.region"() ({
        %run_scoped3A = tpu.sem_alloc : memref<!tpu.dma_semaphore, #tpu.memory_space<semaphore_mem>>
        %dma_start3A = tpu.memref_slice %arg3[%add3A_21] : memref<320000xi32, #tpu.memory_space<hbm>> -> memref<80xi32, #tpu.memory_space<hbm>>
        %dma_start3A_22 = tpu.memref_slice %arg3[%add3A_21] : memref<320000xi32, #tpu.memory_space<hbm>> -> memref<80xi32, #tpu.memory_space<hbm>>
        tpu.enqueue_dma source(%dma_start3A_22 : memref<80xi32, #tpu.memory_space<hbm>>) target(%arg6 : memref<80xi32, #tpu.memory_space<vmem>>) target_semaphore(%run_scoped3A : memref<!tpu.dma_semaphore, #tpu.memory_space<semaphore_mem>>)
        %dma_wait3A = tpu.memref_slice %arg3[%add3A_21] : memref<320000xi32, #tpu.memory_space<hbm>> -> memref<80xi32, #tpu.memory_space<hbm>>
        %dma_wait3A_23 = tpu.memref_slice %arg3[%add3A_21] : memref<320000xi32, #tpu.memory_space<hbm>> -> memref<80xi32, #tpu.memory_space<hbm>>
        tpu.wait_dma2 semaphore(%run_scoped3A : memref<!tpu.dma_semaphore, #tpu.memory_space<semaphore_mem>>) src(%dma_wait3A_23 : memref<80xi32, #tpu.memory_space<hbm>>) dst(%arg6 : memref<80xi32, #tpu.memory_space<vmem>>)
        tpu.yield
      }) : () -> ()
      "tpu.region"() ({
        %run_scoped3A = tpu.sem_alloc : memref<!tpu.dma_semaphore, #tpu.memory_space<semaphore_mem>>
        %dma_start3A = arith.constant 0 : i32
        %dma_start3A_22 = tpu.memref_slice %arg2[%add3A_21, %dma_start3A] : memref<320000x128xf32, #tpu.memory_space<hbm>> -> memref<80x128xf32, #tpu.memory_space<hbm>>
        %dma_start3A_23 = arith.constant 0 : i32
        %dma_start3A_24 = tpu.memref_slice %arg2[%add3A_21, %dma_start3A_23] : memref<320000x128xf32, #tpu.memory_space<hbm>> -> memref<80x128xf32, #tpu.memory_space<hbm>>
        tpu.enqueue_dma source(%dma_start3A_24 : memref<80x128xf32, #tpu.memory_space<hbm>>) target(%arg7 : memref<80x128xf32, #tpu.memory_space<vmem>>) target_semaphore(%run_scoped3A : memref<!tpu.dma_semaphore, #tpu.memory_space<semaphore_mem>>)
        %dma_wait3A = arith.constant 0 : i32
        %dma_wait3A_25 = tpu.memref_slice %arg2[%add3A_21, %dma_wait3A] : memref<320000x128xf32, #tpu.memory_space<hbm>> -> memref<80x128xf32, #tpu.memory_space<hbm>>
        %dma_wait3A_26 = arith.constant 0 : i32
        %dma_wait3A_27 = tpu.memref_slice %arg2[%add3A_21, %dma_wait3A_26] : memref<320000x128xf32, #tpu.memory_space<hbm>> -> memref<80x128xf32, #tpu.memory_space<hbm>>
        tpu.wait_dma2 semaphore(%run_scoped3A : memref<!tpu.dma_semaphore, #tpu.memory_space<semaphore_mem>>) src(%dma_wait3A_27 : memref<80x128xf32, #tpu.memory_space<hbm>>) dst(%arg7 : memref<80x128xf32, #tpu.memory_space<vmem>>)
        tpu.yield
      }) : () -> ()
      "tpu.region"() ({
        %run_scoped3A = tpu.sem_alloc : memref<!tpu.dma_semaphore, #tpu.memory_space<semaphore_mem>>
        %dma_start3A = arith.constant 0 : i32
        %dma_start3A_22 = arith.constant 0 : i32
        %dma_start3A_23 = tpu.memref_slice %arg8[%dma_start3A, %dma_start3A_22] : memref<10240x128xf32, #tpu.memory_space<vmem_shared>> -> memref<10240x128xf32, #tpu.memory_space<vmem_shared>>
        tpu.enqueue_indirect_dma source(%arg7 : memref<80x128xf32, #tpu.memory_space<vmem>>) target(%dma_start3A_23 : memref<10240x128xf32, #tpu.memory_space<vmem_shared>>) offsets(%arg6 : memref<80xi32, #tpu.memory_space<vmem>>) semaphore(%run_scoped3A : memref<!tpu.dma_semaphore, #tpu.memory_space<semaphore_mem>>) {add = true}
        %dma_wait3A = arith.constant 0 : i32
        %dma_wait3A_24 = arith.constant 0 : i32
        %dma_wait3A_25 = tpu.memref_slice %arg8[%dma_wait3A, %dma_wait3A_24] : memref<10240x128xf32, #tpu.memory_space<vmem_shared>> -> memref<10240x128xf32, #tpu.memory_space<vmem_shared>>
        tpu.wait_indirect_dma semaphore(%run_scoped3A : memref<!tpu.dma_semaphore, #tpu.memory_space<semaphore_mem>>) src(%arg7 : memref<80x128xf32, #tpu.memory_space<vmem>>) dst(%dma_wait3A_25 : memref<10240x128xf32, #tpu.memory_space<vmem_shared>>)
        tpu.yield
      }) : () -> ()
    }
    %scan3A_8 = arith.constant 125 : i32
    %barrier3A_9 = arith.constant 0 : index
    tpu.barrier barrier_id(%barrier3A_9)
    %mul3A_10 = arith.constant 640 : i32
    %mul3A_11 = arith.muli %arg1, %mul3A_10 : i32
    %mul3A_12 = arith.constant 640 : i32
    %mul3A_13 = arith.muli %arg1, %mul3A_12 : i32
    "tpu.region"() ({
      %run_scoped3A = tpu.sem_alloc : memref<!tpu.dma_semaphore, #tpu.memory_space<semaphore_mem>>
      %dma_start3A = arith.constant 0 : i32
      %dma_start3A_14 = arith.constant 0 : i32
      %dma_start3A_15 = tpu.memref_slice %arg5[%arg0, %dma_start3A, %dma_start3A_14] : memref<2x10240x128xf32, #tpu.memory_space<hbm>> -> memref<1x10240x128xf32, #tpu.memory_space<hbm>>
      %dma_start3A_16 = tpu.memref_squeeze %dma_start3A_15 : memref<1x10240x128xf32, #tpu.memory_space<hbm>> -> memref<10240x128xf32, #tpu.memory_space<hbm>>
      %dma_start3A_17 = arith.constant 0 : i32
      %dma_start3A_18 = tpu.memref_slice %dma_start3A_16[%mul3A_13, %dma_start3A_17] : memref<10240x128xf32, #tpu.memory_space<hbm>> -> memref<640x128xf32, #tpu.memory_space<hbm>>
      %dma_start3A_19 = arith.constant 0 : i32
      %dma_start3A_20 = tpu.memref_slice %arg8[%mul3A_11, %dma_start3A_19] : memref<10240x128xf32, #tpu.memory_space<vmem_shared>> -> memref<640x128xf32, #tpu.memory_space<vmem_shared>>
      tpu.enqueue_dma source(%dma_start3A_20 : memref<640x128xf32, #tpu.memory_space<vmem_shared>>) target(%dma_start3A_18 : memref<640x128xf32, #tpu.memory_space<hbm>>) target_semaphore(%run_scoped3A : memref<!tpu.dma_semaphore, #tpu.memory_space<semaphore_mem>>)
      %dma_wait3A = arith.constant 0 : i32
      %dma_wait3A_21 = arith.constant 0 : i32
      %dma_wait3A_22 = tpu.memref_slice %arg5[%arg0, %dma_wait3A, %dma_wait3A_21] : memref<2x10240x128xf32, #tpu.memory_space<hbm>> -> memref<1x10240x128xf32, #tpu.memory_space<hbm>>
      %dma_wait3A_23 = tpu.memref_squeeze %dma_wait3A_22 : memref<1x10240x128xf32, #tpu.memory_space<hbm>> -> memref<10240x128xf32, #tpu.memory_space<hbm>>
      %dma_wait3A_24 = arith.constant 0 : i32
      %dma_wait3A_25 = tpu.memref_slice %dma_wait3A_23[%mul3A_13, %dma_wait3A_24] : memref<10240x128xf32, #tpu.memory_space<hbm>> -> memref<640x128xf32, #tpu.memory_space<hbm>>
      %dma_wait3A_26 = arith.constant 0 : i32
      %dma_wait3A_27 = tpu.memref_slice %arg8[%mul3A_11, %dma_wait3A_26] : memref<10240x128xf32, #tpu.memory_space<vmem_shared>> -> memref<640x128xf32, #tpu.memory_space<vmem_shared>>
      tpu.wait_dma2 semaphore(%run_scoped3A : memref<!tpu.dma_semaphore, #tpu.memory_space<semaphore_mem>>) src(%dma_wait3A_27 : memref<640x128xf32, #tpu.memory_space<vmem_shared>>) dst(%dma_wait3A_25 : memref<640x128xf32, #tpu.memory_space<hbm>>)
      tpu.yield
    }) : () -> ()
    return
  }
}

#map = affine_map<(d0, d1) -> (0, 0)>
#map1 = affine_map<(d0, d1) -> (0)>
#map2 = affine_map<(d0, d1) -> (0, 0, 0)>
module attributes {stable_mosaic.version = 14 : i64} {
  func.func @k(%arg0: i32, %arg1: i32, %arg2: memref<320000x128xf32, #tpu.memory_space<hbm>>, %arg3: memref<320000xi32, #tpu.memory_space<hbm>>, %arg4: memref<640x128xf32, #tpu.memory_space<hbm>>, %arg5: memref<2x10240x128xf32, #tpu.memory_space<hbm>>, %arg6: memref<80xi32, #tpu.memory_space<vmem>>, %arg7: memref<80x128xf32, #tpu.memory_space<vmem>>, %arg8: memref<10240x128xf32, #tpu.memory_space<vmem_shared>>, %arg9: memref<!tpu.dma_semaphore, #tpu.memory_space<semaphore_mem>>) attributes {dimension_semantics = [#tpu.dimension_semantics<core_parallel>, #tpu.dimension_semantics<subcore_parallel>], iteration_bounds = array<i64: 2, 16>, scalar_prefetch = 0 : i64, scratch_operands = 4 : i64, tpu.core_type = #tpu.core_type<sc_vector_subcore>, window_params = [{transform_indices = #map}, {transform_indices = #map1}, {transform_indices = #map}, {transform_indices = #map2}]} {
    %mul3A = arith.constant 640 : i32
    %mul3A_0 = arith.muli %arg1, %mul3A : i32
    "tpu.region"() ({
      %run_scoped3A = tpu.sem_alloc : memref<!tpu.dma_semaphore, #tpu.memory_space<semaphore_mem>>
      %dma_start3A = arith.constant 0 : i32
      %dma_start3A_14 = tpu.memref_slice %arg8[%mul3A_0, %dma_start3A] : memref<10240x128xf32, #tpu.memory_space<vmem_shared>> -> memref<640x128xf32, #tpu.memory_space<vmem_shared>>
      tpu.enqueue_dma source(%arg4 : memref<640x128xf32, #tpu.memory_space<hbm>>) target(%dma_start3A_14 : memref<640x128xf32, #tpu.memory_space<vmem_shared>>) target_semaphore(%run_scoped3A : memref<!tpu.dma_semaphore, #tpu.memory_space<semaphore_mem>>)
      %dma_wait3A = arith.constant 0 : i32
      %dma_wait3A_15 = tpu.memref_slice %arg8[%mul3A_0, %dma_wait3A] : memref<10240x128xf32, #tpu.memory_space<vmem_shared>> -> memref<640x128xf32, #tpu.memory_space<vmem_shared>>
      tpu.wait_dma2 semaphore(%run_scoped3A : memref<!tpu.dma_semaphore, #tpu.memory_space<semaphore_mem>>) src(%arg4 : memref<640x128xf32, #tpu.memory_space<hbm>>) dst(%dma_wait3A_15 : memref<640x128xf32, #tpu.memory_space<vmem_shared>>)
      tpu.yield
    }) : () -> ()
    %barrier3A = arith.constant 0 : index
    tpu.barrier barrier_id(%barrier3A)
    %mul3A_1 = arith.constant 2 : i32
    %mul3A_2 = arith.muli %arg1, %mul3A_1 : i32
    %add3A = arith.addi %mul3A_2, %arg0 : i32
    %mul3A_3 = arith.constant 10000 : i32
    %mul3A_4 = arith.muli %add3A, %mul3A_3 : i32
    %scan3A = arith.constant 0 : i32
    %scan3A_5 = arith.constant 125 : i32
    %scan3A_6 = arith.addi %scan3A, %scan3A_5 : i32
    %scan3A_7 = arith.constant 1 : i32
    scf.for %scan3A_14 = %scan3A to %scan3A_6 step %scan3A_7  : i32 {
      %mul3A_15 = arith.constant 1 : i32
      %mul3A_16 = arith.muli %scan3A_14, %mul3A_15 : i32
      %add3A_17 = arith.constant 0 : i32
      %add3A_18 = arith.addi %add3A_17, %mul3A_16 : i32
      %mul3A_19 = arith.constant 80 : i32
      %mul3A_20 = arith.muli %add3A_18, %mul3A_19 : i32
      %add3A_21 = arith.addi %mul3A_4, %mul3A_20 : i32
      "tpu.region"() ({
        %run_scoped3A = tpu.sem_alloc : memref<!tpu.dma_semaphore, #tpu.memory_space<semaphore_mem>>
        %dma_start3A = tpu.memref_slice %arg3[%add3A_21] : memref<320000xi32, #tpu.memory_space<hbm>> -> memref<80xi32, #tpu.memory_space<hbm>>
        %dma_start3A_22 = tpu.memref_slice %arg3[%add3A_21] : memref<320000xi32, #tpu.memory_space<hbm>> -> memref<80xi32, #tpu.memory_space<hbm>>
        tpu.enqueue_dma source(%dma_start3A_22 : memref<80xi32, #tpu.memory_space<hbm>>) target(%arg6 : memref<80xi32, #tpu.memory_space<vmem>>) target_semaphore(%run_scoped3A : memref<!tpu.dma_semaphore, #tpu.memory_space<semaphore_mem>>)
        %dma_wait3A = tpu.memref_slice %arg3[%add3A_21] : memref<320000xi32, #tpu.memory_space<hbm>> -> memref<80xi32, #tpu.memory_space<hbm>>
        %dma_wait3A_23 = tpu.memref_slice %arg3[%add3A_21] : memref<320000xi32, #tpu.memory_space<hbm>> -> memref<80xi32, #tpu.memory_space<hbm>>
        tpu.wait_dma2 semaphore(%run_scoped3A : memref<!tpu.dma_semaphore, #tpu.memory_space<semaphore_mem>>) src(%dma_wait3A_23 : memref<80xi32, #tpu.memory_space<hbm>>) dst(%arg6 : memref<80xi32, #tpu.memory_space<vmem>>)
        tpu.yield
      }) : () -> ()
      "tpu.region"() ({
        %run_scoped3A = tpu.sem_alloc : memref<!tpu.dma_semaphore, #tpu.memory_space<semaphore_mem>>
        %dma_start3A = arith.constant 0 : i32
        %dma_start3A_22 = tpu.memref_slice %arg2[%add3A_21, %dma_start3A] : memref<320000x128xf32, #tpu.memory_space<hbm>> -> memref<80x128xf32, #tpu.memory_space<hbm>>
        %dma_start3A_23 = arith.constant 0 : i32
        %dma_start3A_24 = tpu.memref_slice %arg2[%add3A_21, %dma_start3A_23] : memref<320000x128xf32, #tpu.memory_space<hbm>> -> memref<80x128xf32, #tpu.memory_space<hbm>>
        tpu.enqueue_dma source(%dma_start3A_24 : memref<80x128xf32, #tpu.memory_space<hbm>>) target(%arg7 : memref<80x128xf32, #tpu.memory_space<vmem>>) target_semaphore(%run_scoped3A : memref<!tpu.dma_semaphore, #tpu.memory_space<semaphore_mem>>)
        %dma_wait3A = arith.constant 0 : i32
        %dma_wait3A_25 = tpu.memref_slice %arg2[%add3A_21, %dma_wait3A] : memref<320000x128xf32, #tpu.memory_space<hbm>> -> memref<80x128xf32, #tpu.memory_space<hbm>>
        %dma_wait3A_26 = arith.constant 0 : i32
        %dma_wait3A_27 = tpu.memref_slice %arg2[%add3A_21, %dma_wait3A_26] : memref<320000x128xf32, #tpu.memory_space<hbm>> -> memref<80x128xf32, #tpu.memory_space<hbm>>
        tpu.wait_dma2 semaphore(%run_scoped3A : memref<!tpu.dma_semaphore, #tpu.memory_space<semaphore_mem>>) src(%dma_wait3A_27 : memref<80x128xf32, #tpu.memory_space<hbm>>) dst(%arg7 : memref<80x128xf32, #tpu.memory_space<vmem>>)
        tpu.yield
      }) : () -> ()
      "tpu.region"() ({
        %run_scoped3A = tpu.sem_alloc : memref<!tpu.dma_semaphore, #tpu.memory_space<semaphore_mem>>
        %dma_start3A = arith.constant 0 : i32
        %dma_start3A_22 = arith.constant 0 : i32
        %dma_start3A_23 = tpu.memref_slice %arg8[%dma_start3A, %dma_start3A_22] : memref<10240x128xf32, #tpu.memory_space<vmem_shared>> -> memref<10240x128xf32, #tpu.memory_space<vmem_shared>>
        tpu.enqueue_indirect_dma source(%arg7 : memref<80x128xf32, #tpu.memory_space<vmem>>) target(%dma_start3A_23 : memref<10240x128xf32, #tpu.memory_space<vmem_shared>>) offsets(%arg6 : memref<80xi32, #tpu.memory_space<vmem>>) semaphore(%run_scoped3A : memref<!tpu.dma_semaphore, #tpu.memory_space<semaphore_mem>>) {add = true}
        %dma_wait3A = arith.constant 0 : i32
        %dma_wait3A_24 = arith.constant 0 : i32
        %dma_wait3A_25 = tpu.memref_slice %arg8[%dma_wait3A, %dma_wait3A_24] : memref<10240x128xf32, #tpu.memory_space<vmem_shared>> -> memref<10240x128xf32, #tpu.memory_space<vmem_shared>>
        tpu.wait_indirect_dma semaphore(%run_scoped3A : memref<!tpu.dma_semaphore, #tpu.memory_space<semaphore_mem>>) src(%arg7 : memref<80x128xf32, #tpu.memory_space<vmem>>) dst(%dma_wait3A_25 : memref<10240x128xf32, #tpu.memory_space<vmem_shared>>)
        tpu.yield
      }) : () -> ()
    }
    %scan3A_8 = arith.constant 125 : i32
    %barrier3A_9 = arith.constant 0 : index
    tpu.barrier barrier_id(%barrier3A_9)
    %mul3A_10 = arith.constant 640 : i32
    %mul3A_11 = arith.muli %arg1, %mul3A_10 : i32
    %mul3A_12 = arith.constant 640 : i32
    %mul3A_13 = arith.muli %arg1, %mul3A_12 : i32
    "tpu.region"() ({
      %run_scoped3A = tpu.sem_alloc : memref<!tpu.dma_semaphore, #tpu.memory_space<semaphore_mem>>
      %dma_start3A = arith.constant 0 : i32
      %dma_start3A_14 = arith.constant 0 : i32
      %dma_start3A_15 = tpu.memref_slice %arg5[%arg0, %dma_start3A, %dma_start3A_14] : memref<2x10240x128xf32, #tpu.memory_space<hbm>> -> memref<1x10240x128xf32, #tpu.memory_space<hbm>>
      %dma_start3A_16 = tpu.memref_squeeze %dma_start3A_15 : memref<1x10240x128xf32, #tpu.memory_space<hbm>> -> memref<10240x128xf32, #tpu.memory_space<hbm>>
      %dma_start3A_17 = arith.constant 0 : i32
      %dma_start3A_18 = tpu.memref_slice %dma_start3A_16[%mul3A_13, %dma_start3A_17] : memref<10240x128xf32, #tpu.memory_space<hbm>> -> memref<640x128xf32, #tpu.memory_space<hbm>>
      %dma_start3A_19 = arith.constant 0 : i32
      %dma_start3A_20 = tpu.memref_slice %arg8[%mul3A_11, %dma_start3A_19] : memref<10240x128xf32, #tpu.memory_space<vmem_shared>> -> memref<640x128xf32, #tpu.memory_space<vmem_shared>>
      tpu.enqueue_dma source(%dma_start3A_20 : memref<640x128xf32, #tpu.memory_space<vmem_shared>>) target(%dma_start3A_18 : memref<640x128xf32, #tpu.memory_space<hbm>>) target_semaphore(%run_scoped3A : memref<!tpu.dma_semaphore, #tpu.memory_space<semaphore_mem>>)
      %dma_wait3A = arith.constant 0 : i32
      %dma_wait3A_21 = arith.constant 0 : i32
      %dma_wait3A_22 = tpu.memref_slice %arg5[%arg0, %dma_wait3A, %dma_wait3A_21] : memref<2x10240x128xf32, #tpu.memory_space<hbm>> -> memref<1x10240x128xf32, #tpu.memory_space<hbm>>
      %dma_wait3A_23 = tpu.memref_squeeze %dma_wait3A_22 : memref<1x10240x128xf32, #tpu.memory_space<hbm>> -> memref<10240x128xf32, #tpu.memory_space<hbm>>
      %dma_wait3A_24 = arith.constant 0 : i32
      %dma_wait3A_25 = tpu.memref_slice %dma_wait3A_23[%mul3A_13, %dma_wait3A_24] : memref<10240x128xf32, #tpu.memory_space<hbm>> -> memref<640x128xf32, #tpu.memory_space<hbm>>
      %dma_wait3A_26 = arith.constant 0 : i32
      %dma_wait3A_27 = tpu.memref_slice %arg8[%mul3A_11, %dma_wait3A_26] : memref<10240x128xf32, #tpu.memory_space<vmem_shared>> -> memref<640x128xf32, #tpu.memory_space<vmem_shared>>
      tpu.wait_dma2 semaphore(%run_scoped3A : memref<!tpu.dma_semaphore, #tpu.memory_space<semaphore_mem>>) src(%dma_wait3A_27 : memref<640x128xf32, #tpu.memory_space<vmem_shared>>) dst(%dma_wait3A_25 : memref<640x128xf32, #tpu.memory_space<hbm>>)
      tpu.yield
    }) : () -> ()
    return
  }
}

module attributes {stable_mosaic.version = 14 : i64} {
  func.func @_lin1e_body(%arg0: i32, %arg1: memref<2000x128xf32, #tpu.memory_space<vmem>>, %arg2: memref<2000x128xf32, #tpu.memory_space<vmem>>, %arg3: memref<2000x128xf32, #tpu.memory_space<vmem>>, %arg4: memref<384x128xf32, #tpu.memory_space<vmem>>, %arg5: memref<8x128xf32, #tpu.memory_space<vmem>>, %arg6: memref<2000x128xf32, #tpu.memory_space<vmem>>, %arg7: memref<16x128xf32, #tpu.memory_space<vmem>>) attributes {dimension_semantics = [#tpu.dimension_semantics<arbitrary>], iteration_bounds = array<i64: 160>, scalar_prefetch = 0 : i64, scratch_operands = 0 : i64, tpu.core_type = #tpu.core_type<tc>, window_params = [{transform_indices = @transform_0, window_bounds = array<i64: 2000, 128>}, {transform_indices = @transform_1, window_bounds = array<i64: 2000, 128>}, {transform_indices = @transform_2, window_bounds = array<i64: 2000, 128>}, {pipeline_mode = #tpu.pipeline_mode<synchronous>, transform_indices = @transform_3, window_bounds = array<i64: 384, 128>}, {pipeline_mode = #tpu.pipeline_mode<synchronous>, transform_indices = @transform_4, window_bounds = array<i64: 8, 128>}, {transform_indices = @transform_5, window_bounds = array<i64: 2000, 128>}, {pipeline_mode = #tpu.pipeline_mode<synchronous>, transform_indices = @transform_6, window_bounds = array<i64: 16, 128>}]} {
    %eq3A = arith.constant 0 : i32
    %eq3A_0 = arith.cmpi eq, %arg0, %eq3A : i32
    %convert_element_type3A = arith.extui %eq3A_0 : i1 to i32
    %cond3A = arith.constant 0 : i32
    %cond3A_1 = arith.cmpi ne, %convert_element_type3A, %cond3A : i32
    scf.if %cond3A_1 {
      %broadcast_in_dim3A = arith.constant 0.000000e+00 : f32
      %broadcast_in_dim3A_37 = vector.broadcast %broadcast_in_dim3A : f32 to vector<16x128xf32>
      %swap3A_38 = arith.constant 0 : index
      %swap3A_39 = arith.constant 0 : index
      %swap3A_40 = vector.load %arg7[%swap3A_38, %swap3A_39] : memref<16x128xf32, #tpu.memory_space<vmem>>, vector<16x128xf32>
      tpu.vector_store %arg7[%swap3A_38, %swap3A_39], %broadcast_in_dim3A_37 {strides = array<i32>} : memref<16x128xf32, #tpu.memory_space<vmem>>, vector<16x128xf32>,
    } else {
    }
    %get3A = arith.constant 0 : index
    %get3A_2 = arith.constant 0 : index
    %get3A_3 = vector.load %arg1[%get3A, %get3A_2] : memref<2000x128xf32, #tpu.memory_space<vmem>>, vector<2000x128xf32>
    %get3A_4 = arith.constant 0 : index
    %get3A_5 = arith.constant 0 : index
    %get3A_6 = vector.load %arg2[%get3A_4, %get3A_5] : memref<2000x128xf32, #tpu.memory_space<vmem>>, vector<2000x128xf32>
    %get3A_7 = arith.constant 0 : index
    %get3A_8 = arith.constant 0 : index
    %get3A_9 = vector.load %arg3[%get3A_7, %get3A_8] : memref<2000x128xf32, #tpu.memory_space<vmem>>, vector<2000x128xf32>
    %concatenate3A = tpu.concatenate %get3A_3, %get3A_6, %get3A_9 in 1 : vector<2000x128xf32>, vector<2000x128xf32>, vector<2000x128xf32> -> vector<2000x384xf32>
    %get3A_10 = arith.constant 0 : index
    %get3A_11 = arith.constant 0 : index
    %get3A_12 = vector.load %arg4[%get3A_10, %get3A_11] : memref<384x128xf32, #tpu.memory_space<vmem>>, vector<384x128xf32>
    %dot_general3A = arith.constant dense<0.000000e+00> : vector<2000x128xf32>
    %dot_general3A_13 = tpu.matmul %concatenate3A, %get3A_12, %dot_general3A {dimension_numbers = #tpu.dot_dimension_numbers<[1], [0], [0], [1], [0, 0, 1, 1], [], []>, transpose_lhs_hint = false} : vector<2000x384xf32>, vector<384x128xf32>, vector<2000x128xf32> -> vector<2000x128xf32>
    %get3A_14 = arith.constant 0 : index
    %get3A_15 = arith.constant 0 : index
    %get3A_16 = vector.load %arg5[%get3A_14, %get3A_15] : memref<8x128xf32, #tpu.memory_space<vmem>>, vector<1x128xf32>
    %add3A = vector.broadcast %get3A_16 : vector<1x128xf32> to vector<2000x128xf32>
    %add3A_17 = arith.addf %dot_general3A_13, %add3A : vector<2000x128xf32>
    %swap3A = arith.constant 0 : index
    %swap3A_18 = arith.constant 0 : index
    %swap3A_19 = vector.load %arg6[%swap3A, %swap3A_18] : memref<2000x128xf32, #tpu.memory_space<vmem>>, vector<2000x128xf32>
    tpu.vector_store %arg6[%swap3A, %swap3A_18], %add3A_17 {strides = array<i32>} : memref<2000x128xf32, #tpu.memory_space<vmem>>, vector<2000x128xf32>,
    %reshape3A = vector.shape_cast %add3A_17 : vector<2000x128xf32> to vector<250x8x128xf32>
    %get3A_20 = arith.constant 0 : index
    %get3A_21 = arith.constant 0 : index
    %get3A_22 = vector.load %arg7[%get3A_20, %get3A_21] : memref<16x128xf32, #tpu.memory_space<vmem>>, vector<8x128xf32>
    %reduce_sum3A = arith.constant dense<0.000000e+00> : vector<8x128xf32>
    %reduce_sum3A_23 = vector.multi_reduction <add>, %reshape3A, %reduce_sum3A [0] : vector<250x8x128xf32> to vector<8x128xf32>
    %add3A_24 = arith.addf %get3A_22, %reduce_sum3A_23 : vector<8x128xf32>
    %swap3A_25 = arith.constant 0 : index
    %swap3A_26 = arith.constant 0 : index
    %swap3A_27 = vector.load %arg7[%swap3A_25, %swap3A_26] : memref<16x128xf32, #tpu.memory_space<vmem>>, vector<8x128xf32>
    tpu.vector_store %arg7[%swap3A_25, %swap3A_26], %add3A_24 {strides = array<i32>} : memref<16x128xf32, #tpu.memory_space<vmem>>, vector<8x128xf32>,
    %get3A_28 = arith.constant 8 : index
    %get3A_29 = arith.constant 0 : index
    %get3A_30 = vector.load %arg7[%get3A_28, %get3A_29] : memref<16x128xf32, #tpu.memory_space<vmem>>, vector<8x128xf32>
    %mul3A = arith.mulf %reshape3A, %reshape3A : vector<250x8x128xf32>
    %reduce_sum3A_31 = arith.constant dense<0.000000e+00> : vector<8x128xf32>
    %reduce_sum3A_32 = vector.multi_reduction <add>, %mul3A, %reduce_sum3A_31 [0] : vector<250x8x128xf32> to vector<8x128xf32>
    %add3A_33 = arith.addf %get3A_30, %reduce_sum3A_32 : vector<8x128xf32>
    %swap3A_34 = arith.constant 8 : index
    %swap3A_35 = arith.constant 0 : index
    %swap3A_36 = vector.load %arg7[%swap3A_34, %swap3A_35] : memref<16x128xf32, #tpu.memory_space<vmem>>, vector<8x128xf32>
    tpu.vector_store %arg7[%swap3A_34, %swap3A_35], %add3A_33 {strides = array<i32>} : memref<16x128xf32, #tpu.memory_space<vmem>>, vector<8x128xf32>,
    return
  }
  func.func @transform_0(%arg0: i32) -> (i32, i32) {
    %c0_i32 = arith.constant 0 : i32
    %c0_i32_0 = arith.constant 0 : i32
    return %arg0, %c0_i32 : i32, i32
  }
  func.func @transform_1(%arg0: i32) -> (i32, i32) {
    %c0_i32 = arith.constant 0 : i32
    %c0_i32_0 = arith.constant 0 : i32
    return %arg0, %c0_i32 : i32, i32
  }
  func.func @transform_2(%arg0: i32) -> (i32, i32) {
    %c0_i32 = arith.constant 0 : i32
    %c0_i32_0 = arith.constant 0 : i32
    return %arg0, %c0_i32 : i32, i32
  }
  func.func @transform_3(%arg0: i32) -> (i32, i32) {
    %c0_i32 = arith.constant 0 : i32
    %c0_i32_0 = arith.constant 0 : i32
    %c0_i32_1 = arith.constant 0 : i32
    return %c0_i32, %c0_i32_0 : i32, i32
  }
  func.func @transform_4(%arg0: i32) -> (i32, i32) {
    %c0_i32 = arith.constant 0 : i32
    %c0_i32_0 = arith.constant 0 : i32
    %c0_i32_1 = arith.constant 0 : i32
    return %c0_i32, %c0_i32_0 : i32, i32
  }
  func.func @transform_5(%arg0: i32) -> (i32, i32) {
    %c0_i32 = arith.constant 0 : i32
    %c0_i32_0 = arith.constant 0 : i32
    return %arg0, %c0_i32 : i32, i32
  }
  func.func @transform_6(%arg0: i32) -> (i32, i32) {
    %c0_i32 = arith.constant 0 : i32
    %c0_i32_0 = arith.constant 0 : i32
    %c0_i32_1 = arith.constant 0 : i32
    return %c0_i32, %c0_i32_0 : i32, i32
  }
}

module attributes {stable_mosaic.version = 14 : i64} {
  func.func @_lin2e_lin1n_body(%arg0: i32, %arg1: memref<2000x128xf32, #tpu.memory_space<vmem>>, %arg2: memref<2000x128xf32, #tpu.memory_space<vmem>>, %arg3: memref<128x128xf32, #tpu.memory_space<vmem>>, %arg4: memref<256x128xf32, #tpu.memory_space<vmem>>, %arg5: memref<8x128xf32, #tpu.memory_space<vmem>>, %arg6: memref<8x128xf32, #tpu.memory_space<vmem>>, %arg7: memref<2000x128xf32, #tpu.memory_space<vmem>>, %arg8: memref<2000x128xf32, #tpu.memory_space<vmem>>, %arg9: memref<16x128xf32, #tpu.memory_space<vmem>>) attributes {dimension_semantics = [#tpu.dimension_semantics<arbitrary>], iteration_bounds = array<i64: 160>, scalar_prefetch = 0 : i64, scratch_operands = 0 : i64, tpu.core_type = #tpu.core_type<tc>, window_params = [{transform_indices = @transform_0, window_bounds = array<i64: 2000, 128>}, {transform_indices = @transform_1, window_bounds = array<i64: 2000, 128>}, {pipeline_mode = #tpu.pipeline_mode<synchronous>, transform_indices = @transform_2, window_bounds = array<i64: 128, 128>}, {pipeline_mode = #tpu.pipeline_mode<synchronous>, transform_indices = @transform_3, window_bounds = array<i64: 256, 128>}, {pipeline_mode = #tpu.pipeline_mode<synchronous>, transform_indices = @transform_4, window_bounds = array<i64: 8, 128>}, {pipeline_mode = #tpu.pipeline_mode<synchronous>, transform_indices = @transform_5, window_bounds = array<i64: 8, 128>}, {transform_indices = @transform_6, window_bounds = array<i64: 2000, 128>}, {transform_indices = @transform_7, window_bounds = array<i64: 2000, 128>}, {pipeline_mode = #tpu.pipeline_mode<synchronous>, transform_indices = @transform_8, window_bounds = array<i64: 16, 128>}]} {
    %eq3A = arith.constant 0 : i32
    %eq3A_0 = arith.cmpi eq, %arg0, %eq3A : i32
    %convert_element_type3A = arith.extui %eq3A_0 : i1 to i32
    %cond3A = arith.constant 0 : i32
    %cond3A_1 = arith.cmpi ne, %convert_element_type3A, %cond3A : i32
    scf.if %cond3A_1 {
      %broadcast_in_dim3A = arith.constant 0.000000e+00 : f32
      %broadcast_in_dim3A_72 = vector.broadcast %broadcast_in_dim3A : f32 to vector<16x128xf32>
      %swap3A_73 = arith.constant 0 : index
      %swap3A_74 = arith.constant 0 : index
      %swap3A_75 = vector.load %arg9[%swap3A_73, %swap3A_74] : memref<16x128xf32, #tpu.memory_space<vmem>>, vector<16x128xf32>
      tpu.vector_store %arg9[%swap3A_73, %swap3A_74], %broadcast_in_dim3A_72 {strides = array<i32>} : memref<16x128xf32, #tpu.memory_space<vmem>>, vector<16x128xf32>,
    } else {
    }
    %get3A = arith.constant 0 : index
    %get3A_2 = arith.constant 0 : index
    %get3A_3 = vector.load %arg1[%get3A, %get3A_2] : memref<2000x128xf32, #tpu.memory_space<vmem>>, vector<2000x128xf32>
    %get3A_4 = arith.constant 0 : index
    %get3A_5 = arith.constant 0 : index
    %get3A_6 = vector.load %arg5[%get3A_4, %get3A_5] : memref<8x128xf32, #tpu.memory_space<vmem>>, vector<1x128xf32>
    %sub3A = vector.broadcast %get3A_6 : vector<1x128xf32> to vector<2000x128xf32>
    %sub3A_7 = arith.subf %get3A_3, %sub3A : vector<2000x128xf32>
    %get3A_8 = arith.constant 1 : index
    %get3A_9 = arith.constant 0 : index
    %get3A_10 = vector.load %arg5[%get3A_8, %get3A_9] : memref<8x128xf32, #tpu.memory_space<vmem>>, vector<1x128xf32>
    %add3A = arith.constant 9.99999974E-6 : f32
    %add3A_11 = vector.broadcast %add3A : f32 to vector<1x128xf32>
    %add3A_12 = arith.addf %get3A_10, %add3A_11 : vector<1x128xf32>
    %sqrt3A = math.sqrt %add3A_12 : vector<1x128xf32>
    %div3A = vector.broadcast %sqrt3A : vector<1x128xf32> to vector<2000x128xf32>
    %div3A_13 = arith.divf %sub3A_7, %div3A : vector<2000x128xf32>
    %get3A_14 = arith.constant 2 : index
    %get3A_15 = arith.constant 0 : index
    %get3A_16 = vector.load %arg5[%get3A_14, %get3A_15] : memref<8x128xf32, #tpu.memory_space<vmem>>, vector<1x128xf32>
    %mul3A = vector.broadcast %get3A_16 : vector<1x128xf32> to vector<2000x128xf32>
    %mul3A_17 = arith.mulf %div3A_13, %mul3A : vector<2000x128xf32>
    %get3A_18 = arith.constant 3 : index
    %get3A_19 = arith.constant 0 : index
    %get3A_20 = vector.load %arg5[%get3A_18, %get3A_19] : memref<8x128xf32, #tpu.memory_space<vmem>>, vector<1x128xf32>
    %add3A_21 = vector.broadcast %get3A_20 : vector<1x128xf32> to vector<2000x128xf32>
    %add3A_22 = arith.addf %mul3A_17, %add3A_21 : vector<2000x128xf32>
    %max3A = arith.constant 0.000000e+00 : f32
    %max3A_23 = vector.broadcast %max3A : f32 to vector<2000x128xf32>
    %max3A_24 = arith.maximumf %add3A_22, %max3A_23 : vector<2000x128xf32>
    %get3A_25 = arith.constant 0 : index
    %get3A_26 = arith.constant 0 : index
    %get3A_27 = vector.load %arg3[%get3A_25, %get3A_26] : memref<128x128xf32, #tpu.memory_space<vmem>>, vector<128x128xf32>
    %dot_general3A = arith.constant dense<0.000000e+00> : vector<2000x128xf32>
    %dot_general3A_28 = tpu.matmul %max3A_24, %get3A_27, %dot_general3A {dimension_numbers = #tpu.dot_dimension_numbers<[1], [0], [0], [1], [0, 0, 1, 1], [], []>, transpose_lhs_hint = false} : vector<2000x128xf32>, vector<128x128xf32>, vector<2000x128xf32> -> vector<2000x128xf32>
    %get3A_29 = arith.constant 0 : index
    %get3A_30 = arith.constant 0 : index
    %get3A_31 = vector.load %arg6[%get3A_29, %get3A_30] : memref<8x128xf32, #tpu.memory_space<vmem>>, vector<1x128xf32>
    %add3A_32 = vector.broadcast %get3A_31 : vector<1x128xf32> to vector<2000x128xf32>
    %add3A_33 = arith.addf %dot_general3A_28, %add3A_32 : vector<2000x128xf32>
    %convert_element_type3A_34 = arith.truncf %add3A_33 : vector<2000x128xf32> to vector<2000x128xbf16>
    %convert_element_type3A_35 = arith.extf %convert_element_type3A_34 : vector<2000x128xbf16> to vector<2000x128xf32>
    %swap3A = arith.constant 0 : index
    %swap3A_36 = arith.constant 0 : index
    %swap3A_37 = vector.load %arg7[%swap3A, %swap3A_36] : memref<2000x128xf32, #tpu.memory_space<vmem>>, vector<2000x128xf32>
    tpu.vector_store %arg7[%swap3A, %swap3A_36], %convert_element_type3A_35 {strides = array<i32>} : memref<2000x128xf32, #tpu.memory_space<vmem>>, vector<2000x128xf32>,
    %get3A_38 = arith.constant 0 : index
    %get3A_39 = arith.constant 0 : index
    %get3A_40 = vector.load %arg2[%get3A_38, %get3A_39] : memref<2000x128xf32, #tpu.memory_space<vmem>>, vector<2000x128xf32>
    %concatenate3A = tpu.concatenate %get3A_40, %convert_element_type3A_35 in 1 : vector<2000x128xf32>, vector<2000x128xf32> -> vector<2000x256xf32>
    %get3A_41 = arith.constant 0 : index
    %get3A_42 = arith.constant 0 : index
    %get3A_43 = vector.load %arg4[%get3A_41, %get3A_42] : memref<256x128xf32, #tpu.memory_space<vmem>>, vector<256x128xf32>
    %dot_general3A_44 = arith.constant dense<0.000000e+00> : vector<2000x128xf32>
    %dot_general3A_45 = tpu.matmul %concatenate3A, %get3A_43, %dot_general3A_44 {dimension_numbers = #tpu.dot_dimension_numbers<[1], [0], [0], [1], [0, 0, 1, 1], [], []>, transpose_lhs_hint = false} : vector<2000x256xf32>, vector<256x128xf32>, vector<2000x128xf32> -> vector<2000x128xf32>
    %get3A_46 = arith.constant 1 : index
    %get3A_47 = arith.constant 0 : index
    %get3A_48 = vector.load %arg6[%get3A_46, %get3A_47] : memref<8x128xf32, #tpu.memory_space<vmem>>, vector<1x128xf32>
    %add3A_49 = vector.broadcast %get3A_48 : vector<1x128xf32> to vector<2000x128xf32>
    %add3A_50 = arith.addf %dot_general3A_45, %add3A_49 : vector<2000x128xf32>
    %swap3A_51 = arith.constant 0 : index
    %swap3A_52 = arith.constant 0 : index
    %swap3A_53 = vector.load %arg8[%swap3A_51, %swap3A_52] : memref<2000x128xf32, #tpu.memory_space<vmem>>, vector<2000x128xf32>
    tpu.vector_store %arg8[%swap3A_51, %swap3A_52], %add3A_50 {strides = array<i32>} : memref<2000x128xf32, #tpu.memory_space<vmem>>, vector<2000x128xf32>,
    %reshape3A = vector.shape_cast %add3A_50 : vector<2000x128xf32> to vector<250x8x128xf32>
    %get3A_54 = arith.constant 0 : index
    %get3A_55 = arith.constant 0 : index
    %get3A_56 = vector.load %arg9[%get3A_54, %get3A_55] : memref<16x128xf32, #tpu.memory_space<vmem>>, vector<8x128xf32>
    %reduce_sum3A = arith.constant dense<0.000000e+00> : vector<8x128xf32>
    %reduce_sum3A_57 = vector.multi_reduction <add>, %reshape3A, %reduce_sum3A [0] : vector<250x8x128xf32> to vector<8x128xf32>
    %add3A_58 = arith.addf %get3A_56, %reduce_sum3A_57 : vector<8x128xf32>
    %swap3A_59 = arith.constant 0 : index
    %swap3A_60 = arith.constant 0 : index
    %swap3A_61 = vector.load %arg9[%swap3A_59, %swap3A_60] : memref<16x128xf32, #tpu.memory_space<vmem>>, vector<8x128xf32>
    tpu.vector_store %arg9[%swap3A_59, %swap3A_60], %add3A_58 {strides = array<i32>} : memref<16x128xf32, #tpu.memory_space<vmem>>, vector<8x128xf32>,
    %get3A_62 = arith.constant 8 : index
    %get3A_63 = arith.constant 0 : index
    %get3A_64 = vector.load %arg9[%get3A_62, %get3A_63] : memref<16x128xf32, #tpu.memory_space<vmem>>, vector<8x128xf32>
    %mul3A_65 = arith.mulf %reshape3A, %reshape3A : vector<250x8x128xf32>
    %reduce_sum3A_66 = arith.constant dense<0.000000e+00> : vector<8x128xf32>
    %reduce_sum3A_67 = vector.multi_reduction <add>, %mul3A_65, %reduce_sum3A_66 [0] : vector<250x8x128xf32> to vector<8x128xf32>
    %add3A_68 = arith.addf %get3A_64, %reduce_sum3A_67 : vector<8x128xf32>
    %swap3A_69 = arith.constant 8 : index
    %swap3A_70 = arith.constant 0 : index
    %swap3A_71 = vector.load %arg9[%swap3A_69, %swap3A_70] : memref<16x128xf32, #tpu.memory_space<vmem>>, vector<8x128xf32>
    tpu.vector_store %arg9[%swap3A_69, %swap3A_70], %add3A_68 {strides = array<i32>} : memref<16x128xf32, #tpu.memory_space<vmem>>, vector<8x128xf32>,
    return
  }
  func.func @transform_0(%arg0: i32) -> (i32, i32) {
    %c0_i32 = arith.constant 0 : i32
    %c0_i32_0 = arith.constant 0 : i32
    return %arg0, %c0_i32 : i32, i32
  }
  func.func @transform_1(%arg0: i32) -> (i32, i32) {
    %c0_i32 = arith.constant 0 : i32
    %c0_i32_0 = arith.constant 0 : i32
    return %arg0, %c0_i32 : i32, i32
  }
  func.func @transform_2(%arg0: i32) -> (i32, i32) {
    %c0_i32 = arith.constant 0 : i32
    %c0_i32_0 = arith.constant 0 : i32
    %c0_i32_1 = arith.constant 0 : i32
    return %c0_i32, %c0_i32_0 : i32, i32
  }
  func.func @transform_3(%arg0: i32) -> (i32, i32) {
    %c0_i32 = arith.constant 0 : i32
    %c0_i32_0 = arith.constant 0 : i32
    %c0_i32_1 = arith.constant 0 : i32
    return %c0_i32, %c0_i32_0 : i32, i32
  }
  func.func @transform_4(%arg0: i32) -> (i32, i32) {
    %c0_i32 = arith.constant 0 : i32
    %c0_i32_0 = arith.constant 0 : i32
    %c0_i32_1 = arith.constant 0 : i32
    return %c0_i32, %c0_i32_0 : i32, i32
  }
  func.func @transform_5(%arg0: i32) -> (i32, i32) {
    %c0_i32 = arith.constant 0 : i32
    %c0_i32_0 = arith.constant 0 : i32
    %c0_i32_1 = arith.constant 0 : i32
    return %c0_i32, %c0_i32_0 : i32, i32
  }
  func.func @transform_6(%arg0: i32) -> (i32, i32) {
    %c0_i32 = arith.constant 0 : i32
    %c0_i32_0 = arith.constant 0 : i32
    return %arg0, %c0_i32 : i32, i32
  }
  func.func @transform_7(%arg0: i32) -> (i32, i32) {
    %c0_i32 = arith.constant 0 : i32
    %c0_i32_0 = arith.constant 0 : i32
    return %arg0, %c0_i32 : i32, i32
  }
  func.func @transform_8(%arg0: i32) -> (i32, i32) {
    %c0_i32 = arith.constant 0 : i32
    %c0_i32_0 = arith.constant 0 : i32
    %c0_i32_1 = arith.constant 0 : i32
    return %c0_i32, %c0_i32_0 : i32, i32
  }
}

module attributes {stable_mosaic.version = 14 : i64} {
  func.func @_lin2n_body(%arg0: i32, %arg1: memref<2000x128xf32, #tpu.memory_space<vmem>>, %arg2: memref<128x128xf32, #tpu.memory_space<vmem>>, %arg3: memref<8x128xf32, #tpu.memory_space<vmem>>, %arg4: memref<8x128xf32, #tpu.memory_space<vmem>>, %arg5: memref<2000x128xf32, #tpu.memory_space<vmem>>) attributes {dimension_semantics = [#tpu.dimension_semantics<arbitrary>], iteration_bounds = array<i64: 160>, scalar_prefetch = 0 : i64, scratch_operands = 0 : i64, tpu.core_type = #tpu.core_type<tc>, window_params = [{transform_indices = @transform_0, window_bounds = array<i64: 2000, 128>}, {pipeline_mode = #tpu.pipeline_mode<synchronous>, transform_indices = @transform_1, window_bounds = array<i64: 128, 128>}, {pipeline_mode = #tpu.pipeline_mode<synchronous>, transform_indices = @transform_2, window_bounds = array<i64: 8, 128>}, {pipeline_mode = #tpu.pipeline_mode<synchronous>, transform_indices = @transform_3, window_bounds = array<i64: 8, 128>}, {transform_indices = @transform_4, window_bounds = array<i64: 2000, 128>}]} {
    %get3A = arith.constant 0 : index
    %get3A_0 = arith.constant 0 : index
    %get3A_1 = vector.load %arg1[%get3A, %get3A_0] : memref<2000x128xf32, #tpu.memory_space<vmem>>, vector<2000x128xf32>
    %get3A_2 = arith.constant 0 : index
    %get3A_3 = arith.constant 0 : index
    %get3A_4 = vector.load %arg3[%get3A_2, %get3A_3] : memref<8x128xf32, #tpu.memory_space<vmem>>, vector<1x128xf32>
    %sub3A = vector.broadcast %get3A_4 : vector<1x128xf32> to vector<2000x128xf32>
    %sub3A_5 = arith.subf %get3A_1, %sub3A : vector<2000x128xf32>
    %get3A_6 = arith.constant 1 : index
    %get3A_7 = arith.constant 0 : index
    %get3A_8 = vector.load %arg3[%get3A_6, %get3A_7] : memref<8x128xf32, #tpu.memory_space<vmem>>, vector<1x128xf32>
    %add3A = arith.constant 9.99999974E-6 : f32
    %add3A_9 = vector.broadcast %add3A : f32 to vector<1x128xf32>
    %add3A_10 = arith.addf %get3A_8, %add3A_9 : vector<1x128xf32>
    %sqrt3A = math.sqrt %add3A_10 : vector<1x128xf32>
    %div3A = vector.broadcast %sqrt3A : vector<1x128xf32> to vector<2000x128xf32>
    %div3A_11 = arith.divf %sub3A_5, %div3A : vector<2000x128xf32>
    %get3A_12 = arith.constant 2 : index
    %get3A_13 = arith.constant 0 : index
    %get3A_14 = vector.load %arg3[%get3A_12, %get3A_13] : memref<8x128xf32, #tpu.memory_space<vmem>>, vector<1x128xf32>
    %mul3A = vector.broadcast %get3A_14 : vector<1x128xf32> to vector<2000x128xf32>
    %mul3A_15 = arith.mulf %div3A_11, %mul3A : vector<2000x128xf32>
    %get3A_16 = arith.constant 3 : index
    %get3A_17 = arith.constant 0 : index
    %get3A_18 = vector.load %arg3[%get3A_16, %get3A_17] : memref<8x128xf32, #tpu.memory_space<vmem>>, vector<1x128xf32>
    %add3A_19 = vector.broadcast %get3A_18 : vector<1x128xf32> to vector<2000x128xf32>
    %add3A_20 = arith.addf %mul3A_15, %add3A_19 : vector<2000x128xf32>
    %max3A = arith.constant 0.000000e+00 : f32
    %max3A_21 = vector.broadcast %max3A : f32 to vector<2000x128xf32>
    %max3A_22 = arith.maximumf %add3A_20, %max3A_21 : vector<2000x128xf32>
    %get3A_23 = arith.constant 0 : index
    %get3A_24 = arith.constant 0 : index
    %get3A_25 = vector.load %arg2[%get3A_23, %get3A_24] : memref<128x128xf32, #tpu.memory_space<vmem>>, vector<128x128xf32>
    %dot_general3A = arith.constant dense<0.000000e+00> : vector<2000x128xf32>
    %dot_general3A_26 = tpu.matmul %max3A_22, %get3A_25, %dot_general3A {dimension_numbers = #tpu.dot_dimension_numbers<[1], [0], [0], [1], [0, 0, 1, 1], [], []>, transpose_lhs_hint = false} : vector<2000x128xf32>, vector<128x128xf32>, vector<2000x128xf32> -> vector<2000x128xf32>
    %get3A_27 = arith.constant 0 : index
    %get3A_28 = arith.constant 0 : index
    %get3A_29 = vector.load %arg4[%get3A_27, %get3A_28] : memref<8x128xf32, #tpu.memory_space<vmem>>, vector<1x128xf32>
    %add3A_30 = vector.broadcast %get3A_29 : vector<1x128xf32> to vector<2000x128xf32>
    %add3A_31 = arith.addf %dot_general3A_26, %add3A_30 : vector<2000x128xf32>
    %swap3A = arith.constant 0 : index
    %swap3A_32 = arith.constant 0 : index
    %swap3A_33 = vector.load %arg5[%swap3A, %swap3A_32] : memref<2000x128xf32, #tpu.memory_space<vmem>>, vector<2000x128xf32>
    tpu.vector_store %arg5[%swap3A, %swap3A_32], %add3A_31 {strides = array<i32>} : memref<2000x128xf32, #tpu.memory_space<vmem>>, vector<2000x128xf32>,
    return
  }
  func.func @transform_0(%arg0: i32) -> (i32, i32) {
    %c0_i32 = arith.constant 0 : i32
    %c0_i32_0 = arith.constant 0 : i32
    return %arg0, %c0_i32 : i32, i32
  }
  func.func @transform_1(%arg0: i32) -> (i32, i32) {
    %c0_i32 = arith.constant 0 : i32
    %c0_i32_0 = arith.constant 0 : i32
    %c0_i32_1 = arith.constant 0 : i32
    return %c0_i32, %c0_i32_0 : i32, i32
  }
  func.func @transform_2(%arg0: i32) -> (i32, i32) {
    %c0_i32 = arith.constant 0 : i32
    %c0_i32_0 = arith.constant 0 : i32
    %c0_i32_1 = arith.constant 0 : i32
    return %c0_i32, %c0_i32_0 : i32, i32
  }
  func.func @transform_3(%arg0: i32) -> (i32, i32) {
    %c0_i32 = arith.constant 0 : i32
    %c0_i32_0 = arith.constant 0 : i32
    %c0_i32_1 = arith.constant 0 : i32
    return %c0_i32, %c0_i32_0 : i32, i32
  }
  func.func @transform_4(%arg0: i32) -> (i32, i32) {
    %c0_i32 = arith.constant 0 : i32
    %c0_i32_0 = arith.constant 0 : i32
    return %arg0, %c0_i32 : i32, i32
  }
}

module attributes {stable_mosaic.version = 14 : i64} {
  func.func @_n2lin1_body(%arg0: i32, %arg1: memref<1000x128xf32, #tpu.memory_space<vmem>>, %arg2: memref<1x1000x128xf32, #tpu.memory_space<vmem>>, %arg3: memref<1x1000x128xf32, #tpu.memory_space<vmem>>, %arg4: memref<256x128xf32, #tpu.memory_space<vmem>>, %arg5: memref<8x128xf32, #tpu.memory_space<vmem>>, %arg6: memref<1000x128xf32, #tpu.memory_space<vmem>>, %arg7: memref<16x128xf32, #tpu.memory_space<vmem>>) attributes {dimension_semantics = [#tpu.dimension_semantics<arbitrary>], iteration_bounds = array<i64: 10>, scalar_prefetch = 0 : i64, scratch_operands = 0 : i64, tpu.core_type = #tpu.core_type<tc>, window_params = [{transform_indices = @transform_0, window_bounds = array<i64: 1000, 128>}, {transform_indices = @transform_1, window_bounds = array<i64: 1, 1000, 128>}, {transform_indices = @transform_2, window_bounds = array<i64: 1, 1000, 128>}, {pipeline_mode = #tpu.pipeline_mode<synchronous>, transform_indices = @transform_3, window_bounds = array<i64: 256, 128>}, {pipeline_mode = #tpu.pipeline_mode<synchronous>, transform_indices = @transform_4, window_bounds = array<i64: 8, 128>}, {transform_indices = @transform_5, window_bounds = array<i64: 1000, 128>}, {pipeline_mode = #tpu.pipeline_mode<synchronous>, transform_indices = @transform_6, window_bounds = array<i64: 16, 128>}]} {
    %eq3A = arith.constant 0 : i32
    %eq3A_0 = arith.cmpi eq, %arg0, %eq3A : i32
    %convert_element_type3A = arith.extui %eq3A_0 : i1 to i32
    %cond3A = arith.constant 0 : i32
    %cond3A_1 = arith.cmpi ne, %convert_element_type3A, %cond3A : i32
    scf.if %cond3A_1 {
      %broadcast_in_dim3A = arith.constant 0.000000e+00 : f32
      %broadcast_in_dim3A_42 = vector.broadcast %broadcast_in_dim3A : f32 to vector<16x128xf32>
      %swap3A_43 = arith.constant 0 : index
      %swap3A_44 = arith.constant 0 : index
      %swap3A_45 = vector.load %arg7[%swap3A_43, %swap3A_44] : memref<16x128xf32, #tpu.memory_space<vmem>>, vector<16x128xf32>
      tpu.vector_store %arg7[%swap3A_43, %swap3A_44], %broadcast_in_dim3A_42 {strides = array<i32>} : memref<16x128xf32, #tpu.memory_space<vmem>>, vector<16x128xf32>,
    } else {
    }
    %get3A = arith.constant 0 : index
    %get3A_2 = arith.constant 0 : index
    %get3A_3 = arith.constant 0 : index
    %get3A_4 = vector.load %arg2[%get3A, %get3A_2, %get3A_3] : memref<1x1000x128xf32, #tpu.memory_space<vmem>>, vector<1x1000x128xf32>
    %get3A_5 = vector.shape_cast %get3A_4 : vector<1x1000x128xf32> to vector<1000x128xf32>
    %get3A_6 = arith.constant 0 : index
    %get3A_7 = arith.constant 0 : index
    %get3A_8 = arith.constant 0 : index
    %get3A_9 = vector.load %arg3[%get3A_6, %get3A_7, %get3A_8] : memref<1x1000x128xf32, #tpu.memory_space<vmem>>, vector<1x1000x128xf32>
    %get3A_10 = vector.shape_cast %get3A_9 : vector<1x1000x128xf32> to vector<1000x128xf32>
    %add3A = arith.addf %get3A_5, %get3A_10 : vector<1000x128xf32>
    %get3A_11 = arith.constant 0 : index
    %get3A_12 = arith.constant 0 : index
    %get3A_13 = vector.load %arg1[%get3A_11, %get3A_12] : memref<1000x128xf32, #tpu.memory_space<vmem>>, vector<1000x128xf32>
    %concatenate3A = tpu.concatenate %get3A_13, %add3A in 1 : vector<1000x128xf32>, vector<1000x128xf32> -> vector<1000x256xf32>
    %get3A_14 = arith.constant 0 : index
    %get3A_15 = arith.constant 0 : index
    %get3A_16 = vector.load %arg4[%get3A_14, %get3A_15] : memref<256x128xf32, #tpu.memory_space<vmem>>, vector<256x128xf32>
    %dot_general3A = arith.constant dense<0.000000e+00> : vector<1000x128xf32>
    %dot_general3A_17 = tpu.matmul %concatenate3A, %get3A_16, %dot_general3A {dimension_numbers = #tpu.dot_dimension_numbers<[1], [0], [0], [1], [0, 0, 1, 1], [], []>, transpose_lhs_hint = false} : vector<1000x256xf32>, vector<256x128xf32>, vector<1000x128xf32> -> vector<1000x128xf32>
    %get3A_18 = arith.constant 0 : index
    %get3A_19 = arith.constant 0 : index
    %get3A_20 = vector.load %arg5[%get3A_18, %get3A_19] : memref<8x128xf32, #tpu.memory_space<vmem>>, vector<1x128xf32>
    %add3A_21 = vector.broadcast %get3A_20 : vector<1x128xf32> to vector<1000x128xf32>
    %add3A_22 = arith.addf %dot_general3A_17, %add3A_21 : vector<1000x128xf32>
    %swap3A = arith.constant 0 : index
    %swap3A_23 = arith.constant 0 : index
    %swap3A_24 = vector.load %arg6[%swap3A, %swap3A_23] : memref<1000x128xf32, #tpu.memory_space<vmem>>, vector<1000x128xf32>
    tpu.vector_store %arg6[%swap3A, %swap3A_23], %add3A_22 {strides = array<i32>} : memref<1000x128xf32, #tpu.memory_space<vmem>>, vector<1000x128xf32>,
    %reshape3A = vector.shape_cast %add3A_22 : vector<1000x128xf32> to vector<125x8x128xf32>
    %get3A_25 = arith.constant 0 : index
    %get3A_26 = arith.constant 0 : index
    %get3A_27 = vector.load %arg7[%get3A_25, %get3A_26] : memref<16x128xf32, #tpu.memory_space<vmem>>, vector<8x128xf32>
    %reduce_sum3A = arith.constant dense<0.000000e+00> : vector<8x128xf32>
    %reduce_sum3A_28 = vector.multi_reduction <add>, %reshape3A, %reduce_sum3A [0] : vector<125x8x128xf32> to vector<8x128xf32>
    %add3A_29 = arith.addf %get3A_27, %reduce_sum3A_28 : vector<8x128xf32>
    %swap3A_30 = arith.constant 0 : index
    %swap3A_31 = arith.constant 0 : index
    %swap3A_32 = vector.load %arg7[%swap3A_30, %swap3A_31] : memref<16x128xf32, #tpu.memory_space<vmem>>, vector<8x128xf32>
    tpu.vector_store %arg7[%swap3A_30, %swap3A_31], %add3A_29 {strides = array<i32>} : memref<16x128xf32, #tpu.memory_space<vmem>>, vector<8x128xf32>,
    %get3A_33 = arith.constant 8 : index
    %get3A_34 = arith.constant 0 : index
    %get3A_35 = vector.load %arg7[%get3A_33, %get3A_34] : memref<16x128xf32, #tpu.memory_space<vmem>>, vector<8x128xf32>
    %mul3A = arith.mulf %reshape3A, %reshape3A : vector<125x8x128xf32>
    %reduce_sum3A_36 = arith.constant dense<0.000000e+00> : vector<8x128xf32>
    %reduce_sum3A_37 = vector.multi_reduction <add>, %mul3A, %reduce_sum3A_36 [0] : vector<125x8x128xf32> to vector<8x128xf32>
    %add3A_38 = arith.addf %get3A_35, %reduce_sum3A_37 : vector<8x128xf32>
    %swap3A_39 = arith.constant 8 : index
    %swap3A_40 = arith.constant 0 : index
    %swap3A_41 = vector.load %arg7[%swap3A_39, %swap3A_40] : memref<16x128xf32, #tpu.memory_space<vmem>>, vector<8x128xf32>
    tpu.vector_store %arg7[%swap3A_39, %swap3A_40], %add3A_38 {strides = array<i32>} : memref<16x128xf32, #tpu.memory_space<vmem>>, vector<8x128xf32>,
    return
  }
  func.func @transform_0(%arg0: i32) -> (i32, i32) {
    %c0_i32 = arith.constant 0 : i32
    %c0_i32_0 = arith.constant 0 : i32
    return %arg0, %c0_i32 : i32, i32
  }
  func.func @transform_1(%arg0: i32) -> (i32, i32, i32) {
    %c0_i32 = arith.constant 0 : i32
    %c0_i32_0 = arith.constant 0 : i32
    %c0_i32_1 = arith.constant 0 : i32
    return %c0_i32, %arg0, %c0_i32_0 : i32, i32, i32
  }
  func.func @transform_2(%arg0: i32) -> (i32, i32, i32) {
    %c1_i32 = arith.constant 1 : i32
    %c0_i32 = arith.constant 0 : i32
    %c0_i32_0 = arith.constant 0 : i32
    return %c1_i32, %arg0, %c0_i32 : i32, i32, i32
  }
  func.func @transform_3(%arg0: i32) -> (i32, i32) {
    %c0_i32 = arith.constant 0 : i32
    %c0_i32_0 = arith.constant 0 : i32
    %c0_i32_1 = arith.constant 0 : i32
    return %c0_i32, %c0_i32_0 : i32, i32
  }
  func.func @transform_4(%arg0: i32) -> (i32, i32) {
    %c0_i32 = arith.constant 0 : i32
    %c0_i32_0 = arith.constant 0 : i32
    %c0_i32_1 = arith.constant 0 : i32
    return %c0_i32, %c0_i32_0 : i32, i32
  }
  func.func @transform_5(%arg0: i32) -> (i32, i32) {
    %c0_i32 = arith.constant 0 : i32
    %c0_i32_0 = arith.constant 0 : i32
    return %arg0, %c0_i32 : i32, i32
  }
  func.func @transform_6(%arg0: i32) -> (i32, i32) {
    %c0_i32 = arith.constant 0 : i32
    %c0_i32_0 = arith.constant 0 : i32
    %c0_i32_1 = arith.constant 0 : i32
    return %c0_i32, %c0_i32_0 : i32, i32
  }
}

module attributes {stable_mosaic.version = 14 : i64} {
  func.func @_n2lin2_nobins_body(%arg0: i32, %arg1: memref<1000x128xf32, #tpu.memory_space<vmem>>, %arg2: memref<128x128xf32, #tpu.memory_space<vmem>>, %arg3: memref<8x128xf32, #tpu.memory_space<vmem>>, %arg4: memref<8x128xf32, #tpu.memory_space<vmem>>, %arg5: memref<1000x128xf32, #tpu.memory_space<vmem>>) attributes {dimension_semantics = [#tpu.dimension_semantics<arbitrary>], iteration_bounds = array<i64: 10>, scalar_prefetch = 0 : i64, scratch_operands = 0 : i64, tpu.core_type = #tpu.core_type<tc>, window_params = [{transform_indices = @transform_0, window_bounds = array<i64: 1000, 128>}, {pipeline_mode = #tpu.pipeline_mode<synchronous>, transform_indices = @transform_1, window_bounds = array<i64: 128, 128>}, {pipeline_mode = #tpu.pipeline_mode<synchronous>, transform_indices = @transform_2, window_bounds = array<i64: 8, 128>}, {pipeline_mode = #tpu.pipeline_mode<synchronous>, transform_indices = @transform_3, window_bounds = array<i64: 8, 128>}, {transform_indices = @transform_4, window_bounds = array<i64: 1000, 128>}]} {
    %get3A = arith.constant 0 : index
    %get3A_0 = arith.constant 0 : index
    %get3A_1 = vector.load %arg1[%get3A, %get3A_0] : memref<1000x128xf32, #tpu.memory_space<vmem>>, vector<1000x128xf32>
    %get3A_2 = arith.constant 0 : index
    %get3A_3 = arith.constant 0 : index
    %get3A_4 = vector.load %arg3[%get3A_2, %get3A_3] : memref<8x128xf32, #tpu.memory_space<vmem>>, vector<1x128xf32>
    %sub3A = vector.broadcast %get3A_4 : vector<1x128xf32> to vector<1000x128xf32>
    %sub3A_5 = arith.subf %get3A_1, %sub3A : vector<1000x128xf32>
    %get3A_6 = arith.constant 1 : index
    %get3A_7 = arith.constant 0 : index
    %get3A_8 = vector.load %arg3[%get3A_6, %get3A_7] : memref<8x128xf32, #tpu.memory_space<vmem>>, vector<1x128xf32>
    %add3A = arith.constant 9.99999974E-6 : f32
    %add3A_9 = vector.broadcast %add3A : f32 to vector<1x128xf32>
    %add3A_10 = arith.addf %get3A_8, %add3A_9 : vector<1x128xf32>
    %sqrt3A = math.sqrt %add3A_10 : vector<1x128xf32>
    %div3A = vector.broadcast %sqrt3A : vector<1x128xf32> to vector<1000x128xf32>
    %div3A_11 = arith.divf %sub3A_5, %div3A : vector<1000x128xf32>
    %get3A_12 = arith.constant 2 : index
    %get3A_13 = arith.constant 0 : index
    %get3A_14 = vector.load %arg3[%get3A_12, %get3A_13] : memref<8x128xf32, #tpu.memory_space<vmem>>, vector<1x128xf32>
    %mul3A = vector.broadcast %get3A_14 : vector<1x128xf32> to vector<1000x128xf32>
    %mul3A_15 = arith.mulf %div3A_11, %mul3A : vector<1000x128xf32>
    %get3A_16 = arith.constant 3 : index
    %get3A_17 = arith.constant 0 : index
    %get3A_18 = vector.load %arg3[%get3A_16, %get3A_17] : memref<8x128xf32, #tpu.memory_space<vmem>>, vector<1x128xf32>
    %add3A_19 = vector.broadcast %get3A_18 : vector<1x128xf32> to vector<1000x128xf32>
    %add3A_20 = arith.addf %mul3A_15, %add3A_19 : vector<1000x128xf32>
    %max3A = arith.constant 0.000000e+00 : f32
    %max3A_21 = vector.broadcast %max3A : f32 to vector<1000x128xf32>
    %max3A_22 = arith.maximumf %add3A_20, %max3A_21 : vector<1000x128xf32>
    %get3A_23 = arith.constant 0 : index
    %get3A_24 = arith.constant 0 : index
    %get3A_25 = vector.load %arg2[%get3A_23, %get3A_24] : memref<128x128xf32, #tpu.memory_space<vmem>>, vector<128x128xf32>
    %dot_general3A = arith.constant dense<0.000000e+00> : vector<1000x128xf32>
    %dot_general3A_26 = tpu.matmul %max3A_22, %get3A_25, %dot_general3A {dimension_numbers = #tpu.dot_dimension_numbers<[1], [0], [0], [1], [0, 0, 1, 1], [], []>, transpose_lhs_hint = false} : vector<1000x128xf32>, vector<128x128xf32>, vector<1000x128xf32> -> vector<1000x128xf32>
    %get3A_27 = arith.constant 0 : index
    %get3A_28 = arith.constant 0 : index
    %get3A_29 = vector.load %arg4[%get3A_27, %get3A_28] : memref<8x128xf32, #tpu.memory_space<vmem>>, vector<1x128xf32>
    %add3A_30 = vector.broadcast %get3A_29 : vector<1x128xf32> to vector<1000x128xf32>
    %add3A_31 = arith.addf %dot_general3A_26, %add3A_30 : vector<1000x128xf32>
    %convert_element_type3A = arith.truncf %add3A_31 : vector<1000x128xf32> to vector<1000x128xbf16>
    %convert_element_type3A_32 = arith.extf %convert_element_type3A : vector<1000x128xbf16> to vector<1000x128xf32>
    %swap3A = arith.constant 0 : index
    %swap3A_33 = arith.constant 0 : index
    %swap3A_34 = vector.load %arg5[%swap3A, %swap3A_33] : memref<1000x128xf32, #tpu.memory_space<vmem>>, vector<1000x128xf32>
    tpu.vector_store %arg5[%swap3A, %swap3A_33], %convert_element_type3A_32 {strides = array<i32>} : memref<1000x128xf32, #tpu.memory_space<vmem>>, vector<1000x128xf32>,
    return
  }
  func.func @transform_0(%arg0: i32) -> (i32, i32) {
    %c0_i32 = arith.constant 0 : i32
    %c0_i32_0 = arith.constant 0 : i32
    return %arg0, %c0_i32 : i32, i32
  }
  func.func @transform_1(%arg0: i32) -> (i32, i32) {
    %c0_i32 = arith.constant 0 : i32
    %c0_i32_0 = arith.constant 0 : i32
    %c0_i32_1 = arith.constant 0 : i32
    return %c0_i32, %c0_i32_0 : i32, i32
  }
  func.func @transform_2(%arg0: i32) -> (i32, i32) {
    %c0_i32 = arith.constant 0 : i32
    %c0_i32_0 = arith.constant 0 : i32
    %c0_i32_1 = arith.constant 0 : i32
    return %c0_i32, %c0_i32_0 : i32, i32
  }
  func.func @transform_3(%arg0: i32) -> (i32, i32) {
    %c0_i32 = arith.constant 0 : i32
    %c0_i32_0 = arith.constant 0 : i32
    %c0_i32_1 = arith.constant 0 : i32
    return %c0_i32, %c0_i32_0 : i32, i32
  }
  func.func @transform_4(%arg0: i32) -> (i32, i32) {
    %c0_i32 = arith.constant 0 : i32
    %c0_i32_0 = arith.constant 0 : i32
    return %arg0, %c0_i32 : i32, i32
  }
}

module attributes {stable_mosaic.version = 14 : i64} {
  func.func @_lin2e_lin1n_body(%arg0: i32, %arg1: memref<2000x128xf32, #tpu.memory_space<vmem>>, %arg2: memref<2000x128xf32, #tpu.memory_space<vmem>>, %arg3: memref<128x128xf32, #tpu.memory_space<vmem>>, %arg4: memref<256x128xf32, #tpu.memory_space<vmem>>, %arg5: memref<8x128xf32, #tpu.memory_space<vmem>>, %arg6: memref<8x128xf32, #tpu.memory_space<vmem>>, %arg7: memref<2000x128xf32, #tpu.memory_space<vmem>>, %arg8: memref<2000x128xf32, #tpu.memory_space<vmem>>, %arg9: memref<16x128xf32, #tpu.memory_space<vmem>>) attributes {dimension_semantics = [#tpu.dimension_semantics<arbitrary>], iteration_bounds = array<i64: 160>, scalar_prefetch = 0 : i64, scratch_operands = 0 : i64, tpu.core_type = #tpu.core_type<tc>, window_params = [{transform_indices = @transform_0, window_bounds = array<i64: 2000, 128>}, {transform_indices = @transform_1, window_bounds = array<i64: 2000, 128>}, {pipeline_mode = #tpu.pipeline_mode<synchronous>, transform_indices = @transform_2, window_bounds = array<i64: 128, 128>}, {pipeline_mode = #tpu.pipeline_mode<synchronous>, transform_indices = @transform_3, window_bounds = array<i64: 256, 128>}, {pipeline_mode = #tpu.pipeline_mode<synchronous>, transform_indices = @transform_4, window_bounds = array<i64: 8, 128>}, {pipeline_mode = #tpu.pipeline_mode<synchronous>, transform_indices = @transform_5, window_bounds = array<i64: 8, 128>}, {transform_indices = @transform_6, window_bounds = array<i64: 2000, 128>}, {transform_indices = @transform_7, window_bounds = array<i64: 2000, 128>}, {pipeline_mode = #tpu.pipeline_mode<synchronous>, transform_indices = @transform_8, window_bounds = array<i64: 16, 128>}]} {
    %eq3A = arith.constant 0 : i32
    %eq3A_0 = arith.cmpi eq, %arg0, %eq3A : i32
    %convert_element_type3A = arith.extui %eq3A_0 : i1 to i32
    %cond3A = arith.constant 0 : i32
    %cond3A_1 = arith.cmpi ne, %convert_element_type3A, %cond3A : i32
    scf.if %cond3A_1 {
      %broadcast_in_dim3A = arith.constant 0.000000e+00 : f32
      %broadcast_in_dim3A_70 = vector.broadcast %broadcast_in_dim3A : f32 to vector<16x128xf32>
      %swap3A_71 = arith.constant 0 : index
      %swap3A_72 = arith.constant 0 : index
      %swap3A_73 = vector.load %arg9[%swap3A_71, %swap3A_72] : memref<16x128xf32, #tpu.memory_space<vmem>>, vector<16x128xf32>
      tpu.vector_store %arg9[%swap3A_71, %swap3A_72], %broadcast_in_dim3A_70 {strides = array<i32>} : memref<16x128xf32, #tpu.memory_space<vmem>>, vector<16x128xf32>,
    } else {
    }
    %get3A = arith.constant 0 : index
    %get3A_2 = arith.constant 0 : index
    %get3A_3 = vector.load %arg1[%get3A, %get3A_2] : memref<2000x128xf32, #tpu.memory_space<vmem>>, vector<2000x128xf32>
    %get3A_4 = arith.constant 0 : index
    %get3A_5 = arith.constant 0 : index
    %get3A_6 = vector.load %arg5[%get3A_4, %get3A_5] : memref<8x128xf32, #tpu.memory_space<vmem>>, vector<1x128xf32>
    %sub3A = vector.broadcast %get3A_6 : vector<1x128xf32> to vector<2000x128xf32>
    %sub3A_7 = arith.subf %get3A_3, %sub3A : vector<2000x128xf32>
    %get3A_8 = arith.constant 1 : index
    %get3A_9 = arith.constant 0 : index
    %get3A_10 = vector.load %arg5[%get3A_8, %get3A_9] : memref<8x128xf32, #tpu.memory_space<vmem>>, vector<1x128xf32>
    %add3A = arith.constant 9.99999974E-6 : f32
    %add3A_11 = vector.broadcast %add3A : f32 to vector<1x128xf32>
    %add3A_12 = arith.addf %get3A_10, %add3A_11 : vector<1x128xf32>
    %sqrt3A = math.sqrt %add3A_12 : vector<1x128xf32>
    %div3A = vector.broadcast %sqrt3A : vector<1x128xf32> to vector<2000x128xf32>
    %div3A_13 = arith.divf %sub3A_7, %div3A : vector<2000x128xf32>
    %get3A_14 = arith.constant 2 : index
    %get3A_15 = arith.constant 0 : index
    %get3A_16 = vector.load %arg5[%get3A_14, %get3A_15] : memref<8x128xf32, #tpu.memory_space<vmem>>, vector<1x128xf32>
    %mul3A = vector.broadcast %get3A_16 : vector<1x128xf32> to vector<2000x128xf32>
    %mul3A_17 = arith.mulf %div3A_13, %mul3A : vector<2000x128xf32>
    %get3A_18 = arith.constant 3 : index
    %get3A_19 = arith.constant 0 : index
    %get3A_20 = vector.load %arg5[%get3A_18, %get3A_19] : memref<8x128xf32, #tpu.memory_space<vmem>>, vector<1x128xf32>
    %add3A_21 = vector.broadcast %get3A_20 : vector<1x128xf32> to vector<2000x128xf32>
    %add3A_22 = arith.addf %mul3A_17, %add3A_21 : vector<2000x128xf32>
    %max3A = arith.constant 0.000000e+00 : f32
    %max3A_23 = vector.broadcast %max3A : f32 to vector<2000x128xf32>
    %max3A_24 = arith.maximumf %add3A_22, %max3A_23 : vector<2000x128xf32>
    %get3A_25 = arith.constant 0 : index
    %get3A_26 = arith.constant 0 : index
    %get3A_27 = vector.load %arg3[%get3A_25, %get3A_26] : memref<128x128xf32, #tpu.memory_space<vmem>>, vector<128x128xf32>
    %dot_general3A = arith.constant dense<0.000000e+00> : vector<2000x128xf32>
    %dot_general3A_28 = tpu.matmul %max3A_24, %get3A_27, %dot_general3A {dimension_numbers = #tpu.dot_dimension_numbers<[1], [0], [0], [1], [0, 0, 1, 1], [], []>, transpose_lhs_hint = false} : vector<2000x128xf32>, vector<128x128xf32>, vector<2000x128xf32> -> vector<2000x128xf32>
    %get3A_29 = arith.constant 0 : index
    %get3A_30 = arith.constant 0 : index
    %get3A_31 = vector.load %arg6[%get3A_29, %get3A_30] : memref<8x128xf32, #tpu.memory_space<vmem>>, vector<1x128xf32>
    %add3A_32 = vector.broadcast %get3A_31 : vector<1x128xf32> to vector<2000x128xf32>
    %add3A_33 = arith.addf %dot_general3A_28, %add3A_32 : vector<2000x128xf32>
    %swap3A = arith.constant 0 : index
    %swap3A_34 = arith.constant 0 : index
    %swap3A_35 = vector.load %arg7[%swap3A, %swap3A_34] : memref<2000x128xf32, #tpu.memory_space<vmem>>, vector<2000x128xf32>
    tpu.vector_store %arg7[%swap3A, %swap3A_34], %add3A_33 {strides = array<i32>} : memref<2000x128xf32, #tpu.memory_space<vmem>>, vector<2000x128xf32>,
    %get3A_36 = arith.constant 0 : index
    %get3A_37 = arith.constant 0 : index
    %get3A_38 = vector.load %arg2[%get3A_36, %get3A_37] : memref<2000x128xf32, #tpu.memory_space<vmem>>, vector<2000x128xf32>
    %concatenate3A = tpu.concatenate %get3A_38, %add3A_33 in 1 : vector<2000x128xf32>, vector<2000x128xf32> -> vector<2000x256xf32>
    %get3A_39 = arith.constant 0 : index
    %get3A_40 = arith.constant 0 : index
    %get3A_41 = vector.load %arg4[%get3A_39, %get3A_40] : memref<256x128xf32, #tpu.memory_space<vmem>>, vector<256x128xf32>
    %dot_general3A_42 = arith.constant dense<0.000000e+00> : vector<2000x128xf32>
    %dot_general3A_43 = tpu.matmul %concatenate3A, %get3A_41, %dot_general3A_42 {dimension_numbers = #tpu.dot_dimension_numbers<[1], [0], [0], [1], [0, 0, 1, 1], [], []>, transpose_lhs_hint = false} : vector<2000x256xf32>, vector<256x128xf32>, vector<2000x128xf32> -> vector<2000x128xf32>
    %get3A_44 = arith.constant 1 : index
    %get3A_45 = arith.constant 0 : index
    %get3A_46 = vector.load %arg6[%get3A_44, %get3A_45] : memref<8x128xf32, #tpu.memory_space<vmem>>, vector<1x128xf32>
    %add3A_47 = vector.broadcast %get3A_46 : vector<1x128xf32> to vector<2000x128xf32>
    %add3A_48 = arith.addf %dot_general3A_43, %add3A_47 : vector<2000x128xf32>
    %swap3A_49 = arith.constant 0 : index
    %swap3A_50 = arith.constant 0 : index
    %swap3A_51 = vector.load %arg8[%swap3A_49, %swap3A_50] : memref<2000x128xf32, #tpu.memory_space<vmem>>, vector<2000x128xf32>
    tpu.vector_store %arg8[%swap3A_49, %swap3A_50], %add3A_48 {strides = array<i32>} : memref<2000x128xf32, #tpu.memory_space<vmem>>, vector<2000x128xf32>,
    %reshape3A = vector.shape_cast %add3A_48 : vector<2000x128xf32> to vector<250x8x128xf32>
    %get3A_52 = arith.constant 0 : index
    %get3A_53 = arith.constant 0 : index
    %get3A_54 = vector.load %arg9[%get3A_52, %get3A_53] : memref<16x128xf32, #tpu.memory_space<vmem>>, vector<8x128xf32>
    %reduce_sum3A = arith.constant dense<0.000000e+00> : vector<8x128xf32>
    %reduce_sum3A_55 = vector.multi_reduction <add>, %reshape3A, %reduce_sum3A [0] : vector<250x8x128xf32> to vector<8x128xf32>
    %add3A_56 = arith.addf %get3A_54, %reduce_sum3A_55 : vector<8x128xf32>
    %swap3A_57 = arith.constant 0 : index
    %swap3A_58 = arith.constant 0 : index
    %swap3A_59 = vector.load %arg9[%swap3A_57, %swap3A_58] : memref<16x128xf32, #tpu.memory_space<vmem>>, vector<8x128xf32>
    tpu.vector_store %arg9[%swap3A_57, %swap3A_58], %add3A_56 {strides = array<i32>} : memref<16x128xf32, #tpu.memory_space<vmem>>, vector<8x128xf32>,
    %get3A_60 = arith.constant 8 : index
    %get3A_61 = arith.constant 0 : index
    %get3A_62 = vector.load %arg9[%get3A_60, %get3A_61] : memref<16x128xf32, #tpu.memory_space<vmem>>, vector<8x128xf32>
    %mul3A_63 = arith.mulf %reshape3A, %reshape3A : vector<250x8x128xf32>
    %reduce_sum3A_64 = arith.constant dense<0.000000e+00> : vector<8x128xf32>
    %reduce_sum3A_65 = vector.multi_reduction <add>, %mul3A_63, %reduce_sum3A_64 [0] : vector<250x8x128xf32> to vector<8x128xf32>
    %add3A_66 = arith.addf %get3A_62, %reduce_sum3A_65 : vector<8x128xf32>
    %swap3A_67 = arith.constant 8 : index
    %swap3A_68 = arith.constant 0 : index
    %swap3A_69 = vector.load %arg9[%swap3A_67, %swap3A_68] : memref<16x128xf32, #tpu.memory_space<vmem>>, vector<8x128xf32>
    tpu.vector_store %arg9[%swap3A_67, %swap3A_68], %add3A_66 {strides = array<i32>} : memref<16x128xf32, #tpu.memory_space<vmem>>, vector<8x128xf32>,
    return
  }
  func.func @transform_0(%arg0: i32) -> (i32, i32) {
    %c0_i32 = arith.constant 0 : i32
    %c0_i32_0 = arith.constant 0 : i32
    return %arg0, %c0_i32 : i32, i32
  }
  func.func @transform_1(%arg0: i32) -> (i32, i32) {
    %c0_i32 = arith.constant 0 : i32
    %c0_i32_0 = arith.constant 0 : i32
    return %arg0, %c0_i32 : i32, i32
  }
  func.func @transform_2(%arg0: i32) -> (i32, i32) {
    %c0_i32 = arith.constant 0 : i32
    %c0_i32_0 = arith.constant 0 : i32
    %c0_i32_1 = arith.constant 0 : i32
    return %c0_i32, %c0_i32_0 : i32, i32
  }
  func.func @transform_3(%arg0: i32) -> (i32, i32) {
    %c0_i32 = arith.constant 0 : i32
    %c0_i32_0 = arith.constant 0 : i32
    %c0_i32_1 = arith.constant 0 : i32
    return %c0_i32, %c0_i32_0 : i32, i32
  }
  func.func @transform_4(%arg0: i32) -> (i32, i32) {
    %c0_i32 = arith.constant 0 : i32
    %c0_i32_0 = arith.constant 0 : i32
    %c0_i32_1 = arith.constant 0 : i32
    return %c0_i32, %c0_i32_0 : i32, i32
  }
  func.func @transform_5(%arg0: i32) -> (i32, i32) {
    %c0_i32 = arith.constant 0 : i32
    %c0_i32_0 = arith.constant 0 : i32
    %c0_i32_1 = arith.constant 0 : i32
    return %c0_i32, %c0_i32_0 : i32, i32
  }
  func.func @transform_6(%arg0: i32) -> (i32, i32) {
    %c0_i32 = arith.constant 0 : i32
    %c0_i32_0 = arith.constant 0 : i32
    return %arg0, %c0_i32 : i32, i32
  }
  func.func @transform_7(%arg0: i32) -> (i32, i32) {
    %c0_i32 = arith.constant 0 : i32
    %c0_i32_0 = arith.constant 0 : i32
    return %arg0, %c0_i32 : i32, i32
  }
  func.func @transform_8(%arg0: i32) -> (i32, i32) {
    %c0_i32 = arith.constant 0 : i32
    %c0_i32_0 = arith.constant 0 : i32
    %c0_i32_1 = arith.constant 0 : i32
    return %c0_i32, %c0_i32_0 : i32, i32
  }
}

module attributes {stable_mosaic.version = 14 : i64} {
  func.func @_n2lin2_body(%arg0: i32, %arg1: memref<1000x128xf32, #tpu.memory_space<vmem>>, %arg2: memref<128x128xf32, #tpu.memory_space<vmem>>, %arg3: memref<8x128xf32, #tpu.memory_space<vmem>>, %arg4: memref<8x128xf32, #tpu.memory_space<vmem>>, %arg5: memref<1000x128xf32, #tpu.memory_space<vmem>>, %arg6: memref<1x1000x128xf32, #tpu.memory_space<vmem>>, %arg7: memref<1x1000x128xf32, #tpu.memory_space<vmem>>, %arg8: memref<1000x128xf32, #tpu.memory_space<vmem>>, %arg9: memref<16x128xf32, #tpu.memory_space<vmem>>, %arg10: memref<16x128xf32, #tpu.memory_space<vmem>>) attributes {dimension_semantics = [#tpu.dimension_semantics<arbitrary>], iteration_bounds = array<i64: 10>, scalar_prefetch = 0 : i64, scratch_operands = 0 : i64, tpu.core_type = #tpu.core_type<tc>, window_params = [{transform_indices = @transform_0, window_bounds = array<i64: 1000, 128>}, {pipeline_mode = #tpu.pipeline_mode<synchronous>, transform_indices = @transform_1, window_bounds = array<i64: 128, 128>}, {pipeline_mode = #tpu.pipeline_mode<synchronous>, transform_indices = @transform_2, window_bounds = array<i64: 8, 128>}, {pipeline_mode = #tpu.pipeline_mode<synchronous>, transform_indices = @transform_3, window_bounds = array<i64: 8, 128>}, {transform_indices = @transform_4, window_bounds = array<i64: 1000, 128>}, {transform_indices = @transform_5, window_bounds = array<i64: 1, 1000, 128>}, {transform_indices = @transform_6, window_bounds = array<i64: 1, 1000, 128>}, {transform_indices = @transform_7, window_bounds = array<i64: 1000, 128>}, {pipeline_mode = #tpu.pipeline_mode<synchronous>, transform_indices = @transform_8, window_bounds = array<i64: 16, 128>}, {pipeline_mode = #tpu.pipeline_mode<synchronous>, transform_indices = @transform_9, window_bounds = array<i64: 16, 128>}]} {
    %eq3A = arith.constant 0 : i32
    %eq3A_0 = arith.cmpi eq, %arg0, %eq3A : i32
    %convert_element_type3A = arith.extui %eq3A_0 : i1 to i32
    %cond3A = arith.constant 0 : i32
    %cond3A_1 = arith.cmpi ne, %convert_element_type3A, %cond3A : i32
    scf.if %cond3A_1 {
      %broadcast_in_dim3A_510 = arith.constant 0.000000e+00 : f32
      %broadcast_in_dim3A_511 = vector.broadcast %broadcast_in_dim3A_510 : f32 to vector<16x128xf32>
      %swap3A_512 = arith.constant 0 : index
      %swap3A_513 = arith.constant 0 : index
      %swap3A_514 = vector.load %arg9[%swap3A_512, %swap3A_513] : memref<16x128xf32, #tpu.memory_space<vmem>>, vector<16x128xf32>
      tpu.vector_store %arg9[%swap3A_512, %swap3A_513], %broadcast_in_dim3A_511 {strides = array<i32>} : memref<16x128xf32, #tpu.memory_space<vmem>>, vector<16x128xf32>,
      %broadcast_in_dim3A_515 = arith.constant 0.000000e+00 : f32
      %broadcast_in_dim3A_516 = vector.broadcast %broadcast_in_dim3A_515 : f32 to vector<16x128xf32>
      %swap3A_517 = arith.constant 0 : index
      %swap3A_518 = arith.constant 0 : index
      %swap3A_519 = vector.load %arg10[%swap3A_517, %swap3A_518] : memref<16x128xf32, #tpu.memory_space<vmem>>, vector<16x128xf32>
      tpu.vector_store %arg10[%swap3A_517, %swap3A_518], %broadcast_in_dim3A_516 {strides = array<i32>} : memref<16x128xf32, #tpu.memory_space<vmem>>, vector<16x128xf32>,
    } else {
    }
    %get3A = arith.constant 0 : index
    %get3A_2 = arith.constant 0 : index
    %get3A_3 = vector.load %arg1[%get3A, %get3A_2] : memref<1000x128xf32, #tpu.memory_space<vmem>>, vector<1000x128xf32>
    %get3A_4 = arith.constant 0 : index
    %get3A_5 = arith.constant 0 : index
    %get3A_6 = vector.load %arg3[%get3A_4, %get3A_5] : memref<8x128xf32, #tpu.memory_space<vmem>>, vector<1x128xf32>
    %sub3A = vector.broadcast %get3A_6 : vector<1x128xf32> to vector<1000x128xf32>
    %sub3A_7 = arith.subf %get3A_3, %sub3A : vector<1000x128xf32>
    %get3A_8 = arith.constant 1 : index
    %get3A_9 = arith.constant 0 : index
    %get3A_10 = vector.load %arg3[%get3A_8, %get3A_9] : memref<8x128xf32, #tpu.memory_space<vmem>>, vector<1x128xf32>
    %add3A = arith.constant 9.99999974E-6 : f32
    %add3A_11 = vector.broadcast %add3A : f32 to vector<1x128xf32>
    %add3A_12 = arith.addf %get3A_10, %add3A_11 : vector<1x128xf32>
    %sqrt3A = math.sqrt %add3A_12 : vector<1x128xf32>
    %div3A = vector.broadcast %sqrt3A : vector<1x128xf32> to vector<1000x128xf32>
    %div3A_13 = arith.divf %sub3A_7, %div3A : vector<1000x128xf32>
    %get3A_14 = arith.constant 2 : index
    %get3A_15 = arith.constant 0 : index
    %get3A_16 = vector.load %arg3[%get3A_14, %get3A_15] : memref<8x128xf32, #tpu.memory_space<vmem>>, vector<1x128xf32>
    %mul3A = vector.broadcast %get3A_16 : vector<1x128xf32> to vector<1000x128xf32>
    %mul3A_17 = arith.mulf %div3A_13, %mul3A : vector<1000x128xf32>
    %get3A_18 = arith.constant 3 : index
    %get3A_19 = arith.constant 0 : index
    %get3A_20 = vector.load %arg3[%get3A_18, %get3A_19] : memref<8x128xf32, #tpu.memory_space<vmem>>, vector<1x128xf32>
    %add3A_21 = vector.broadcast %get3A_20 : vector<1x128xf32> to vector<1000x128xf32>
    %add3A_22 = arith.addf %mul3A_17, %add3A_21 : vector<1000x128xf32>
    %max3A = arith.constant 0.000000e+00 : f32
    %max3A_23 = vector.broadcast %max3A : f32 to vector<1000x128xf32>
    %max3A_24 = arith.maximumf %add3A_22, %max3A_23 : vector<1000x128xf32>
    %get3A_25 = arith.constant 0 : index
    %get3A_26 = arith.constant 0 : index
    %get3A_27 = vector.load %arg2[%get3A_25, %get3A_26] : memref<128x128xf32, #tpu.memory_space<vmem>>, vector<128x128xf32>
    %dot_general3A = arith.constant dense<0.000000e+00> : vector<1000x128xf32>
    %dot_general3A_28 = tpu.matmul %max3A_24, %get3A_27, %dot_general3A {dimension_numbers = #tpu.dot_dimension_numbers<[1], [0], [0], [1], [0, 0, 1, 1], [], []>, transpose_lhs_hint = false} : vector<1000x128xf32>, vector<128x128xf32>, vector<1000x128xf32> -> vector<1000x128xf32>
    %get3A_29 = arith.constant 0 : index
    %get3A_30 = arith.constant 0 : index
    %get3A_31 = vector.load %arg4[%get3A_29, %get3A_30] : memref<8x128xf32, #tpu.memory_space<vmem>>, vector<1x128xf32>
    %add3A_32 = vector.broadcast %get3A_31 : vector<1x128xf32> to vector<1000x128xf32>
    %add3A_33 = arith.addf %dot_general3A_28, %add3A_32 : vector<1000x128xf32>
    %swap3A = arith.constant 0 : index
    %swap3A_34 = arith.constant 0 : index
    %swap3A_35 = vector.load %arg8[%swap3A, %swap3A_34] : memref<1000x128xf32, #tpu.memory_space<vmem>>, vector<1000x128xf32>
    tpu.vector_store %arg8[%swap3A, %swap3A_34], %add3A_33 {strides = array<i32>} : memref<1000x128xf32, #tpu.memory_space<vmem>>, vector<1000x128xf32>,
    %get3A_36 = arith.constant 0 : index
    %get3A_37 = arith.constant 0 : index
    %get3A_38 = arith.constant 0 : index
    %get3A_39 = vector.load %arg6[%get3A_36, %get3A_37, %get3A_38] : memref<1x1000x128xf32, #tpu.memory_space<vmem>>, vector<1x1000x128xf32>
    %get3A_40 = vector.shape_cast %get3A_39 : vector<1x1000x128xf32> to vector<1000x128xf32>
    %get3A_41 = arith.constant 0 : index
    %get3A_42 = arith.constant 0 : index
    %get3A_43 = arith.constant 0 : index
    %get3A_44 = vector.load %arg7[%get3A_41, %get3A_42, %get3A_43] : memref<1x1000x128xf32, #tpu.memory_space<vmem>>, vector<1x1000x128xf32>
    %get3A_45 = vector.shape_cast %get3A_44 : vector<1x1000x128xf32> to vector<1000x128xf32>
    %add3A_46 = arith.addf %get3A_40, %get3A_45 : vector<1000x128xf32>
    %get3A_47 = arith.constant 0 : index
    %get3A_48 = arith.constant 0 : index
    %get3A_49 = vector.load %arg5[%get3A_47, %get3A_48] : memref<1000x128xf32, #tpu.memory_space<vmem>>, vector<1000x128xf32>
    %eq3A_50 = arith.constant 0.000000e+00 : f32
    %eq3A_51 = vector.broadcast %eq3A_50 : f32 to vector<1000x128xf32>
    %eq3A_52 = arith.cmpf oeq, %get3A_49, %eq3A_51 : vector<1000x128xf32>
    %get3A_53 = arith.constant 0 : index
    %get3A_54 = arith.constant 0 : index
    %get3A_55 = vector.load %arg9[%get3A_53, %get3A_54] : memref<16x128xf32, #tpu.memory_space<vmem>>, vector<1x128xf32>
    %jit3A = arith.constant 0.000000e+00 : f32
    %broadcast_in_dim3A = vector.broadcast %jit3A : f32 to vector<1000x128xf32>
    %select_n3A = arith.select %eq3A_52, %add3A_33, %broadcast_in_dim3A : vector<1000x128xi1>, vector<1000x128xf32>
    %reduce_sum3A = arith.constant dense<0.000000e+00> : vector<128xf32>
    %reduce_sum3A_56 = vector.multi_reduction <add>, %select_n3A, %reduce_sum3A [0] : vector<1000x128xf32> to vector<128xf32>
    %broadcast_in_dim3A_57 = vector.shape_cast %reduce_sum3A_56 : vector<128xf32> to vector<1x128xf32>
    %add3A_58 = arith.addf %get3A_55, %broadcast_in_dim3A_57 : vector<1x128xf32>
    %swap3A_59 = arith.constant 0 : index
    %swap3A_60 = arith.constant 0 : index
    %swap3A_61 = vector.load %arg9[%swap3A_59, %swap3A_60] : memref<16x128xf32, #tpu.memory_space<vmem>>, vector<1x128xf32>
    tpu.vector_store %arg9[%swap3A_59, %swap3A_60], %add3A_58 {strides = array<i32>} : memref<16x128xf32, #tpu.memory_space<vmem>>, vector<1x128xf32>,
    %get3A_62 = arith.constant 0 : index
    %get3A_63 = arith.constant 0 : index
    %get3A_64 = vector.load %arg10[%get3A_62, %get3A_63] : memref<16x128xf32, #tpu.memory_space<vmem>>, vector<1x128xf32>
    %jit3A_65 = arith.constant 0.000000e+00 : f32
    %broadcast_in_dim3A_66 = vector.broadcast %jit3A_65 : f32 to vector<1000x128xf32>
    %select_n3A_67 = arith.select %eq3A_52, %add3A_46, %broadcast_in_dim3A_66 : vector<1000x128xi1>, vector<1000x128xf32>
    %reduce_sum3A_68 = arith.constant dense<0.000000e+00> : vector<128xf32>
    %reduce_sum3A_69 = vector.multi_reduction <add>, %select_n3A_67, %reduce_sum3A_68 [0] : vector<1000x128xf32> to vector<128xf32>
    %broadcast_in_dim3A_70 = vector.shape_cast %reduce_sum3A_69 : vector<128xf32> to vector<1x128xf32>
    %add3A_71 = arith.addf %get3A_64, %broadcast_in_dim3A_70 : vector<1x128xf32>
    %swap3A_72 = arith.constant 0 : index
    %swap3A_73 = arith.constant 0 : index
    %swap3A_74 = vector.load %arg10[%swap3A_72, %swap3A_73] : memref<16x128xf32, #tpu.memory_space<vmem>>, vector<1x128xf32>
    tpu.vector_store %arg10[%swap3A_72, %swap3A_73], %add3A_71 {strides = array<i32>} : memref<16x128xf32, #tpu.memory_space<vmem>>, vector<1x128xf32>,
    %eq3A_75 = arith.constant 1.000000e+00 : f32
    %eq3A_76 = vector.broadcast %eq3A_75 : f32 to vector<1000x128xf32>
    %eq3A_77 = arith.cmpf oeq, %get3A_49, %eq3A_76 : vector<1000x128xf32>
    %get3A_78 = arith.constant 1 : index
    %get3A_79 = arith.constant 0 : index
    %get3A_80 = vector.load %arg9[%get3A_78, %get3A_79] : memref<16x128xf32, #tpu.memory_space<vmem>>, vector<1x128xf32>
    %jit3A_81 = arith.constant 0.000000e+00 : f32
    %broadcast_in_dim3A_82 = vector.broadcast %jit3A_81 : f32 to vector<1000x128xf32>
    %select_n3A_83 = arith.select %eq3A_77, %add3A_33, %broadcast_in_dim3A_82 : vector<1000x128xi1>, vector<1000x128xf32>
    %reduce_sum3A_84 = arith.constant dense<0.000000e+00> : vector<128xf32>
    %reduce_sum3A_85 = vector.multi_reduction <add>, %select_n3A_83, %reduce_sum3A_84 [0] : vector<1000x128xf32> to vector<128xf32>
    %broadcast_in_dim3A_86 = vector.shape_cast %reduce_sum3A_85 : vector<128xf32> to vector<1x128xf32>
    %add3A_87 = arith.addf %get3A_80, %broadcast_in_dim3A_86 : vector<1x128xf32>
    %swap3A_88 = arith.constant 1 : index
    %swap3A_89 = arith.constant 0 : index
    %swap3A_90 = vector.load %arg9[%swap3A_88, %swap3A_89] : memref<16x128xf32, #tpu.memory_space<vmem>>, vector<1x128xf32>
    tpu.vector_store %arg9[%swap3A_88, %swap3A_89], %add3A_87 {strides = array<i32>} : memref<16x128xf32, #tpu.memory_space<vmem>>, vector<1x128xf32>,
    %get3A_91 = arith.constant 1 : index
    %get3A_92 = arith.constant 0 : index
    %get3A_93 = vector.load %arg10[%get3A_91, %get3A_92] : memref<16x128xf32, #tpu.memory_space<vmem>>, vector<1x128xf32>
    %jit3A_94 = arith.constant 0.000000e+00 : f32
    %broadcast_in_dim3A_95 = vector.broadcast %jit3A_94 : f32 to vector<1000x128xf32>
    %select_n3A_96 = arith.select %eq3A_77, %add3A_46, %broadcast_in_dim3A_95 : vector<1000x128xi1>, vector<1000x128xf32>
    %reduce_sum3A_97 = arith.constant dense<0.000000e+00> : vector<128xf32>
    %reduce_sum3A_98 = vector.multi_reduction <add>, %select_n3A_96, %reduce_sum3A_97 [0] : vector<1000x128xf32> to vector<128xf32>
    %broadcast_in_dim3A_99 = vector.shape_cast %reduce_sum3A_98 : vector<128xf32> to vector<1x128xf32>
    %add3A_100 = arith.addf %get3A_93, %broadcast_in_dim3A_99 : vector<1x128xf32>
    %swap3A_101 = arith.constant 1 : index
    %swap3A_102 = arith.constant 0 : index
    %swap3A_103 = vector.load %arg10[%swap3A_101, %swap3A_102] : memref<16x128xf32, #tpu.memory_space<vmem>>, vector<1x128xf32>
    tpu.vector_store %arg10[%swap3A_101, %swap3A_102], %add3A_100 {strides = array<i32>} : memref<16x128xf32, #tpu.memory_space<vmem>>, vector<1x128xf32>,
    %eq3A_104 = arith.constant 2.000000e+00 : f32
    %eq3A_105 = vector.broadcast %eq3A_104 : f32 to vector<1000x128xf32>
    %eq3A_106 = arith.cmpf oeq, %get3A_49, %eq3A_105 : vector<1000x128xf32>
    %get3A_107 = arith.constant 2 : index
    %get3A_108 = arith.constant 0 : index
    %get3A_109 = vector.load %arg9[%get3A_107, %get3A_108] : memref<16x128xf32, #tpu.memory_space<vmem>>, vector<1x128xf32>
    %jit3A_110 = arith.constant 0.000000e+00 : f32
    %broadcast_in_dim3A_111 = vector.broadcast %jit3A_110 : f32 to vector<1000x128xf32>
    %select_n3A_112 = arith.select %eq3A_106, %add3A_33, %broadcast_in_dim3A_111 : vector<1000x128xi1>, vector<1000x128xf32>
    %reduce_sum3A_113 = arith.constant dense<0.000000e+00> : vector<128xf32>
    %reduce_sum3A_114 = vector.multi_reduction <add>, %select_n3A_112, %reduce_sum3A_113 [0] : vector<1000x128xf32> to vector<128xf32>
    %broadcast_in_dim3A_115 = vector.shape_cast %reduce_sum3A_114 : vector<128xf32> to vector<1x128xf32>
    %add3A_116 = arith.addf %get3A_109, %broadcast_in_dim3A_115 : vector<1x128xf32>
    %swap3A_117 = arith.constant 2 : index
    %swap3A_118 = arith.constant 0 : index
    %swap3A_119 = vector.load %arg9[%swap3A_117, %swap3A_118] : memref<16x128xf32, #tpu.memory_space<vmem>>, vector<1x128xf32>
    tpu.vector_store %arg9[%swap3A_117, %swap3A_118], %add3A_116 {strides = array<i32>} : memref<16x128xf32, #tpu.memory_space<vmem>>, vector<1x128xf32>,
    %get3A_120 = arith.constant 2 : index
    %get3A_121 = arith.constant 0 : index
    %get3A_122 = vector.load %arg10[%get3A_120, %get3A_121] : memref<16x128xf32, #tpu.memory_space<vmem>>, vector<1x128xf32>
    %jit3A_123 = arith.constant 0.000000e+00 : f32
    %broadcast_in_dim3A_124 = vector.broadcast %jit3A_123 : f32 to vector<1000x128xf32>
    %select_n3A_125 = arith.select %eq3A_106, %add3A_46, %broadcast_in_dim3A_124 : vector<1000x128xi1>, vector<1000x128xf32>
    %reduce_sum3A_126 = arith.constant dense<0.000000e+00> : vector<128xf32>
    %reduce_sum3A_127 = vector.multi_reduction <add>, %select_n3A_125, %reduce_sum3A_126 [0] : vector<1000x128xf32> to vector<128xf32>
    %broadcast_in_dim3A_128 = vector.shape_cast %reduce_sum3A_127 : vector<128xf32> to vector<1x128xf32>
    %add3A_129 = arith.addf %get3A_122, %broadcast_in_dim3A_128 : vector<1x128xf32>
    %swap3A_130 = arith.constant 2 : index
    %swap3A_131 = arith.constant 0 : index
    %swap3A_132 = vector.load %arg10[%swap3A_130, %swap3A_131] : memref<16x128xf32, #tpu.memory_space<vmem>>, vector<1x128xf32>
    tpu.vector_store %arg10[%swap3A_130, %swap3A_131], %add3A_129 {strides = array<i32>} : memref<16x128xf32, #tpu.memory_space<vmem>>, vector<1x128xf32>,
    %eq3A_133 = arith.constant 3.000000e+00 : f32
    %eq3A_134 = vector.broadcast %eq3A_133 : f32 to vector<1000x128xf32>
    %eq3A_135 = arith.cmpf oeq, %get3A_49, %eq3A_134 : vector<1000x128xf32>
    %get3A_136 = arith.constant 3 : index
    %get3A_137 = arith.constant 0 : index
    %get3A_138 = vector.load %arg9[%get3A_136, %get3A_137] : memref<16x128xf32, #tpu.memory_space<vmem>>, vector<1x128xf32>
    %jit3A_139 = arith.constant 0.000000e+00 : f32
    %broadcast_in_dim3A_140 = vector.broadcast %jit3A_139 : f32 to vector<1000x128xf32>
    %select_n3A_141 = arith.select %eq3A_135, %add3A_33, %broadcast_in_dim3A_140 : vector<1000x128xi1>, vector<1000x128xf32>
    %reduce_sum3A_142 = arith.constant dense<0.000000e+00> : vector<128xf32>
    %reduce_sum3A_143 = vector.multi_reduction <add>, %select_n3A_141, %reduce_sum3A_142 [0] : vector<1000x128xf32> to vector<128xf32>
    %broadcast_in_dim3A_144 = vector.shape_cast %reduce_sum3A_143 : vector<128xf32> to vector<1x128xf32>
    %add3A_145 = arith.addf %get3A_138, %broadcast_in_dim3A_144 : vector<1x128xf32>
    %swap3A_146 = arith.constant 3 : index
    %swap3A_147 = arith.constant 0 : index
    %swap3A_148 = vector.load %arg9[%swap3A_146, %swap3A_147] : memref<16x128xf32, #tpu.memory_space<vmem>>, vector<1x128xf32>
    tpu.vector_store %arg9[%swap3A_146, %swap3A_147], %add3A_145 {strides = array<i32>} : memref<16x128xf32, #tpu.memory_space<vmem>>, vector<1x128xf32>,
    %get3A_149 = arith.constant 3 : index
    %get3A_150 = arith.constant 0 : index
    %get3A_151 = vector.load %arg10[%get3A_149, %get3A_150] : memref<16x128xf32, #tpu.memory_space<vmem>>, vector<1x128xf32>
    %jit3A_152 = arith.constant 0.000000e+00 : f32
    %broadcast_in_dim3A_153 = vector.broadcast %jit3A_152 : f32 to vector<1000x128xf32>
    %select_n3A_154 = arith.select %eq3A_135, %add3A_46, %broadcast_in_dim3A_153 : vector<1000x128xi1>, vector<1000x128xf32>
    %reduce_sum3A_155 = arith.constant dense<0.000000e+00> : vector<128xf32>
    %reduce_sum3A_156 = vector.multi_reduction <add>, %select_n3A_154, %reduce_sum3A_155 [0] : vector<1000x128xf32> to vector<128xf32>
    %broadcast_in_dim3A_157 = vector.shape_cast %reduce_sum3A_156 : vector<128xf32> to vector<1x128xf32>
    %add3A_158 = arith.addf %get3A_151, %broadcast_in_dim3A_157 : vector<1x128xf32>
    %swap3A_159 = arith.constant 3 : index
    %swap3A_160 = arith.constant 0 : index
    %swap3A_161 = vector.load %arg10[%swap3A_159, %swap3A_160] : memref<16x128xf32, #tpu.memory_space<vmem>>, vector<1x128xf32>
    tpu.vector_store %arg10[%swap3A_159, %swap3A_160], %add3A_158 {strides = array<i32>} : memref<16x128xf32, #tpu.memory_space<vmem>>, vector<1x128xf32>,
    %eq3A_162 = arith.constant 4.000000e+00 : f32
    %eq3A_163 = vector.broadcast %eq3A_162 : f32 to vector<1000x128xf32>
    %eq3A_164 = arith.cmpf oeq, %get3A_49, %eq3A_163 : vector<1000x128xf32>
    %get3A_165 = arith.constant 4 : index
    %get3A_166 = arith.constant 0 : index
    %get3A_167 = vector.load %arg9[%get3A_165, %get3A_166] : memref<16x128xf32, #tpu.memory_space<vmem>>, vector<1x128xf32>
    %jit3A_168 = arith.constant 0.000000e+00 : f32
    %broadcast_in_dim3A_169 = vector.broadcast %jit3A_168 : f32 to vector<1000x128xf32>
    %select_n3A_170 = arith.select %eq3A_164, %add3A_33, %broadcast_in_dim3A_169 : vector<1000x128xi1>, vector<1000x128xf32>
    %reduce_sum3A_171 = arith.constant dense<0.000000e+00> : vector<128xf32>
    %reduce_sum3A_172 = vector.multi_reduction <add>, %select_n3A_170, %reduce_sum3A_171 [0] : vector<1000x128xf32> to vector<128xf32>
    %broadcast_in_dim3A_173 = vector.shape_cast %reduce_sum3A_172 : vector<128xf32> to vector<1x128xf32>
    %add3A_174 = arith.addf %get3A_167, %broadcast_in_dim3A_173 : vector<1x128xf32>
    %swap3A_175 = arith.constant 4 : index
    %swap3A_176 = arith.constant 0 : index
    %swap3A_177 = vector.load %arg9[%swap3A_175, %swap3A_176] : memref<16x128xf32, #tpu.memory_space<vmem>>, vector<1x128xf32>
    tpu.vector_store %arg9[%swap3A_175, %swap3A_176], %add3A_174 {strides = array<i32>} : memref<16x128xf32, #tpu.memory_space<vmem>>, vector<1x128xf32>,
    %get3A_178 = arith.constant 4 : index
    %get3A_179 = arith.constant 0 : index
    %get3A_180 = vector.load %arg10[%get3A_178, %get3A_179] : memref<16x128xf32, #tpu.memory_space<vmem>>, vector<1x128xf32>
    %jit3A_181 = arith.constant 0.000000e+00 : f32
    %broadcast_in_dim3A_182 = vector.broadcast %jit3A_181 : f32 to vector<1000x128xf32>
    %select_n3A_183 = arith.select %eq3A_164, %add3A_46, %broadcast_in_dim3A_182 : vector<1000x128xi1>, vector<1000x128xf32>
    %reduce_sum3A_184 = arith.constant dense<0.000000e+00> : vector<128xf32>
    %reduce_sum3A_185 = vector.multi_reduction <add>, %select_n3A_183, %reduce_sum3A_184 [0] : vector<1000x128xf32> to vector<128xf32>
    %broadcast_in_dim3A_186 = vector.shape_cast %reduce_sum3A_185 : vector<128xf32> to vector<1x128xf32>
    %add3A_187 = arith.addf %get3A_180, %broadcast_in_dim3A_186 : vector<1x128xf32>
    %swap3A_188 = arith.constant 4 : index
    %swap3A_189 = arith.constant 0 : index
    %swap3A_190 = vector.load %arg10[%swap3A_188, %swap3A_189] : memref<16x128xf32, #tpu.memory_space<vmem>>, vector<1x128xf32>
    tpu.vector_store %arg10[%swap3A_188, %swap3A_189], %add3A_187 {strides = array<i32>} : memref<16x128xf32, #tpu.memory_space<vmem>>, vector<1x128xf32>,
    %eq3A_191 = arith.constant 5.000000e+00 : f32
    %eq3A_192 = vector.broadcast %eq3A_191 : f32 to vector<1000x128xf32>
    %eq3A_193 = arith.cmpf oeq, %get3A_49, %eq3A_192 : vector<1000x128xf32>
    %get3A_194 = arith.constant 5 : index
    %get3A_195 = arith.constant 0 : index
    %get3A_196 = vector.load %arg9[%get3A_194, %get3A_195] : memref<16x128xf32, #tpu.memory_space<vmem>>, vector<1x128xf32>
    %jit3A_197 = arith.constant 0.000000e+00 : f32
    %broadcast_in_dim3A_198 = vector.broadcast %jit3A_197 : f32 to vector<1000x128xf32>
    %select_n3A_199 = arith.select %eq3A_193, %add3A_33, %broadcast_in_dim3A_198 : vector<1000x128xi1>, vector<1000x128xf32>
    %reduce_sum3A_200 = arith.constant dense<0.000000e+00> : vector<128xf32>
    %reduce_sum3A_201 = vector.multi_reduction <add>, %select_n3A_199, %reduce_sum3A_200 [0] : vector<1000x128xf32> to vector<128xf32>
    %broadcast_in_dim3A_202 = vector.shape_cast %reduce_sum3A_201 : vector<128xf32> to vector<1x128xf32>
    %add3A_203 = arith.addf %get3A_196, %broadcast_in_dim3A_202 : vector<1x128xf32>
    %swap3A_204 = arith.constant 5 : index
    %swap3A_205 = arith.constant 0 : index
    %swap3A_206 = vector.load %arg9[%swap3A_204, %swap3A_205] : memref<16x128xf32, #tpu.memory_space<vmem>>, vector<1x128xf32>
    tpu.vector_store %arg9[%swap3A_204, %swap3A_205], %add3A_203 {strides = array<i32>} : memref<16x128xf32, #tpu.memory_space<vmem>>, vector<1x128xf32>,
    %get3A_207 = arith.constant 5 : index
    %get3A_208 = arith.constant 0 : index
    %get3A_209 = vector.load %arg10[%get3A_207, %get3A_208] : memref<16x128xf32, #tpu.memory_space<vmem>>, vector<1x128xf32>
    %jit3A_210 = arith.constant 0.000000e+00 : f32
    %broadcast_in_dim3A_211 = vector.broadcast %jit3A_210 : f32 to vector<1000x128xf32>
    %select_n3A_212 = arith.select %eq3A_193, %add3A_46, %broadcast_in_dim3A_211 : vector<1000x128xi1>, vector<1000x128xf32>
    %reduce_sum3A_213 = arith.constant dense<0.000000e+00> : vector<128xf32>
    %reduce_sum3A_214 = vector.multi_reduction <add>, %select_n3A_212, %reduce_sum3A_213 [0] : vector<1000x128xf32> to vector<128xf32>
    %broadcast_in_dim3A_215 = vector.shape_cast %reduce_sum3A_214 : vector<128xf32> to vector<1x128xf32>
    %add3A_216 = arith.addf %get3A_209, %broadcast_in_dim3A_215 : vector<1x128xf32>
    %swap3A_217 = arith.constant 5 : index
    %swap3A_218 = arith.constant 0 : index
    %swap3A_219 = vector.load %arg10[%swap3A_217, %swap3A_218] : memref<16x128xf32, #tpu.memory_space<vmem>>, vector<1x128xf32>
    tpu.vector_store %arg10[%swap3A_217, %swap3A_218], %add3A_216 {strides = array<i32>} : memref<16x128xf32, #tpu.memory_space<vmem>>, vector<1x128xf32>,
    %eq3A_220 = arith.constant 6.000000e+00 : f32
    %eq3A_221 = vector.broadcast %eq3A_220 : f32 to vector<1000x128xf32>
    %eq3A_222 = arith.cmpf oeq, %get3A_49, %eq3A_221 : vector<1000x128xf32>
    %get3A_223 = arith.constant 6 : index
    %get3A_224 = arith.constant 0 : index
    %get3A_225 = vector.load %arg9[%get3A_223, %get3A_224] : memref<16x128xf32, #tpu.memory_space<vmem>>, vector<1x128xf32>
    %jit3A_226 = arith.constant 0.000000e+00 : f32
    %broadcast_in_dim3A_227 = vector.broadcast %jit3A_226 : f32 to vector<1000x128xf32>
    %select_n3A_228 = arith.select %eq3A_222, %add3A_33, %broadcast_in_dim3A_227 : vector<1000x128xi1>, vector<1000x128xf32>
    %reduce_sum3A_229 = arith.constant dense<0.000000e+00> : vector<128xf32>
    %reduce_sum3A_230 = vector.multi_reduction <add>, %select_n3A_228, %reduce_sum3A_229 [0] : vector<1000x128xf32> to vector<128xf32>
    %broadcast_in_dim3A_231 = vector.shape_cast %reduce_sum3A_230 : vector<128xf32> to vector<1x128xf32>
    %add3A_232 = arith.addf %get3A_225, %broadcast_in_dim3A_231 : vector<1x128xf32>
    %swap3A_233 = arith.constant 6 : index
    %swap3A_234 = arith.constant 0 : index
    %swap3A_235 = vector.load %arg9[%swap3A_233, %swap3A_234] : memref<16x128xf32, #tpu.memory_space<vmem>>, vector<1x128xf32>
    tpu.vector_store %arg9[%swap3A_233, %swap3A_234], %add3A_232 {strides = array<i32>} : memref<16x128xf32, #tpu.memory_space<vmem>>, vector<1x128xf32>,
    %get3A_236 = arith.constant 6 : index
    %get3A_237 = arith.constant 0 : index
    %get3A_238 = vector.load %arg10[%get3A_236, %get3A_237] : memref<16x128xf32, #tpu.memory_space<vmem>>, vector<1x128xf32>
    %jit3A_239 = arith.constant 0.000000e+00 : f32
    %broadcast_in_dim3A_240 = vector.broadcast %jit3A_239 : f32 to vector<1000x128xf32>
    %select_n3A_241 = arith.select %eq3A_222, %add3A_46, %broadcast_in_dim3A_240 : vector<1000x128xi1>, vector<1000x128xf32>
    %reduce_sum3A_242 = arith.constant dense<0.000000e+00> : vector<128xf32>
    %reduce_sum3A_243 = vector.multi_reduction <add>, %select_n3A_241, %reduce_sum3A_242 [0] : vector<1000x128xf32> to vector<128xf32>
    %broadcast_in_dim3A_244 = vector.shape_cast %reduce_sum3A_243 : vector<128xf32> to vector<1x128xf32>
    %add3A_245 = arith.addf %get3A_238, %broadcast_in_dim3A_244 : vector<1x128xf32>
    %swap3A_246 = arith.constant 6 : index
    %swap3A_247 = arith.constant 0 : index
    %swap3A_248 = vector.load %arg10[%swap3A_246, %swap3A_247] : memref<16x128xf32, #tpu.memory_space<vmem>>, vector<1x128xf32>
    tpu.vector_store %arg10[%swap3A_246, %swap3A_247], %add3A_245 {strides = array<i32>} : memref<16x128xf32, #tpu.memory_space<vmem>>, vector<1x128xf32>,
    %eq3A_249 = arith.constant 7.000000e+00 : f32
    %eq3A_250 = vector.broadcast %eq3A_249 : f32 to vector<1000x128xf32>
    %eq3A_251 = arith.cmpf oeq, %get3A_49, %eq3A_250 : vector<1000x128xf32>
    %get3A_252 = arith.constant 7 : index
    %get3A_253 = arith.constant 0 : index
    %get3A_254 = vector.load %arg9[%get3A_252, %get3A_253] : memref<16x128xf32, #tpu.memory_space<vmem>>, vector<1x128xf32>
    %jit3A_255 = arith.constant 0.000000e+00 : f32
    %broadcast_in_dim3A_256 = vector.broadcast %jit3A_255 : f32 to vector<1000x128xf32>
    %select_n3A_257 = arith.select %eq3A_251, %add3A_33, %broadcast_in_dim3A_256 : vector<1000x128xi1>, vector<1000x128xf32>
    %reduce_sum3A_258 = arith.constant dense<0.000000e+00> : vector<128xf32>
    %reduce_sum3A_259 = vector.multi_reduction <add>, %select_n3A_257, %reduce_sum3A_258 [0] : vector<1000x128xf32> to vector<128xf32>
    %broadcast_in_dim3A_260 = vector.shape_cast %reduce_sum3A_259 : vector<128xf32> to vector<1x128xf32>
    %add3A_261 = arith.addf %get3A_254, %broadcast_in_dim3A_260 : vector<1x128xf32>
    %swap3A_262 = arith.constant 7 : index
    %swap3A_263 = arith.constant 0 : index
    %swap3A_264 = vector.load %arg9[%swap3A_262, %swap3A_263] : memref<16x128xf32, #tpu.memory_space<vmem>>, vector<1x128xf32>
    tpu.vector_store %arg9[%swap3A_262, %swap3A_263], %add3A_261 {strides = array<i32>} : memref<16x128xf32, #tpu.memory_space<vmem>>, vector<1x128xf32>,
    %get3A_265 = arith.constant 7 : index
    %get3A_266 = arith.constant 0 : index
    %get3A_267 = vector.load %arg10[%get3A_265, %get3A_266] : memref<16x128xf32, #tpu.memory_space<vmem>>, vector<1x128xf32>
    %jit3A_268 = arith.constant 0.000000e+00 : f32
    %broadcast_in_dim3A_269 = vector.broadcast %jit3A_268 : f32 to vector<1000x128xf32>
    %select_n3A_270 = arith.select %eq3A_251, %add3A_46, %broadcast_in_dim3A_269 : vector<1000x128xi1>, vector<1000x128xf32>
    %reduce_sum3A_271 = arith.constant dense<0.000000e+00> : vector<128xf32>
    %reduce_sum3A_272 = vector.multi_reduction <add>, %select_n3A_270, %reduce_sum3A_271 [0] : vector<1000x128xf32> to vector<128xf32>
    %broadcast_in_dim3A_273 = vector.shape_cast %reduce_sum3A_272 : vector<128xf32> to vector<1x128xf32>
    %add3A_274 = arith.addf %get3A_267, %broadcast_in_dim3A_273 : vector<1x128xf32>
    %swap3A_275 = arith.constant 7 : index
    %swap3A_276 = arith.constant 0 : index
    %swap3A_277 = vector.load %arg10[%swap3A_275, %swap3A_276] : memref<16x128xf32, #tpu.memory_space<vmem>>, vector<1x128xf32>
    tpu.vector_store %arg10[%swap3A_275, %swap3A_276], %add3A_274 {strides = array<i32>} : memref<16x128xf32, #tpu.memory_space<vmem>>, vector<1x128xf32>,
    %eq3A_278 = arith.constant 8.000000e+00 : f32
    %eq3A_279 = vector.broadcast %eq3A_278 : f32 to vector<1000x128xf32>
    %eq3A_280 = arith.cmpf oeq, %get3A_49, %eq3A_279 : vector<1000x128xf32>
    %get3A_281 = arith.constant 8 : index
    %get3A_282 = arith.constant 0 : index
    %get3A_283 = vector.load %arg9[%get3A_281, %get3A_282] : memref<16x128xf32, #tpu.memory_space<vmem>>, vector<1x128xf32>
    %jit3A_284 = arith.constant 0.000000e+00 : f32
    %broadcast_in_dim3A_285 = vector.broadcast %jit3A_284 : f32 to vector<1000x128xf32>
    %select_n3A_286 = arith.select %eq3A_280, %add3A_33, %broadcast_in_dim3A_285 : vector<1000x128xi1>, vector<1000x128xf32>
    %reduce_sum3A_287 = arith.constant dense<0.000000e+00> : vector<128xf32>
    %reduce_sum3A_288 = vector.multi_reduction <add>, %select_n3A_286, %reduce_sum3A_287 [0] : vector<1000x128xf32> to vector<128xf32>
    %broadcast_in_dim3A_289 = vector.shape_cast %reduce_sum3A_288 : vector<128xf32> to vector<1x128xf32>
    %add3A_290 = arith.addf %get3A_283, %broadcast_in_dim3A_289 : vector<1x128xf32>
    %swap3A_291 = arith.constant 8 : index
    %swap3A_292 = arith.constant 0 : index
    %swap3A_293 = vector.load %arg9[%swap3A_291, %swap3A_292] : memref<16x128xf32, #tpu.memory_space<vmem>>, vector<1x128xf32>
    tpu.vector_store %arg9[%swap3A_291, %swap3A_292], %add3A_290 {strides = array<i32>} : memref<16x128xf32, #tpu.memory_space<vmem>>, vector<1x128xf32>,
    %get3A_294 = arith.constant 8 : index
    %get3A_295 = arith.constant 0 : index
    %get3A_296 = vector.load %arg10[%get3A_294, %get3A_295] : memref<16x128xf32, #tpu.memory_space<vmem>>, vector<1x128xf32>
    %jit3A_297 = arith.constant 0.000000e+00 : f32
    %broadcast_in_dim3A_298 = vector.broadcast %jit3A_297 : f32 to vector<1000x128xf32>
    %select_n3A_299 = arith.select %eq3A_280, %add3A_46, %broadcast_in_dim3A_298 : vector<1000x128xi1>, vector<1000x128xf32>
    %reduce_sum3A_300 = arith.constant dense<0.000000e+00> : vector<128xf32>
    %reduce_sum3A_301 = vector.multi_reduction <add>, %select_n3A_299, %reduce_sum3A_300 [0] : vector<1000x128xf32> to vector<128xf32>
    %broadcast_in_dim3A_302 = vector.shape_cast %reduce_sum3A_301 : vector<128xf32> to vector<1x128xf32>
    %add3A_303 = arith.addf %get3A_296, %broadcast_in_dim3A_302 : vector<1x128xf32>
    %swap3A_304 = arith.constant 8 : index
    %swap3A_305 = arith.constant 0 : index
    %swap3A_306 = vector.load %arg10[%swap3A_304, %swap3A_305] : memref<16x128xf32, #tpu.memory_space<vmem>>, vector<1x128xf32>
    tpu.vector_store %arg10[%swap3A_304, %swap3A_305], %add3A_303 {strides = array<i32>} : memref<16x128xf32, #tpu.memory_space<vmem>>, vector<1x128xf32>,
    %eq3A_307 = arith.constant 9.000000e+00 : f32
    %eq3A_308 = vector.broadcast %eq3A_307 : f32 to vector<1000x128xf32>
    %eq3A_309 = arith.cmpf oeq, %get3A_49, %eq3A_308 : vector<1000x128xf32>
    %get3A_310 = arith.constant 9 : index
    %get3A_311 = arith.constant 0 : index
    %get3A_312 = vector.load %arg9[%get3A_310, %get3A_311] : memref<16x128xf32, #tpu.memory_space<vmem>>, vector<1x128xf32>
    %jit3A_313 = arith.constant 0.000000e+00 : f32
    %broadcast_in_dim3A_314 = vector.broadcast %jit3A_313 : f32 to vector<1000x128xf32>
    %select_n3A_315 = arith.select %eq3A_309, %add3A_33, %broadcast_in_dim3A_314 : vector<1000x128xi1>, vector<1000x128xf32>
    %reduce_sum3A_316 = arith.constant dense<0.000000e+00> : vector<128xf32>
    %reduce_sum3A_317 = vector.multi_reduction <add>, %select_n3A_315, %reduce_sum3A_316 [0] : vector<1000x128xf32> to vector<128xf32>
    %broadcast_in_dim3A_318 = vector.shape_cast %reduce_sum3A_317 : vector<128xf32> to vector<1x128xf32>
    %add3A_319 = arith.addf %get3A_312, %broadcast_in_dim3A_318 : vector<1x128xf32>
    %swap3A_320 = arith.constant 9 : index
    %swap3A_321 = arith.constant 0 : index
    %swap3A_322 = vector.load %arg9[%swap3A_320, %swap3A_321] : memref<16x128xf32, #tpu.memory_space<vmem>>, vector<1x128xf32>
    tpu.vector_store %arg9[%swap3A_320, %swap3A_321], %add3A_319 {strides = array<i32>} : memref<16x128xf32, #tpu.memory_space<vmem>>, vector<1x128xf32>,
    %get3A_323 = arith.constant 9 : index
    %get3A_324 = arith.constant 0 : index
    %get3A_325 = vector.load %arg10[%get3A_323, %get3A_324] : memref<16x128xf32, #tpu.memory_space<vmem>>, vector<1x128xf32>
    %jit3A_326 = arith.constant 0.000000e+00 : f32
    %broadcast_in_dim3A_327 = vector.broadcast %jit3A_326 : f32 to vector<1000x128xf32>
    %select_n3A_328 = arith.select %eq3A_309, %add3A_46, %broadcast_in_dim3A_327 : vector<1000x128xi1>, vector<1000x128xf32>
    %reduce_sum3A_329 = arith.constant dense<0.000000e+00> : vector<128xf32>
    %reduce_sum3A_330 = vector.multi_reduction <add>, %select_n3A_328, %reduce_sum3A_329 [0] : vector<1000x128xf32> to vector<128xf32>
    %broadcast_in_dim3A_331 = vector.shape_cast %reduce_sum3A_330 : vector<128xf32> to vector<1x128xf32>
    %add3A_332 = arith.addf %get3A_325, %broadcast_in_dim3A_331 : vector<1x128xf32>
    %swap3A_333 = arith.constant 9 : index
    %swap3A_334 = arith.constant 0 : index
    %swap3A_335 = vector.load %arg10[%swap3A_333, %swap3A_334] : memref<16x128xf32, #tpu.memory_space<vmem>>, vector<1x128xf32>
    tpu.vector_store %arg10[%swap3A_333, %swap3A_334], %add3A_332 {strides = array<i32>} : memref<16x128xf32, #tpu.memory_space<vmem>>, vector<1x128xf32>,
    %eq3A_336 = arith.constant 1.000000e+01 : f32
    %eq3A_337 = vector.broadcast %eq3A_336 : f32 to vector<1000x128xf32>
    %eq3A_338 = arith.cmpf oeq, %get3A_49, %eq3A_337 : vector<1000x128xf32>
    %get3A_339 = arith.constant 10 : index
    %get3A_340 = arith.constant 0 : index
    %get3A_341 = vector.load %arg9[%get3A_339, %get3A_340] : memref<16x128xf32, #tpu.memory_space<vmem>>, vector<1x128xf32>
    %jit3A_342 = arith.constant 0.000000e+00 : f32
    %broadcast_in_dim3A_343 = vector.broadcast %jit3A_342 : f32 to vector<1000x128xf32>
    %select_n3A_344 = arith.select %eq3A_338, %add3A_33, %broadcast_in_dim3A_343 : vector<1000x128xi1>, vector<1000x128xf32>
    %reduce_sum3A_345 = arith.constant dense<0.000000e+00> : vector<128xf32>
    %reduce_sum3A_346 = vector.multi_reduction <add>, %select_n3A_344, %reduce_sum3A_345 [0] : vector<1000x128xf32> to vector<128xf32>
    %broadcast_in_dim3A_347 = vector.shape_cast %reduce_sum3A_346 : vector<128xf32> to vector<1x128xf32>
    %add3A_348 = arith.addf %get3A_341, %broadcast_in_dim3A_347 : vector<1x128xf32>
    %swap3A_349 = arith.constant 10 : index
    %swap3A_350 = arith.constant 0 : index
    %swap3A_351 = vector.load %arg9[%swap3A_349, %swap3A_350] : memref<16x128xf32, #tpu.memory_space<vmem>>, vector<1x128xf32>
    tpu.vector_store %arg9[%swap3A_349, %swap3A_350], %add3A_348 {strides = array<i32>} : memref<16x128xf32, #tpu.memory_space<vmem>>, vector<1x128xf32>,
    %get3A_352 = arith.constant 10 : index
    %get3A_353 = arith.constant 0 : index
    %get3A_354 = vector.load %arg10[%get3A_352, %get3A_353] : memref<16x128xf32, #tpu.memory_space<vmem>>, vector<1x128xf32>
    %jit3A_355 = arith.constant 0.000000e+00 : f32
    %broadcast_in_dim3A_356 = vector.broadcast %jit3A_355 : f32 to vector<1000x128xf32>
    %select_n3A_357 = arith.select %eq3A_338, %add3A_46, %broadcast_in_dim3A_356 : vector<1000x128xi1>, vector<1000x128xf32>
    %reduce_sum3A_358 = arith.constant dense<0.000000e+00> : vector<128xf32>
    %reduce_sum3A_359 = vector.multi_reduction <add>, %select_n3A_357, %reduce_sum3A_358 [0] : vector<1000x128xf32> to vector<128xf32>
    %broadcast_in_dim3A_360 = vector.shape_cast %reduce_sum3A_359 : vector<128xf32> to vector<1x128xf32>
    %add3A_361 = arith.addf %get3A_354, %broadcast_in_dim3A_360 : vector<1x128xf32>
    %swap3A_362 = arith.constant 10 : index
    %swap3A_363 = arith.constant 0 : index
    %swap3A_364 = vector.load %arg10[%swap3A_362, %swap3A_363] : memref<16x128xf32, #tpu.memory_space<vmem>>, vector<1x128xf32>
    tpu.vector_store %arg10[%swap3A_362, %swap3A_363], %add3A_361 {strides = array<i32>} : memref<16x128xf32, #tpu.memory_space<vmem>>, vector<1x128xf32>,
    %eq3A_365 = arith.constant 1.100000e+01 : f32
    %eq3A_366 = vector.broadcast %eq3A_365 : f32 to vector<1000x128xf32>
    %eq3A_367 = arith.cmpf oeq, %get3A_49, %eq3A_366 : vector<1000x128xf32>
    %get3A_368 = arith.constant 11 : index
    %get3A_369 = arith.constant 0 : index
    %get3A_370 = vector.load %arg9[%get3A_368, %get3A_369] : memref<16x128xf32, #tpu.memory_space<vmem>>, vector<1x128xf32>
    %jit3A_371 = arith.constant 0.000000e+00 : f32
    %broadcast_in_dim3A_372 = vector.broadcast %jit3A_371 : f32 to vector<1000x128xf32>
    %select_n3A_373 = arith.select %eq3A_367, %add3A_33, %broadcast_in_dim3A_372 : vector<1000x128xi1>, vector<1000x128xf32>
    %reduce_sum3A_374 = arith.constant dense<0.000000e+00> : vector<128xf32>
    %reduce_sum3A_375 = vector.multi_reduction <add>, %select_n3A_373, %reduce_sum3A_374 [0] : vector<1000x128xf32> to vector<128xf32>
    %broadcast_in_dim3A_376 = vector.shape_cast %reduce_sum3A_375 : vector<128xf32> to vector<1x128xf32>
    %add3A_377 = arith.addf %get3A_370, %broadcast_in_dim3A_376 : vector<1x128xf32>
    %swap3A_378 = arith.constant 11 : index
    %swap3A_379 = arith.constant 0 : index
    %swap3A_380 = vector.load %arg9[%swap3A_378, %swap3A_379] : memref<16x128xf32, #tpu.memory_space<vmem>>, vector<1x128xf32>
    tpu.vector_store %arg9[%swap3A_378, %swap3A_379], %add3A_377 {strides = array<i32>} : memref<16x128xf32, #tpu.memory_space<vmem>>, vector<1x128xf32>,
    %get3A_381 = arith.constant 11 : index
    %get3A_382 = arith.constant 0 : index
    %get3A_383 = vector.load %arg10[%get3A_381, %get3A_382] : memref<16x128xf32, #tpu.memory_space<vmem>>, vector<1x128xf32>
    %jit3A_384 = arith.constant 0.000000e+00 : f32
    %broadcast_in_dim3A_385 = vector.broadcast %jit3A_384 : f32 to vector<1000x128xf32>
    %select_n3A_386 = arith.select %eq3A_367, %add3A_46, %broadcast_in_dim3A_385 : vector<1000x128xi1>, vector<1000x128xf32>
    %reduce_sum3A_387 = arith.constant dense<0.000000e+00> : vector<128xf32>
    %reduce_sum3A_388 = vector.multi_reduction <add>, %select_n3A_386, %reduce_sum3A_387 [0] : vector<1000x128xf32> to vector<128xf32>
    %broadcast_in_dim3A_389 = vector.shape_cast %reduce_sum3A_388 : vector<128xf32> to vector<1x128xf32>
    %add3A_390 = arith.addf %get3A_383, %broadcast_in_dim3A_389 : vector<1x128xf32>
    %swap3A_391 = arith.constant 11 : index
    %swap3A_392 = arith.constant 0 : index
    %swap3A_393 = vector.load %arg10[%swap3A_391, %swap3A_392] : memref<16x128xf32, #tpu.memory_space<vmem>>, vector<1x128xf32>
    tpu.vector_store %arg10[%swap3A_391, %swap3A_392], %add3A_390 {strides = array<i32>} : memref<16x128xf32, #tpu.memory_space<vmem>>, vector<1x128xf32>,
    %eq3A_394 = arith.constant 1.200000e+01 : f32
    %eq3A_395 = vector.broadcast %eq3A_394 : f32 to vector<1000x128xf32>
    %eq3A_396 = arith.cmpf oeq, %get3A_49, %eq3A_395 : vector<1000x128xf32>
    %get3A_397 = arith.constant 12 : index
    %get3A_398 = arith.constant 0 : index
    %get3A_399 = vector.load %arg9[%get3A_397, %get3A_398] : memref<16x128xf32, #tpu.memory_space<vmem>>, vector<1x128xf32>
    %jit3A_400 = arith.constant 0.000000e+00 : f32
    %broadcast_in_dim3A_401 = vector.broadcast %jit3A_400 : f32 to vector<1000x128xf32>
    %select_n3A_402 = arith.select %eq3A_396, %add3A_33, %broadcast_in_dim3A_401 : vector<1000x128xi1>, vector<1000x128xf32>
    %reduce_sum3A_403 = arith.constant dense<0.000000e+00> : vector<128xf32>
    %reduce_sum3A_404 = vector.multi_reduction <add>, %select_n3A_402, %reduce_sum3A_403 [0] : vector<1000x128xf32> to vector<128xf32>
    %broadcast_in_dim3A_405 = vector.shape_cast %reduce_sum3A_404 : vector<128xf32> to vector<1x128xf32>
    %add3A_406 = arith.addf %get3A_399, %broadcast_in_dim3A_405 : vector<1x128xf32>
    %swap3A_407 = arith.constant 12 : index
    %swap3A_408 = arith.constant 0 : index
    %swap3A_409 = vector.load %arg9[%swap3A_407, %swap3A_408] : memref<16x128xf32, #tpu.memory_space<vmem>>, vector<1x128xf32>
    tpu.vector_store %arg9[%swap3A_407, %swap3A_408], %add3A_406 {strides = array<i32>} : memref<16x128xf32, #tpu.memory_space<vmem>>, vector<1x128xf32>,
    %get3A_410 = arith.constant 12 : index
    %get3A_411 = arith.constant 0 : index
    %get3A_412 = vector.load %arg10[%get3A_410, %get3A_411] : memref<16x128xf32, #tpu.memory_space<vmem>>, vector<1x128xf32>
    %jit3A_413 = arith.constant 0.000000e+00 : f32
    %broadcast_in_dim3A_414 = vector.broadcast %jit3A_413 : f32 to vector<1000x128xf32>
    %select_n3A_415 = arith.select %eq3A_396, %add3A_46, %broadcast_in_dim3A_414 : vector<1000x128xi1>, vector<1000x128xf32>
    %reduce_sum3A_416 = arith.constant dense<0.000000e+00> : vector<128xf32>
    %reduce_sum3A_417 = vector.multi_reduction <add>, %select_n3A_415, %reduce_sum3A_416 [0] : vector<1000x128xf32> to vector<128xf32>
    %broadcast_in_dim3A_418 = vector.shape_cast %reduce_sum3A_417 : vector<128xf32> to vector<1x128xf32>
    %add3A_419 = arith.addf %get3A_412, %broadcast_in_dim3A_418 : vector<1x128xf32>
    %swap3A_420 = arith.constant 12 : index
    %swap3A_421 = arith.constant 0 : index
    %swap3A_422 = vector.load %arg10[%swap3A_420, %swap3A_421] : memref<16x128xf32, #tpu.memory_space<vmem>>, vector<1x128xf32>
    tpu.vector_store %arg10[%swap3A_420, %swap3A_421], %add3A_419 {strides = array<i32>} : memref<16x128xf32, #tpu.memory_space<vmem>>, vector<1x128xf32>,
    %eq3A_423 = arith.constant 1.300000e+01 : f32
    %eq3A_424 = vector.broadcast %eq3A_423 : f32 to vector<1000x128xf32>
    %eq3A_425 = arith.cmpf oeq, %get3A_49, %eq3A_424 : vector<1000x128xf32>
    %get3A_426 = arith.constant 13 : index
    %get3A_427 = arith.constant 0 : index
    %get3A_428 = vector.load %arg9[%get3A_426, %get3A_427] : memref<16x128xf32, #tpu.memory_space<vmem>>, vector<1x128xf32>
    %jit3A_429 = arith.constant 0.000000e+00 : f32
    %broadcast_in_dim3A_430 = vector.broadcast %jit3A_429 : f32 to vector<1000x128xf32>
    %select_n3A_431 = arith.select %eq3A_425, %add3A_33, %broadcast_in_dim3A_430 : vector<1000x128xi1>, vector<1000x128xf32>
    %reduce_sum3A_432 = arith.constant dense<0.000000e+00> : vector<128xf32>
    %reduce_sum3A_433 = vector.multi_reduction <add>, %select_n3A_431, %reduce_sum3A_432 [0] : vector<1000x128xf32> to vector<128xf32>
    %broadcast_in_dim3A_434 = vector.shape_cast %reduce_sum3A_433 : vector<128xf32> to vector<1x128xf32>
    %add3A_435 = arith.addf %get3A_428, %broadcast_in_dim3A_434 : vector<1x128xf32>
    %swap3A_436 = arith.constant 13 : index
    %swap3A_437 = arith.constant 0 : index
    %swap3A_438 = vector.load %arg9[%swap3A_436, %swap3A_437] : memref<16x128xf32, #tpu.memory_space<vmem>>, vector<1x128xf32>
    tpu.vector_store %arg9[%swap3A_436, %swap3A_437], %add3A_435 {strides = array<i32>} : memref<16x128xf32, #tpu.memory_space<vmem>>, vector<1x128xf32>,
    %get3A_439 = arith.constant 13 : index
    %get3A_440 = arith.constant 0 : index
    %get3A_441 = vector.load %arg10[%get3A_439, %get3A_440] : memref<16x128xf32, #tpu.memory_space<vmem>>, vector<1x128xf32>
    %jit3A_442 = arith.constant 0.000000e+00 : f32
    %broadcast_in_dim3A_443 = vector.broadcast %jit3A_442 : f32 to vector<1000x128xf32>
    %select_n3A_444 = arith.select %eq3A_425, %add3A_46, %broadcast_in_dim3A_443 : vector<1000x128xi1>, vector<1000x128xf32>
    %reduce_sum3A_445 = arith.constant dense<0.000000e+00> : vector<128xf32>
    %reduce_sum3A_446 = vector.multi_reduction <add>, %select_n3A_444, %reduce_sum3A_445 [0] : vector<1000x128xf32> to vector<128xf32>
    %broadcast_in_dim3A_447 = vector.shape_cast %reduce_sum3A_446 : vector<128xf32> to vector<1x128xf32>
    %add3A_448 = arith.addf %get3A_441, %broadcast_in_dim3A_447 : vector<1x128xf32>
    %swap3A_449 = arith.constant 13 : index
    %swap3A_450 = arith.constant 0 : index
    %swap3A_451 = vector.load %arg10[%swap3A_449, %swap3A_450] : memref<16x128xf32, #tpu.memory_space<vmem>>, vector<1x128xf32>
    tpu.vector_store %arg10[%swap3A_449, %swap3A_450], %add3A_448 {strides = array<i32>} : memref<16x128xf32, #tpu.memory_space<vmem>>, vector<1x128xf32>,
    %eq3A_452 = arith.constant 1.400000e+01 : f32
    %eq3A_453 = vector.broadcast %eq3A_452 : f32 to vector<1000x128xf32>
    %eq3A_454 = arith.cmpf oeq, %get3A_49, %eq3A_453 : vector<1000x128xf32>
    %get3A_455 = arith.constant 14 : index
    %get3A_456 = arith.constant 0 : index
    %get3A_457 = vector.load %arg9[%get3A_455, %get3A_456] : memref<16x128xf32, #tpu.memory_space<vmem>>, vector<1x128xf32>
    %jit3A_458 = arith.constant 0.000000e+00 : f32
    %broadcast_in_dim3A_459 = vector.broadcast %jit3A_458 : f32 to vector<1000x128xf32>
    %select_n3A_460 = arith.select %eq3A_454, %add3A_33, %broadcast_in_dim3A_459 : vector<1000x128xi1>, vector<1000x128xf32>
    %reduce_sum3A_461 = arith.constant dense<0.000000e+00> : vector<128xf32>
    %reduce_sum3A_462 = vector.multi_reduction <add>, %select_n3A_460, %reduce_sum3A_461 [0] : vector<1000x128xf32> to vector<128xf32>
    %broadcast_in_dim3A_463 = vector.shape_cast %reduce_sum3A_462 : vector<128xf32> to vector<1x128xf32>
    %add3A_464 = arith.addf %get3A_457, %broadcast_in_dim3A_463 : vector<1x128xf32>
    %swap3A_465 = arith.constant 14 : index
    %swap3A_466 = arith.constant 0 : index
    %swap3A_467 = vector.load %arg9[%swap3A_465, %swap3A_466] : memref<16x128xf32, #tpu.memory_space<vmem>>, vector<1x128xf32>
    tpu.vector_store %arg9[%swap3A_465, %swap3A_466], %add3A_464 {strides = array<i32>} : memref<16x128xf32, #tpu.memory_space<vmem>>, vector<1x128xf32>,
    %get3A_468 = arith.constant 14 : index
    %get3A_469 = arith.constant 0 : index
    %get3A_470 = vector.load %arg10[%get3A_468, %get3A_469] : memref<16x128xf32, #tpu.memory_space<vmem>>, vector<1x128xf32>
    %jit3A_471 = arith.constant 0.000000e+00 : f32
    %broadcast_in_dim3A_472 = vector.broadcast %jit3A_471 : f32 to vector<1000x128xf32>
    %select_n3A_473 = arith.select %eq3A_454, %add3A_46, %broadcast_in_dim3A_472 : vector<1000x128xi1>, vector<1000x128xf32>
    %reduce_sum3A_474 = arith.constant dense<0.000000e+00> : vector<128xf32>
    %reduce_sum3A_475 = vector.multi_reduction <add>, %select_n3A_473, %reduce_sum3A_474 [0] : vector<1000x128xf32> to vector<128xf32>
    %broadcast_in_dim3A_476 = vector.shape_cast %reduce_sum3A_475 : vector<128xf32> to vector<1x128xf32>
    %add3A_477 = arith.addf %get3A_470, %broadcast_in_dim3A_476 : vector<1x128xf32>
    %swap3A_478 = arith.constant 14 : index
    %swap3A_479 = arith.constant 0 : index
    %swap3A_480 = vector.load %arg10[%swap3A_478, %swap3A_479] : memref<16x128xf32, #tpu.memory_space<vmem>>, vector<1x128xf32>
    tpu.vector_store %arg10[%swap3A_478, %swap3A_479], %add3A_477 {strides = array<i32>} : memref<16x128xf32, #tpu.memory_space<vmem>>, vector<1x128xf32>,
    %eq3A_481 = arith.constant 1.500000e+01 : f32
    %eq3A_482 = vector.broadcast %eq3A_481 : f32 to vector<1000x128xf32>
    %eq3A_483 = arith.cmpf oeq, %get3A_49, %eq3A_482 : vector<1000x128xf32>
    %get3A_484 = arith.constant 15 : index
    %get3A_485 = arith.constant 0 : index
    %get3A_486 = vector.load %arg9[%get3A_484, %get3A_485] : memref<16x128xf32, #tpu.memory_space<vmem>>, vector<1x128xf32>
    %jit3A_487 = arith.constant 0.000000e+00 : f32
    %broadcast_in_dim3A_488 = vector.broadcast %jit3A_487 : f32 to vector<1000x128xf32>
    %select_n3A_489 = arith.select %eq3A_483, %add3A_33, %broadcast_in_dim3A_488 : vector<1000x128xi1>, vector<1000x128xf32>
    %reduce_sum3A_490 = arith.constant dense<0.000000e+00> : vector<128xf32>
    %reduce_sum3A_491 = vector.multi_reduction <add>, %select_n3A_489, %reduce_sum3A_490 [0] : vector<1000x128xf32> to vector<128xf32>
    %broadcast_in_dim3A_492 = vector.shape_cast %reduce_sum3A_491 : vector<128xf32> to vector<1x128xf32>
    %add3A_493 = arith.addf %get3A_486, %broadcast_in_dim3A_492 : vector<1x128xf32>
    %swap3A_494 = arith.constant 15 : index
    %swap3A_495 = arith.constant 0 : index
    %swap3A_496 = vector.load %arg9[%swap3A_494, %swap3A_495] : memref<16x128xf32, #tpu.memory_space<vmem>>, vector<1x128xf32>
    tpu.vector_store %arg9[%swap3A_494, %swap3A_495], %add3A_493 {strides = array<i32>} : memref<16x128xf32, #tpu.memory_space<vmem>>, vector<1x128xf32>,
    %get3A_497 = arith.constant 15 : index
    %get3A_498 = arith.constant 0 : index
    %get3A_499 = vector.load %arg10[%get3A_497, %get3A_498] : memref<16x128xf32, #tpu.memory_space<vmem>>, vector<1x128xf32>
    %jit3A_500 = arith.constant 0.000000e+00 : f32
    %broadcast_in_dim3A_501 = vector.broadcast %jit3A_500 : f32 to vector<1000x128xf32>
    %select_n3A_502 = arith.select %eq3A_483, %add3A_46, %broadcast_in_dim3A_501 : vector<1000x128xi1>, vector<1000x128xf32>
    %reduce_sum3A_503 = arith.constant dense<0.000000e+00> : vector<128xf32>
    %reduce_sum3A_504 = vector.multi_reduction <add>, %select_n3A_502, %reduce_sum3A_503 [0] : vector<1000x128xf32> to vector<128xf32>
    %broadcast_in_dim3A_505 = vector.shape_cast %reduce_sum3A_504 : vector<128xf32> to vector<1x128xf32>
    %add3A_506 = arith.addf %get3A_499, %broadcast_in_dim3A_505 : vector<1x128xf32>
    %swap3A_507 = arith.constant 15 : index
    %swap3A_508 = arith.constant 0 : index
    %swap3A_509 = vector.load %arg10[%swap3A_507, %swap3A_508] : memref<16x128xf32, #tpu.memory_space<vmem>>, vector<1x128xf32>
    tpu.vector_store %arg10[%swap3A_507, %swap3A_508], %add3A_506 {strides = array<i32>} : memref<16x128xf32, #tpu.memory_space<vmem>>, vector<1x128xf32>,
    return
  }
  func.func @transform_0(%arg0: i32) -> (i32, i32) {
    %c0_i32 = arith.constant 0 : i32
    %c0_i32_0 = arith.constant 0 : i32
    return %arg0, %c0_i32 : i32, i32
  }
  func.func @transform_1(%arg0: i32) -> (i32, i32) {
    %c0_i32 = arith.constant 0 : i32
    %c0_i32_0 = arith.constant 0 : i32
    %c0_i32_1 = arith.constant 0 : i32
    return %c0_i32, %c0_i32_0 : i32, i32
  }
  func.func @transform_2(%arg0: i32) -> (i32, i32) {
    %c0_i32 = arith.constant 0 : i32
    %c0_i32_0 = arith.constant 0 : i32
    %c0_i32_1 = arith.constant 0 : i32
    return %c0_i32, %c0_i32_0 : i32, i32
  }
  func.func @transform_3(%arg0: i32) -> (i32, i32) {
    %c0_i32 = arith.constant 0 : i32
    %c0_i32_0 = arith.constant 0 : i32
    %c0_i32_1 = arith.constant 0 : i32
    return %c0_i32, %c0_i32_0 : i32, i32
  }
  func.func @transform_4(%arg0: i32) -> (i32, i32) {
    %c0_i32 = arith.constant 0 : i32
    %c0_i32_0 = arith.constant 0 : i32
    return %arg0, %c0_i32 : i32, i32
  }
  func.func @transform_5(%arg0: i32) -> (i32, i32, i32) {
    %c0_i32 = arith.constant 0 : i32
    %c0_i32_0 = arith.constant 0 : i32
    %c0_i32_1 = arith.constant 0 : i32
    return %c0_i32, %arg0, %c0_i32_0 : i32, i32, i32
  }
  func.func @transform_6(%arg0: i32) -> (i32, i32, i32) {
    %c1_i32 = arith.constant 1 : i32
    %c0_i32 = arith.constant 0 : i32
    %c0_i32_0 = arith.constant 0 : i32
    return %c1_i32, %arg0, %c0_i32 : i32, i32, i32
  }
  func.func @transform_7(%arg0: i32) -> (i32, i32) {
    %c0_i32 = arith.constant 0 : i32
    %c0_i32_0 = arith.constant 0 : i32
    return %arg0, %c0_i32 : i32, i32
  }
  func.func @transform_8(%arg0: i32) -> (i32, i32) {
    %c0_i32 = arith.constant 0 : i32
    %c0_i32_0 = arith.constant 0 : i32
    %c0_i32_1 = arith.constant 0 : i32
    return %c0_i32, %c0_i32_0 : i32, i32
  }
  func.func @transform_9(%arg0: i32) -> (i32, i32) {
    %c0_i32 = arith.constant 0 : i32
    %c0_i32_0 = arith.constant 0 : i32
    %c0_i32_1 = arith.constant 0 : i32
    return %c0_i32, %c0_i32_0 : i32, i32
  }
}

module attributes {stable_mosaic.version = 14 : i64} {
  func.func @_proj_body(%arg0: i32, %arg1: memref<1000x128xf32, #tpu.memory_space<vmem>>, %arg2: memref<1000x128xf32, #tpu.memory_space<vmem>>, %arg3: memref<16x128xf32, #tpu.memory_space<vmem>>, %arg4: memref<256x128xf32, #tpu.memory_space<vmem>>, %arg5: memref<8x128xf32, #tpu.memory_space<vmem>>, %arg6: memref<1000x128xf32, #tpu.memory_space<vmem>>) attributes {dimension_semantics = [#tpu.dimension_semantics<arbitrary>], iteration_bounds = array<i64: 10>, scalar_prefetch = 0 : i64, scratch_operands = 0 : i64, tpu.core_type = #tpu.core_type<tc>, window_params = [{transform_indices = @transform_0, window_bounds = array<i64: 1000, 128>}, {transform_indices = @transform_1, window_bounds = array<i64: 1000, 128>}, {pipeline_mode = #tpu.pipeline_mode<synchronous>, transform_indices = @transform_2, window_bounds = array<i64: 16, 128>}, {pipeline_mode = #tpu.pipeline_mode<synchronous>, transform_indices = @transform_3, window_bounds = array<i64: 256, 128>}, {pipeline_mode = #tpu.pipeline_mode<synchronous>, transform_indices = @transform_4, window_bounds = array<i64: 8, 128>}, {transform_indices = @transform_5, window_bounds = array<i64: 1000, 128>}]} {
    %get3A = arith.constant 0 : index
    %get3A_0 = arith.constant 0 : index
    %get3A_1 = vector.load %arg2[%get3A, %get3A_0] : memref<1000x128xf32, #tpu.memory_space<vmem>>, vector<1000x128xf32>
    %broadcast_in_dim3A = arith.constant 0.000000e+00 : f32
    %broadcast_in_dim3A_2 = vector.broadcast %broadcast_in_dim3A : f32 to vector<1000x128xf32>
    %eq3A = arith.constant 0.000000e+00 : f32
    %eq3A_3 = vector.broadcast %eq3A : f32 to vector<1000x128xf32>
    %eq3A_4 = arith.cmpf oeq, %get3A_1, %eq3A_3 : vector<1000x128xf32>
    %jit3A = arith.constant 1.000000e+00 : f32
    %jit3A_5 = arith.constant 0.000000e+00 : f32
    %broadcast_in_dim3A_6 = vector.broadcast %jit3A : f32 to vector<1000x128xf32>
    %broadcast_in_dim3A_7 = vector.broadcast %jit3A_5 : f32 to vector<1000x128xf32>
    %select_n3A = arith.select %eq3A_4, %broadcast_in_dim3A_6, %broadcast_in_dim3A_7 : vector<1000x128xi1>, vector<1000x128xf32>
    %get3A_8 = arith.constant 0 : index
    %get3A_9 = arith.constant 0 : index
    %get3A_10 = vector.load %arg3[%get3A_8, %get3A_9] : memref<16x128xf32, #tpu.memory_space<vmem>>, vector<1x128xf32>
    %mul3A = vector.broadcast %get3A_10 : vector<1x128xf32> to vector<1000x128xf32>
    %mul3A_11 = arith.mulf %select_n3A, %mul3A : vector<1000x128xf32>
    %add3A = arith.addf %broadcast_in_dim3A_2, %mul3A_11 : vector<1000x128xf32>
    %eq3A_12 = arith.constant 1.000000e+00 : f32
    %eq3A_13 = vector.broadcast %eq3A_12 : f32 to vector<1000x128xf32>
    %eq3A_14 = arith.cmpf oeq, %get3A_1, %eq3A_13 : vector<1000x128xf32>
    %jit3A_15 = arith.constant 1.000000e+00 : f32
    %jit3A_16 = arith.constant 0.000000e+00 : f32
    %broadcast_in_dim3A_17 = vector.broadcast %jit3A_15 : f32 to vector<1000x128xf32>
    %broadcast_in_dim3A_18 = vector.broadcast %jit3A_16 : f32 to vector<1000x128xf32>
    %select_n3A_19 = arith.select %eq3A_14, %broadcast_in_dim3A_17, %broadcast_in_dim3A_18 : vector<1000x128xi1>, vector<1000x128xf32>
    %get3A_20 = arith.constant 1 : index
    %get3A_21 = arith.constant 0 : index
    %get3A_22 = vector.load %arg3[%get3A_20, %get3A_21] : memref<16x128xf32, #tpu.memory_space<vmem>>, vector<1x128xf32>
    %mul3A_23 = vector.broadcast %get3A_22 : vector<1x128xf32> to vector<1000x128xf32>
    %mul3A_24 = arith.mulf %select_n3A_19, %mul3A_23 : vector<1000x128xf32>
    %add3A_25 = arith.addf %add3A, %mul3A_24 : vector<1000x128xf32>
    %eq3A_26 = arith.constant 2.000000e+00 : f32
    %eq3A_27 = vector.broadcast %eq3A_26 : f32 to vector<1000x128xf32>
    %eq3A_28 = arith.cmpf oeq, %get3A_1, %eq3A_27 : vector<1000x128xf32>
    %jit3A_29 = arith.constant 1.000000e+00 : f32
    %jit3A_30 = arith.constant 0.000000e+00 : f32
    %broadcast_in_dim3A_31 = vector.broadcast %jit3A_29 : f32 to vector<1000x128xf32>
    %broadcast_in_dim3A_32 = vector.broadcast %jit3A_30 : f32 to vector<1000x128xf32>
    %select_n3A_33 = arith.select %eq3A_28, %broadcast_in_dim3A_31, %broadcast_in_dim3A_32 : vector<1000x128xi1>, vector<1000x128xf32>
    %get3A_34 = arith.constant 2 : index
    %get3A_35 = arith.constant 0 : index
    %get3A_36 = vector.load %arg3[%get3A_34, %get3A_35] : memref<16x128xf32, #tpu.memory_space<vmem>>, vector<1x128xf32>
    %mul3A_37 = vector.broadcast %get3A_36 : vector<1x128xf32> to vector<1000x128xf32>
    %mul3A_38 = arith.mulf %select_n3A_33, %mul3A_37 : vector<1000x128xf32>
    %add3A_39 = arith.addf %add3A_25, %mul3A_38 : vector<1000x128xf32>
    %eq3A_40 = arith.constant 3.000000e+00 : f32
    %eq3A_41 = vector.broadcast %eq3A_40 : f32 to vector<1000x128xf32>
    %eq3A_42 = arith.cmpf oeq, %get3A_1, %eq3A_41 : vector<1000x128xf32>
    %jit3A_43 = arith.constant 1.000000e+00 : f32
    %jit3A_44 = arith.constant 0.000000e+00 : f32
    %broadcast_in_dim3A_45 = vector.broadcast %jit3A_43 : f32 to vector<1000x128xf32>
    %broadcast_in_dim3A_46 = vector.broadcast %jit3A_44 : f32 to vector<1000x128xf32>
    %select_n3A_47 = arith.select %eq3A_42, %broadcast_in_dim3A_45, %broadcast_in_dim3A_46 : vector<1000x128xi1>, vector<1000x128xf32>
    %get3A_48 = arith.constant 3 : index
    %get3A_49 = arith.constant 0 : index
    %get3A_50 = vector.load %arg3[%get3A_48, %get3A_49] : memref<16x128xf32, #tpu.memory_space<vmem>>, vector<1x128xf32>
    %mul3A_51 = vector.broadcast %get3A_50 : vector<1x128xf32> to vector<1000x128xf32>
    %mul3A_52 = arith.mulf %select_n3A_47, %mul3A_51 : vector<1000x128xf32>
    %add3A_53 = arith.addf %add3A_39, %mul3A_52 : vector<1000x128xf32>
    %eq3A_54 = arith.constant 4.000000e+00 : f32
    %eq3A_55 = vector.broadcast %eq3A_54 : f32 to vector<1000x128xf32>
    %eq3A_56 = arith.cmpf oeq, %get3A_1, %eq3A_55 : vector<1000x128xf32>
    %jit3A_57 = arith.constant 1.000000e+00 : f32
    %jit3A_58 = arith.constant 0.000000e+00 : f32
    %broadcast_in_dim3A_59 = vector.broadcast %jit3A_57 : f32 to vector<1000x128xf32>
    %broadcast_in_dim3A_60 = vector.broadcast %jit3A_58 : f32 to vector<1000x128xf32>
    %select_n3A_61 = arith.select %eq3A_56, %broadcast_in_dim3A_59, %broadcast_in_dim3A_60 : vector<1000x128xi1>, vector<1000x128xf32>
    %get3A_62 = arith.constant 4 : index
    %get3A_63 = arith.constant 0 : index
    %get3A_64 = vector.load %arg3[%get3A_62, %get3A_63] : memref<16x128xf32, #tpu.memory_space<vmem>>, vector<1x128xf32>
    %mul3A_65 = vector.broadcast %get3A_64 : vector<1x128xf32> to vector<1000x128xf32>
    %mul3A_66 = arith.mulf %select_n3A_61, %mul3A_65 : vector<1000x128xf32>
    %add3A_67 = arith.addf %add3A_53, %mul3A_66 : vector<1000x128xf32>
    %eq3A_68 = arith.constant 5.000000e+00 : f32
    %eq3A_69 = vector.broadcast %eq3A_68 : f32 to vector<1000x128xf32>
    %eq3A_70 = arith.cmpf oeq, %get3A_1, %eq3A_69 : vector<1000x128xf32>
    %jit3A_71 = arith.constant 1.000000e+00 : f32
    %jit3A_72 = arith.constant 0.000000e+00 : f32
    %broadcast_in_dim3A_73 = vector.broadcast %jit3A_71 : f32 to vector<1000x128xf32>
    %broadcast_in_dim3A_74 = vector.broadcast %jit3A_72 : f32 to vector<1000x128xf32>
    %select_n3A_75 = arith.select %eq3A_70, %broadcast_in_dim3A_73, %broadcast_in_dim3A_74 : vector<1000x128xi1>, vector<1000x128xf32>
    %get3A_76 = arith.constant 5 : index
    %get3A_77 = arith.constant 0 : index
    %get3A_78 = vector.load %arg3[%get3A_76, %get3A_77] : memref<16x128xf32, #tpu.memory_space<vmem>>, vector<1x128xf32>
    %mul3A_79 = vector.broadcast %get3A_78 : vector<1x128xf32> to vector<1000x128xf32>
    %mul3A_80 = arith.mulf %select_n3A_75, %mul3A_79 : vector<1000x128xf32>
    %add3A_81 = arith.addf %add3A_67, %mul3A_80 : vector<1000x128xf32>
    %eq3A_82 = arith.constant 6.000000e+00 : f32
    %eq3A_83 = vector.broadcast %eq3A_82 : f32 to vector<1000x128xf32>
    %eq3A_84 = arith.cmpf oeq, %get3A_1, %eq3A_83 : vector<1000x128xf32>
    %jit3A_85 = arith.constant 1.000000e+00 : f32
    %jit3A_86 = arith.constant 0.000000e+00 : f32
    %broadcast_in_dim3A_87 = vector.broadcast %jit3A_85 : f32 to vector<1000x128xf32>
    %broadcast_in_dim3A_88 = vector.broadcast %jit3A_86 : f32 to vector<1000x128xf32>
    %select_n3A_89 = arith.select %eq3A_84, %broadcast_in_dim3A_87, %broadcast_in_dim3A_88 : vector<1000x128xi1>, vector<1000x128xf32>
    %get3A_90 = arith.constant 6 : index
    %get3A_91 = arith.constant 0 : index
    %get3A_92 = vector.load %arg3[%get3A_90, %get3A_91] : memref<16x128xf32, #tpu.memory_space<vmem>>, vector<1x128xf32>
    %mul3A_93 = vector.broadcast %get3A_92 : vector<1x128xf32> to vector<1000x128xf32>
    %mul3A_94 = arith.mulf %select_n3A_89, %mul3A_93 : vector<1000x128xf32>
    %add3A_95 = arith.addf %add3A_81, %mul3A_94 : vector<1000x128xf32>
    %eq3A_96 = arith.constant 7.000000e+00 : f32
    %eq3A_97 = vector.broadcast %eq3A_96 : f32 to vector<1000x128xf32>
    %eq3A_98 = arith.cmpf oeq, %get3A_1, %eq3A_97 : vector<1000x128xf32>
    %jit3A_99 = arith.constant 1.000000e+00 : f32
    %jit3A_100 = arith.constant 0.000000e+00 : f32
    %broadcast_in_dim3A_101 = vector.broadcast %jit3A_99 : f32 to vector<1000x128xf32>
    %broadcast_in_dim3A_102 = vector.broadcast %jit3A_100 : f32 to vector<1000x128xf32>
    %select_n3A_103 = arith.select %eq3A_98, %broadcast_in_dim3A_101, %broadcast_in_dim3A_102 : vector<1000x128xi1>, vector<1000x128xf32>
    %get3A_104 = arith.constant 7 : index
    %get3A_105 = arith.constant 0 : index
    %get3A_106 = vector.load %arg3[%get3A_104, %get3A_105] : memref<16x128xf32, #tpu.memory_space<vmem>>, vector<1x128xf32>
    %mul3A_107 = vector.broadcast %get3A_106 : vector<1x128xf32> to vector<1000x128xf32>
    %mul3A_108 = arith.mulf %select_n3A_103, %mul3A_107 : vector<1000x128xf32>
    %add3A_109 = arith.addf %add3A_95, %mul3A_108 : vector<1000x128xf32>
    %eq3A_110 = arith.constant 8.000000e+00 : f32
    %eq3A_111 = vector.broadcast %eq3A_110 : f32 to vector<1000x128xf32>
    %eq3A_112 = arith.cmpf oeq, %get3A_1, %eq3A_111 : vector<1000x128xf32>
    %jit3A_113 = arith.constant 1.000000e+00 : f32
    %jit3A_114 = arith.constant 0.000000e+00 : f32
    %broadcast_in_dim3A_115 = vector.broadcast %jit3A_113 : f32 to vector<1000x128xf32>
    %broadcast_in_dim3A_116 = vector.broadcast %jit3A_114 : f32 to vector<1000x128xf32>
    %select_n3A_117 = arith.select %eq3A_112, %broadcast_in_dim3A_115, %broadcast_in_dim3A_116 : vector<1000x128xi1>, vector<1000x128xf32>
    %get3A_118 = arith.constant 8 : index
    %get3A_119 = arith.constant 0 : index
    %get3A_120 = vector.load %arg3[%get3A_118, %get3A_119] : memref<16x128xf32, #tpu.memory_space<vmem>>, vector<1x128xf32>
    %mul3A_121 = vector.broadcast %get3A_120 : vector<1x128xf32> to vector<1000x128xf32>
    %mul3A_122 = arith.mulf %select_n3A_117, %mul3A_121 : vector<1000x128xf32>
    %add3A_123 = arith.addf %add3A_109, %mul3A_122 : vector<1000x128xf32>
    %eq3A_124 = arith.constant 9.000000e+00 : f32
    %eq3A_125 = vector.broadcast %eq3A_124 : f32 to vector<1000x128xf32>
    %eq3A_126 = arith.cmpf oeq, %get3A_1, %eq3A_125 : vector<1000x128xf32>
    %jit3A_127 = arith.constant 1.000000e+00 : f32
    %jit3A_128 = arith.constant 0.000000e+00 : f32
    %broadcast_in_dim3A_129 = vector.broadcast %jit3A_127 : f32 to vector<1000x128xf32>
    %broadcast_in_dim3A_130 = vector.broadcast %jit3A_128 : f32 to vector<1000x128xf32>
    %select_n3A_131 = arith.select %eq3A_126, %broadcast_in_dim3A_129, %broadcast_in_dim3A_130 : vector<1000x128xi1>, vector<1000x128xf32>
    %get3A_132 = arith.constant 9 : index
    %get3A_133 = arith.constant 0 : index
    %get3A_134 = vector.load %arg3[%get3A_132, %get3A_133] : memref<16x128xf32, #tpu.memory_space<vmem>>, vector<1x128xf32>
    %mul3A_135 = vector.broadcast %get3A_134 : vector<1x128xf32> to vector<1000x128xf32>
    %mul3A_136 = arith.mulf %select_n3A_131, %mul3A_135 : vector<1000x128xf32>
    %add3A_137 = arith.addf %add3A_123, %mul3A_136 : vector<1000x128xf32>
    %eq3A_138 = arith.constant 1.000000e+01 : f32
    %eq3A_139 = vector.broadcast %eq3A_138 : f32 to vector<1000x128xf32>
    %eq3A_140 = arith.cmpf oeq, %get3A_1, %eq3A_139 : vector<1000x128xf32>
    %jit3A_141 = arith.constant 1.000000e+00 : f32
    %jit3A_142 = arith.constant 0.000000e+00 : f32
    %broadcast_in_dim3A_143 = vector.broadcast %jit3A_141 : f32 to vector<1000x128xf32>
    %broadcast_in_dim3A_144 = vector.broadcast %jit3A_142 : f32 to vector<1000x128xf32>
    %select_n3A_145 = arith.select %eq3A_140, %broadcast_in_dim3A_143, %broadcast_in_dim3A_144 : vector<1000x128xi1>, vector<1000x128xf32>
    %get3A_146 = arith.constant 10 : index
    %get3A_147 = arith.constant 0 : index
    %get3A_148 = vector.load %arg3[%get3A_146, %get3A_147] : memref<16x128xf32, #tpu.memory_space<vmem>>, vector<1x128xf32>
    %mul3A_149 = vector.broadcast %get3A_148 : vector<1x128xf32> to vector<1000x128xf32>
    %mul3A_150 = arith.mulf %select_n3A_145, %mul3A_149 : vector<1000x128xf32>
    %add3A_151 = arith.addf %add3A_137, %mul3A_150 : vector<1000x128xf32>
    %eq3A_152 = arith.constant 1.100000e+01 : f32
    %eq3A_153 = vector.broadcast %eq3A_152 : f32 to vector<1000x128xf32>
    %eq3A_154 = arith.cmpf oeq, %get3A_1, %eq3A_153 : vector<1000x128xf32>
    %jit3A_155 = arith.constant 1.000000e+00 : f32
    %jit3A_156 = arith.constant 0.000000e+00 : f32
    %broadcast_in_dim3A_157 = vector.broadcast %jit3A_155 : f32 to vector<1000x128xf32>
    %broadcast_in_dim3A_158 = vector.broadcast %jit3A_156 : f32 to vector<1000x128xf32>
    %select_n3A_159 = arith.select %eq3A_154, %broadcast_in_dim3A_157, %broadcast_in_dim3A_158 : vector<1000x128xi1>, vector<1000x128xf32>
    %get3A_160 = arith.constant 11 : index
    %get3A_161 = arith.constant 0 : index
    %get3A_162 = vector.load %arg3[%get3A_160, %get3A_161] : memref<16x128xf32, #tpu.memory_space<vmem>>, vector<1x128xf32>
    %mul3A_163 = vector.broadcast %get3A_162 : vector<1x128xf32> to vector<1000x128xf32>
    %mul3A_164 = arith.mulf %select_n3A_159, %mul3A_163 : vector<1000x128xf32>
    %add3A_165 = arith.addf %add3A_151, %mul3A_164 : vector<1000x128xf32>
    %eq3A_166 = arith.constant 1.200000e+01 : f32
    %eq3A_167 = vector.broadcast %eq3A_166 : f32 to vector<1000x128xf32>
    %eq3A_168 = arith.cmpf oeq, %get3A_1, %eq3A_167 : vector<1000x128xf32>
    %jit3A_169 = arith.constant 1.000000e+00 : f32
    %jit3A_170 = arith.constant 0.000000e+00 : f32
    %broadcast_in_dim3A_171 = vector.broadcast %jit3A_169 : f32 to vector<1000x128xf32>
    %broadcast_in_dim3A_172 = vector.broadcast %jit3A_170 : f32 to vector<1000x128xf32>
    %select_n3A_173 = arith.select %eq3A_168, %broadcast_in_dim3A_171, %broadcast_in_dim3A_172 : vector<1000x128xi1>, vector<1000x128xf32>
    %get3A_174 = arith.constant 12 : index
    %get3A_175 = arith.constant 0 : index
    %get3A_176 = vector.load %arg3[%get3A_174, %get3A_175] : memref<16x128xf32, #tpu.memory_space<vmem>>, vector<1x128xf32>
    %mul3A_177 = vector.broadcast %get3A_176 : vector<1x128xf32> to vector<1000x128xf32>
    %mul3A_178 = arith.mulf %select_n3A_173, %mul3A_177 : vector<1000x128xf32>
    %add3A_179 = arith.addf %add3A_165, %mul3A_178 : vector<1000x128xf32>
    %eq3A_180 = arith.constant 1.300000e+01 : f32
    %eq3A_181 = vector.broadcast %eq3A_180 : f32 to vector<1000x128xf32>
    %eq3A_182 = arith.cmpf oeq, %get3A_1, %eq3A_181 : vector<1000x128xf32>
    %jit3A_183 = arith.constant 1.000000e+00 : f32
    %jit3A_184 = arith.constant 0.000000e+00 : f32
    %broadcast_in_dim3A_185 = vector.broadcast %jit3A_183 : f32 to vector<1000x128xf32>
    %broadcast_in_dim3A_186 = vector.broadcast %jit3A_184 : f32 to vector<1000x128xf32>
    %select_n3A_187 = arith.select %eq3A_182, %broadcast_in_dim3A_185, %broadcast_in_dim3A_186 : vector<1000x128xi1>, vector<1000x128xf32>
    %get3A_188 = arith.constant 13 : index
    %get3A_189 = arith.constant 0 : index
    %get3A_190 = vector.load %arg3[%get3A_188, %get3A_189] : memref<16x128xf32, #tpu.memory_space<vmem>>, vector<1x128xf32>
    %mul3A_191 = vector.broadcast %get3A_190 : vector<1x128xf32> to vector<1000x128xf32>
    %mul3A_192 = arith.mulf %select_n3A_187, %mul3A_191 : vector<1000x128xf32>
    %add3A_193 = arith.addf %add3A_179, %mul3A_192 : vector<1000x128xf32>
    %eq3A_194 = arith.constant 1.400000e+01 : f32
    %eq3A_195 = vector.broadcast %eq3A_194 : f32 to vector<1000x128xf32>
    %eq3A_196 = arith.cmpf oeq, %get3A_1, %eq3A_195 : vector<1000x128xf32>
    %jit3A_197 = arith.constant 1.000000e+00 : f32
    %jit3A_198 = arith.constant 0.000000e+00 : f32
    %broadcast_in_dim3A_199 = vector.broadcast %jit3A_197 : f32 to vector<1000x128xf32>
    %broadcast_in_dim3A_200 = vector.broadcast %jit3A_198 : f32 to vector<1000x128xf32>
    %select_n3A_201 = arith.select %eq3A_196, %broadcast_in_dim3A_199, %broadcast_in_dim3A_200 : vector<1000x128xi1>, vector<1000x128xf32>
    %get3A_202 = arith.constant 14 : index
    %get3A_203 = arith.constant 0 : index
    %get3A_204 = vector.load %arg3[%get3A_202, %get3A_203] : memref<16x128xf32, #tpu.memory_space<vmem>>, vector<1x128xf32>
    %mul3A_205 = vector.broadcast %get3A_204 : vector<1x128xf32> to vector<1000x128xf32>
    %mul3A_206 = arith.mulf %select_n3A_201, %mul3A_205 : vector<1000x128xf32>
    %add3A_207 = arith.addf %add3A_193, %mul3A_206 : vector<1000x128xf32>
    %eq3A_208 = arith.constant 1.500000e+01 : f32
    %eq3A_209 = vector.broadcast %eq3A_208 : f32 to vector<1000x128xf32>
    %eq3A_210 = arith.cmpf oeq, %get3A_1, %eq3A_209 : vector<1000x128xf32>
    %jit3A_211 = arith.constant 1.000000e+00 : f32
    %jit3A_212 = arith.constant 0.000000e+00 : f32
    %broadcast_in_dim3A_213 = vector.broadcast %jit3A_211 : f32 to vector<1000x128xf32>
    %broadcast_in_dim3A_214 = vector.broadcast %jit3A_212 : f32 to vector<1000x128xf32>
    %select_n3A_215 = arith.select %eq3A_210, %broadcast_in_dim3A_213, %broadcast_in_dim3A_214 : vector<1000x128xi1>, vector<1000x128xf32>
    %get3A_216 = arith.constant 15 : index
    %get3A_217 = arith.constant 0 : index
    %get3A_218 = vector.load %arg3[%get3A_216, %get3A_217] : memref<16x128xf32, #tpu.memory_space<vmem>>, vector<1x128xf32>
    %mul3A_219 = vector.broadcast %get3A_218 : vector<1x128xf32> to vector<1000x128xf32>
    %mul3A_220 = arith.mulf %select_n3A_215, %mul3A_219 : vector<1000x128xf32>
    %add3A_221 = arith.addf %add3A_207, %mul3A_220 : vector<1000x128xf32>
    %get3A_222 = arith.constant 0 : index
    %get3A_223 = arith.constant 0 : index
    %get3A_224 = vector.load %arg1[%get3A_222, %get3A_223] : memref<1000x128xf32, #tpu.memory_space<vmem>>, vector<1000x128xf32>
    %concatenate3A = tpu.concatenate %get3A_224, %add3A_221 in 1 : vector<1000x128xf32>, vector<1000x128xf32> -> vector<1000x256xf32>
    %get3A_225 = arith.constant 0 : index
    %get3A_226 = arith.constant 0 : index
    %get3A_227 = vector.load %arg4[%get3A_225, %get3A_226] : memref<256x128xf32, #tpu.memory_space<vmem>>, vector<256x128xf32>
    %dot_general3A = arith.constant dense<0.000000e+00> : vector<1000x128xf32>
    %dot_general3A_228 = tpu.matmul %concatenate3A, %get3A_227, %dot_general3A {dimension_numbers = #tpu.dot_dimension_numbers<[1], [0], [0], [1], [0, 0, 1, 1], [], []>, transpose_lhs_hint = false} : vector<1000x256xf32>, vector<256x128xf32>, vector<1000x128xf32> -> vector<1000x128xf32>
    %get3A_229 = arith.constant 0 : index
    %get3A_230 = arith.constant 0 : index
    %get3A_231 = vector.load %arg5[%get3A_229, %get3A_230] : memref<8x128xf32, #tpu.memory_space<vmem>>, vector<1x128xf32>
    %add3A_232 = vector.broadcast %get3A_231 : vector<1x128xf32> to vector<1000x128xf32>
    %add3A_233 = arith.addf %dot_general3A_228, %add3A_232 : vector<1000x128xf32>
    %max3A = arith.constant 0.000000e+00 : f32
    %max3A_234 = vector.broadcast %max3A : f32 to vector<1000x128xf32>
    %max3A_235 = arith.maximumf %add3A_233, %max3A_234 : vector<1000x128xf32>
    %swap3A = arith.constant 0 : index
    %swap3A_236 = arith.constant 0 : index
    %swap3A_237 = vector.load %arg6[%swap3A, %swap3A_236] : memref<1000x128xf32, #tpu.memory_space<vmem>>, vector<1000x128xf32>
    tpu.vector_store %arg6[%swap3A, %swap3A_236], %max3A_235 {strides = array<i32>} : memref<1000x128xf32, #tpu.memory_space<vmem>>, vector<1000x128xf32>,
    return
  }
  func.func @transform_0(%arg0: i32) -> (i32, i32) {
    %c0_i32 = arith.constant 0 : i32
    %c0_i32_0 = arith.constant 0 : i32
    return %arg0, %c0_i32 : i32, i32
  }
  func.func @transform_1(%arg0: i32) -> (i32, i32) {
    %c0_i32 = arith.constant 0 : i32
    %c0_i32_0 = arith.constant 0 : i32
    return %arg0, %c0_i32 : i32, i32
  }
  func.func @transform_2(%arg0: i32) -> (i32, i32) {
    %c0_i32 = arith.constant 0 : i32
    %c0_i32_0 = arith.constant 0 : i32
    %c0_i32_1 = arith.constant 0 : i32
    return %c0_i32, %c0_i32_0 : i32, i32
  }
  func.func @transform_3(%arg0: i32) -> (i32, i32) {
    %c0_i32 = arith.constant 0 : i32
    %c0_i32_0 = arith.constant 0 : i32
    %c0_i32_1 = arith.constant 0 : i32
    return %c0_i32, %c0_i32_0 : i32, i32
  }
  func.func @transform_4(%arg0: i32) -> (i32, i32) {
    %c0_i32 = arith.constant 0 : i32
    %c0_i32_0 = arith.constant 0 : i32
    %c0_i32_1 = arith.constant 0 : i32
    return %c0_i32, %c0_i32_0 : i32, i32
  }
  func.func @transform_5(%arg0: i32) -> (i32, i32) {
    %c0_i32 = arith.constant 0 : i32
    %c0_i32_0 = arith.constant 0 : i32
    return %arg0, %c0_i32 : i32, i32
  }
}

</mosaic_0001>

<sc_bundles>
// kernel: kernel.21.cloned.1.call-start
scs
__scs_entry_jumppad:
0x0: {  	(pc) =	sbr.rel $0x88, $3  }
0x1: {  	(tag) =	ssettag $0x0;
	lr =	simm.s32 $0x1  }
0x2: {  	[smem:$0x3F71] =	sst lr;
	_ =	strace $0xD0000000  }
0x3: {  	_ = 	snop  }
0x4: {  	_ = 	snop  }
0x5: {  	_ = 	snop  }
0x6: {  	_ = 	snop  }
0x7: {  	_ = 	snop  }
__scs_overlays_trampoline_lowered:
0x8: {  	[smem:$0x3F80] =	sst s0  }
0x9: {  	[smem:$0x3F81] =	sst s1  }
0xa: {  	[smem:$0x3F82] =	sst s2  }
0xb: {  	[smem:$0x3F83] =	sst s3  }
0xc: {  	[smem:$0x3F84] =	sst s4  }
0xd: {  	[smem:$0x3F85] =	sst s5  }
0xe: {  	[smem:$0x3F86] =	sst s6  }
0xf: {  	[smem:$0x3F87] =	sst s7  }
0x10: {  	[smem:$0x3F88] =	sst s8  }
0x11: {  	[smem:$0x3F89] =	sst s9;
	s0 =	simm.s32 @!p0 $0x0  }
0x12: {  	s1 =	sld [smem:$0x3F6F];
	s0 =	simm.s32 @p0 $0x1  }
0x13: {  	[smem:$0x3F8A] =	sst s0;
	s0 =	simm.s32 @!p1 $0x0  }
0x14: {  	s2 =	sld [smem:$0x3F6E];
	s0 =	simm.s32 @p1 $0x1  }
0x15: {  	[smem:$0x3F8B] =	sst s0;
	s0 =	simm.s32 @!p2 $0x0  }
0x16: {  	s3 =	sld [smem:$0x3FDB];
	s0 =	simm.s32 @p2 $0x1  }
0x17: {  	s4 =	simm.s32 $0x1BF5;
	[smem:$0x3F8D] =	sst s0  }
0x18: {  	s0 =	sld [smem:$0x3F70];
	_ =	swait.ge [sflag:s4], $0x0  }
0x19: {  	s7 =	sld [smem:$0x3F71]  }
0x1a: {  	s8 =	sadd.s32 $0xFFFFE003, lr  }
0x1b: {  	s9 =	sadd.s32 $0xFFFFFEF7, lr;
	s5 =	simm.s32 $0xFFFFFFFF;
	p2 =	slt.u32 s8, $0xFFFFF086  }
0x1c: {  	p1 =	slt.u32 s9, $0xF7A;
	s5 =	simm.s32 @!p2 $0x0  }
0x1d: {  	s5 =	simm.s32 @p1 $0x1;
	p0 =	seq.s32 s7, s2  }
0x1e: {  	s7 =	smul.u32 @!p0 $0xF7A, s2;
	p2 =	seq.s32 @!p0 s5, $0x0  }
0x1f: {  	s9 =	smul.u32 $0xF7A, s1;
	s8 =	simm.s32 @!p0 $0x1BF5;
	p2 =	por !p2, p0  }
0x20: {  	[sflag:s8] =	ssyncset.s32 @!p0 $0xFFFFF086;
	s6 =	sadd.s32 @!p0 s3, s7;
	s7 =	simm.s32 @!p0 $0x108  }
0x21: {  	s3 =	sadd.s32 s3, s9;
	s6 =	sadd.s32 @!p0 $0x88, s6;
	s7 =	simm.s32 @p2 $0x1082  }
0x22: {  	[simem:s7], [sflag:s8] =	dma.local @!p0 [hbm:s6], $0xF7A  }
0x23: {  	s9 =	sor.u32 $0xD0000000, s2;
	s6 =	simm.s32 $0x108;
	_ =	swait.ge @!p0 [sflag:s8], $0x0  }
0x24: {  	s3 =	sadd.s32 $0x88, s3;
	s6 =	simm.s32 @!p1 $0x1082;
	[sflag:s4] =	ssyncset.s32 $0xFFFFF086  }
0x25: {  	[simem:s6], [sflag:s4] =	dma.local [hbm:s3], $0xF7A  }
0x26: {  	[smem:$0x3F71] =	sst s1;
	(tag) =	ssettag s2;
	_ =	strace s9  }
0x27: {  	s1 =	sld [smem:$0x3F81]  }
0x28: {  	s2 =	sld [smem:$0x3F82]  }
0x29: {  	s4 =	sld [smem:$0x3F84]  }
0x2a: {  	p0 =	seq.s32 s5, $0x0;
	s5 =	sld [smem:$0x3F85]  }
0x2b: {  	s6 =	sld [smem:$0x3F86]  }
0x2c: {  	s7 =	sld [smem:$0x3F87]  }
0x2d: {  	s3 =	simm.s32 $0x108;
	s8 =	sld [smem:$0x3F88]  }
0x2e: {  	s3 =	simm.s32 @!p0 $0x1082;
	s9 =	sld [smem:$0x3F89]  }
0x2f: {  	lr =	sadd.s32 s0, s3;
	s0 =	sld [smem:$0x3F80]  }
0x30: {  	s3 =	sld [smem:$0x3F83]  }
0x31: {  	[smem:$0x3F8C] =	sst s10  }
0x32: {  	s10 =	sld [smem:$0x3F8A];
	_ =	sdelay $0x3  }
0x33: {  	p0 =	seq.s32 s10, $0x1;
	s10 =	sld [smem:$0x3F8C];
	_ =	sdelay $0x3  }
0x34: {  	[smem:$0x3F8C] =	sst s10  }
0x35: {  	s10 =	sld [smem:$0x3F8B];
	_ =	sdelay $0x3  }
0x36: {  	p1 =	seq.s32 s10, $0x1;
	s10 =	sld [smem:$0x3F8C];
	_ =	sdelay $0x3  }
0x37: {  	[smem:$0x3F8C] =	sst s10  }
0x38: {  	s10 =	sld [smem:$0x3F8D]  }
0x39: {  	_ = 	snop;
	(pc) =	sbr.ind lr, $3  }
0x3a: {  	_ = 	snop  }
0x3b: {  	_ = 	snop  }
0x3c: {  	p2 =	seq.s32 s10, $0x1;
	s10 =	sld [smem:$0x3F8C]  }
0x3d: {  	_ =	shalt  }
0x3e: {  	_ =	shalt  }
0x3f: {  	_ =	shalt  }
0x40: {  	_ =	shalt  }
0x41: {  	_ =	shalt  }
0x42: {  	_ =	shalt  }
0x43: {  	_ =	shalt  }
0x44: {  	_ =	shalt  }
0x45: {  	_ =	shalt  }
0x46: {  	_ =	shalt  }
0x47: {  	_ =	shalt  }
0x48: {  	_ =	shalt  }
0x49: {  	_ =	shalt  }
0x4a: {  	_ =	shalt  }
0x4b: {  	_ =	shalt  }
0x4c: {  	_ =	shalt  }
0x4d: {  	_ =	shalt  }
0x4e: {  	_ =	shalt  }
0x4f: {  	_ =	shalt  }
0x50: {  	_ =	shalt  }
0x51: {  	_ =	shalt  }
0x52: {  	_ =	shalt  }
0x53: {  	_ =	shalt  }
0x54: {  	_ =	shalt  }
0x55: {  	_ =	shalt  }
0x56: {  	_ =	shalt  }
0x57: {  	_ =	shalt  }
0x58: {  	_ =	shalt  }
0x59: {  	_ =	shalt  }
0x5a: {  	_ =	shalt  }
0x5b: {  	_ =	shalt  }
0x5c: {  	_ =	shalt  }
0x5d: {  	_ =	shalt  }
0x5e: {  	_ =	shalt  }
0x5f: {  	_ =	shalt  }
0x60: {  	_ =	shalt  }
0x61: {  	_ =	shalt  }
0x62: {  	_ =	shalt  }
0x63: {  	_ =	shalt  }
0x64: {  	_ =	shalt  }
0x65: {  	_ =	shalt  }
0x66: {  	_ =	shalt  }
0x67: {  	_ =	shalt  }
0x68: {  	_ =	shalt  }
0x69: {  	_ =	shalt  }
0x6a: {  	_ =	shalt  }
0x6b: {  	_ =	shalt  }
0x6c: {  	_ =	shalt  }
0x6d: {  	_ =	shalt  }
0x6e: {  	_ =	shalt  }
0x6f: {  	_ =	shalt  }
0x70: {  	_ =	shalt  }
0x71: {  	_ =	shalt  }
0x72: {  	_ =	shalt  }
0x73: {  	_ =	shalt  }
0x74: {  	_ =	shalt  }
0x75: {  	_ =	shalt  }
0x76: {  	_ =	shalt  }
0x77: {  	_ =	shalt  }
0x78: {  	_ =	shalt  }
0x79: {  	_ =	shalt  }
0x7a: {  	_ =	shalt  }
0x7b: {  	_ =	shalt  }
0x7c: {  	_ =	shalt  }
0x7d: {  	_ =	shalt  }
0x7e: {  	_ =	shalt  }
0x7f: {  	_ =	shalt  }
0x80: {  	_ =	shalt  }
0x81: {  	_ =	shalt  }
0x82: {  	_ =	shalt  }
0x83: {  	_ =	shalt  }
0x84: {  	_ =	shalt  }
0x85: {  	_ =	shalt  }
0x86: {  	_ =	shalt  }
0x87: {  	_ =	shalt  }
.Lfunc_end0:
.L_simem_size_0:
called_computation_lowered:
.L_overlay_start_0:
0x88: {  	s2 =	sld [smem:$0x3FD9]  }
0x89: {  	s3 =	sld [smem:$0x3FFE];
	_ =	sdelay $0x1  }
0x8a: {  	s1 =	srdreg.scid  }
0x8b: {  	s0 =	sand.u32 $0x1, s1  }
0x8c: {  	s17 =	sshll.u32 s0, $0xA;
	s2 =	sadd.s32 s3, s2  }
0x8d: {  	s2 =	sadd.s32 s2, s17  }
0x8e: {  	[smem:$0x3F98] =	sst s2  }
0x8f: {  	_ = 	snop  }
0x90: {  	(tm) =	ssettm $0x1  }
0x91: {  	s18 =	sld [smem:$0x3FFB];
	_ =	sdelay $0x3  }
0x92: {  	_ =	strace s18  }
0x93: {  	s2 =	sld [smem:$0x3FFC];
	_ =	sdelay $0x3  }
0x94: {  	_ =	strace s2  }
0x95: {  	s2 =	sld [smem:$0x3FFD];
	_ =	sdelay $0x3  }
0x96: {  	_ =	strace s2  }
0x97: {  	_ =	strace $0x8FFFFFFF  }
0x98: {  	s19 =	sld [smem:$0x3FDB];
	_ =	sdelay $0x1  }
0x99: {  	s20 =	simm.s32 $_scs_section_size  }
0x9a: {  	s4 =	simm.s32 $_size__tile_overlayer_lowered;
	s5 =	simm.s32 $_tile_overlayer_lowered  }
0x9b: {  	s6 =	simm.s32 $0x1BFF;
	s21 =	sshll.u32 s5, $0x1;
	s3 =	sadd.s32 s20, s19  }
0x9c: {  	s22 =	simm.s32 $0x0;
	s4 =	sshll.u32 s4, $0x1;
	s5 =	sadd.s32 s21, s3  }
0x9d: {  	[timem:s22], [sflag:s6] =	dma.local [hbm:s5], s4  }
0x9e: {  	_ =	swait.ge [sflag:s6], s4  }
0x9f: {  	s4 =	ssub.s32 $0x0, s4;
	[sflag:s6] =	ssyncset.done $0x0  }
0xa0: {  	[sflag:s6] =	ssyncadd.s32 s4;
	_ =	sdelay $0x1  }
0xa1: {  	s23 =	simm.s32 $0x1B8B  }
0xa2: {  	_ =	swait.ge [sflag:s23], $0x1  }
0xa3: {  	[sflag:s23] =	ssyncset.done $0x0  }
0xa4: {  	[sflag:s23] =	ssyncadd.s32 $0xFFFFFFFF  }
0xa5: {  	s4 =	sld [smem:$0x0]  }
0xa6: {  	s5 =	sand.u32 $0xFFFFFFFE, s1  }
0xa7: {  	p0 =	sne.s32 s1, s5  }
0xa8: {  	s5 =	sshll.u32 @p0 s5, $0xE  }
0xa9: {  	s5 =	sadd.s32 @p0 $0x11B8D, s5;
	s6 =	sshll.u32 @p0 s4, $0x11  }
0xaa: {  	s5 =	sor.u32 @p0 s6, s5  }
0xab: {  	[sflag:s5] =	ssyncadd.remote.s32 @p0 $0x1;
	_ =	sdelay $0x1  }
0xac: {  	s5 =	simm.s32 @p0 $0x1B8D  }
0xad: {  	_ =	swait.eq @p0 [sflag:s5], $0x1  }
0xae: {  	[sflag:s5] =	ssyncadd.s32 @p0 $0xFFFFFFFF  }
0xaf: {  	s6 =	sshll.u32 @!p0 s1, $0xE  }
0xb0: {  	s6 =	sor.u32 @!p0 $0x4000, s6;
	s5 =	simm.s32 @!p0 $0x1B8D  }
0xb1: {  	s4 =	sshll.u32 @!p0 s4, $0x11;
	s6 =	sadd.s32 @!p0 $0x11B8D, s6;
	_ =	swait.eq @!p0 [sflag:s5], $0x1  }
0xb2: {  	s4 =	sor.u32 @!p0 s4, s6;
	[sflag:s5] =	ssyncadd.s32 @!p0 $0xFFFFFFFF  }
0xb3: {  	s25 =	simm.s32 $0x1B8E;
	s24 =	sld [smem:$0x3FFE];
	[sflag:s4] =	ssyncadd.remote.s32 @!p0 $0x1  }
0xb4: {  	s26 =	simm.s32 $execute0_lowered;
	[smem:$0x3FD2] =	sst s25  }
0xb5: {  	s5 =	sshll.u32 s26, $0x1;
	_ =	strace $0x80000055;
	[dreg:$0x1] =	wrdreg $0xFFFFFFFF  }
0xb6: {  	s28 =	simm.s32 $_size_execute0_lowered;
	s3 =	sadd.s32 s3, s5;
	[dreg:$0x0] =	wrdreg $0x0  }
0xb7: {  	s5 =	sshll.u32 s28, $0x1;
	[dreg:$0x2] =	wrdreg s3  }
0xb8: {  	[dreg:$0x3] =	wrdreg s5  }
0xb9: {  	[dreg:$0x4] =	wrdreg $0xC0  }
0xba: {  	_ =	task [dreg:s22], $0x5FFFF  }
0xbb: {  	[dreg:$0x1] =	wrdreg $0xFFFFFFFF  }
0xbc: {  	[dreg:$0x0] =	wrdreg $0x60  }
0xbd: {  	[dreg:$0x2] =	wrdreg s24  }
0xbe: {  	[dreg:$0x3] =	wrdreg $0x28800  }
0xbf: {  	[dreg:$0x4] =	wrdreg $0x9  }
0xc0: {  	_ =	task.clear_ibuf [dreg:s22], $0x5FFFF;
	_ =	strace $0x90000055  }
0xc1: {  	s29 =	simm.s32 $0x9;
	_ =	strace $0x80000057  }
0xc2: {  	_ =	swait.ge [sflag:s29], $0x1  }
0xc3: {  	[sflag:s29] =	ssyncadd.s32 $0xFFFFFFFF  }
0xc4: {  	_ =	strace $0x90000057  }
0xc5: {  	_ =	sfence  }
0xc6: {  	s30 =	sld [smem:$0x0];
	_ =	sdelay $0x2  }
0xc7: {  	s31 =	sshll.u32 s1, $0xD;
	s1 =	sshrl.u32 s1, $0x2  }
0xc8: {  	s4 =	sand.u32 $0x4000, s31;
	s1 =	sadd.s32 s1, s30  }
0xc9: {  	s0 =	sor.u32 s4, s0;
	s1 =	sshll.u32 s1, $0x11  }
0xca: {  	s0 =	sor.u32 s1, s0  }
0xcb: {  	s0 =	sadd.s32 $0x8F2B, s0  }
0xcc: {  	[sflag:s0] =	ssyncadd.remote.s32 $0x1  }
0xcd: {  	_ =	sfence.sel $0xFFFF  }
0xce: {  	[dreg:$0x0] =	wrdreg $0xFFFFFFFF;
	(pc) =	sbr.abs _section_cstart, $3  }
0xcf: {  	[dreg:$0x1] =	wrdreg $0xFFFFFFFF  }
0xd0: {  	_ =	task.clear_ibuf [dreg:s22], $0x2FFFF;
	_ =	strace $0x9FFFFFFF  }
0xd1: {  	(tm) =	ssettm $0x7FFFFFFF  }
tec
execute0_lowered:
.L_overlay_start_1:
0x0: {  	(tag) =	ssettag $0x1  }
0x1: {  	s1 =	srdreg.scid  }
0x2: {  	s0 =	stileid.u32;
	s6 =	rddreg [dreg:$0x0]  }
0x3: {  	s2 =	rddreg [dreg:$0x1];
	s3 =	simm.s32 $0x0;
	s4 =	smul.u32 $0x4E20, s0  }
0x4: {  	s5 =	sand.u32 $0x1, s1;
	s1 =	rddreg [dreg:$0x2];
	s10 =	smul.u32 $0x50000, s0  }
0x5: {  	s12 =	simm.s32 $0x50;
	[smem:$0x7FF] =	sst s3;
	s14 =	smul.u32 $0x2800, s0  }
0x6: {  	s31 =	sshll.u32 s0, $0x6;
	s7 =	smul.u32 $0x2710, s5;
	_ =	strace $0x80000056  }
0x7: {  	s28 =	smul.u32 $0x28000, s5;
	s9 =	ssub.s32 $0x2, s5;
	s5 =	sadd.s32 $0xEE00, s6  }
0x8: {  	s29 =	sshrl.u32 s9, $0x1;
	s30 =	sshrl.u32 s10, $0x2;
	s10 =	simm.s32 $0x1  }
0x9: {  	s4 =	sadd.s32 s7, s4;
	s7 =	sadd.s32 s28, s6;
	s9 =	ssub.s32 s9, s29  }
0xa: {  	s11 =	sadd.s32 s30, s2;
	s4 =	sshrl.u32 s4, $0x3;
	s13 =	sadd.s32 $0x4F3C00, s7  }
0xb: {  	s7 =	smax.u32 s9, $0x1;
	s9 =	sshrl.u32 s11, $0x3;
	s11 =	simm.s32 $0x80  }
0xc: {  	s8 =	sadd.s32 s4, s6;
	s4 =	sadd.s32 $0x4F3600, s6;
	s6 =	sor.u32 $0x1C01, s31  }
0xd: {  	s13 =	sadd.s32 s14, s13;
	s14 =	simm.s32 $0x0;
	s8 =	sadd.s32 $0x5000, s8  }
.LBB2_1:
0xe: {  	[spmem:s9], [sflag:s6] =	dma.local [hbm:s5], $0x2800  }
0xf: {  	_ =	swait.ge [sflag:s10], $0x2800  }
0x10: {  	[sflag:s10] =	ssyncset.done $0x0  }
0x11: {  	[sflag:s10] =	ssyncadd.s32 $0xFFFFD800  }
0x12: {  	[tilespmem:s11], [sflag:$0x1] =	stream.linear.gather [hbm4b:s4+s3], $0x2800, $0x38;
	[tilespmem:$0x16880] =	vst v63  }
0x13: {  	_ =	swait.ge [sflag:s10], $0x2800  }
0x14: {  	[sflag:s10] =	ssyncset.done $0x0  }
0x15: {  	[sflag:s10] =	ssyncadd.s32 $0xFFFFD800  }
0x16: {  	s15 =	sadd.s32 $0x0, s8;
	[bflag:$0x0] =	sbarrier.arrive $0xFFFF  }
0x17: {  	[tilespmem:s3], [sflag:$0x1] =	stream.linear.gather [hbm4b:s15+s3], $0x50, $0x38;
	[tilespmem:$0x16880] =	vst v63  }
0x18: {  	_ =	swait.ge [sflag:s10], $0x50  }
0x19: {  	[sflag:s10] =	ssyncset.done $0x0  }
0x1a: {  	[sflag:s10] =	ssyncadd.s32 $0xFFFFFFB0  }
0x1b: {  	[spmem:s2] =	stream.indirect.scatter.add.f32 [tilespmem:s11], [sflag:$0x1], $0x80, s3, s12, $0xb8;
	[tilespmem:$0x16880] =	vst v63  }
0x1c: {  	_ =	swait.ge [sflag:s10], $0x2800  }
0x1d: {  	s16 =	simm.s32 $0x14;
	s15 =	simm.s32 $0xA;
	[sflag:s10] =	ssyncset.done $0x0  }
.LBB2_2:
0x1e: {  	s17 =	sadd.s32 s15, s8  }
0x1f: {  	[sflag:s10] =	ssyncadd.s32 $0xFFFFD800;
	s15 =	smov.u32 s16;
	s18 =	sadd.s32 $0xA, s16  }
0x20: {  	[tilespmem:s3], [sflag:$0x1] =	stream.linear.gather [hbm4b:s17+s3], $0x50, $0x38;
	[tilespmem:$0x16880] =	vst v63  }
0x21: {  	p0 =	sne.s32 s16, $0x4D8;
	_ =	swait.ge [sflag:s10], $0x50  }
.Ltmp0:
0x22: {  	[sflag:s10] =	ssyncset.done $0x0;
	(pc) =	sbr.rel @p0 .LBB2_2-.Ltmp0, $4  }
0x23: {  	[sflag:s10] =	ssyncadd.s32 $0xFFFFFFB0  }
0x24: {  	[spmem:s2] =	stream.indirect.scatter.add.f32 [tilespmem:s11], [sflag:$0x1], $0x80, s3, s12, $0xb8;
	[tilespmem:$0x16880] =	vst v63  }
0x25: {  	_ =	swait.ge [sflag:s10], $0x2800  }
0x26: {  	s16 =	smov.u32 s18;
	[sflag:s10] =	ssyncset.done $0x0  }
0x27: {  	s15 =	sadd.s32 s15, s8;
	[sflag:s10] =	ssyncadd.s32 $0xFFFFD800  }
0x28: {  	[tilespmem:s3], [sflag:$0x1] =	stream.linear.gather [hbm4b:s15+s3], $0x50, $0x38;
	[tilespmem:$0x16880] =	vst v63  }
0x29: {  	_ =	swait.ge [sflag:s10], $0x50  }
0x2a: {  	[sflag:s10] =	ssyncset.done $0x0  }
0x2b: {  	[sflag:s10] =	ssyncadd.s32 $0xFFFFFFB0  }
0x2c: {  	[spmem:s2] =	stream.indirect.scatter.add.f32 [tilespmem:s11], [sflag:$0x1], $0x80, s3, s12, $0xb8;
	[tilespmem:$0x16880] =	vst v63  }
0x2d: {  	_ =	swait.ge [sflag:s10], $0x2800  }
0x2e: {  	s14 =	sadd.s32 $0x1, s14;
	[sflag:s10] =	ssyncset.done $0x0  }
0x2f: {  	p0 =	sne.s32 s14, s7;
	[sflag:s10] =	ssyncadd.s32 $0xFFFFD800  }
.Ltmp1:
0x30: {  	[bflag:$0x0] =	sbarrier.arrive $0xFFFF;
	(pc) =	sbr.rel @p0 .LBB2_1-.Ltmp1, $4  }
0x31: {  	[hbm:s13], [sflag:s6] =	dma.local [spmem:s9], $0x2800  }
0x32: {  	_ =	swait.ge [sflag:s10], $0x2800  }
0x33: {  	[sflag:s10] =	ssyncset.done $0x0  }
0x34: {  	[sflag:s10] =	ssyncadd.s32 $0xFFFFD800  }
0x35: {  	_ =	sfence.sel $0x180000  }
0x36: {  	[bflag:$0x0] =	sbarrier.arrive $0xFFFF  }
0x37: {  	p0 =	sne.s32 s0, $0x0;
	_ =	strace $0x90000056  }
0x38: {  	s0 =	sadd.s32 @!p0 $0x100000, s1;
	[bflag:$0x2] =	sbarrier.arrive $0xFFFF  }
0x39: {  	[sflag:s0] =	ssyncadd.tile.s32 @!p0 $0x1;
	_ =	shalt  }
.Lfunc_end2:
_tile_overlayer_lowered:
.L_overlay_start_2:
0x3a: {  	(tag) =	ssettag $0x2  }
0x3b: {  	s0 =	rddreg [dreg:$0x0];
	s2 =	stileid.u32  }
0x3c: {  	s1 =	rddreg [dreg:$0x1];
	p0 =	sne.s32 s2, $0x0  }
0x3d: {  	s3 =	rddreg [dreg:$0x2];
	[bflag:$0x3] =	sbarrier.arrive $0xFFFF;
	s2 =	simm.s32 @!p0 $0x1C01  }
0x3e: {  	[timem:s3], [sflag:s2] =	dma.local @!p0 [hbm:s0], s1  }
0x3f: {  	s0 =	simm.s32 @!p0 $0x1  }
0x40: {  	_ =	swait.ge @!p0 [sflag:s0], s1  }
0x41: {  	s1 =	ssub.s32 @!p0 $0x0, s1;
	[sflag:s0] =	ssyncset.done @!p0 $0x0  }
0x42: {  	[sflag:s0] =	ssyncadd.s32 @!p0 s1  }
0x43: {  	[bflag:$0x3] =	sbarrier.arrive $0xFFFF  }
0x44: {  	_ =	shalt  }

// kernel: kernel.24.cloned.1.call-start
scs
__scs_entry_jumppad:
0x0: {  	(pc) =	sbr.rel $0x88, $3  }
0x1: {  	(tag) =	ssettag $0x0;
	lr =	simm.s32 $0x1  }
0x2: {  	[smem:$0x3F71] =	sst lr;
	_ =	strace $0xD0000000  }
0x3: {  	_ = 	snop  }
0x4: {  	_ = 	snop  }
0x5: {  	_ = 	snop  }
0x6: {  	_ = 	snop  }
0x7: {  	_ = 	snop  }
__scs_overlays_trampoline_lowered:
0x8: {  	[smem:$0x3F80] =	sst s0  }
0x9: {  	[smem:$0x3F81] =	sst s1  }
0xa: {  	[smem:$0x3F82] =	sst s2  }
0xb: {  	[smem:$0x3F83] =	sst s3  }
0xc: {  	[smem:$0x3F84] =	sst s4  }
0xd: {  	[smem:$0x3F85] =	sst s5  }
0xe: {  	[smem:$0x3F86] =	sst s6  }
0xf: {  	[smem:$0x3F87] =	sst s7  }
0x10: {  	[smem:$0x3F88] =	sst s8  }
0x11: {  	[smem:$0x3F89] =	sst s9;
	s0 =	simm.s32 @!p0 $0x0  }
0x12: {  	s1 =	sld [smem:$0x3F6F];
	s0 =	simm.s32 @p0 $0x1  }
0x13: {  	[smem:$0x3F8A] =	sst s0;
	s0 =	simm.s32 @!p1 $0x0  }
0x14: {  	s2 =	sld [smem:$0x3F6E];
	s0 =	simm.s32 @p1 $0x1  }
0x15: {  	[smem:$0x3F8B] =	sst s0;
	s0 =	simm.s32 @!p2 $0x0  }
0x16: {  	s3 =	sld [smem:$0x3FDB];
	s0 =	simm.s32 @p2 $0x1  }
0x17: {  	s4 =	simm.s32 $0x1BF5;
	[smem:$0x3F8D] =	sst s0  }
0x18: {  	s0 =	sld [smem:$0x3F70];
	_ =	swait.ge [sflag:s4], $0x0  }
0x19: {  	s7 =	sld [smem:$0x3F71]  }
0x1a: {  	s8 =	sadd.s32 $0xFFFFE003, lr  }
0x1b: {  	s9 =	sadd.s32 $0xFFFFFEF7, lr;
	s5 =	simm.s32 $0xFFFFFFFF;
	p2 =	slt.u32 s8, $0xFFFFF086  }
0x1c: {  	p1 =	slt.u32 s9, $0xF7A;
	s5 =	simm.s32 @!p2 $0x0  }
0x1d: {  	s5 =	simm.s32 @p1 $0x1;
	p0 =	seq.s32 s7, s2  }
0x1e: {  	s7 =	smul.u32 @!p0 $0xF7A, s2;
	p2 =	seq.s32 @!p0 s5, $0x0  }
0x1f: {  	s9 =	smul.u32 $0xF7A, s1;
	s8 =	simm.s32 @!p0 $0x1BF5;
	p2 =	por !p2, p0  }
0x20: {  	[sflag:s8] =	ssyncset.s32 @!p0 $0xFFFFF086;
	s6 =	sadd.s32 @!p0 s3, s7;
	s7 =	simm.s32 @!p0 $0x108  }
0x21: {  	s3 =	sadd.s32 s3, s9;
	s6 =	sadd.s32 @!p0 $0x88, s6;
	s7 =	simm.s32 @p2 $0x1082  }
0x22: {  	[simem:s7], [sflag:s8] =	dma.local @!p0 [hbm:s6], $0xF7A  }
0x23: {  	s9 =	sor.u32 $0xD0000000, s2;
	s6 =	simm.s32 $0x108;
	_ =	swait.ge @!p0 [sflag:s8], $0x0  }
0x24: {  	s3 =	sadd.s32 $0x88, s3;
	s6 =	simm.s32 @!p1 $0x1082;
	[sflag:s4] =	ssyncset.s32 $0xFFFFF086  }
0x25: {  	[simem:s6], [sflag:s4] =	dma.local [hbm:s3], $0xF7A  }
0x26: {  	[smem:$0x3F71] =	sst s1;
	(tag) =	ssettag s2;
	_ =	strace s9  }
0x27: {  	s1 =	sld [smem:$0x3F81]  }
0x28: {  	s2 =	sld [smem:$0x3F82]  }
0x29: {  	s4 =	sld [smem:$0x3F84]  }
0x2a: {  	p0 =	seq.s32 s5, $0x0;
	s5 =	sld [smem:$0x3F85]  }
0x2b: {  	s6 =	sld [smem:$0x3F86]  }
0x2c: {  	s7 =	sld [smem:$0x3F87]  }
0x2d: {  	s3 =	simm.s32 $0x108;
	s8 =	sld [smem:$0x3F88]  }
0x2e: {  	s3 =	simm.s32 @!p0 $0x1082;
	s9 =	sld [smem:$0x3F89]  }
0x2f: {  	lr =	sadd.s32 s0, s3;
	s0 =	sld [smem:$0x3F80]  }
0x30: {  	s3 =	sld [smem:$0x3F83]  }
0x31: {  	[smem:$0x3F8C] =	sst s10  }
0x32: {  	s10 =	sld [smem:$0x3F8A];
	_ =	sdelay $0x3  }
0x33: {  	p0 =	seq.s32 s10, $0x1;
	s10 =	sld [smem:$0x3F8C];
	_ =	sdelay $0x3  }
0x34: {  	[smem:$0x3F8C] =	sst s10  }
0x35: {  	s10 =	sld [smem:$0x3F8B];
	_ =	sdelay $0x3  }
0x36: {  	p1 =	seq.s32 s10, $0x1;
	s10 =	sld [smem:$0x3F8C];
	_ =	sdelay $0x3  }
0x37: {  	[smem:$0x3F8C] =	sst s10  }
0x38: {  	s10 =	sld [smem:$0x3F8D]  }
0x39: {  	_ = 	snop;
	(pc) =	sbr.ind lr, $3  }
0x3a: {  	_ = 	snop  }
0x3b: {  	_ = 	snop  }
0x3c: {  	p2 =	seq.s32 s10, $0x1;
	s10 =	sld [smem:$0x3F8C]  }
0x3d: {  	_ =	shalt  }
0x3e: {  	_ =	shalt  }
0x3f: {  	_ =	shalt  }
0x40: {  	_ =	shalt  }
0x41: {  	_ =	shalt  }
0x42: {  	_ =	shalt  }
0x43: {  	_ =	shalt  }
0x44: {  	_ =	shalt  }
0x45: {  	_ =	shalt  }
0x46: {  	_ =	shalt  }
0x47: {  	_ =	shalt  }
0x48: {  	_ =	shalt  }
0x49: {  	_ =	shalt  }
0x4a: {  	_ =	shalt  }
0x4b: {  	_ =	shalt  }
0x4c: {  	_ =	shalt  }
0x4d: {  	_ =	shalt  }
0x4e: {  	_ =	shalt  }
0x4f: {  	_ =	shalt  }
0x50: {  	_ =	shalt  }
0x51: {  	_ =	shalt  }
0x52: {  	_ =	shalt  }
0x53: {  	_ =	shalt  }
0x54: {  	_ =	shalt  }
0x55: {  	_ =	shalt  }
0x56: {  	_ =	shalt  }
0x57: {  	_ =	shalt  }
0x58: {  	_ =	shalt  }
0x59: {  	_ =	shalt  }
0x5a: {  	_ =	shalt  }
0x5b: {  	_ =	shalt  }
0x5c: {  	_ =	shalt  }
0x5d: {  	_ =	shalt  }
0x5e: {  	_ =	shalt  }
0x5f: {  	_ =	shalt  }
0x60: {  	_ =	shalt  }
0x61: {  	_ =	shalt  }
0x62: {  	_ =	shalt  }
0x63: {  	_ =	shalt  }
0x64: {  	_ =	shalt  }
0x65: {  	_ =	shalt  }
0x66: {  	_ =	shalt  }
0x67: {  	_ =	shalt  }
0x68: {  	_ =	shalt  }
0x69: {  	_ =	shalt  }
0x6a: {  	_ =	shalt  }
0x6b: {  	_ =	shalt  }
0x6c: {  	_ =	shalt  }
0x6d: {  	_ =	shalt  }
0x6e: {  	_ =	shalt  }
0x6f: {  	_ =	shalt  }
0x70: {  	_ =	shalt  }
0x71: {  	_ =	shalt  }
0x72: {  	_ =	shalt  }
0x73: {  	_ =	shalt  }
0x74: {  	_ =	shalt  }
0x75: {  	_ =	shalt  }
0x76: {  	_ =	shalt  }
0x77: {  	_ =	shalt  }
0x78: {  	_ =	shalt  }
0x79: {  	_ =	shalt  }
0x7a: {  	_ =	shalt  }
0x7b: {  	_ =	shalt  }
0x7c: {  	_ =	shalt  }
0x7d: {  	_ =	shalt  }
0x7e: {  	_ =	shalt  }
0x7f: {  	_ =	shalt  }
0x80: {  	_ =	shalt  }
0x81: {  	_ =	shalt  }
0x82: {  	_ =	shalt  }
0x83: {  	_ =	shalt  }
0x84: {  	_ =	shalt  }
0x85: {  	_ =	shalt  }
0x86: {  	_ =	shalt  }
0x87: {  	_ =	shalt  }
.Lfunc_end0:
.L_simem_size_0:
called_computation.1_lowered:
.L_overlay_start_0:
0x88: {  	s2 =	sld [smem:$0x3FD9]  }
0x89: {  	s3 =	sld [smem:$0x3FFE];
	_ =	sdelay $0x1  }
0x8a: {  	s1 =	srdreg.scid  }
0x8b: {  	s0 =	sand.u32 $0x1, s1  }
0x8c: {  	s17 =	sshll.u32 s0, $0xA;
	s2 =	sadd.s32 s3, s2  }
0x8d: {  	s2 =	sadd.s32 s2, s17  }
0x8e: {  	[smem:$0x3F98] =	sst s2  }
0x8f: {  	_ = 	snop  }
0x90: {  	s2 =	sld [smem:$0x3FC9];
	(tm) =	ssettm $0x1  }
0x91: {  	s18 =	sld [smem:$0x3FFB];
	_ =	sdelay $0x3  }
0x92: {  	_ =	strace s18  }
0x93: {  	s3 =	sld [smem:$0x3FFC];
	_ =	sdelay $0x3  }
0x94: {  	_ =	strace s3  }
0x95: {  	s3 =	sld [smem:$0x3FFD];
	_ =	sdelay $0x3  }
0x96: {  	_ =	strace s3  }
0x97: {  	_ =	strace $0x8FFFFFFF  }
0x98: {  	s19 =	sld [smem:$0x3FDB];
	_ =	sdelay $0x1  }
0x99: {  	s4 =	simm.s32 $_scs_section_size  }
0x9a: {  	s5 =	simm.s32 $_size__tile_overlayer_lowered;
	s6 =	simm.s32 $_tile_overlayer_lowered  }
0x9b: {  	s22 =	simm.s32 $0x1BFF;
	s21 =	sshll.u32 s6, $0x1;
	s3 =	sadd.s32 s4, s19  }
0x9c: {  	s7 =	simm.s32 $0x0;
	s20 =	sshll.u32 s5, $0x1;
	s5 =	sadd.s32 s21, s3  }
0x9d: {  	[timem:s7], [sflag:s22] =	dma.local [hbm:s5], s20  }
0x9e: {  	_ =	swait.ge [sflag:s22], s20  }
0x9f: {  	s4 =	ssub.s32 $0x0, s20;
	[sflag:s22] =	ssyncset.done $0x0  }
0xa0: {  	[sflag:s22] =	ssyncadd.s32 s4;
	_ =	sdelay $0x1  }
0xa1: {  	s23 =	simm.s32 $0x1B8B  }
0xa2: {  	_ =	swait.ge [sflag:s23], $0x1  }
0xa3: {  	[sflag:s23] =	ssyncset.done $0x0  }
0xa4: {  	s25 =	simm.s32 $0x1B8E;
	s24 =	sld [smem:$0x3FFE];
	[sflag:s23] =	ssyncadd.s32 $0xFFFFFFFF  }
0xa5: {  	s26 =	simm.s32 $execute0_lowered;
	[smem:$0x3FD2] =	sst s25  }
0xa6: {  	s5 =	sshll.u32 s26, $0x1;
	_ =	strace $0x80000046;
	[dreg:$0x1] =	wrdreg $0xFFFFFFFF  }
0xa7: {  	s28 =	simm.s32 $_size_execute0_lowered;
	s3 =	sadd.s32 s3, s5;
	[dreg:$0x0] =	wrdreg $0x0  }
0xa8: {  	s5 =	sshll.u32 s28, $0x1;
	[dreg:$0x2] =	wrdreg s3  }
0xa9: {  	[dreg:$0x3] =	wrdreg s5  }
0xaa: {  	[dreg:$0x4] =	wrdreg $0xC0  }
0xab: {  	_ =	task [dreg:s7], $0x5FFFF  }
0xac: {  	[dreg:$0x1] =	wrdreg $0xFFFFFFFF  }
0xad: {  	[dreg:$0x0] =	wrdreg $0x60  }
0xae: {  	[dreg:$0x2] =	wrdreg s2  }
0xaf: {  	[dreg:$0x3] =	wrdreg s24  }
0xb0: {  	[dreg:$0x4] =	wrdreg $0x9  }
0xb1: {  	_ =	task.clear_ibuf [dreg:s7], $0x5FFFF;
	_ =	strace $0x90000046  }
0xb2: {  	s29 =	simm.s32 $0x9;
	_ =	strace $0x80000048  }
0xb3: {  	_ =	swait.ge [sflag:s29], $0x1  }
0xb4: {  	[sflag:s29] =	ssyncadd.s32 $0xFFFFFFFF  }
0xb5: {  	_ =	strace $0x90000048  }
0xb6: {  	_ =	sfence  }
0xb7: {  	s30 =	sld [smem:$0x0];
	_ =	sdelay $0x2  }
0xb8: {  	s31 =	sshll.u32 s1, $0xD;
	s1 =	sshrl.u32 s1, $0x2  }
0xb9: {  	s3 =	sand.u32 $0x4000, s31;
	s1 =	sadd.s32 s1, s30  }
0xba: {  	s0 =	sor.u32 s3, s0;
	s1 =	sshll.u32 s1, $0x11  }
0xbb: {  	s0 =	sor.u32 s1, s0  }
0xbc: {  	s0 =	sadd.s32 $0x8F2B, s0  }
0xbd: {  	[sflag:s0] =	ssyncadd.remote.s32 $0x1  }
0xbe: {  	_ =	sfence.sel $0xFFFF  }
0xbf: {  	[dreg:$0x0] =	wrdreg $0xFFFFFFFF;
	(pc) =	sbr.abs _section_cstart, $3  }
0xc0: {  	[dreg:$0x1] =	wrdreg $0xFFFFFFFF  }
0xc1: {  	_ =	task.clear_ibuf [dreg:s7], $0x2FFFF;
	_ =	strace $0x9FFFFFFF  }
0xc2: {  	(tm) =	ssettm $0x7FFFFFFF  }
0xc3: {  	_ =	shalt  }
tec
execute0_lowered:
.L_overlay_start_1:
0x0: {  	(tag) =	ssettag $0x1  }
0x1: {  	s2 =	rddreg [dreg:$0x0];
	s1 =	srdreg.scid  }
0x2: {  	s0 =	stileid.u32;
	s4 =	rddreg [dreg:$0x1];
	s3 =	simm.s32 $0x0  }
0x3: {  	s10 =	simm.s32 $0x1;
	s11 =	simm.s32 $0x0;
	s6 =	smul.u32 $0x4E20, s0  }
0x4: {  	s5 =	sand.u32 $0x1, s1;
	s1 =	rddreg [dreg:$0x2];
	s8 =	smul.u32 $0x4E200, s0  }
0x5: {  	[smem:$0x7FF] =	sst s3;
	s7 =	smul.u32 $0x2710, s5;
	s9 =	ssub.s32 $0x2, s5  }
0x6: {  	_ =	strace $0x80000047;
	s5 =	smul.u32 $0x27100, s5;
	s31 =	sshrl.u32 s9, $0x1  }
0x7: {  	s30 =	sadd.s32 s8, s4;
	s6 =	sadd.s32 s7, s6;
	s8 =	ssub.s32 s9, s31  }
0x8: {  	s5 =	sadd.s32 s5, s30;
	s7 =	simm.s32 $0x2;
	s6 =	sshrl.u32 s6, $0x3  }
0x9: {  	s9 =	simm.s32 $0x80;
	s5 =	sadd.s32 $0xEE00, s5;
	s6 =	sadd.s32 s6, s4  }
0xa: {  	s4 =	smax.u32 s8, $0x1;
	s8 =	simm.s32 $0x50;
	s6 =	sadd.s32 $0x5000, s6  }
.LBB2_1:
0xb: {  	s12 =	sadd.s32 $0x0, s6  }
0xc: {  	[tilespmem:s3], [sflag:$0x2] =	stream.linear.gather [hbm4b:s12+s3], $0x50, $0x38;
	[tilespmem:$0x2880] =	vst v63  }
0xd: {  	_ =	swait.ge [sflag:s7], $0x50  }
0xe: {  	[sflag:s7] =	ssyncset.done $0x0  }
0xf: {  	[sflag:s7] =	ssyncadd.s32 $0xFFFFFFB0  }
0x10: {  	[tilespmem:s9], [sflag:$0x1] =	stream.indirect.gather [hbm4b:s2+s8], $0x80, s3, s8, $0xb8;
	[tilespmem:$0x2880] =	vst v63  }
0x11: {  	_ =	swait.ge [sflag:s10], $0x2800  }
0x12: {  	[sflag:s10] =	ssyncset.done $0x0  }
0x13: {  	[sflag:s10] =	ssyncadd.s32 $0xFFFFD800  }
0x14: {  	[hbm4b:s5+s3] =	stream.linear.scatter [tilespmem:s9], [sflag:$0x2], $0x2800, $0x38;
	[tilespmem:$0x2880] =	vst v63  }
0x15: {  	s13 =	simm.s32 $0xA;
	_ =	swait.ge [sflag:s7], $0x2800  }
0x16: {  	s14 =	simm.s32 $0x14;
	s12 =	sadd.s32 $0x500, s5;
	[sflag:s7] =	ssyncset.done $0x0  }
.LBB2_2:
0x17: {  	s15 =	sadd.s32 s13, s6  }
0x18: {  	[sflag:s7] =	ssyncadd.s32 $0xFFFFD800;
	s13 =	smov.u32 s14;
	s16 =	sadd.s32 $0xA, s14  }
0x19: {  	[tilespmem:s3], [sflag:$0x2] =	stream.linear.gather [hbm4b:s15+s3], $0x50, $0x38;
	[tilespmem:$0x2880] =	vst v63  }
0x1a: {  	p0 =	sne.s32 s14, $0x4D8;
	_ =	swait.ge [sflag:s7], $0x50  }
0x1b: {  	[sflag:s7] =	ssyncset.done $0x0  }
0x1c: {  	[sflag:s7] =	ssyncadd.s32 $0xFFFFFFB0  }
0x1d: {  	[tilespmem:s9], [sflag:$0x1] =	stream.indirect.gather [hbm4b:s2+s8], $0x80, s3, s8, $0xb8;
	[tilespmem:$0x2880] =	vst v63  }
0x1e: {  	_ =	swait.ge [sflag:s10], $0x2800  }
.Ltmp0:
0x1f: {  	[sflag:s10] =	ssyncset.done $0x0;
	(pc) =	sbr.rel @p0 .LBB2_2-.Ltmp0, $4  }
0x20: {  	[sflag:s10] =	ssyncadd.s32 $0xFFFFD800  }
0x21: {  	[hbm4b:s12+s3] =	stream.linear.scatter [tilespmem:s9], [sflag:$0x2], $0x2800, $0x38;
	[tilespmem:$0x2880] =	vst v63  }
0x22: {  	_ =	swait.ge [sflag:s7], $0x2800  }
0x23: {  	s14 =	smov.u32 s16;
	s12 =	sadd.s32 $0x500, s12;
	[sflag:s7] =	ssyncset.done $0x0  }
0x24: {  	s13 =	sadd.s32 s13, s6;
	[sflag:s7] =	ssyncadd.s32 $0xFFFFD800  }
0x25: {  	[tilespmem:s3], [sflag:$0x2] =	stream.linear.gather [hbm4b:s13+s3], $0x50, $0x38;
	[tilespmem:$0x2880] =	vst v63  }
0x26: {  	_ =	swait.ge [sflag:s7], $0x50  }
0x27: {  	[sflag:s7] =	ssyncset.done $0x0  }
0x28: {  	[sflag:s7] =	ssyncadd.s32 $0xFFFFFFB0  }
0x29: {  	[tilespmem:s9], [sflag:$0x1] =	stream.indirect.gather [hbm4b:s2+s8], $0x80, s3, s8, $0xb8;
	[tilespmem:$0x2880] =	vst v63  }
0x2a: {  	s11 =	sadd.s32 $0x1, s11;
	_ =	swait.ge [sflag:s10], $0x2800  }
0x2b: {  	p0 =	sne.s32 s11, s4;
	[sflag:s10] =	ssyncset.done $0x0  }
.Ltmp1:
0x2c: {  	[sflag:s10] =	ssyncadd.s32 $0xFFFFD800;
	(pc) =	sbr.rel @p0 .LBB2_1-.Ltmp1, $4  }
0x2d: {  	[hbm4b:s12+s3] =	stream.linear.scatter [tilespmem:s9], [sflag:$0x2], $0x2800, $0x38;
	[tilespmem:$0x2880] =	vst v63  }
0x2e: {  	_ =	swait.ge [sflag:s7], $0x2800  }
0x2f: {  	[sflag:s7] =	ssyncset.done $0x0  }
0x30: {  	[sflag:s7] =	ssyncadd.s32 $0xFFFFD800  }
0x31: {  	_ =	sfence.sel $0x180000  }
0x32: {  	[bflag:$0x0] =	sbarrier.arrive $0xFFFF  }
0x33: {  	p0 =	sne.s32 s0, $0x0;
	_ =	strace $0x90000047  }
0x34: {  	s0 =	sadd.s32 @!p0 $0x100000, s1;
	[bflag:$0x2] =	sbarrier.arrive $0xFFFF  }
0x35: {  	[sflag:s0] =	ssyncadd.tile.s32 @!p0 $0x1;
	_ =	shalt  }
.Lfunc_end2:
_tile_overlayer_lowered:
.L_overlay_start_2:
0x36: {  	(tag) =	ssettag $0x2  }
0x37: {  	s0 =	rddreg [dreg:$0x0];
	s2 =	stileid.u32  }
0x38: {  	s1 =	rddreg [dreg:$0x1];
	p0 =	sne.s32 s2, $0x0  }
0x39: {  	s3 =	rddreg [dreg:$0x2];
	[bflag:$0x3] =	sbarrier.arrive $0xFFFF;
	s2 =	simm.s32 @!p0 $0x1C02  }
0x3a: {  	[timem:s3], [sflag:s2] =	dma.local @!p0 [hbm:s0], s1  }
0x3b: {  	s0 =	simm.s32 @!p0 $0x2  }
0x3c: {  	_ =	swait.ge @!p0 [sflag:s0], s1  }
0x3d: {  	s1 =	ssub.s32 @!p0 $0x0, s1;
	[sflag:s0] =	ssyncset.done @!p0 $0x0  }
0x3e: {  	[sflag:s0] =	ssyncadd.s32 @!p0 s1  }
0x3f: {  	[bflag:$0x3] =	sbarrier.arrive $0xFFFF  }
0x40: {  	_ =	shalt  }

// kernel: kernel.27.cloned.1.call-start
scs
__scs_entry_jumppad:
0x0: {  	(pc) =	sbr.rel $0x88, $3  }
0x1: {  	(tag) =	ssettag $0x0;
	lr =	simm.s32 $0x1  }
0x2: {  	[smem:$0x3F71] =	sst lr;
	_ =	strace $0xD0000000  }
0x3: {  	_ = 	snop  }
0x4: {  	_ = 	snop  }
0x5: {  	_ = 	snop  }
0x6: {  	_ = 	snop  }
0x7: {  	_ = 	snop  }
__scs_overlays_trampoline_lowered:
0x8: {  	[smem:$0x3F80] =	sst s0  }
0x9: {  	[smem:$0x3F81] =	sst s1  }
0xa: {  	[smem:$0x3F82] =	sst s2  }
0xb: {  	[smem:$0x3F83] =	sst s3  }
0xc: {  	[smem:$0x3F84] =	sst s4  }
0xd: {  	[smem:$0x3F85] =	sst s5  }
0xe: {  	[smem:$0x3F86] =	sst s6  }
0xf: {  	[smem:$0x3F87] =	sst s7  }
0x10: {  	[smem:$0x3F88] =	sst s8  }
0x11: {  	[smem:$0x3F89] =	sst s9;
	s0 =	simm.s32 @!p0 $0x0  }
0x12: {  	s1 =	sld [smem:$0x3F6F];
	s0 =	simm.s32 @p0 $0x1  }
0x13: {  	[smem:$0x3F8A] =	sst s0;
	s0 =	simm.s32 @!p1 $0x0  }
0x14: {  	s2 =	sld [smem:$0x3F6E];
	s0 =	simm.s32 @p1 $0x1  }
0x15: {  	[smem:$0x3F8B] =	sst s0;
	s0 =	simm.s32 @!p2 $0x0  }
0x16: {  	s3 =	sld [smem:$0x3FDB];
	s0 =	simm.s32 @p2 $0x1  }
0x17: {  	s4 =	simm.s32 $0x1BF5;
	[smem:$0x3F8D] =	sst s0  }
0x18: {  	s0 =	sld [smem:$0x3F70];
	_ =	swait.ge [sflag:s4], $0x0  }
0x19: {  	s7 =	sld [smem:$0x3F71]  }
0x1a: {  	s8 =	sadd.s32 $0xFFFFE003, lr  }
0x1b: {  	s9 =	sadd.s32 $0xFFFFFEF7, lr;
	s5 =	simm.s32 $0xFFFFFFFF;
	p2 =	slt.u32 s8, $0xFFFFF086  }
0x1c: {  	p1 =	slt.u32 s9, $0xF7A;
	s5 =	simm.s32 @!p2 $0x0  }
0x1d: {  	s5 =	simm.s32 @p1 $0x1;
	p0 =	seq.s32 s7, s2  }
0x1e: {  	s7 =	smul.u32 @!p0 $0xF7A, s2;
	p2 =	seq.s32 @!p0 s5, $0x0  }
0x1f: {  	s9 =	smul.u32 $0xF7A, s1;
	s8 =	simm.s32 @!p0 $0x1BF5;
	p2 =	por !p2, p0  }
0x20: {  	[sflag:s8] =	ssyncset.s32 @!p0 $0xFFFFF086;
	s6 =	sadd.s32 @!p0 s3, s7;
	s7 =	simm.s32 @!p0 $0x108  }
0x21: {  	s3 =	sadd.s32 s3, s9;
	s6 =	sadd.s32 @!p0 $0x88, s6;
	s7 =	simm.s32 @p2 $0x1082  }
0x22: {  	[simem:s7], [sflag:s8] =	dma.local @!p0 [hbm:s6], $0xF7A  }
0x23: {  	s9 =	sor.u32 $0xD0000000, s2;
	s6 =	simm.s32 $0x108;
	_ =	swait.ge @!p0 [sflag:s8], $0x0  }
0x24: {  	s3 =	sadd.s32 $0x88, s3;
	s6 =	simm.s32 @!p1 $0x1082;
	[sflag:s4] =	ssyncset.s32 $0xFFFFF086  }
0x25: {  	[simem:s6], [sflag:s4] =	dma.local [hbm:s3], $0xF7A  }
0x26: {  	[smem:$0x3F71] =	sst s1;
	(tag) =	ssettag s2;
	_ =	strace s9  }
0x27: {  	s1 =	sld [smem:$0x3F81]  }
0x28: {  	s2 =	sld [smem:$0x3F82]  }
0x29: {  	s4 =	sld [smem:$0x3F84]  }
0x2a: {  	p0 =	seq.s32 s5, $0x0;
	s5 =	sld [smem:$0x3F85]  }
0x2b: {  	s6 =	sld [smem:$0x3F86]  }
0x2c: {  	s7 =	sld [smem:$0x3F87]  }
0x2d: {  	s3 =	simm.s32 $0x108;
	s8 =	sld [smem:$0x3F88]  }
0x2e: {  	s3 =	simm.s32 @!p0 $0x1082;
	s9 =	sld [smem:$0x3F89]  }
0x2f: {  	lr =	sadd.s32 s0, s3;
	s0 =	sld [smem:$0x3F80]  }
0x30: {  	s3 =	sld [smem:$0x3F83]  }
0x31: {  	[smem:$0x3F8C] =	sst s10  }
0x32: {  	s10 =	sld [smem:$0x3F8A];
	_ =	sdelay $0x3  }
0x33: {  	p0 =	seq.s32 s10, $0x1;
	s10 =	sld [smem:$0x3F8C];
	_ =	sdelay $0x3  }
0x34: {  	[smem:$0x3F8C] =	sst s10  }
0x35: {  	s10 =	sld [smem:$0x3F8B];
	_ =	sdelay $0x3  }
0x36: {  	p1 =	seq.s32 s10, $0x1;
	s10 =	sld [smem:$0x3F8C];
	_ =	sdelay $0x3  }
0x37: {  	[smem:$0x3F8C] =	sst s10  }
0x38: {  	s10 =	sld [smem:$0x3F8D]  }
0x39: {  	_ = 	snop;
	(pc) =	sbr.ind lr, $3  }
0x3a: {  	_ = 	snop  }
0x3b: {  	_ = 	snop  }
0x3c: {  	p2 =	seq.s32 s10, $0x1;
	s10 =	sld [smem:$0x3F8C]  }
0x3d: {  	_ =	shalt  }
0x3e: {  	_ =	shalt  }
0x3f: {  	_ =	shalt  }
0x40: {  	_ =	shalt  }
0x41: {  	_ =	shalt  }
0x42: {  	_ =	shalt  }
0x43: {  	_ =	shalt  }
0x44: {  	_ =	shalt  }
0x45: {  	_ =	shalt  }
0x46: {  	_ =	shalt  }
0x47: {  	_ =	shalt  }
0x48: {  	_ =	shalt  }
0x49: {  	_ =	shalt  }
0x4a: {  	_ =	shalt  }
0x4b: {  	_ =	shalt  }
0x4c: {  	_ =	shalt  }
0x4d: {  	_ =	shalt  }
0x4e: {  	_ =	shalt  }
0x4f: {  	_ =	shalt  }
0x50: {  	_ =	shalt  }
0x51: {  	_ =	shalt  }
0x52: {  	_ =	shalt  }
0x53: {  	_ =	shalt  }
0x54: {  	_ =	shalt  }
0x55: {  	_ =	shalt  }
0x56: {  	_ =	shalt  }
0x57: {  	_ =	shalt  }
0x58: {  	_ =	shalt  }
0x59: {  	_ =	shalt  }
0x5a: {  	_ =	shalt  }
0x5b: {  	_ =	shalt  }
0x5c: {  	_ =	shalt  }
0x5d: {  	_ =	shalt  }
0x5e: {  	_ =	shalt  }
0x5f: {  	_ =	shalt  }
0x60: {  	_ =	shalt  }
0x61: {  	_ =	shalt  }
0x62: {  	_ =	shalt  }
0x63: {  	_ =	shalt  }
0x64: {  	_ =	shalt  }
0x65: {  	_ =	shalt  }
0x66: {  	_ =	shalt  }
0x67: {  	_ =	shalt  }
0x68: {  	_ =	shalt  }
0x69: {  	_ =	shalt  }
0x6a: {  	_ =	shalt  }
0x6b: {  	_ =	shalt  }
0x6c: {  	_ =	shalt  }
0x6d: {  	_ =	shalt  }
0x6e: {  	_ =	shalt  }
0x6f: {  	_ =	shalt  }
0x70: {  	_ =	shalt  }
0x71: {  	_ =	shalt  }
0x72: {  	_ =	shalt  }
0x73: {  	_ =	shalt  }
0x74: {  	_ =	shalt  }
0x75: {  	_ =	shalt  }
0x76: {  	_ =	shalt  }
0x77: {  	_ =	shalt  }
0x78: {  	_ =	shalt  }
0x79: {  	_ =	shalt  }
0x7a: {  	_ =	shalt  }
0x7b: {  	_ =	shalt  }
0x7c: {  	_ =	shalt  }
0x7d: {  	_ =	shalt  }
0x7e: {  	_ =	shalt  }
0x7f: {  	_ =	shalt  }
0x80: {  	_ =	shalt  }
0x81: {  	_ =	shalt  }
0x82: {  	_ =	shalt  }
0x83: {  	_ =	shalt  }
0x84: {  	_ =	shalt  }
0x85: {  	_ =	shalt  }
0x86: {  	_ =	shalt  }
0x87: {  	_ =	shalt  }
.Lfunc_end0:
.L_simem_size_0:
called_computation.2_lowered:
.L_overlay_start_0:
0x88: {  	s2 =	sld [smem:$0x3FD9]  }
0x89: {  	s3 =	sld [smem:$0x3FFE];
	_ =	sdelay $0x1  }
0x8a: {  	s1 =	srdreg.scid  }
0x8b: {  	s0 =	sand.u32 $0x1, s1  }
0x8c: {  	s15 =	sshll.u32 s0, $0xA;
	s2 =	sadd.s32 s3, s2  }
0x8d: {  	s2 =	sadd.s32 s2, s15  }
0x8e: {  	[smem:$0x3F98] =	sst s2  }
0x8f: {  	_ = 	snop  }
0x90: {  	s16 =	sld [smem:$0x3FD0];
	_ =	sdelay $0x2  }
0x91: {  	s4 =	simm.s32 $0xC;
	s5 =	simm.s32 $0x10;
	s2 =	sld [smem:$0x3FC9]  }
0x92: {  	[smem:s5], [sflag:s4] =	dma.local [hbm:s16], $0x1  }
0x93: {  	_ =	swait.eq [sflag:s4], $0x1  }
0x94: {  	[sflag:s4] =	ssyncset.done $0x0  }
0x95: {  	[sflag:s4] =	ssyncadd.s32 $0xFFFFFFFF  }
0x96: {  	s17 =	sld [smem:$0x12];
	(tm) =	ssettm $0x1  }
0x97: {  	s18 =	sld [smem:$0x3FFB];
	_ =	sdelay $0x3  }
0x98: {  	_ =	strace s18  }
0x99: {  	s3 =	sld [smem:$0x3FFC];
	_ =	sdelay $0x3  }
0x9a: {  	_ =	strace s3  }
0x9b: {  	s3 =	sld [smem:$0x3FFD];
	_ =	sdelay $0x3  }
0x9c: {  	_ =	strace s3  }
0x9d: {  	_ =	strace $0x8FFFFFFF  }
0x9e: {  	s19 =	sld [smem:$0x3FDB];
	_ =	sdelay $0x1  }
0x9f: {  	s20 =	simm.s32 $_scs_section_size  }
0xa0: {  	s6 =	simm.s32 $_size__tile_overlayer_lowered;
	s7 =	simm.s32 $_tile_overlayer_lowered  }
0xa1: {  	s8 =	simm.s32 $0x1BFF;
	s21 =	sshll.u32 s7, $0x1;
	s5 =	sadd.s32 s20, s19  }
0xa2: {  	s22 =	simm.s32 $0x0;
	s6 =	sshll.u32 s6, $0x1;
	s7 =	sadd.s32 s21, s5  }
0xa3: {  	[timem:s22], [sflag:s8] =	dma.local [hbm:s7], s6  }
0xa4: {  	_ =	swait.ge [sflag:s8], s6  }
0xa5: {  	s6 =	ssub.s32 $0x0, s6;
	[sflag:s8] =	ssyncset.done $0x0  }
0xa6: {  	[sflag:s8] =	ssyncadd.s32 s6;
	_ =	sdelay $0x1  }
0xa7: {  	s23 =	simm.s32 $0x1B8B  }
0xa8: {  	_ =	swait.ge [sflag:s23], $0x1  }
0xa9: {  	[sflag:s23] =	ssyncset.done $0x0  }
0xaa: {  	[sflag:s23] =	ssyncadd.s32 $0xFFFFFFFF  }
0xab: {  	s6 =	sld [smem:$0x0]  }
0xac: {  	s7 =	sand.u32 $0xFFFFFFFE, s1  }
0xad: {  	p0 =	sne.s32 s1, s7  }
0xae: {  	s7 =	sshll.u32 @p0 s7, $0xE  }
0xaf: {  	s7 =	sadd.s32 @p0 $0x11B8D, s7;
	s8 =	sshll.u32 @p0 s6, $0x11  }
0xb0: {  	s7 =	sor.u32 @p0 s8, s7  }
0xb1: {  	[sflag:s7] =	ssyncadd.remote.s32 @p0 $0x1;
	_ =	sdelay $0x1  }
0xb2: {  	s7 =	simm.s32 @p0 $0x1B8D  }
0xb3: {  	_ =	swait.eq @p0 [sflag:s7], $0x1  }
0xb4: {  	[sflag:s7] =	ssyncadd.s32 @p0 $0xFFFFFFFF  }
0xb5: {  	s8 =	sshll.u32 @!p0 s1, $0xE  }
0xb6: {  	s8 =	sor.u32 @!p0 $0x4000, s8;
	s7 =	simm.s32 @!p0 $0x1B8D  }
0xb7: {  	s6 =	sshll.u32 @!p0 s6, $0x11;
	s8 =	sadd.s32 @!p0 $0x11B8D, s8;
	_ =	swait.eq @!p0 [sflag:s7], $0x1  }
0xb8: {  	s6 =	sor.u32 @!p0 s6, s8;
	[sflag:s7] =	ssyncadd.s32 @!p0 $0xFFFFFFFF  }
0xb9: {  	s25 =	simm.s32 $0x1B8E;
	s24 =	sld [smem:$0x3FFE];
	[sflag:s6] =	ssyncadd.remote.s32 @!p0 $0x1  }
0xba: {  	s26 =	simm.s32 $execute0_lowered;
	[smem:$0x3FD2] =	sst s25  }
0xbb: {  	s7 =	sshll.u32 s26, $0x1;
	_ =	strace $0x80000049;
	[dreg:$0x1] =	wrdreg $0xFFFFFFFF  }
0xbc: {  	s28 =	simm.s32 $_size_execute0_lowered;
	s5 =	sadd.s32 s5, s7;
	[dreg:$0x0] =	wrdreg $0x0  }
0xbd: {  	s7 =	sshll.u32 s28, $0x1;
	[dreg:$0x2] =	wrdreg s5  }
0xbe: {  	[dreg:$0x3] =	wrdreg s7  }
0xbf: {  	[dreg:$0x4] =	wrdreg $0xC0  }
0xc0: {  	_ =	task [dreg:s22], $0x5FFFF  }
0xc1: {  	[dreg:$0x1] =	wrdreg $0xFFFFFFFF  }
0xc2: {  	[dreg:$0x0] =	wrdreg $0x60  }
0xc3: {  	[dreg:$0x2] =	wrdreg s2  }
0xc4: {  	[dreg:$0x3] =	wrdreg s17  }
0xc5: {  	[dreg:$0x4] =	wrdreg s24  }
0xc6: {  	[dreg:$0x5] =	wrdreg $0xA  }
0xc7: {  	_ =	task.clear_ibuf [dreg:s22], $0x6FFFF;
	_ =	strace $0x90000049  }
0xc8: {  	s29 =	simm.s32 $0xA;
	_ =	strace $0x8000004B  }
0xc9: {  	_ =	swait.ge [sflag:s29], $0x1  }
0xca: {  	[sflag:s29] =	ssyncadd.s32 $0xFFFFFFFF  }
0xcb: {  	_ =	strace $0x9000004B  }
0xcc: {  	_ =	sfence  }
0xcd: {  	s30 =	sld [smem:$0x0];
	_ =	sdelay $0x2  }
0xce: {  	s31 =	sshll.u32 s1, $0xD;
	s1 =	sshrl.u32 s1, $0x2  }
0xcf: {  	s4 =	sand.u32 $0x4000, s31;
	s1 =	sadd.s32 s1, s30  }
0xd0: {  	s0 =	sor.u32 s4, s0;
	s1 =	sshll.u32 s1, $0x11  }
0xd1: {  	s0 =	sor.u32 s1, s0  }
0xd2: {  	s0 =	sadd.s32 $0x8F2B, s0  }
0xd3: {  	[sflag:s0] =	ssyncadd.remote.s32 $0x1  }
0xd4: {  	_ =	sfence.sel $0xFFFF  }
0xd5: {  	[dreg:$0x0] =	wrdreg $0xFFFFFFFF;
	(pc) =	sbr.abs _section_cstart, $3  }
0xd6: {  	[dreg:$0x1] =	wrdreg $0xFFFFFFFF  }
0xd7: {  	_ =	task.clear_ibuf [dreg:s22], $0x2FFFF;
	_ =	strace $0x9FFFFFFF  }
0xd8: {  	(tm) =	ssettm $0x7FFFFFFF  }
0xd9: {  	_ =	shalt  }
tec
execute0_lowered:
.L_overlay_start_1:
0x0: {  	(tag) =	ssettag $0x1  }
0x1: {  	s1 =	rddreg [dreg:$0x0]  }
0x2: {  	s0 =	stileid.u32;
	s6 =	rddreg [dreg:$0x1]  }
0x3: {  	s2 =	srdreg.scid;
	s7 =	rddreg [dreg:$0x2]  }
0x4: {  	s3 =	simm.s32 $0x0;
	s11 =	simm.s32 $0x0;
	s4 =	smul.u32 $0x4E200, s0  }
0x5: {  	s5 =	sand.u32 $0x1, s2;
	s2 =	rddreg [dreg:$0x3];
	s9 =	smul.u32 $0x4E20, s0  }
0x6: {  	[smem:$0x7FF] =	sst s3;
	s8 =	smul.u32 $0x27100, s5;
	s10 =	ssub.s32 $0x2, s5  }
0x7: {  	s5 =	smul.u32 $0x2710, s5;
	s4 =	sadd.s32 s4, s7;
	s30 =	sshrl.u32 s10, $0x1  }
0x8: {  	_ =	strace $0x8000004A;
	s7 =	ssub.s32 s10, s30;
	s8 =	sadd.s32 s8, s4  }
0x9: {  	s9 =	sadd.s32 s5, s9;
	s10 =	simm.s32 $0x1;
	s4 =	smax.u32 s7, $0x1  }
0xa: {  	s5 =	sadd.s32 $0x4F0E00, s8;
	s31 =	sshrl.u32 s9, $0x3;
	s7 =	simm.s32 $0x2  }
0xb: {  	s8 =	simm.s32 $0x50;
	s9 =	simm.s32 $0x80;
	s6 =	sadd.s32 s31, s6  }
.LBB2_1:
0xc: {  	s12 =	sadd.s32 $0x0, s6  }
0xd: {  	[tilespmem:s3], [sflag:$0x2] =	stream.linear.gather [hbm4b:s12+s3], $0x50, $0x38;
	[tilespmem:$0x2880] =	vst v63  }
0xe: {  	_ =	swait.ge [sflag:s7], $0x50  }
0xf: {  	[sflag:s7] =	ssyncset.done $0x0  }
0x10: {  	[sflag:s7] =	ssyncadd.s32 $0xFFFFFFB0  }
0x11: {  	[tilespmem:s9], [sflag:$0x1] =	stream.indirect.gather [hbm4b:s1+s8], $0x80, s3, s8, $0xb8;
	[tilespmem:$0x2880] =	vst v63  }
0x12: {  	_ =	swait.ge [sflag:s10], $0x2800  }
0x13: {  	[sflag:s10] =	ssyncset.done $0x0  }
0x14: {  	[sflag:s10] =	ssyncadd.s32 $0xFFFFD800  }
0x15: {  	[hbm4b:s5+s3] =	stream.linear.scatter [tilespmem:s9], [sflag:$0x2], $0x2800, $0x38;
	[tilespmem:$0x2880] =	vst v63  }
0x16: {  	s13 =	simm.s32 $0xA;
	_ =	swait.ge [sflag:s7], $0x2800  }
0x17: {  	s14 =	simm.s32 $0x14;
	s12 =	sadd.s32 $0x500, s5;
	[sflag:s7] =	ssyncset.done $0x0  }
.LBB2_2:
0x18: {  	s15 =	sadd.s32 s13, s6  }
0x19: {  	[sflag:s7] =	ssyncadd.s32 $0xFFFFD800;
	s13 =	smov.u32 s14;
	s16 =	sadd.s32 $0xA, s14  }
0x1a: {  	[tilespmem:s3], [sflag:$0x2] =	stream.linear.gather [hbm4b:s15+s3], $0x50, $0x38;
	[tilespmem:$0x2880] =	vst v63  }
0x1b: {  	p0 =	sne.s32 s14, $0x4D8;
	_ =	swait.ge [sflag:s7], $0x50  }
0x1c: {  	[sflag:s7] =	ssyncset.done $0x0  }
0x1d: {  	[sflag:s7] =	ssyncadd.s32 $0xFFFFFFB0  }
0x1e: {  	[tilespmem:s9], [sflag:$0x1] =	stream.indirect.gather [hbm4b:s1+s8], $0x80, s3, s8, $0xb8;
	[tilespmem:$0x2880] =	vst v63  }
0x1f: {  	_ =	swait.ge [sflag:s10], $0x2800  }
.Ltmp0:
0x20: {  	[sflag:s10] =	ssyncset.done $0x0;
	(pc) =	sbr.rel @p0 .LBB2_2-.Ltmp0, $4  }
0x21: {  	[sflag:s10] =	ssyncadd.s32 $0xFFFFD800  }
0x22: {  	[hbm4b:s12+s3] =	stream.linear.scatter [tilespmem:s9], [sflag:$0x2], $0x2800, $0x38;
	[tilespmem:$0x2880] =	vst v63  }
0x23: {  	_ =	swait.ge [sflag:s7], $0x2800  }
0x24: {  	s14 =	smov.u32 s16;
	s12 =	sadd.s32 $0x500, s12;
	[sflag:s7] =	ssyncset.done $0x0  }
0x25: {  	s13 =	sadd.s32 s13, s6;
	[sflag:s7] =	ssyncadd.s32 $0xFFFFD800  }
0x26: {  	[tilespmem:s3], [sflag:$0x2] =	stream.linear.gather [hbm4b:s13+s3], $0x50, $0x38;
	[tilespmem:$0x2880] =	vst v63  }
0x27: {  	_ =	swait.ge [sflag:s7], $0x50  }
0x28: {  	[sflag:s7] =	ssyncset.done $0x0  }
0x29: {  	[sflag:s7] =	ssyncadd.s32 $0xFFFFFFB0  }
0x2a: {  	[tilespmem:s9], [sflag:$0x1] =	stream.indirect.gather [hbm4b:s1+s8], $0x80, s3, s8, $0xb8;
	[tilespmem:$0x2880] =	vst v63  }
0x2b: {  	s11 =	sadd.s32 $0x1, s11;
	_ =	swait.ge [sflag:s10], $0x2800  }
0x2c: {  	p0 =	sne.s32 s11, s4;
	[sflag:s10] =	ssyncset.done $0x0  }
.Ltmp1:
0x2d: {  	[sflag:s10] =	ssyncadd.s32 $0xFFFFD800;
	(pc) =	sbr.rel @p0 .LBB2_1-.Ltmp1, $4  }
0x2e: {  	[hbm4b:s12+s3] =	stream.linear.scatter [tilespmem:s9], [sflag:$0x2], $0x2800, $0x38;
	[tilespmem:$0x2880] =	vst v63  }
0x2f: {  	_ =	swait.ge [sflag:s7], $0x2800  }
0x30: {  	[sflag:s7] =	ssyncset.done $0x0  }
0x31: {  	[sflag:s7] =	ssyncadd.s32 $0xFFFFD800  }
0x32: {  	_ =	sfence.sel $0x180000  }
0x33: {  	[bflag:$0x0] =	sbarrier.arrive $0xFFFF  }
0x34: {  	p0 =	sne.s32 s0, $0x0;
	_ =	strace $0x9000004A  }
0x35: {  	s0 =	sadd.s32 @!p0 $0x100000, s2;
	[bflag:$0x2] =	sbarrier.arrive $0xFFFF  }
0x36: {  	[sflag:s0] =	ssyncadd.tile.s32 @!p0 $0x1;
	_ =	shalt  }
.Lfunc_end2:
_tile_overlayer_lowered:
.L_overlay_start_2:
0x37: {  	(tag) =	ssettag $0x2  }
0x38: {  	s0 =	rddreg [dreg:$0x0];
	s2 =	stileid.u32  }
0x39: {  	s1 =	rddreg [dreg:$0x1];
	p0 =	sne.s32 s2, $0x0  }
0x3a: {  	s3 =	rddreg [dreg:$0x2];
	[bflag:$0x3] =	sbarrier.arrive $0xFFFF;
	s2 =	simm.s32 @!p0 $0x1C02  }
0x3b: {  	[timem:s3], [sflag:s2] =	dma.local @!p0 [hbm:s0], s1  }
0x3c: {  	s0 =	simm.s32 @!p0 $0x2  }
0x3d: {  	_ =	swait.ge @!p0 [sflag:s0], s1  }
0x3e: {  	s1 =	ssub.s32 @!p0 $0x0, s1;
	[sflag:s0] =	ssyncset.done @!p0 $0x0  }
0x3f: {  	[sflag:s0] =	ssyncadd.s32 @!p0 s1  }
0x40: {  	[bflag:$0x3] =	sbarrier.arrive $0xFFFF  }
0x41: {  	_ =	shalt  }

// kernel: kernel.30.cloned.1.call-start
scs
__scs_entry_jumppad:
0x0: {  	(pc) =	sbr.rel $0x88, $3  }
0x1: {  	(tag) =	ssettag $0x0;
	lr =	simm.s32 $0x1  }
0x2: {  	[smem:$0x3F71] =	sst lr;
	_ =	strace $0xD0000000  }
0x3: {  	_ = 	snop  }
0x4: {  	_ = 	snop  }
0x5: {  	_ = 	snop  }
0x6: {  	_ = 	snop  }
0x7: {  	_ = 	snop  }
__scs_overlays_trampoline_lowered:
0x8: {  	[smem:$0x3F80] =	sst s0  }
0x9: {  	[smem:$0x3F81] =	sst s1  }
0xa: {  	[smem:$0x3F82] =	sst s2  }
0xb: {  	[smem:$0x3F83] =	sst s3  }
0xc: {  	[smem:$0x3F84] =	sst s4  }
0xd: {  	[smem:$0x3F85] =	sst s5  }
0xe: {  	[smem:$0x3F86] =	sst s6  }
0xf: {  	[smem:$0x3F87] =	sst s7  }
0x10: {  	[smem:$0x3F88] =	sst s8  }
0x11: {  	[smem:$0x3F89] =	sst s9;
	s0 =	simm.s32 @!p0 $0x0  }
0x12: {  	s1 =	sld [smem:$0x3F6F];
	s0 =	simm.s32 @p0 $0x1  }
0x13: {  	[smem:$0x3F8A] =	sst s0;
	s0 =	simm.s32 @!p1 $0x0  }
0x14: {  	s2 =	sld [smem:$0x3F6E];
	s0 =	simm.s32 @p1 $0x1  }
0x15: {  	[smem:$0x3F8B] =	sst s0;
	s0 =	simm.s32 @!p2 $0x0  }
0x16: {  	s3 =	sld [smem:$0x3FDB];
	s0 =	simm.s32 @p2 $0x1  }
0x17: {  	s4 =	simm.s32 $0x1BF5;
	[smem:$0x3F8D] =	sst s0  }
0x18: {  	s0 =	sld [smem:$0x3F70];
	_ =	swait.ge [sflag:s4], $0x0  }
0x19: {  	s7 =	sld [smem:$0x3F71]  }
0x1a: {  	s8 =	sadd.s32 $0xFFFFE003, lr  }
0x1b: {  	s9 =	sadd.s32 $0xFFFFFEF7, lr;
	s5 =	simm.s32 $0xFFFFFFFF;
	p2 =	slt.u32 s8, $0xFFFFF086  }
0x1c: {  	p1 =	slt.u32 s9, $0xF7A;
	s5 =	simm.s32 @!p2 $0x0  }
0x1d: {  	s5 =	simm.s32 @p1 $0x1;
	p0 =	seq.s32 s7, s2  }
0x1e: {  	s7 =	smul.u32 @!p0 $0xF7A, s2;
	p2 =	seq.s32 @!p0 s5, $0x0  }
0x1f: {  	s9 =	smul.u32 $0xF7A, s1;
	s8 =	simm.s32 @!p0 $0x1BF5;
	p2 =	por !p2, p0  }
0x20: {  	[sflag:s8] =	ssyncset.s32 @!p0 $0xFFFFF086;
	s6 =	sadd.s32 @!p0 s3, s7;
	s7 =	simm.s32 @!p0 $0x108  }
0x21: {  	s3 =	sadd.s32 s3, s9;
	s6 =	sadd.s32 @!p0 $0x88, s6;
	s7 =	simm.s32 @p2 $0x1082  }
0x22: {  	[simem:s7], [sflag:s8] =	dma.local @!p0 [hbm:s6], $0xF7A  }
0x23: {  	s9 =	sor.u32 $0xD0000000, s2;
	s6 =	simm.s32 $0x108;
	_ =	swait.ge @!p0 [sflag:s8], $0x0  }
0x24: {  	s3 =	sadd.s32 $0x88, s3;
	s6 =	simm.s32 @!p1 $0x1082;
	[sflag:s4] =	ssyncset.s32 $0xFFFFF086  }
0x25: {  	[simem:s6], [sflag:s4] =	dma.local [hbm:s3], $0xF7A  }
0x26: {  	[smem:$0x3F71] =	sst s1;
	(tag) =	ssettag s2;
	_ =	strace s9  }
0x27: {  	s1 =	sld [smem:$0x3F81]  }
0x28: {  	s2 =	sld [smem:$0x3F82]  }
0x29: {  	s4 =	sld [smem:$0x3F84]  }
0x2a: {  	p0 =	seq.s32 s5, $0x0;
	s5 =	sld [smem:$0x3F85]  }
0x2b: {  	s6 =	sld [smem:$0x3F86]  }
0x2c: {  	s7 =	sld [smem:$0x3F87]  }
0x2d: {  	s3 =	simm.s32 $0x108;
	s8 =	sld [smem:$0x3F88]  }
0x2e: {  	s3 =	simm.s32 @!p0 $0x1082;
	s9 =	sld [smem:$0x3F89]  }
0x2f: {  	lr =	sadd.s32 s0, s3;
	s0 =	sld [smem:$0x3F80]  }
0x30: {  	s3 =	sld [smem:$0x3F83]  }
0x31: {  	[smem:$0x3F8C] =	sst s10  }
0x32: {  	s10 =	sld [smem:$0x3F8A];
	_ =	sdelay $0x3  }
0x33: {  	p0 =	seq.s32 s10, $0x1;
	s10 =	sld [smem:$0x3F8C];
	_ =	sdelay $0x3  }
0x34: {  	[smem:$0x3F8C] =	sst s10  }
0x35: {  	s10 =	sld [smem:$0x3F8B];
	_ =	sdelay $0x3  }
0x36: {  	p1 =	seq.s32 s10, $0x1;
	s10 =	sld [smem:$0x3F8C];
	_ =	sdelay $0x3  }
0x37: {  	[smem:$0x3F8C] =	sst s10  }
0x38: {  	s10 =	sld [smem:$0x3F8D]  }
0x39: {  	_ = 	snop;
	(pc) =	sbr.ind lr, $3  }
0x3a: {  	_ = 	snop  }
0x3b: {  	_ = 	snop  }
0x3c: {  	p2 =	seq.s32 s10, $0x1;
	s10 =	sld [smem:$0x3F8C]  }
0x3d: {  	_ =	shalt  }
0x3e: {  	_ =	shalt  }
0x3f: {  	_ =	shalt  }
0x40: {  	_ =	shalt  }
0x41: {  	_ =	shalt  }
0x42: {  	_ =	shalt  }
0x43: {  	_ =	shalt  }
0x44: {  	_ =	shalt  }
0x45: {  	_ =	shalt  }
0x46: {  	_ =	shalt  }
0x47: {  	_ =	shalt  }
0x48: {  	_ =	shalt  }
0x49: {  	_ =	shalt  }
0x4a: {  	_ =	shalt  }
0x4b: {  	_ =	shalt  }
0x4c: {  	_ =	shalt  }
0x4d: {  	_ =	shalt  }
0x4e: {  	_ =	shalt  }
0x4f: {  	_ =	shalt  }
0x50: {  	_ =	shalt  }
0x51: {  	_ =	shalt  }
0x52: {  	_ =	shalt  }
0x53: {  	_ =	shalt  }
0x54: {  	_ =	shalt  }
0x55: {  	_ =	shalt  }
0x56: {  	_ =	shalt  }
0x57: {  	_ =	shalt  }
0x58: {  	_ =	shalt  }
0x59: {  	_ =	shalt  }
0x5a: {  	_ =	shalt  }
0x5b: {  	_ =	shalt  }
0x5c: {  	_ =	shalt  }
0x5d: {  	_ =	shalt  }
0x5e: {  	_ =	shalt  }
0x5f: {  	_ =	shalt  }
0x60: {  	_ =	shalt  }
0x61: {  	_ =	shalt  }
0x62: {  	_ =	shalt  }
0x63: {  	_ =	shalt  }
0x64: {  	_ =	shalt  }
0x65: {  	_ =	shalt  }
0x66: {  	_ =	shalt  }
0x67: {  	_ =	shalt  }
0x68: {  	_ =	shalt  }
0x69: {  	_ =	shalt  }
0x6a: {  	_ =	shalt  }
0x6b: {  	_ =	shalt  }
0x6c: {  	_ =	shalt  }
0x6d: {  	_ =	shalt  }
0x6e: {  	_ =	shalt  }
0x6f: {  	_ =	shalt  }
0x70: {  	_ =	shalt  }
0x71: {  	_ =	shalt  }
0x72: {  	_ =	shalt  }
0x73: {  	_ =	shalt  }
0x74: {  	_ =	shalt  }
0x75: {  	_ =	shalt  }
0x76: {  	_ =	shalt  }
0x77: {  	_ =	shalt  }
0x78: {  	_ =	shalt  }
0x79: {  	_ =	shalt  }
0x7a: {  	_ =	shalt  }
0x7b: {  	_ =	shalt  }
0x7c: {  	_ =	shalt  }
0x7d: {  	_ =	shalt  }
0x7e: {  	_ =	shalt  }
0x7f: {  	_ =	shalt  }
0x80: {  	_ =	shalt  }
0x81: {  	_ =	shalt  }
0x82: {  	_ =	shalt  }
0x83: {  	_ =	shalt  }
0x84: {  	_ =	shalt  }
0x85: {  	_ =	shalt  }
0x86: {  	_ =	shalt  }
0x87: {  	_ =	shalt  }
.Lfunc_end0:
.L_simem_size_0:
called_computation.3_lowered:
.L_overlay_start_0:
0x88: {  	s2 =	sld [smem:$0x3FD9]  }
0x89: {  	s3 =	sld [smem:$0x3FFE];
	_ =	sdelay $0x1  }
0x8a: {  	s1 =	srdreg.scid  }
0x8b: {  	s0 =	sand.u32 $0x1, s1  }
0x8c: {  	s14 =	sshll.u32 s0, $0xA;
	s2 =	sadd.s32 s3, s2  }
0x8d: {  	s2 =	sadd.s32 s2, s14  }
0x8e: {  	[smem:$0x3F98] =	sst s2  }
0x8f: {  	_ = 	snop  }
0x90: {  	s2 =	sld [smem:$0x3FD0];
	_ =	sdelay $0x2  }
0x91: {  	s15 =	simm.s32 $0xC;
	s4 =	simm.s32 $0x10  }
0x92: {  	[smem:s4], [sflag:s15] =	dma.local [hbm:s2], $0x1  }
0x93: {  	_ =	swait.eq [sflag:s15], $0x1  }
0x94: {  	[sflag:s15] =	ssyncset.done $0x0  }
0x95: {  	s16 =	sld [smem:$0x12];
	[sflag:s15] =	ssyncadd.s32 $0xFFFFFFFF  }
0x96: {  	s17 =	sld [smem:$0x13];
	(tm) =	ssettm $0x1  }
0x97: {  	s18 =	sld [smem:$0x3FFB];
	_ =	sdelay $0x3  }
0x98: {  	_ =	strace s18  }
0x99: {  	s4 =	sld [smem:$0x3FFC];
	_ =	sdelay $0x3  }
0x9a: {  	_ =	strace s4  }
0x9b: {  	s4 =	sld [smem:$0x3FFD];
	_ =	sdelay $0x3  }
0x9c: {  	_ =	strace s4  }
0x9d: {  	_ =	strace $0x8FFFFFFF  }
0x9e: {  	s19 =	sld [smem:$0x3FDB];
	_ =	sdelay $0x1  }
0x9f: {  	s5 =	simm.s32 $_scs_section_size  }
0xa0: {  	s6 =	simm.s32 $_size__tile_overlayer_lowered;
	s7 =	simm.s32 $_tile_overlayer_lowered  }
0xa1: {  	s22 =	simm.s32 $0x1BFF;
	s21 =	sshll.u32 s7, $0x1;
	s4 =	sadd.s32 s5, s19  }
0xa2: {  	s8 =	simm.s32 $0x0;
	s20 =	sshll.u32 s6, $0x1;
	s6 =	sadd.s32 s21, s4  }
0xa3: {  	[timem:s8], [sflag:s22] =	dma.local [hbm:s6], s20  }
0xa4: {  	_ =	swait.ge [sflag:s22], s20  }
0xa5: {  	s5 =	ssub.s32 $0x0, s20;
	[sflag:s22] =	ssyncset.done $0x0  }
0xa6: {  	[sflag:s22] =	ssyncadd.s32 s5;
	_ =	sdelay $0x1  }
0xa7: {  	s23 =	simm.s32 $0x1B8B  }
0xa8: {  	_ =	swait.ge [sflag:s23], $0x1  }
0xa9: {  	[sflag:s23] =	ssyncset.done $0x0  }
0xaa: {  	s25 =	simm.s32 $0x1B8E;
	s24 =	sld [smem:$0x3FFE];
	[sflag:s23] =	ssyncadd.s32 $0xFFFFFFFF  }
0xab: {  	s26 =	simm.s32 $execute0_lowered;
	[smem:$0x3FD2] =	sst s25  }
0xac: {  	s6 =	sshll.u32 s26, $0x1;
	_ =	strace $0x8000004C;
	[dreg:$0x1] =	wrdreg $0xFFFFFFFF  }
0xad: {  	s28 =	simm.s32 $_size_execute0_lowered;
	s4 =	sadd.s32 s4, s6;
	[dreg:$0x0] =	wrdreg $0x0  }
0xae: {  	s6 =	sshll.u32 s28, $0x1;
	[dreg:$0x2] =	wrdreg s4  }
0xaf: {  	[dreg:$0x3] =	wrdreg s6  }
0xb0: {  	[dreg:$0x4] =	wrdreg $0xC0  }
0xb1: {  	_ =	task [dreg:s8], $0x5FFFF  }
0xb2: {  	[dreg:$0x1] =	wrdreg $0xFFFFFFFF  }
0xb3: {  	[dreg:$0x0] =	wrdreg $0x60  }
0xb4: {  	[dreg:$0x2] =	wrdreg s17  }
0xb5: {  	[dreg:$0x3] =	wrdreg s16  }
0xb6: {  	[dreg:$0x4] =	wrdreg s24  }
0xb7: {  	[dreg:$0x5] =	wrdreg $0x28800  }
0xb8: {  	[dreg:$0x6] =	wrdreg $0x9  }
0xb9: {  	_ =	task.clear_ibuf [dreg:s8], $0x7FFFF;
	_ =	strace $0x9000004C  }
0xba: {  	s29 =	simm.s32 $0x9;
	_ =	strace $0x8000004E  }
0xbb: {  	_ =	swait.ge [sflag:s29], $0x1  }
0xbc: {  	[sflag:s29] =	ssyncadd.s32 $0xFFFFFFFF  }
0xbd: {  	_ =	strace $0x9000004E  }
0xbe: {  	_ =	sfence  }
0xbf: {  	s30 =	sld [smem:$0x0];
	_ =	sdelay $0x2  }
0xc0: {  	s31 =	sshll.u32 s1, $0xD;
	s1 =	sshrl.u32 s1, $0x2  }
0xc1: {  	s3 =	sand.u32 $0x4000, s31;
	s1 =	sadd.s32 s1, s30  }
0xc2: {  	s0 =	sor.u32 s3, s0;
	s1 =	sshll.u32 s1, $0x11  }
0xc3: {  	s0 =	sor.u32 s1, s0  }
0xc4: {  	s0 =	sadd.s32 $0x8F2B, s0  }
0xc5: {  	[sflag:s0] =	ssyncadd.remote.s32 $0x1  }
0xc6: {  	_ =	sfence.sel $0xFFFF  }
0xc7: {  	[dreg:$0x0] =	wrdreg $0xFFFFFFFF;
	(pc) =	sbr.abs _section_cstart, $3  }
0xc8: {  	[dreg:$0x1] =	wrdreg $0xFFFFFFFF  }
0xc9: {  	_ =	task.clear_ibuf [dreg:s8], $0x2FFFF;
	_ =	strace $0x9FFFFFFF  }
0xca: {  	(tm) =	ssettm $0x7FFFFFFF  }
0xcb: {  	_ =	shalt  }
tec
execute0_lowered:
.L_overlay_start_1:
0x0: {  	(tag) =	ssettag $0x1  }
0x1: {  	s6 =	rddreg [dreg:$0x0];
	s3 =	srdreg.scid  }
0x2: {  	s8 =	rddreg [dreg:$0x1];
	s7 =	sand.u32 $0x1, s3  }
0x3: {  	s3 =	stileid.u32;
	s9 =	smul.u32 $0x28000, s7  }
0x4: {  	s5 =	rddreg [dreg:$0x2];
	s12 =	smul.u32 $0x50000, s3  }
0x5: {  	s1 =	rddreg [dreg:$0x3];
	s24 =	smul.u32 $0x4E20, s3  }
0x6: {  	s0 =	rddreg [dreg:$0x4];
	s2 =	simm.s32 $0x0;
	s13 =	smul.u32 $0x2710, s7  }
0x7: {  	[smem:$0x7FF] =	sst s2;
	s4 =	sadd.s32 $0xEE00, s5;
	s28 =	smul.u32 $0x4E200, s3  }
0x8: {  	_ =	strace $0x8000004D;
	s10 =	ssub.s32 $0x2, s7;
	s7 =	smul.u32 $0x27100, s7  }
0x9: {  	s26 =	sshll.u32 s3, $0x6;
	s30 =	smul.u32 $0x2800, s3;
	s11 =	sshrl.u32 s10, $0x1  }
0xa: {  	s9 =	sadd.s32 s9, s5;
	s10 =	ssub.s32 s10, s11;
	s25 =	sshrl.u32 s12, $0x2  }
0xb: {  	s5 =	sor.u32 $0x1C01, s26;
	s29 =	sadd.s32 s13, s24;
	s31 =	sadd.s32 s28, s6  }
0xc: {  	s11 =	simm.s32 $0x80;
	s12 =	simm.s32 $0x50;
	s14 =	sadd.s32 s25, s1  }
0xd: {  	s15 =	sadd.s32 $0x11600, s9;
	s9 =	sshrl.u32 s29, $0x3;
	s6 =	smax.u32 s10, $0x1  }
0xe: {  	s7 =	sadd.s32 s7, s31;
	s10 =	simm.s32 $0x1;
	s8 =	sadd.s32 s9, s8  }
0xf: {  	s9 =	sshrl.u32 s14, $0x3;
	s13 =	sadd.s32 s30, s15;
	s14 =	simm.s32 $0x0  }
.LBB2_1:
0x10: {  	[spmem:s9], [sflag:s5] =	dma.local [hbm:s4], $0x2800  }
0x11: {  	_ =	swait.ge [sflag:s10], $0x2800  }
0x12: {  	[sflag:s10] =	ssyncset.done $0x0  }
0x13: {  	[sflag:s10] =	ssyncadd.s32 $0xFFFFD800  }
0x14: {  	s15 =	sadd.s32 $0x0, s8;
	[bflag:$0x0] =	sbarrier.arrive $0xFFFF  }
0x15: {  	[tilespmem:s2], [sflag:$0x1] =	stream.linear.gather [hbm4b:s15+s2], $0x50, $0x38;
	[tilespmem:$0x16880] =	vst v63  }
0x16: {  	_ =	swait.ge [sflag:s10], $0x50  }
0x17: {  	[sflag:s10] =	ssyncset.done $0x0  }
0x18: {  	[sflag:s10] =	ssyncadd.s32 $0xFFFFFFB0  }
0x19: {  	[tilespmem:s11], [sflag:$0x1] =	stream.linear.gather [hbm4b:s7+s2], $0x2800, $0x38;
	[tilespmem:$0x16880] =	vst v63  }
0x1a: {  	_ =	swait.ge [sflag:s10], $0x2800  }
0x1b: {  	[sflag:s10] =	ssyncset.done $0x0  }
0x1c: {  	[sflag:s10] =	ssyncadd.s32 $0xFFFFD800  }
0x1d: {  	[spmem:s1] =	stream.indirect.scatter.add.f32 [tilespmem:s11], [sflag:$0x1], $0x80, s2, s12, $0xb8;
	[tilespmem:$0x16880] =	vst v63  }
0x1e: {  	s16 =	simm.s32 $0xA;
	_ =	swait.ge [sflag:s10], $0x2800  }
0x1f: {  	s17 =	simm.s32 $0x14;
	s15 =	sadd.s32 $0x500, s7;
	[sflag:s10] =	ssyncset.done $0x0  }
.LBB2_2:
0x20: {  	s18 =	sadd.s32 s16, s8  }
0x21: {  	[sflag:s10] =	ssyncadd.s32 $0xFFFFD800;
	s16 =	smov.u32 s17;
	s19 =	sadd.s32 $0xA, s17  }
0x22: {  	[tilespmem:s2], [sflag:$0x1] =	stream.linear.gather [hbm4b:s18+s2], $0x50, $0x38;
	[tilespmem:$0x16880] =	vst v63  }
0x23: {  	p0 =	sne.s32 s17, $0x4D8;
	_ =	swait.ge [sflag:s10], $0x50  }
0x24: {  	[sflag:s10] =	ssyncset.done $0x0  }
0x25: {  	[sflag:s10] =	ssyncadd.s32 $0xFFFFFFB0  }
0x26: {  	[tilespmem:s11], [sflag:$0x1] =	stream.linear.gather [hbm4b:s15+s2], $0x2800, $0x38;
	[tilespmem:$0x16880] =	vst v63  }
0x27: {  	_ =	swait.ge [sflag:s10], $0x2800  }
.Ltmp0:
0x28: {  	[sflag:s10] =	ssyncset.done $0x0;
	(pc) =	sbr.rel @p0 .LBB2_2-.Ltmp0, $4  }
0x29: {  	[sflag:s10] =	ssyncadd.s32 $0xFFFFD800  }
0x2a: {  	[spmem:s1] =	stream.indirect.scatter.add.f32 [tilespmem:s11], [sflag:$0x1], $0x80, s2, s12, $0xb8;
	[tilespmem:$0x16880] =	vst v63  }
0x2b: {  	_ =	swait.ge [sflag:s10], $0x2800  }
0x2c: {  	s17 =	smov.u32 s19;
	s15 =	sadd.s32 $0x500, s15;
	[sflag:s10] =	ssyncset.done $0x0  }
0x2d: {  	s16 =	sadd.s32 s16, s8;
	[sflag:s10] =	ssyncadd.s32 $0xFFFFD800  }
0x2e: {  	[tilespmem:s2], [sflag:$0x1] =	stream.linear.gather [hbm4b:s16+s2], $0x50, $0x38;
	[tilespmem:$0x16880] =	vst v63  }
0x2f: {  	_ =	swait.ge [sflag:s10], $0x50  }
0x30: {  	[sflag:s10] =	ssyncset.done $0x0  }
0x31: {  	[sflag:s10] =	ssyncadd.s32 $0xFFFFFFB0  }
0x32: {  	[tilespmem:s11], [sflag:$0x1] =	stream.linear.gather [hbm4b:s15+s2], $0x2800, $0x38;
	[tilespmem:$0x16880] =	vst v63  }
0x33: {  	_ =	swait.ge [sflag:s10], $0x2800  }
0x34: {  	[sflag:s10] =	ssyncset.done $0x0  }
0x35: {  	[sflag:s10] =	ssyncadd.s32 $0xFFFFD800  }
0x36: {  	[spmem:s1] =	stream.indirect.scatter.add.f32 [tilespmem:s11], [sflag:$0x1], $0x80, s2, s12, $0xb8;
	[tilespmem:$0x16880] =	vst v63  }
0x37: {  	_ =	swait.ge [sflag:s10], $0x2800  }
0x38: {  	s14 =	sadd.s32 $0x1, s14;
	[sflag:s10] =	ssyncset.done $0x0  }
0x39: {  	p0 =	sne.s32 s14, s6;
	[sflag:s10] =	ssyncadd.s32 $0xFFFFD800  }
.Ltmp1:
0x3a: {  	[bflag:$0x0] =	sbarrier.arrive $0xFFFF;
	(pc) =	sbr.rel @p0 .LBB2_1-.Ltmp1, $4  }
0x3b: {  	[hbm:s13], [sflag:s5] =	dma.local [spmem:s9], $0x2800  }
0x3c: {  	_ =	swait.ge [sflag:s10], $0x2800  }
0x3d: {  	[sflag:s10] =	ssyncset.done $0x0  }
0x3e: {  	[sflag:s10] =	ssyncadd.s32 $0xFFFFD800  }
0x3f: {  	_ =	sfence.sel $0x180000  }
0x40: {  	[bflag:$0x0] =	sbarrier.arrive $0xFFFF  }
0x41: {  	p0 =	sne.s32 s3, $0x0;
	_ =	strace $0x9000004D  }
0x42: {  	s0 =	sadd.s32 @!p0 $0x100000, s0;
	[bflag:$0x2] =	sbarrier.arrive $0xFFFF  }
0x43: {  	[sflag:s0] =	ssyncadd.tile.s32 @!p0 $0x1;
	_ =	shalt  }
.Lfunc_end2:
_tile_overlayer_lowered:
.L_overlay_start_2:
0x44: {  	(tag) =	ssettag $0x2  }
0x45: {  	s0 =	rddreg [dreg:$0x0];
	s2 =	stileid.u32  }
0x46: {  	s1 =	rddreg [dreg:$0x1];
	p0 =	sne.s32 s2, $0x0  }
0x47: {  	s3 =	rddreg [dreg:$0x2];
	[bflag:$0x3] =	sbarrier.arrive $0xFFFF;
	s2 =	simm.s32 @!p0 $0x1C01  }
0x48: {  	[timem:s3], [sflag:s2] =	dma.local @!p0 [hbm:s0], s1  }
0x49: {  	s0 =	simm.s32 @!p0 $0x1  }
0x4a: {  	_ =	swait.ge @!p0 [sflag:s0], s1  }
0x4b: {  	s1 =	ssub.s32 @!p0 $0x0, s1;
	[sflag:s0] =	ssyncset.done @!p0 $0x0  }
0x4c: {  	[sflag:s0] =	ssyncadd.s32 @!p0 s1  }
0x4d: {  	[bflag:$0x3] =	sbarrier.arrive $0xFFFF  }
0x4e: {  	_ =	shalt  }

// kernel: kernel.33.cloned.1.call-start
scs
__scs_entry_jumppad:
0x0: {  	(pc) =	sbr.rel $0x88, $3  }
0x1: {  	(tag) =	ssettag $0x0;
	lr =	simm.s32 $0x1  }
0x2: {  	[smem:$0x3F71] =	sst lr;
	_ =	strace $0xD0000000  }
0x3: {  	_ = 	snop  }
0x4: {  	_ = 	snop  }
0x5: {  	_ = 	snop  }
0x6: {  	_ = 	snop  }
0x7: {  	_ = 	snop  }
__scs_overlays_trampoline_lowered:
0x8: {  	[smem:$0x3F80] =	sst s0  }
0x9: {  	[smem:$0x3F81] =	sst s1  }
0xa: {  	[smem:$0x3F82] =	sst s2  }
0xb: {  	[smem:$0x3F83] =	sst s3  }
0xc: {  	[smem:$0x3F84] =	sst s4  }
0xd: {  	[smem:$0x3F85] =	sst s5  }
0xe: {  	[smem:$0x3F86] =	sst s6  }
0xf: {  	[smem:$0x3F87] =	sst s7  }
0x10: {  	[smem:$0x3F88] =	sst s8  }
0x11: {  	[smem:$0x3F89] =	sst s9;
	s0 =	simm.s32 @!p0 $0x0  }
0x12: {  	s1 =	sld [smem:$0x3F6F];
	s0 =	simm.s32 @p0 $0x1  }
0x13: {  	[smem:$0x3F8A] =	sst s0;
	s0 =	simm.s32 @!p1 $0x0  }
0x14: {  	s2 =	sld [smem:$0x3F6E];
	s0 =	simm.s32 @p1 $0x1  }
0x15: {  	[smem:$0x3F8B] =	sst s0;
	s0 =	simm.s32 @!p2 $0x0  }
0x16: {  	s3 =	sld [smem:$0x3FDB];
	s0 =	simm.s32 @p2 $0x1  }
0x17: {  	s4 =	simm.s32 $0x1BF5;
	[smem:$0x3F8D] =	sst s0  }
0x18: {  	s0 =	sld [smem:$0x3F70];
	_ =	swait.ge [sflag:s4], $0x0  }
0x19: {  	s7 =	sld [smem:$0x3F71]  }
0x1a: {  	s8 =	sadd.s32 $0xFFFFE003, lr  }
0x1b: {  	s9 =	sadd.s32 $0xFFFFFEF7, lr;
	s5 =	simm.s32 $0xFFFFFFFF;
	p2 =	slt.u32 s8, $0xFFFFF086  }
0x1c: {  	p1 =	slt.u32 s9, $0xF7A;
	s5 =	simm.s32 @!p2 $0x0  }
0x1d: {  	s5 =	simm.s32 @p1 $0x1;
	p0 =	seq.s32 s7, s2  }
0x1e: {  	s7 =	smul.u32 @!p0 $0xF7A, s2;
	p2 =	seq.s32 @!p0 s5, $0x0  }
0x1f: {  	s9 =	smul.u32 $0xF7A, s1;
	s8 =	simm.s32 @!p0 $0x1BF5;
	p2 =	por !p2, p0  }
0x20: {  	[sflag:s8] =	ssyncset.s32 @!p0 $0xFFFFF086;
	s6 =	sadd.s32 @!p0 s3, s7;
	s7 =	simm.s32 @!p0 $0x108  }
0x21: {  	s3 =	sadd.s32 s3, s9;
	s6 =	sadd.s32 @!p0 $0x88, s6;
	s7 =	simm.s32 @p2 $0x1082  }
0x22: {  	[simem:s7], [sflag:s8] =	dma.local @!p0 [hbm:s6], $0xF7A  }
0x23: {  	s9 =	sor.u32 $0xD0000000, s2;
	s6 =	simm.s32 $0x108;
	_ =	swait.ge @!p0 [sflag:s8], $0x0  }
0x24: {  	s3 =	sadd.s32 $0x88, s3;
	s6 =	simm.s32 @!p1 $0x1082;
	[sflag:s4] =	ssyncset.s32 $0xFFFFF086  }
0x25: {  	[simem:s6], [sflag:s4] =	dma.local [hbm:s3], $0xF7A  }
0x26: {  	[smem:$0x3F71] =	sst s1;
	(tag) =	ssettag s2;
	_ =	strace s9  }
0x27: {  	s1 =	sld [smem:$0x3F81]  }
0x28: {  	s2 =	sld [smem:$0x3F82]  }
0x29: {  	s4 =	sld [smem:$0x3F84]  }
0x2a: {  	p0 =	seq.s32 s5, $0x0;
	s5 =	sld [smem:$0x3F85]  }
0x2b: {  	s6 =	sld [smem:$0x3F86]  }
0x2c: {  	s7 =	sld [smem:$0x3F87]  }
0x2d: {  	s3 =	simm.s32 $0x108;
	s8 =	sld [smem:$0x3F88]  }
0x2e: {  	s3 =	simm.s32 @!p0 $0x1082;
	s9 =	sld [smem:$0x3F89]  }
0x2f: {  	lr =	sadd.s32 s0, s3;
	s0 =	sld [smem:$0x3F80]  }
0x30: {  	s3 =	sld [smem:$0x3F83]  }
0x31: {  	[smem:$0x3F8C] =	sst s10  }
0x32: {  	s10 =	sld [smem:$0x3F8A];
	_ =	sdelay $0x3  }
0x33: {  	p0 =	seq.s32 s10, $0x1;
	s10 =	sld [smem:$0x3F8C];
	_ =	sdelay $0x3  }
0x34: {  	[smem:$0x3F8C] =	sst s10  }
0x35: {  	s10 =	sld [smem:$0x3F8B];
	_ =	sdelay $0x3  }
0x36: {  	p1 =	seq.s32 s10, $0x1;
	s10 =	sld [smem:$0x3F8C];
	_ =	sdelay $0x3  }
0x37: {  	[smem:$0x3F8C] =	sst s10  }
0x38: {  	s10 =	sld [smem:$0x3F8D]  }
0x39: {  	_ = 	snop;
	(pc) =	sbr.ind lr, $3  }
0x3a: {  	_ = 	snop  }
0x3b: {  	_ = 	snop  }
0x3c: {  	p2 =	seq.s32 s10, $0x1;
	s10 =	sld [smem:$0x3F8C]  }
0x3d: {  	_ =	shalt  }
0x3e: {  	_ =	shalt  }
0x3f: {  	_ =	shalt  }
0x40: {  	_ =	shalt  }
0x41: {  	_ =	shalt  }
0x42: {  	_ =	shalt  }
0x43: {  	_ =	shalt  }
0x44: {  	_ =	shalt  }
0x45: {  	_ =	shalt  }
0x46: {  	_ =	shalt  }
0x47: {  	_ =	shalt  }
0x48: {  	_ =	shalt  }
0x49: {  	_ =	shalt  }
0x4a: {  	_ =	shalt  }
0x4b: {  	_ =	shalt  }
0x4c: {  	_ =	shalt  }
0x4d: {  	_ =	shalt  }
0x4e: {  	_ =	shalt  }
0x4f: {  	_ =	shalt  }
0x50: {  	_ =	shalt  }
0x51: {  	_ =	shalt  }
0x52: {  	_ =	shalt  }
0x53: {  	_ =	shalt  }
0x54: {  	_ =	shalt  }
0x55: {  	_ =	shalt  }
0x56: {  	_ =	shalt  }
0x57: {  	_ =	shalt  }
0x58: {  	_ =	shalt  }
0x59: {  	_ =	shalt  }
0x5a: {  	_ =	shalt  }
0x5b: {  	_ =	shalt  }
0x5c: {  	_ =	shalt  }
0x5d: {  	_ =	shalt  }
0x5e: {  	_ =	shalt  }
0x5f: {  	_ =	shalt  }
0x60: {  	_ =	shalt  }
0x61: {  	_ =	shalt  }
0x62: {  	_ =	shalt  }
0x63: {  	_ =	shalt  }
0x64: {  	_ =	shalt  }
0x65: {  	_ =	shalt  }
0x66: {  	_ =	shalt  }
0x67: {  	_ =	shalt  }
0x68: {  	_ =	shalt  }
0x69: {  	_ =	shalt  }
0x6a: {  	_ =	shalt  }
0x6b: {  	_ =	shalt  }
0x6c: {  	_ =	shalt  }
0x6d: {  	_ =	shalt  }
0x6e: {  	_ =	shalt  }
0x6f: {  	_ =	shalt  }
0x70: {  	_ =	shalt  }
0x71: {  	_ =	shalt  }
0x72: {  	_ =	shalt  }
0x73: {  	_ =	shalt  }
0x74: {  	_ =	shalt  }
0x75: {  	_ =	shalt  }
0x76: {  	_ =	shalt  }
0x77: {  	_ =	shalt  }
0x78: {  	_ =	shalt  }
0x79: {  	_ =	shalt  }
0x7a: {  	_ =	shalt  }
0x7b: {  	_ =	shalt  }
0x7c: {  	_ =	shalt  }
0x7d: {  	_ =	shalt  }
0x7e: {  	_ =	shalt  }
0x7f: {  	_ =	shalt  }
0x80: {  	_ =	shalt  }
0x81: {  	_ =	shalt  }
0x82: {  	_ =	shalt  }
0x83: {  	_ =	shalt  }
0x84: {  	_ =	shalt  }
0x85: {  	_ =	shalt  }
0x86: {  	_ =	shalt  }
0x87: {  	_ =	shalt  }
.Lfunc_end0:
.L_simem_size_0:
called_computation.4_lowered:
.L_overlay_start_0:
0x88: {  	s2 =	sld [smem:$0x3FD9]  }
0x89: {  	s3 =	sld [smem:$0x3FFE];
	_ =	sdelay $0x1  }
0x8a: {  	s1 =	srdreg.scid  }
0x8b: {  	s0 =	sand.u32 $0x1, s1  }
0x8c: {  	s15 =	sshll.u32 s0, $0xA;
	s2 =	sadd.s32 s3, s2  }
0x8d: {  	s2 =	sadd.s32 s2, s15  }
0x8e: {  	[smem:$0x3F98] =	sst s2  }
0x8f: {  	_ = 	snop  }
0x90: {  	s2 =	sld [smem:$0x3FD0];
	_ =	sdelay $0x2  }
0x91: {  	s16 =	simm.s32 $0xC;
	s4 =	simm.s32 $0x10  }
0x92: {  	[smem:s4], [sflag:s16] =	dma.local [hbm:s2], $0x1  }
0x93: {  	_ =	swait.eq [sflag:s16], $0x1  }
0x94: {  	[sflag:s16] =	ssyncset.done $0x0  }
0x95: {  	[sflag:s16] =	ssyncadd.s32 $0xFFFFFFFF  }
0x96: {  	s17 =	sld [smem:$0x11];
	(tm) =	ssettm $0x1  }
0x97: {  	s18 =	sld [smem:$0x3FFB];
	_ =	sdelay $0x3  }
0x98: {  	_ =	strace s18  }
0x99: {  	s2 =	sld [smem:$0x3FFC];
	_ =	sdelay $0x3  }
0x9a: {  	_ =	strace s2  }
0x9b: {  	s2 =	sld [smem:$0x3FFD];
	_ =	sdelay $0x3  }
0x9c: {  	_ =	strace s2  }
0x9d: {  	_ =	strace $0x8FFFFFFF  }
0x9e: {  	s19 =	sld [smem:$0x3FDB];
	_ =	sdelay $0x1  }
0x9f: {  	s20 =	simm.s32 $_scs_section_size  }
0xa0: {  	s5 =	simm.s32 $_size__tile_overlayer_lowered;
	s6 =	simm.s32 $_tile_overlayer_lowered  }
0xa1: {  	s7 =	simm.s32 $0x1BFF;
	s21 =	sshll.u32 s6, $0x1;
	s4 =	sadd.s32 s20, s19  }
0xa2: {  	s22 =	simm.s32 $0x0;
	s5 =	sshll.u32 s5, $0x1;
	s6 =	sadd.s32 s21, s4  }
0xa3: {  	[timem:s22], [sflag:s7] =	dma.local [hbm:s6], s5  }
0xa4: {  	_ =	swait.ge [sflag:s7], s5  }
0xa5: {  	s5 =	ssub.s32 $0x0, s5;
	[sflag:s7] =	ssyncset.done $0x0  }
0xa6: {  	[sflag:s7] =	ssyncadd.s32 s5;
	_ =	sdelay $0x1  }
0xa7: {  	s23 =	simm.s32 $0x1B8B  }
0xa8: {  	_ =	swait.ge [sflag:s23], $0x1  }
0xa9: {  	[sflag:s23] =	ssyncset.done $0x0  }
0xaa: {  	[sflag:s23] =	ssyncadd.s32 $0xFFFFFFFF  }
0xab: {  	s5 =	sld [smem:$0x0]  }
0xac: {  	s6 =	sand.u32 $0xFFFFFFFE, s1  }
0xad: {  	p0 =	sne.s32 s1, s6  }
0xae: {  	s6 =	sshll.u32 @p0 s6, $0xE  }
0xaf: {  	s6 =	sadd.s32 @p0 $0x11B8D, s6;
	s7 =	sshll.u32 @p0 s5, $0x11  }
0xb0: {  	s6 =	sor.u32 @p0 s7, s6  }
0xb1: {  	[sflag:s6] =	ssyncadd.remote.s32 @p0 $0x1;
	_ =	sdelay $0x1  }
0xb2: {  	s6 =	simm.s32 @p0 $0x1B8D  }
0xb3: {  	_ =	swait.eq @p0 [sflag:s6], $0x1  }
0xb4: {  	[sflag:s6] =	ssyncadd.s32 @p0 $0xFFFFFFFF  }
0xb5: {  	s7 =	sshll.u32 @!p0 s1, $0xE  }
0xb6: {  	s7 =	sor.u32 @!p0 $0x4000, s7;
	s6 =	simm.s32 @!p0 $0x1B8D  }
0xb7: {  	s5 =	sshll.u32 @!p0 s5, $0x11;
	s7 =	sadd.s32 @!p0 $0x11B8D, s7;
	_ =	swait.eq @!p0 [sflag:s6], $0x1  }
0xb8: {  	s5 =	sor.u32 @!p0 s5, s7;
	[sflag:s6] =	ssyncadd.s32 @!p0 $0xFFFFFFFF  }
0xb9: {  	s25 =	simm.s32 $0x1B8E;
	s24 =	sld [smem:$0x3FFE];
	[sflag:s5] =	ssyncadd.remote.s32 @!p0 $0x1  }
0xba: {  	s26 =	simm.s32 $execute0_lowered;
	[smem:$0x3FD2] =	sst s25  }
0xbb: {  	s6 =	sshll.u32 s26, $0x1;
	_ =	strace $0x80000052;
	[dreg:$0x1] =	wrdreg $0xFFFFFFFF  }
0xbc: {  	s28 =	simm.s32 $_size_execute0_lowered;
	s4 =	sadd.s32 s4, s6;
	[dreg:$0x0] =	wrdreg $0x0  }
0xbd: {  	s6 =	sshll.u32 s28, $0x1;
	[dreg:$0x2] =	wrdreg s4  }
0xbe: {  	[dreg:$0x3] =	wrdreg s6  }
0xbf: {  	[dreg:$0x4] =	wrdreg $0xC0  }
0xc0: {  	_ =	task [dreg:s22], $0x5FFFF  }
0xc1: {  	[dreg:$0x1] =	wrdreg $0xFFFFFFFF  }
0xc2: {  	[dreg:$0x0] =	wrdreg $0x60  }
0xc3: {  	[dreg:$0x2] =	wrdreg s17  }
0xc4: {  	[dreg:$0x3] =	wrdreg s24  }
0xc5: {  	[dreg:$0x4] =	wrdreg $0xA  }
0xc6: {  	_ =	task.clear_ibuf [dreg:s22], $0x5FFFF;
	_ =	strace $0x90000052  }
0xc7: {  	s29 =	simm.s32 $0xA;
	_ =	strace $0x80000054  }
0xc8: {  	_ =	swait.ge [sflag:s29], $0x1  }
0xc9: {  	[sflag:s29] =	ssyncadd.s32 $0xFFFFFFFF  }
0xca: {  	_ =	strace $0x90000054  }
0xcb: {  	_ =	sfence  }
0xcc: {  	s30 =	sld [smem:$0x0];
	_ =	sdelay $0x2  }
0xcd: {  	s31 =	sshll.u32 s1, $0xD;
	s1 =	sshrl.u32 s1, $0x2  }
0xce: {  	s4 =	sand.u32 $0x4000, s31;
	s1 =	sadd.s32 s1, s30  }
0xcf: {  	s0 =	sor.u32 s4, s0;
	s1 =	sshll.u32 s1, $0x11  }
0xd0: {  	s0 =	sor.u32 s1, s0  }
0xd1: {  	s0 =	sadd.s32 $0x8F2B, s0  }
0xd2: {  	[sflag:s0] =	ssyncadd.remote.s32 $0x1  }
0xd3: {  	_ =	sfence.sel $0xFFFF  }
0xd4: {  	[dreg:$0x0] =	wrdreg $0xFFFFFFFF;
	(pc) =	sbr.abs _section_cstart, $3  }
0xd5: {  	[dreg:$0x1] =	wrdreg $0xFFFFFFFF  }
0xd6: {  	_ =	task.clear_ibuf [dreg:s22], $0x2FFFF;
	_ =	strace $0x9FFFFFFF  }
0xd7: {  	(tm) =	ssettm $0x7FFFFFFF  }
tec
execute0_lowered:
.L_overlay_start_1:
0x0: {  	(tag) =	ssettag $0x1  }
0x1: {  	s2 =	rddreg [dreg:$0x0];
	s1 =	srdreg.scid  }
0x2: {  	s0 =	stileid.u32;
	s4 =	rddreg [dreg:$0x1];
	s3 =	simm.s32 $0x0  }
0x3: {  	s10 =	simm.s32 $0x1;
	s11 =	simm.s32 $0x0;
	s6 =	smul.u32 $0x4E20, s0  }
0x4: {  	s5 =	sand.u32 $0x1, s1;
	s1 =	rddreg [dreg:$0x2];
	s8 =	smul.u32 $0x4E200, s0  }
0x5: {  	[smem:$0x7FF] =	sst s3;
	s7 =	smul.u32 $0x2710, s5;
	s9 =	ssub.s32 $0x2, s5  }
0x6: {  	_ =	strace $0x80000053;
	s5 =	smul.u32 $0x27100, s5;
	s31 =	sshrl.u32 s9, $0x1  }
0x7: {  	s30 =	sadd.s32 s8, s4;
	s6 =	sadd.s32 s7, s6;
	s8 =	ssub.s32 s9, s31  }
0x8: {  	s5 =	sadd.s32 s5, s30;
	s7 =	simm.s32 $0x2;
	s6 =	sshrl.u32 s6, $0x3  }
0x9: {  	s9 =	simm.s32 $0x80;
	s5 =	sadd.s32 $0x11600, s5;
	s6 =	sadd.s32 s6, s4  }
0xa: {  	s4 =	smax.u32 s8, $0x1;
	s8 =	simm.s32 $0x50;
	s6 =	sadd.s32 $0x5000, s6  }
.LBB2_1:
0xb: {  	s12 =	sadd.s32 $0x0, s6  }
0xc: {  	[tilespmem:s3], [sflag:$0x2] =	stream.linear.gather [hbm4b:s12+s3], $0x50, $0x38;
	[tilespmem:$0x2880] =	vst v63  }
0xd: {  	_ =	swait.ge [sflag:s7], $0x50  }
0xe: {  	[sflag:s7] =	ssyncset.done $0x0  }
0xf: {  	[sflag:s7] =	ssyncadd.s32 $0xFFFFFFB0  }
0x10: {  	[tilespmem:s9], [sflag:$0x1] =	stream.indirect.gather [hbm4b:s2+s8], $0x80, s3, s8, $0xb8;
	[tilespmem:$0x2880] =	vst v63  }
0x11: {  	_ =	swait.ge [sflag:s10], $0x2800  }
0x12: {  	[sflag:s10] =	ssyncset.done $0x0  }
0x13: {  	[sflag:s10] =	ssyncadd.s32 $0xFFFFD800  }
0x14: {  	[hbm4b:s5+s3] =	stream.linear.scatter [tilespmem:s9], [sflag:$0x2], $0x2800, $0x38;
	[tilespmem:$0x2880] =	vst v63  }
0x15: {  	s13 =	simm.s32 $0xA;
	_ =	swait.ge [sflag:s7], $0x2800  }
0x16: {  	s14 =	simm.s32 $0x14;
	s12 =	sadd.s32 $0x500, s5;
	[sflag:s7] =	ssyncset.done $0x0  }
.LBB2_2:
0x17: {  	s15 =	sadd.s32 s13, s6  }
0x18: {  	[sflag:s7] =	ssyncadd.s32 $0xFFFFD800;
	s13 =	smov.u32 s14;
	s16 =	sadd.s32 $0xA, s14  }
0x19: {  	[tilespmem:s3], [sflag:$0x2] =	stream.linear.gather [hbm4b:s15+s3], $0x50, $0x38;
	[tilespmem:$0x2880] =	vst v63  }
0x1a: {  	p0 =	sne.s32 s14, $0x4D8;
	_ =	swait.ge [sflag:s7], $0x50  }
0x1b: {  	[sflag:s7] =	ssyncset.done $0x0  }
0x1c: {  	[sflag:s7] =	ssyncadd.s32 $0xFFFFFFB0  }
0x1d: {  	[tilespmem:s9], [sflag:$0x1] =	stream.indirect.gather [hbm4b:s2+s8], $0x80, s3, s8, $0xb8;
	[tilespmem:$0x2880] =	vst v63  }
0x1e: {  	_ =	swait.ge [sflag:s10], $0x2800  }
.Ltmp0:
0x1f: {  	[sflag:s10] =	ssyncset.done $0x0;
	(pc) =	sbr.rel @p0 .LBB2_2-.Ltmp0, $4  }
0x20: {  	[sflag:s10] =	ssyncadd.s32 $0xFFFFD800  }
0x21: {  	[hbm4b:s12+s3] =	stream.linear.scatter [tilespmem:s9], [sflag:$0x2], $0x2800, $0x38;
	[tilespmem:$0x2880] =	vst v63  }
0x22: {  	_ =	swait.ge [sflag:s7], $0x2800  }
0x23: {  	s14 =	smov.u32 s16;
	s12 =	sadd.s32 $0x500, s12;
	[sflag:s7] =	ssyncset.done $0x0  }
0x24: {  	s13 =	sadd.s32 s13, s6;
	[sflag:s7] =	ssyncadd.s32 $0xFFFFD800  }
0x25: {  	[tilespmem:s3], [sflag:$0x2] =	stream.linear.gather [hbm4b:s13+s3], $0x50, $0x38;
	[tilespmem:$0x2880] =	vst v63  }
0x26: {  	_ =	swait.ge [sflag:s7], $0x50  }
0x27: {  	[sflag:s7] =	ssyncset.done $0x0  }
0x28: {  	[sflag:s7] =	ssyncadd.s32 $0xFFFFFFB0  }
0x29: {  	[tilespmem:s9], [sflag:$0x1] =	stream.indirect.gather [hbm4b:s2+s8], $0x80, s3, s8, $0xb8;
	[tilespmem:$0x2880] =	vst v63  }
0x2a: {  	s11 =	sadd.s32 $0x1, s11;
	_ =	swait.ge [sflag:s10], $0x2800  }
0x2b: {  	p0 =	sne.s32 s11, s4;
	[sflag:s10] =	ssyncset.done $0x0  }
.Ltmp1:
0x2c: {  	[sflag:s10] =	ssyncadd.s32 $0xFFFFD800;
	(pc) =	sbr.rel @p0 .LBB2_1-.Ltmp1, $4  }
0x2d: {  	[hbm4b:s12+s3] =	stream.linear.scatter [tilespmem:s9], [sflag:$0x2], $0x2800, $0x38;
	[tilespmem:$0x2880] =	vst v63  }
0x2e: {  	_ =	swait.ge [sflag:s7], $0x2800  }
0x2f: {  	[sflag:s7] =	ssyncset.done $0x0  }
0x30: {  	[sflag:s7] =	ssyncadd.s32 $0xFFFFD800  }
0x31: {  	_ =	sfence.sel $0x180000  }
0x32: {  	[bflag:$0x0] =	sbarrier.arrive $0xFFFF  }
0x33: {  	p0 =	sne.s32 s0, $0x0;
	_ =	strace $0x90000053  }
0x34: {  	s0 =	sadd.s32 @!p0 $0x100000, s1;
	[bflag:$0x2] =	sbarrier.arrive $0xFFFF  }
0x35: {  	[sflag:s0] =	ssyncadd.tile.s32 @!p0 $0x1;
	_ =	shalt  }
.Lfunc_end2:
_tile_overlayer_lowered:
.L_overlay_start_2:
0x36: {  	(tag) =	ssettag $0x2  }
0x37: {  	s0 =	rddreg [dreg:$0x0];
	s2 =	stileid.u32  }
0x38: {  	s1 =	rddreg [dreg:$0x1];
	p0 =	sne.s32 s2, $0x0  }
0x39: {  	s3 =	rddreg [dreg:$0x2];
	[bflag:$0x3] =	sbarrier.arrive $0xFFFF;
	s2 =	simm.s32 @!p0 $0x1C02  }
0x3a: {  	[timem:s3], [sflag:s2] =	dma.local @!p0 [hbm:s0], s1  }
0x3b: {  	s0 =	simm.s32 @!p0 $0x2  }
0x3c: {  	_ =	swait.ge @!p0 [sflag:s0], s1  }
0x3d: {  	s1 =	ssub.s32 @!p0 $0x0, s1;
	[sflag:s0] =	ssyncset.done @!p0 $0x0  }
0x3e: {  	[sflag:s0] =	ssyncadd.s32 @!p0 s1  }
0x3f: {  	[bflag:$0x3] =	sbarrier.arrive $0xFFFF  }
0x40: {  	_ =	shalt  }

// kernel: kernel.36.cloned.1.call-start
scs
__scs_entry_jumppad:
0x0: {  	(pc) =	sbr.rel $0x88, $3  }
0x1: {  	(tag) =	ssettag $0x0;
	lr =	simm.s32 $0x1  }
0x2: {  	[smem:$0x3F71] =	sst lr;
	_ =	strace $0xD0000000  }
0x3: {  	_ = 	snop  }
0x4: {  	_ = 	snop  }
0x5: {  	_ = 	snop  }
0x6: {  	_ = 	snop  }
0x7: {  	_ = 	snop  }
__scs_overlays_trampoline_lowered:
0x8: {  	[smem:$0x3F80] =	sst s0  }
0x9: {  	[smem:$0x3F81] =	sst s1  }
0xa: {  	[smem:$0x3F82] =	sst s2  }
0xb: {  	[smem:$0x3F83] =	sst s3  }
0xc: {  	[smem:$0x3F84] =	sst s4  }
0xd: {  	[smem:$0x3F85] =	sst s5  }
0xe: {  	[smem:$0x3F86] =	sst s6  }
0xf: {  	[smem:$0x3F87] =	sst s7  }
0x10: {  	[smem:$0x3F88] =	sst s8  }
0x11: {  	[smem:$0x3F89] =	sst s9;
	s0 =	simm.s32 @!p0 $0x0  }
0x12: {  	s1 =	sld [smem:$0x3F6F];
	s0 =	simm.s32 @p0 $0x1  }
0x13: {  	[smem:$0x3F8A] =	sst s0;
	s0 =	simm.s32 @!p1 $0x0  }
0x14: {  	s2 =	sld [smem:$0x3F6E];
	s0 =	simm.s32 @p1 $0x1  }
0x15: {  	[smem:$0x3F8B] =	sst s0;
	s0 =	simm.s32 @!p2 $0x0  }
0x16: {  	s3 =	sld [smem:$0x3FDB];
	s0 =	simm.s32 @p2 $0x1  }
0x17: {  	s4 =	simm.s32 $0x1BF5;
	[smem:$0x3F8D] =	sst s0  }
0x18: {  	s0 =	sld [smem:$0x3F70];
	_ =	swait.ge [sflag:s4], $0x0  }
0x19: {  	s7 =	sld [smem:$0x3F71]  }
0x1a: {  	s8 =	sadd.s32 $0xFFFFE003, lr  }
0x1b: {  	s9 =	sadd.s32 $0xFFFFFEF7, lr;
	s5 =	simm.s32 $0xFFFFFFFF;
	p2 =	slt.u32 s8, $0xFFFFF086  }
0x1c: {  	p1 =	slt.u32 s9, $0xF7A;
	s5 =	simm.s32 @!p2 $0x0  }
0x1d: {  	s5 =	simm.s32 @p1 $0x1;
	p0 =	seq.s32 s7, s2  }
0x1e: {  	s7 =	smul.u32 @!p0 $0xF7A, s2;
	p2 =	seq.s32 @!p0 s5, $0x0  }
0x1f: {  	s9 =	smul.u32 $0xF7A, s1;
	s8 =	simm.s32 @!p0 $0x1BF5;
	p2 =	por !p2, p0  }
0x20: {  	[sflag:s8] =	ssyncset.s32 @!p0 $0xFFFFF086;
	s6 =	sadd.s32 @!p0 s3, s7;
	s7 =	simm.s32 @!p0 $0x108  }
0x21: {  	s3 =	sadd.s32 s3, s9;
	s6 =	sadd.s32 @!p0 $0x88, s6;
	s7 =	simm.s32 @p2 $0x1082  }
0x22: {  	[simem:s7], [sflag:s8] =	dma.local @!p0 [hbm:s6], $0xF7A  }
0x23: {  	s9 =	sor.u32 $0xD0000000, s2;
	s6 =	simm.s32 $0x108;
	_ =	swait.ge @!p0 [sflag:s8], $0x0  }
0x24: {  	s3 =	sadd.s32 $0x88, s3;
	s6 =	simm.s32 @!p1 $0x1082;
	[sflag:s4] =	ssyncset.s32 $0xFFFFF086  }
0x25: {  	[simem:s6], [sflag:s4] =	dma.local [hbm:s3], $0xF7A  }
0x26: {  	[smem:$0x3F71] =	sst s1;
	(tag) =	ssettag s2;
	_ =	strace s9  }
0x27: {  	s1 =	sld [smem:$0x3F81]  }
0x28: {  	s2 =	sld [smem:$0x3F82]  }
0x29: {  	s4 =	sld [smem:$0x3F84]  }
0x2a: {  	p0 =	seq.s32 s5, $0x0;
	s5 =	sld [smem:$0x3F85]  }
0x2b: {  	s6 =	sld [smem:$0x3F86]  }
0x2c: {  	s7 =	sld [smem:$0x3F87]  }
0x2d: {  	s3 =	simm.s32 $0x108;
	s8 =	sld [smem:$0x3F88]  }
0x2e: {  	s3 =	simm.s32 @!p0 $0x1082;
	s9 =	sld [smem:$0x3F89]  }
0x2f: {  	lr =	sadd.s32 s0, s3;
	s0 =	sld [smem:$0x3F80]  }
0x30: {  	s3 =	sld [smem:$0x3F83]  }
0x31: {  	[smem:$0x3F8C] =	sst s10  }
0x32: {  	s10 =	sld [smem:$0x3F8A];
	_ =	sdelay $0x3  }
0x33: {  	p0 =	seq.s32 s10, $0x1;
	s10 =	sld [smem:$0x3F8C];
	_ =	sdelay $0x3  }
0x34: {  	[smem:$0x3F8C] =	sst s10  }
0x35: {  	s10 =	sld [smem:$0x3F8B];
	_ =	sdelay $0x3  }
0x36: {  	p1 =	seq.s32 s10, $0x1;
	s10 =	sld [smem:$0x3F8C];
	_ =	sdelay $0x3  }
0x37: {  	[smem:$0x3F8C] =	sst s10  }
0x38: {  	s10 =	sld [smem:$0x3F8D]  }
0x39: {  	_ = 	snop;
	(pc) =	sbr.ind lr, $3  }
0x3a: {  	_ = 	snop  }
0x3b: {  	_ = 	snop  }
0x3c: {  	p2 =	seq.s32 s10, $0x1;
	s10 =	sld [smem:$0x3F8C]  }
0x3d: {  	_ =	shalt  }
0x3e: {  	_ =	shalt  }
0x3f: {  	_ =	shalt  }
0x40: {  	_ =	shalt  }
0x41: {  	_ =	shalt  }
0x42: {  	_ =	shalt  }
0x43: {  	_ =	shalt  }
0x44: {  	_ =	shalt  }
0x45: {  	_ =	shalt  }
0x46: {  	_ =	shalt  }
0x47: {  	_ =	shalt  }
0x48: {  	_ =	shalt  }
0x49: {  	_ =	shalt  }
0x4a: {  	_ =	shalt  }
0x4b: {  	_ =	shalt  }
0x4c: {  	_ =	shalt  }
0x4d: {  	_ =	shalt  }
0x4e: {  	_ =	shalt  }
0x4f: {  	_ =	shalt  }
0x50: {  	_ =	shalt  }
0x51: {  	_ =	shalt  }
0x52: {  	_ =	shalt  }
0x53: {  	_ =	shalt  }
0x54: {  	_ =	shalt  }
0x55: {  	_ =	shalt  }
0x56: {  	_ =	shalt  }
0x57: {  	_ =	shalt  }
0x58: {  	_ =	shalt  }
0x59: {  	_ =	shalt  }
0x5a: {  	_ =	shalt  }
0x5b: {  	_ =	shalt  }
0x5c: {  	_ =	shalt  }
0x5d: {  	_ =	shalt  }
0x5e: {  	_ =	shalt  }
0x5f: {  	_ =	shalt  }
0x60: {  	_ =	shalt  }
0x61: {  	_ =	shalt  }
0x62: {  	_ =	shalt  }
0x63: {  	_ =	shalt  }
0x64: {  	_ =	shalt  }
0x65: {  	_ =	shalt  }
0x66: {  	_ =	shalt  }
0x67: {  	_ =	shalt  }
0x68: {  	_ =	shalt  }
0x69: {  	_ =	shalt  }
0x6a: {  	_ =	shalt  }
0x6b: {  	_ =	shalt  }
0x6c: {  	_ =	shalt  }
0x6d: {  	_ =	shalt  }
0x6e: {  	_ =	shalt  }
0x6f: {  	_ =	shalt  }
0x70: {  	_ =	shalt  }
0x71: {  	_ =	shalt  }
0x72: {  	_ =	shalt  }
0x73: {  	_ =	shalt  }
0x74: {  	_ =	shalt  }
0x75: {  	_ =	shalt  }
0x76: {  	_ =	shalt  }
0x77: {  	_ =	shalt  }
0x78: {  	_ =	shalt  }
0x79: {  	_ =	shalt  }
0x7a: {  	_ =	shalt  }
0x7b: {  	_ =	shalt  }
0x7c: {  	_ =	shalt  }
0x7d: {  	_ =	shalt  }
0x7e: {  	_ =	shalt  }
0x7f: {  	_ =	shalt  }
0x80: {  	_ =	shalt  }
0x81: {  	_ =	shalt  }
0x82: {  	_ =	shalt  }
0x83: {  	_ =	shalt  }
0x84: {  	_ =	shalt  }
0x85: {  	_ =	shalt  }
0x86: {  	_ =	shalt  }
0x87: {  	_ =	shalt  }
.Lfunc_end0:
.L_simem_size_0:
called_computation.5_lowered:
.L_overlay_start_0:
0x88: {  	s2 =	sld [smem:$0x3FD9]  }
0x89: {  	s3 =	sld [smem:$0x3FFE];
	_ =	sdelay $0x1  }
0x8a: {  	s1 =	srdreg.scid  }
0x8b: {  	s0 =	sand.u32 $0x1, s1  }
0x8c: {  	s15 =	sshll.u32 s0, $0xA;
	s2 =	sadd.s32 s3, s2  }
0x8d: {  	s2 =	sadd.s32 s2, s15  }
0x8e: {  	[smem:$0x3F98] =	sst s2  }
0x8f: {  	_ = 	snop  }
0x90: {  	s2 =	sld [smem:$0x3FD0];
	_ =	sdelay $0x2  }
0x91: {  	s16 =	simm.s32 $0xC;
	s4 =	simm.s32 $0x10  }
0x92: {  	[smem:s4], [sflag:s16] =	dma.local [hbm:s2], $0x1  }
0x93: {  	_ =	swait.eq [sflag:s16], $0x1  }
0x94: {  	s17 =	sld [smem:$0x11];
	[sflag:s16] =	ssyncset.done $0x0  }
0x95: {  	s18 =	sld [smem:$0x12];
	[sflag:s16] =	ssyncadd.s32 $0xFFFFFFFF  }
0x96: {  	s19 =	sld [smem:$0x13];
	(tm) =	ssettm $0x1  }
0x97: {  	s5 =	sld [smem:$0x3FFB];
	_ =	sdelay $0x3  }
0x98: {  	_ =	strace s5  }
0x99: {  	s5 =	sld [smem:$0x3FFC];
	_ =	sdelay $0x3  }
0x9a: {  	_ =	strace s5  }
0x9b: {  	s5 =	sld [smem:$0x3FFD];
	_ =	sdelay $0x3  }
0x9c: {  	_ =	strace s5  }
0x9d: {  	_ =	strace $0x8FFFFFFF  }
0x9e: {  	s20 =	sld [smem:$0x3FDB];
	_ =	sdelay $0x1  }
0x9f: {  	s6 =	simm.s32 $_scs_section_size  }
0xa0: {  	s7 =	simm.s32 $_size__tile_overlayer_lowered;
	s8 =	simm.s32 $_tile_overlayer_lowered  }
0xa1: {  	s23 =	simm.s32 $0x1BFF;
	s22 =	sshll.u32 s8, $0x1;
	s5 =	sadd.s32 s6, s20  }
0xa2: {  	s9 =	simm.s32 $0x0;
	s21 =	sshll.u32 s7, $0x1;
	s7 =	sadd.s32 s22, s5  }
0xa3: {  	[timem:s9], [sflag:s23] =	dma.local [hbm:s7], s21  }
0xa4: {  	_ =	swait.ge [sflag:s23], s21  }
0xa5: {  	s6 =	ssub.s32 $0x0, s21;
	[sflag:s23] =	ssyncset.done $0x0  }
0xa6: {  	[sflag:s23] =	ssyncadd.s32 s6;
	_ =	sdelay $0x1  }
0xa7: {  	s24 =	simm.s32 $0x1B8B  }
0xa8: {  	_ =	swait.ge [sflag:s24], $0x1  }
0xa9: {  	[sflag:s24] =	ssyncset.done $0x0  }
0xaa: {  	s25 =	simm.s32 $0x1B8E;
	[sflag:s24] =	ssyncadd.s32 $0xFFFFFFFF  }
0xab: {  	s26 =	simm.s32 $execute0_lowered;
	[smem:$0x3FD2] =	sst s25  }
0xac: {  	s6 =	sshll.u32 s26, $0x1;
	_ =	strace $0x8000004F;
	[dreg:$0x1] =	wrdreg $0xFFFFFFFF  }
0xad: {  	s28 =	simm.s32 $_size_execute0_lowered;
	s5 =	sadd.s32 s5, s6;
	[dreg:$0x0] =	wrdreg $0x0  }
0xae: {  	s6 =	sshll.u32 s28, $0x1;
	[dreg:$0x2] =	wrdreg s5  }
0xaf: {  	[dreg:$0x3] =	wrdreg s6  }
0xb0: {  	[dreg:$0x4] =	wrdreg $0xC0  }
0xb1: {  	_ =	task [dreg:s9], $0x5FFFF  }
0xb2: {  	[dreg:$0x1] =	wrdreg $0xFFFFFFFF  }
0xb3: {  	[dreg:$0x0] =	wrdreg $0x60  }
0xb4: {  	[dreg:$0x2] =	wrdreg s17  }
0xb5: {  	[dreg:$0x3] =	wrdreg s18  }
0xb6: {  	[dreg:$0x4] =	wrdreg s19  }
0xb7: {  	[dreg:$0x5] =	wrdreg $0xB  }
0xb8: {  	_ =	task.clear_ibuf [dreg:s9], $0x6FFFF;
	_ =	strace $0x9000004F  }
0xb9: {  	s29 =	simm.s32 $0xB;
	_ =	strace $0x80000051  }
0xba: {  	_ =	swait.ge [sflag:s29], $0x1  }
0xbb: {  	[sflag:s29] =	ssyncadd.s32 $0xFFFFFFFF  }
0xbc: {  	_ =	strace $0x90000051  }
0xbd: {  	_ =	sfence  }
0xbe: {  	s30 =	sld [smem:$0x0];
	_ =	sdelay $0x2  }
0xbf: {  	s31 =	sshll.u32 s1, $0xD;
	s1 =	sshrl.u32 s1, $0x2  }
0xc0: {  	s3 =	sand.u32 $0x4000, s31;
	s1 =	sadd.s32 s1, s30  }
0xc1: {  	s0 =	sor.u32 s3, s0;
	s1 =	sshll.u32 s1, $0x11  }
0xc2: {  	s0 =	sor.u32 s1, s0  }
0xc3: {  	s0 =	sadd.s32 $0x8F2B, s0  }
0xc4: {  	[sflag:s0] =	ssyncadd.remote.s32 $0x1  }
0xc5: {  	_ =	sfence.sel $0xFFFF  }
0xc6: {  	[dreg:$0x0] =	wrdreg $0xFFFFFFFF;
	(pc) =	sbr.abs _section_cstart, $3  }
0xc7: {  	[dreg:$0x1] =	wrdreg $0xFFFFFFFF  }
0xc8: {  	_ =	task.clear_ibuf [dreg:s9], $0x2FFFF;
	_ =	strace $0x9FFFFFFF  }
0xc9: {  	(tm) =	ssettm $0x7FFFFFFF  }
tec
execute0_lowered:
.L_overlay_start_1:
0x0: {  	(tag) =	ssettag $0x1  }
0x1: {  	s2 =	rddreg [dreg:$0x0]  }
0x2: {  	s6 =	rddreg [dreg:$0x1]  }
0x3: {  	s4 =	rddreg [dreg:$0x2]  }
0x4: {  	s0 =	rddreg [dreg:$0x3];
	s1 =	stileid.u32  }
0x5: {  	s5 =	srdreg.scid;
	s7 =	smul.u32 $0x4E200, s1  }
0x6: {  	s3 =	simm.s32 $0x0;
	s5 =	sand.u32 $0x1, s5;
	s8 =	smul.u32 $0x4E20, s1  }
0x7: {  	[smem:$0x7FF] =	sst s3;
	s9 =	ssub.s32 $0x2, s5;
	s10 =	smul.u32 $0x2710, s5  }
0x8: {  	_ =	strace $0x80000050;
	s5 =	smul.u32 $0x27100, s5;
	s11 =	sshrl.u32 s9, $0x1  }
0x9: {  	s7 =	sadd.s32 s7, s4;
	s9 =	ssub.s32 s9, s11;
	s8 =	sadd.s32 s10, s8  }
0xa: {  	s5 =	sadd.s32 s5, s7;
	s7 =	simm.s32 $0x2;
	s10 =	simm.s32 $0x1  }
0xb: {  	s11 =	simm.s32 $0x0;
	s4 =	smax.u32 s9, $0x1;
	s31 =	sshrl.u32 s8, $0x3  }
0xc: {  	s8 =	simm.s32 $0x50;
	s9 =	simm.s32 $0x80;
	s6 =	sadd.s32 s31, s6  }
.LBB2_1:
0xd: {  	s12 =	sadd.s32 $0x0, s6  }
0xe: {  	[tilespmem:s3], [sflag:$0x2] =	stream.linear.gather [hbm4b:s12+s3], $0x50, $0x38;
	[tilespmem:$0x2880] =	vst v63  }
0xf: {  	_ =	swait.ge [sflag:s7], $0x50  }
0x10: {  	[sflag:s7] =	ssyncset.done $0x0  }
0x11: {  	[sflag:s7] =	ssyncadd.s32 $0xFFFFFFB0  }
0x12: {  	[tilespmem:s9], [sflag:$0x1] =	stream.indirect.gather [hbm4b:s2+s8], $0x80, s3, s8, $0xb8;
	[tilespmem:$0x2880] =	vst v63  }
0x13: {  	_ =	swait.ge [sflag:s10], $0x2800  }
0x14: {  	[sflag:s10] =	ssyncset.done $0x0  }
0x15: {  	[sflag:s10] =	ssyncadd.s32 $0xFFFFD800  }
0x16: {  	[hbm4b:s5+s3] =	stream.linear.scatter [tilespmem:s9], [sflag:$0x2], $0x2800, $0x38;
	[tilespmem:$0x2880] =	vst v63  }
0x17: {  	s13 =	simm.s32 $0xA;
	_ =	swait.ge [sflag:s7], $0x2800  }
0x18: {  	s14 =	simm.s32 $0x14;
	s12 =	sadd.s32 $0x500, s5;
	[sflag:s7] =	ssyncset.done $0x0  }
.LBB2_2:
0x19: {  	s15 =	sadd.s32 s13, s6  }
0x1a: {  	[sflag:s7] =	ssyncadd.s32 $0xFFFFD800;
	s13 =	smov.u32 s14;
	s16 =	sadd.s32 $0xA, s14  }
0x1b: {  	[tilespmem:s3], [sflag:$0x2] =	stream.linear.gather [hbm4b:s15+s3], $0x50, $0x38;
	[tilespmem:$0x2880] =	vst v63  }
0x1c: {  	p0 =	sne.s32 s14, $0x4D8;
	_ =	swait.ge [sflag:s7], $0x50  }
0x1d: {  	[sflag:s7] =	ssyncset.done $0x0  }
0x1e: {  	[sflag:s7] =	ssyncadd.s32 $0xFFFFFFB0  }
0x1f: {  	[tilespmem:s9], [sflag:$0x1] =	stream.indirect.gather [hbm4b:s2+s8], $0x80, s3, s8, $0xb8;
	[tilespmem:$0x2880] =	vst v63  }
0x20: {  	_ =	swait.ge [sflag:s10], $0x2800  }
.Ltmp0:
0x21: {  	[sflag:s10] =	ssyncset.done $0x0;
	(pc) =	sbr.rel @p0 .LBB2_2-.Ltmp0, $4  }
0x22: {  	[sflag:s10] =	ssyncadd.s32 $0xFFFFD800  }
0x23: {  	[hbm4b:s12+s3] =	stream.linear.scatter [tilespmem:s9], [sflag:$0x2], $0x2800, $0x38;
	[tilespmem:$0x2880] =	vst v63  }
0x24: {  	_ =	swait.ge [sflag:s7], $0x2800  }
0x25: {  	s14 =	smov.u32 s16;
	s12 =	sadd.s32 $0x500, s12;
	[sflag:s7] =	ssyncset.done $0x0  }
0x26: {  	s13 =	sadd.s32 s13, s6;
	[sflag:s7] =	ssyncadd.s32 $0xFFFFD800  }
0x27: {  	[tilespmem:s3], [sflag:$0x2] =	stream.linear.gather [hbm4b:s13+s3], $0x50, $0x38;
	[tilespmem:$0x2880] =	vst v63  }
0x28: {  	_ =	swait.ge [sflag:s7], $0x50  }
0x29: {  	[sflag:s7] =	ssyncset.done $0x0  }
0x2a: {  	[sflag:s7] =	ssyncadd.s32 $0xFFFFFFB0  }
0x2b: {  	[tilespmem:s9], [sflag:$0x1] =	stream.indirect.gather [hbm4b:s2+s8], $0x80, s3, s8, $0xb8;
	[tilespmem:$0x2880] =	vst v63  }
0x2c: {  	s11 =	sadd.s32 $0x1, s11;
	_ =	swait.ge [sflag:s10], $0x2800  }
0x2d: {  	p0 =	sne.s32 s11, s4;
	[sflag:s10] =	ssyncset.done $0x0  }
.Ltmp1:
0x2e: {  	[sflag:s10] =	ssyncadd.s32 $0xFFFFD800;
	(pc) =	sbr.rel @p0 .LBB2_1-.Ltmp1, $4  }
0x2f: {  	[hbm4b:s12+s3] =	stream.linear.scatter [tilespmem:s9], [sflag:$0x2], $0x2800, $0x38;
	[tilespmem:$0x2880] =	vst v63  }
0x30: {  	_ =	swait.ge [sflag:s7], $0x2800  }
0x31: {  	[sflag:s7] =	ssyncset.done $0x0  }
0x32: {  	[sflag:s7] =	ssyncadd.s32 $0xFFFFD800  }
0x33: {  	_ =	sfence.sel $0x180000  }
0x34: {  	[bflag:$0x0] =	sbarrier.arrive $0xFFFF  }
0x35: {  	p0 =	sne.s32 s1, $0x0;
	_ =	strace $0x90000050  }
0x36: {  	s0 =	sadd.s32 @!p0 $0x100000, s0;
	[bflag:$0x2] =	sbarrier.arrive $0xFFFF  }
0x37: {  	[sflag:s0] =	ssyncadd.tile.s32 @!p0 $0x1;
	_ =	shalt  }
.Lfunc_end2:
_tile_overlayer_lowered:
.L_overlay_start_2:
0x38: {  	(tag) =	ssettag $0x2  }
0x39: {  	s0 =	rddreg [dreg:$0x0];
	s2 =	stileid.u32  }
0x3a: {  	s1 =	rddreg [dreg:$0x1];
	p0 =	sne.s32 s2, $0x0  }
0x3b: {  	s3 =	rddreg [dreg:$0x2];
	[bflag:$0x3] =	sbarrier.arrive $0xFFFF;
	s2 =	simm.s32 @!p0 $0x1C02  }
0x3c: {  	[timem:s3], [sflag:s2] =	dma.local @!p0 [hbm:s0], s1  }
0x3d: {  	s0 =	simm.s32 @!p0 $0x2  }
0x3e: {  	_ =	swait.ge @!p0 [sflag:s0], s1  }
0x3f: {  	s1 =	ssub.s32 @!p0 $0x0, s1;
	[sflag:s0] =	ssyncset.done @!p0 $0x0  }
0x40: {  	[sflag:s0] =	ssyncadd.s32 @!p0 s1  }
0x41: {  	[bflag:$0x3] =	sbarrier.arrive $0xFFFF  }
0x42: {  	_ =	shalt  }

// kernel: kernel.39.cloned.1.call-start
scs
__scs_entry_jumppad:
0x0: {  	(pc) =	sbr.rel $0x88, $3  }
0x1: {  	(tag) =	ssettag $0x0;
	lr =	simm.s32 $0x1  }
0x2: {  	[smem:$0x3F71] =	sst lr;
	_ =	strace $0xD0000000  }
0x3: {  	_ = 	snop  }
0x4: {  	_ = 	snop  }
0x5: {  	_ = 	snop  }
0x6: {  	_ = 	snop  }
0x7: {  	_ = 	snop  }
__scs_overlays_trampoline_lowered:
0x8: {  	[smem:$0x3F80] =	sst s0  }
0x9: {  	[smem:$0x3F81] =	sst s1  }
0xa: {  	[smem:$0x3F82] =	sst s2  }
0xb: {  	[smem:$0x3F83] =	sst s3  }
0xc: {  	[smem:$0x3F84] =	sst s4  }
0xd: {  	[smem:$0x3F85] =	sst s5  }
0xe: {  	[smem:$0x3F86] =	sst s6  }
0xf: {  	[smem:$0x3F87] =	sst s7  }
0x10: {  	[smem:$0x3F88] =	sst s8  }
0x11: {  	[smem:$0x3F89] =	sst s9;
	s0 =	simm.s32 @!p0 $0x0  }
0x12: {  	s1 =	sld [smem:$0x3F6F];
	s0 =	simm.s32 @p0 $0x1  }
0x13: {  	[smem:$0x3F8A] =	sst s0;
	s0 =	simm.s32 @!p1 $0x0  }
0x14: {  	s2 =	sld [smem:$0x3F6E];
	s0 =	simm.s32 @p1 $0x1  }
0x15: {  	[smem:$0x3F8B] =	sst s0;
	s0 =	simm.s32 @!p2 $0x0  }
0x16: {  	s3 =	sld [smem:$0x3FDB];
	s0 =	simm.s32 @p2 $0x1  }
0x17: {  	s4 =	simm.s32 $0x1BF5;
	[smem:$0x3F8D] =	sst s0  }
0x18: {  	s0 =	sld [smem:$0x3F70];
	_ =	swait.ge [sflag:s4], $0x0  }
0x19: {  	s7 =	sld [smem:$0x3F71]  }
0x1a: {  	s8 =	sadd.s32 $0xFFFFE003, lr  }
0x1b: {  	s9 =	sadd.s32 $0xFFFFFEF7, lr;
	s5 =	simm.s32 $0xFFFFFFFF;
	p2 =	slt.u32 s8, $0xFFFFF086  }
0x1c: {  	p1 =	slt.u32 s9, $0xF7A;
	s5 =	simm.s32 @!p2 $0x0  }
0x1d: {  	s5 =	simm.s32 @p1 $0x1;
	p0 =	seq.s32 s7, s2  }
0x1e: {  	s7 =	smul.u32 @!p0 $0xF7A, s2;
	p2 =	seq.s32 @!p0 s5, $0x0  }
0x1f: {  	s9 =	smul.u32 $0xF7A, s1;
	s8 =	simm.s32 @!p0 $0x1BF5;
	p2 =	por !p2, p0  }
0x20: {  	[sflag:s8] =	ssyncset.s32 @!p0 $0xFFFFF086;
	s6 =	sadd.s32 @!p0 s3, s7;
	s7 =	simm.s32 @!p0 $0x108  }
0x21: {  	s3 =	sadd.s32 s3, s9;
	s6 =	sadd.s32 @!p0 $0x88, s6;
	s7 =	simm.s32 @p2 $0x1082  }
0x22: {  	[simem:s7], [sflag:s8] =	dma.local @!p0 [hbm:s6], $0xF7A  }
0x23: {  	s9 =	sor.u32 $0xD0000000, s2;
	s6 =	simm.s32 $0x108;
	_ =	swait.ge @!p0 [sflag:s8], $0x0  }
0x24: {  	s3 =	sadd.s32 $0x88, s3;
	s6 =	simm.s32 @!p1 $0x1082;
	[sflag:s4] =	ssyncset.s32 $0xFFFFF086  }
0x25: {  	[simem:s6], [sflag:s4] =	dma.local [hbm:s3], $0xF7A  }
0x26: {  	[smem:$0x3F71] =	sst s1;
	(tag) =	ssettag s2;
	_ =	strace s9  }
0x27: {  	s1 =	sld [smem:$0x3F81]  }
0x28: {  	s2 =	sld [smem:$0x3F82]  }
0x29: {  	s4 =	sld [smem:$0x3F84]  }
0x2a: {  	p0 =	seq.s32 s5, $0x0;
	s5 =	sld [smem:$0x3F85]  }
0x2b: {  	s6 =	sld [smem:$0x3F86]  }
0x2c: {  	s7 =	sld [smem:$0x3F87]  }
0x2d: {  	s3 =	simm.s32 $0x108;
	s8 =	sld [smem:$0x3F88]  }
0x2e: {  	s3 =	simm.s32 @!p0 $0x1082;
	s9 =	sld [smem:$0x3F89]  }
0x2f: {  	lr =	sadd.s32 s0, s3;
	s0 =	sld [smem:$0x3F80]  }
0x30: {  	s3 =	sld [smem:$0x3F83]  }
0x31: {  	[smem:$0x3F8C] =	sst s10  }
0x32: {  	s10 =	sld [smem:$0x3F8A];
	_ =	sdelay $0x3  }
0x33: {  	p0 =	seq.s32 s10, $0x1;
	s10 =	sld [smem:$0x3F8C];
	_ =	sdelay $0x3  }
0x34: {  	[smem:$0x3F8C] =	sst s10  }
0x35: {  	s10 =	sld [smem:$0x3F8B];
	_ =	sdelay $0x3  }
0x36: {  	p1 =	seq.s32 s10, $0x1;
	s10 =	sld [smem:$0x3F8C];
	_ =	sdelay $0x3  }
0x37: {  	[smem:$0x3F8C] =	sst s10  }
0x38: {  	s10 =	sld [smem:$0x3F8D]  }
0x39: {  	_ = 	snop;
	(pc) =	sbr.ind lr, $3  }
0x3a: {  	_ = 	snop  }
0x3b: {  	_ = 	snop  }
0x3c: {  	p2 =	seq.s32 s10, $0x1;
	s10 =	sld [smem:$0x3F8C]  }
0x3d: {  	_ =	shalt  }
0x3e: {  	_ =	shalt  }
0x3f: {  	_ =	shalt  }
0x40: {  	_ =	shalt  }
0x41: {  	_ =	shalt  }
0x42: {  	_ =	shalt  }
0x43: {  	_ =	shalt  }
0x44: {  	_ =	shalt  }
0x45: {  	_ =	shalt  }
0x46: {  	_ =	shalt  }
0x47: {  	_ =	shalt  }
0x48: {  	_ =	shalt  }
0x49: {  	_ =	shalt  }
0x4a: {  	_ =	shalt  }
0x4b: {  	_ =	shalt  }
0x4c: {  	_ =	shalt  }
0x4d: {  	_ =	shalt  }
0x4e: {  	_ =	shalt  }
0x4f: {  	_ =	shalt  }
0x50: {  	_ =	shalt  }
0x51: {  	_ =	shalt  }
0x52: {  	_ =	shalt  }
0x53: {  	_ =	shalt  }
0x54: {  	_ =	shalt  }
0x55: {  	_ =	shalt  }
0x56: {  	_ =	shalt  }
0x57: {  	_ =	shalt  }
0x58: {  	_ =	shalt  }
0x59: {  	_ =	shalt  }
0x5a: {  	_ =	shalt  }
0x5b: {  	_ =	shalt  }
0x5c: {  	_ =	shalt  }
0x5d: {  	_ =	shalt  }
0x5e: {  	_ =	shalt  }
0x5f: {  	_ =	shalt  }
0x60: {  	_ =	shalt  }
0x61: {  	_ =	shalt  }
0x62: {  	_ =	shalt  }
0x63: {  	_ =	shalt  }
0x64: {  	_ =	shalt  }
0x65: {  	_ =	shalt  }
0x66: {  	_ =	shalt  }
0x67: {  	_ =	shalt  }
0x68: {  	_ =	shalt  }
0x69: {  	_ =	shalt  }
0x6a: {  	_ =	shalt  }
0x6b: {  	_ =	shalt  }
0x6c: {  	_ =	shalt  }
0x6d: {  	_ =	shalt  }
0x6e: {  	_ =	shalt  }
0x6f: {  	_ =	shalt  }
0x70: {  	_ =	shalt  }
0x71: {  	_ =	shalt  }
0x72: {  	_ =	shalt  }
0x73: {  	_ =	shalt  }
0x74: {  	_ =	shalt  }
0x75: {  	_ =	shalt  }
0x76: {  	_ =	shalt  }
0x77: {  	_ =	shalt  }
0x78: {  	_ =	shalt  }
0x79: {  	_ =	shalt  }
0x7a: {  	_ =	shalt  }
0x7b: {  	_ =	shalt  }
0x7c: {  	_ =	shalt  }
0x7d: {  	_ =	shalt  }
0x7e: {  	_ =	shalt  }
0x7f: {  	_ =	shalt  }
0x80: {  	_ =	shalt  }
0x81: {  	_ =	shalt  }
0x82: {  	_ =	shalt  }
0x83: {  	_ =	shalt  }
0x84: {  	_ =	shalt  }
0x85: {  	_ =	shalt  }
0x86: {  	_ =	shalt  }
0x87: {  	_ =	shalt  }
.Lfunc_end0:
.L_simem_size_0:
called_computation.6_lowered:
.L_overlay_start_0:
0x88: {  	s2 =	sld [smem:$0x3FD9]  }
0x89: {  	s3 =	sld [smem:$0x3FFE];
	_ =	sdelay $0x1  }
0x8a: {  	s1 =	srdreg.scid  }
0x8b: {  	s0 =	sand.u32 $0x1, s1  }
0x8c: {  	s15 =	sshll.u32 s0, $0xA;
	s2 =	sadd.s32 s3, s2  }
0x8d: {  	s2 =	sadd.s32 s2, s15  }
0x8e: {  	[smem:$0x3F98] =	sst s2  }
0x8f: {  	_ = 	snop  }
0x90: {  	s2 =	sld [smem:$0x3FD0];
	_ =	sdelay $0x2  }
0x91: {  	s16 =	simm.s32 $0xC;
	s4 =	simm.s32 $0x10  }
0x92: {  	[smem:s4], [sflag:s16] =	dma.local [hbm:s2], $0x1  }
0x93: {  	_ =	swait.eq [sflag:s16], $0x1  }
0x94: {  	[sflag:s16] =	ssyncset.done $0x0  }
0x95: {  	[sflag:s16] =	ssyncadd.s32 $0xFFFFFFFF  }
0x96: {  	s17 =	sld [smem:$0x12];
	(tm) =	ssettm $0x1  }
0x97: {  	s18 =	sld [smem:$0x3FFB];
	_ =	sdelay $0x3  }
0x98: {  	_ =	strace s18  }
0x99: {  	s2 =	sld [smem:$0x3FFC];
	_ =	sdelay $0x3  }
0x9a: {  	_ =	strace s2  }
0x9b: {  	s2 =	sld [smem:$0x3FFD];
	_ =	sdelay $0x3  }
0x9c: {  	_ =	strace s2  }
0x9d: {  	_ =	strace $0x8FFFFFFF  }
0x9e: {  	s19 =	sld [smem:$0x3FDB];
	_ =	sdelay $0x1  }
0x9f: {  	s20 =	simm.s32 $_scs_section_size  }
0xa0: {  	s5 =	simm.s32 $_size__tile_overlayer_lowered;
	s6 =	simm.s32 $_tile_overlayer_lowered  }
0xa1: {  	s7 =	simm.s32 $0x1BFF;
	s21 =	sshll.u32 s6, $0x1;
	s4 =	sadd.s32 s20, s19  }
0xa2: {  	s22 =	simm.s32 $0x0;
	s5 =	sshll.u32 s5, $0x1;
	s6 =	sadd.s32 s21, s4  }
0xa3: {  	[timem:s22], [sflag:s7] =	dma.local [hbm:s6], s5  }
0xa4: {  	_ =	swait.ge [sflag:s7], s5  }
0xa5: {  	s5 =	ssub.s32 $0x0, s5;
	[sflag:s7] =	ssyncset.done $0x0  }
0xa6: {  	[sflag:s7] =	ssyncadd.s32 s5;
	_ =	sdelay $0x1  }
0xa7: {  	s23 =	simm.s32 $0x1B8B  }
0xa8: {  	_ =	swait.ge [sflag:s23], $0x1  }
0xa9: {  	[sflag:s23] =	ssyncset.done $0x0  }
0xaa: {  	[sflag:s23] =	ssyncadd.s32 $0xFFFFFFFF  }
0xab: {  	s5 =	sld [smem:$0x0]  }
0xac: {  	s6 =	sand.u32 $0xFFFFFFFE, s1  }
0xad: {  	p0 =	sne.s32 s1, s6  }
0xae: {  	s6 =	sshll.u32 @p0 s6, $0xE  }
0xaf: {  	s6 =	sadd.s32 @p0 $0x11B8D, s6;
	s7 =	sshll.u32 @p0 s5, $0x11  }
0xb0: {  	s6 =	sor.u32 @p0 s7, s6  }
0xb1: {  	[sflag:s6] =	ssyncadd.remote.s32 @p0 $0x1;
	_ =	sdelay $0x1  }
0xb2: {  	s6 =	simm.s32 @p0 $0x1B8D  }
0xb3: {  	_ =	swait.eq @p0 [sflag:s6], $0x1  }
0xb4: {  	[sflag:s6] =	ssyncadd.s32 @p0 $0xFFFFFFFF  }
0xb5: {  	s7 =	sshll.u32 @!p0 s1, $0xE  }
0xb6: {  	s7 =	sor.u32 @!p0 $0x4000, s7;
	s6 =	simm.s32 @!p0 $0x1B8D  }
0xb7: {  	s5 =	sshll.u32 @!p0 s5, $0x11;
	s7 =	sadd.s32 @!p0 $0x11B8D, s7;
	_ =	swait.eq @!p0 [sflag:s6], $0x1  }
0xb8: {  	s5 =	sor.u32 @!p0 s5, s7;
	[sflag:s6] =	ssyncadd.s32 @!p0 $0xFFFFFFFF  }
0xb9: {  	s25 =	simm.s32 $0x1B8E;
	s24 =	sld [smem:$0x3FFE];
	[sflag:s5] =	ssyncadd.remote.s32 @!p0 $0x1  }
0xba: {  	s26 =	simm.s32 $execute0_lowered;
	[smem:$0x3FD2] =	sst s25  }
0xbb: {  	s6 =	sshll.u32 s26, $0x1;
	_ =	strace $0x80000058;
	[dreg:$0x1] =	wrdreg $0xFFFFFFFF  }
0xbc: {  	s28 =	simm.s32 $_size_execute0_lowered;
	s4 =	sadd.s32 s4, s6;
	[dreg:$0x0] =	wrdreg $0x0  }
0xbd: {  	s6 =	sshll.u32 s28, $0x1;
	[dreg:$0x2] =	wrdreg s4  }
0xbe: {  	[dreg:$0x3] =	wrdreg s6  }
0xbf: {  	[dreg:$0x4] =	wrdreg $0xC0  }
0xc0: {  	_ =	task [dreg:s22], $0x5FFFF  }
0xc1: {  	[dreg:$0x1] =	wrdreg $0xFFFFFFFF  }
0xc2: {  	[dreg:$0x0] =	wrdreg $0x60  }
0xc3: {  	[dreg:$0x2] =	wrdreg s24  }
0xc4: {  	[dreg:$0x3] =	wrdreg s17  }
0xc5: {  	[dreg:$0x4] =	wrdreg $0x28800  }
0xc6: {  	[dreg:$0x5] =	wrdreg $0xA  }
0xc7: {  	_ =	task.clear_ibuf [dreg:s22], $0x6FFFF;
	_ =	strace $0x90000058  }
0xc8: {  	s29 =	simm.s32 $0xA;
	_ =	strace $0x8000005A  }
0xc9: {  	_ =	swait.ge [sflag:s29], $0x1  }
0xca: {  	[sflag:s29] =	ssyncadd.s32 $0xFFFFFFFF  }
0xcb: {  	_ =	strace $0x9000005A  }
0xcc: {  	_ =	sfence  }
0xcd: {  	s30 =	sld [smem:$0x0];
	_ =	sdelay $0x2  }
0xce: {  	s31 =	sshll.u32 s1, $0xD;
	s1 =	sshrl.u32 s1, $0x2  }
0xcf: {  	s4 =	sand.u32 $0x4000, s31;
	s1 =	sadd.s32 s1, s30  }
0xd0: {  	s0 =	sor.u32 s4, s0;
	s1 =	sshll.u32 s1, $0x11  }
0xd1: {  	s0 =	sor.u32 s1, s0  }
0xd2: {  	s0 =	sadd.s32 $0x8F2B, s0  }
0xd3: {  	[sflag:s0] =	ssyncadd.remote.s32 $0x1  }
0xd4: {  	_ =	sfence.sel $0xFFFF  }
0xd5: {  	[dreg:$0x0] =	wrdreg $0xFFFFFFFF;
	(pc) =	sbr.abs _section_cstart, $3  }
0xd6: {  	[dreg:$0x1] =	wrdreg $0xFFFFFFFF  }
0xd7: {  	_ =	task.clear_ibuf [dreg:s22], $0x2FFFF;
	_ =	strace $0x9FFFFFFF  }
0xd8: {  	(tm) =	ssettm $0x7FFFFFFF  }
0xd9: {  	_ =	shalt  }
tec
execute0_lowered:
.L_overlay_start_1:
0x0: {  	(tag) =	ssettag $0x1  }
0x1: {  	s1 =	stileid.u32  }
0x2: {  	s5 =	rddreg [dreg:$0x0];
	s4 =	smul.u32 $0x4E200, s1  }
0x3: {  	s8 =	rddreg [dreg:$0x1];
	s11 =	smul.u32 $0x50000, s1  }
0x4: {  	s6 =	srdreg.scid;
	s12 =	smul.u32 $0x4E20, s1  }
0x5: {  	s2 =	rddreg [dreg:$0x2];
	s6 =	sand.u32 $0x1, s6;
	s15 =	smul.u32 $0x2800, s1  }
0x6: {  	s0 =	rddreg [dreg:$0x3];
	s3 =	simm.s32 $0x0;
	s9 =	smul.u32 $0x28000, s6  }
0x7: {  	[smem:$0x7FF] =	sst s3;
	s30 =	sshll.u32 s1, $0x6;
	s29 =	smul.u32 $0x2710, s6  }
0x8: {  	_ =	strace $0x80000059;
	s10 =	ssub.s32 $0x2, s6;
	s6 =	smul.u32 $0x27100, s6  }
0x9: {  	s7 =	sadd.s32 s4, s5;
	s4 =	sadd.s32 $0xEE00, s5;
	s26 =	sshrl.u32 s10, $0x1  }
0xa: {  	s28 =	sshrl.u32 s11, $0x2;
	s11 =	simm.s32 $0x80;
	s9 =	sadd.s32 s9, s5  }
0xb: {  	s10 =	ssub.s32 s10, s26;
	s13 =	sadd.s32 s28, s2;
	s5 =	sor.u32 $0x1C01, s30  }
0xc: {  	s31 =	sadd.s32 s29, s12;
	s7 =	sadd.s32 s6, s7;
	s12 =	simm.s32 $0x50  }
0xd: {  	s14 =	sadd.s32 $0x543C00, s9;
	s9 =	sshrl.u32 s31, $0x3;
	s6 =	smax.u32 s10, $0x1  }
0xe: {  	s7 =	sadd.s32 $0x11600, s7;
	s10 =	simm.s32 $0x1;
	s8 =	sadd.s32 s9, s8  }
0xf: {  	s9 =	sshrl.u32 s13, $0x3;
	s13 =	sadd.s32 s15, s14;
	s14 =	simm.s32 $0x0  }
.LBB2_1:
0x10: {  	[spmem:s9], [sflag:s5] =	dma.local [hbm:s4], $0x2800  }
0x11: {  	_ =	swait.ge [sflag:s10], $0x2800  }
0x12: {  	[sflag:s10] =	ssyncset.done $0x0  }
0x13: {  	[sflag:s10] =	ssyncadd.s32 $0xFFFFD800  }
0x14: {  	s15 =	sadd.s32 $0x0, s8;
	[bflag:$0x0] =	sbarrier.arrive $0xFFFF  }
0x15: {  	[tilespmem:s3], [sflag:$0x1] =	stream.linear.gather [hbm4b:s15+s3], $0x50, $0x38;
	[tilespmem:$0x16880] =	vst v63  }
0x16: {  	_ =	swait.ge [sflag:s10], $0x50  }
0x17: {  	[sflag:s10] =	ssyncset.done $0x0  }
0x18: {  	[sflag:s10] =	ssyncadd.s32 $0xFFFFFFB0  }
0x19: {  	[tilespmem:s11], [sflag:$0x1] =	stream.linear.gather [hbm4b:s7+s3], $0x2800, $0x38;
	[tilespmem:$0x16880] =	vst v63  }
0x1a: {  	_ =	swait.ge [sflag:s10], $0x2800  }
0x1b: {  	[sflag:s10] =	ssyncset.done $0x0  }
0x1c: {  	[sflag:s10] =	ssyncadd.s32 $0xFFFFD800  }
0x1d: {  	[spmem:s2] =	stream.indirect.scatter.add.f32 [tilespmem:s11], [sflag:$0x1], $0x80, s3, s12, $0xb8;
	[tilespmem:$0x16880] =	vst v63  }
0x1e: {  	s16 =	simm.s32 $0xA;
	_ =	swait.ge [sflag:s10], $0x2800  }
0x1f: {  	s17 =	simm.s32 $0x14;
	s15 =	sadd.s32 $0x500, s7;
	[sflag:s10] =	ssyncset.done $0x0  }
.LBB2_2:
0x20: {  	s18 =	sadd.s32 s16, s8  }
0x21: {  	[sflag:s10] =	ssyncadd.s32 $0xFFFFD800;
	s16 =	smov.u32 s17;
	s19 =	sadd.s32 $0xA, s17  }
0x22: {  	[tilespmem:s3], [sflag:$0x1] =	stream.linear.gather [hbm4b:s18+s3], $0x50, $0x38;
	[tilespmem:$0x16880] =	vst v63  }
0x23: {  	p0 =	sne.s32 s17, $0x4D8;
	_ =	swait.ge [sflag:s10], $0x50  }
0x24: {  	[sflag:s10] =	ssyncset.done $0x0  }
0x25: {  	[sflag:s10] =	ssyncadd.s32 $0xFFFFFFB0  }
0x26: {  	[tilespmem:s11], [sflag:$0x1] =	stream.linear.gather [hbm4b:s15+s3], $0x2800, $0x38;
	[tilespmem:$0x16880] =	vst v63  }
0x27: {  	_ =	swait.ge [sflag:s10], $0x2800  }
.Ltmp0:
0x28: {  	[sflag:s10] =	ssyncset.done $0x0;
	(pc) =	sbr.rel @p0 .LBB2_2-.Ltmp0, $4  }
0x29: {  	[sflag:s10] =	ssyncadd.s32 $0xFFFFD800  }
0x2a: {  	[spmem:s2] =	stream.indirect.scatter.add.f32 [tilespmem:s11], [sflag:$0x1], $0x80, s3, s12, $0xb8;
	[tilespmem:$0x16880] =	vst v63  }
0x2b: {  	_ =	swait.ge [sflag:s10], $0x2800  }
0x2c: {  	s17 =	smov.u32 s19;
	s15 =	sadd.s32 $0x500, s15;
	[sflag:s10] =	ssyncset.done $0x0  }
0x2d: {  	s16 =	sadd.s32 s16, s8;
	[sflag:s10] =	ssyncadd.s32 $0xFFFFD800  }
0x2e: {  	[tilespmem:s3], [sflag:$0x1] =	stream.linear.gather [hbm4b:s16+s3], $0x50, $0x38;
	[tilespmem:$0x16880] =	vst v63  }
0x2f: {  	_ =	swait.ge [sflag:s10], $0x50  }
0x30: {  	[sflag:s10] =	ssyncset.done $0x0  }
0x31: {  	[sflag:s10] =	ssyncadd.s32 $0xFFFFFFB0  }
0x32: {  	[tilespmem:s11], [sflag:$0x1] =	stream.linear.gather [hbm4b:s15+s3], $0x2800, $0x38;
	[tilespmem:$0x16880] =	vst v63  }
0x33: {  	_ =	swait.ge [sflag:s10], $0x2800  }
0x34: {  	[sflag:s10] =	ssyncset.done $0x0  }
0x35: {  	[sflag:s10] =	ssyncadd.s32 $0xFFFFD800  }
0x36: {  	[spmem:s2] =	stream.indirect.scatter.add.f32 [tilespmem:s11], [sflag:$0x1], $0x80, s3, s12, $0xb8;
	[tilespmem:$0x16880] =	vst v63  }
0x37: {  	_ =	swait.ge [sflag:s10], $0x2800  }
0x38: {  	s14 =	sadd.s32 $0x1, s14;
	[sflag:s10] =	ssyncset.done $0x0  }
0x39: {  	p0 =	sne.s32 s14, s6;
	[sflag:s10] =	ssyncadd.s32 $0xFFFFD800  }
.Ltmp1:
0x3a: {  	[bflag:$0x0] =	sbarrier.arrive $0xFFFF;
	(pc) =	sbr.rel @p0 .LBB2_1-.Ltmp1, $4  }
0x3b: {  	[hbm:s13], [sflag:s5] =	dma.local [spmem:s9], $0x2800  }
0x3c: {  	_ =	swait.ge [sflag:s10], $0x2800  }
0x3d: {  	[sflag:s10] =	ssyncset.done $0x0  }
0x3e: {  	[sflag:s10] =	ssyncadd.s32 $0xFFFFD800  }
0x3f: {  	_ =	sfence.sel $0x180000  }
0x40: {  	[bflag:$0x0] =	sbarrier.arrive $0xFFFF  }
0x41: {  	p0 =	sne.s32 s1, $0x0;
	_ =	strace $0x90000059  }
0x42: {  	s0 =	sadd.s32 @!p0 $0x100000, s0;
	[bflag:$0x2] =	sbarrier.arrive $0xFFFF  }
0x43: {  	[sflag:s0] =	ssyncadd.tile.s32 @!p0 $0x1;
	_ =	shalt  }
.Lfunc_end2:
_tile_overlayer_lowered:
.L_overlay_start_2:
0x44: {  	(tag) =	ssettag $0x2  }
0x45: {  	s0 =	rddreg [dreg:$0x0];
	s2 =	stileid.u32  }
0x46: {  	s1 =	rddreg [dreg:$0x1];
	p0 =	sne.s32 s2, $0x0  }
0x47: {  	s3 =	rddreg [dreg:$0x2];
	[bflag:$0x3] =	sbarrier.arrive $0xFFFF;
	s2 =	simm.s32 @!p0 $0x1C01  }
0x48: {  	[timem:s3], [sflag:s2] =	dma.local @!p0 [hbm:s0], s1  }
0x49: {  	s0 =	simm.s32 @!p0 $0x1  }
0x4a: {  	_ =	swait.ge @!p0 [sflag:s0], s1  }
0x4b: {  	s1 =	ssub.s32 @!p0 $0x0, s1;
	[sflag:s0] =	ssyncset.done @!p0 $0x0  }
0x4c: {  	[sflag:s0] =	ssyncadd.s32 @!p0 s1  }
0x4d: {  	[bflag:$0x3] =	sbarrier.arrive $0xFFFF  }
0x4e: {  	_ =	shalt  }

// kernel: kernel.42.cloned.1.call-start
scs
__scs_entry_jumppad:
0x0: {  	(pc) =	sbr.rel $0x88, $3  }
0x1: {  	(tag) =	ssettag $0x0;
	lr =	simm.s32 $0x1  }
0x2: {  	[smem:$0x3F71] =	sst lr;
	_ =	strace $0xD0000000  }
0x3: {  	_ = 	snop  }
0x4: {  	_ = 	snop  }
0x5: {  	_ = 	snop  }
0x6: {  	_ = 	snop  }
0x7: {  	_ = 	snop  }
__scs_overlays_trampoline_lowered:
0x8: {  	[smem:$0x3F80] =	sst s0  }
0x9: {  	[smem:$0x3F81] =	sst s1  }
0xa: {  	[smem:$0x3F82] =	sst s2  }
0xb: {  	[smem:$0x3F83] =	sst s3  }
0xc: {  	[smem:$0x3F84] =	sst s4  }
0xd: {  	[smem:$0x3F85] =	sst s5  }
0xe: {  	[smem:$0x3F86] =	sst s6  }
0xf: {  	[smem:$0x3F87] =	sst s7  }
0x10: {  	[smem:$0x3F88] =	sst s8  }
0x11: {  	[smem:$0x3F89] =	sst s9;
	s0 =	simm.s32 @!p0 $0x0  }
0x12: {  	s1 =	sld [smem:$0x3F6F];
	s0 =	simm.s32 @p0 $0x1  }
0x13: {  	[smem:$0x3F8A] =	sst s0;
	s0 =	simm.s32 @!p1 $0x0  }
0x14: {  	s2 =	sld [smem:$0x3F6E];
	s0 =	simm.s32 @p1 $0x1  }
0x15: {  	[smem:$0x3F8B] =	sst s0;
	s0 =	simm.s32 @!p2 $0x0  }
0x16: {  	s3 =	sld [smem:$0x3FDB];
	s0 =	simm.s32 @p2 $0x1  }
0x17: {  	s4 =	simm.s32 $0x1BF5;
	[smem:$0x3F8D] =	sst s0  }
0x18: {  	s0 =	sld [smem:$0x3F70];
	_ =	swait.ge [sflag:s4], $0x0  }
0x19: {  	s7 =	sld [smem:$0x3F71]  }
0x1a: {  	s8 =	sadd.s32 $0xFFFFE003, lr  }
0x1b: {  	s9 =	sadd.s32 $0xFFFFFEF7, lr;
	s5 =	simm.s32 $0xFFFFFFFF;
	p2 =	slt.u32 s8, $0xFFFFF086  }
0x1c: {  	p1 =	slt.u32 s9, $0xF7A;
	s5 =	simm.s32 @!p2 $0x0  }
0x1d: {  	s5 =	simm.s32 @p1 $0x1;
	p0 =	seq.s32 s7, s2  }
0x1e: {  	s7 =	smul.u32 @!p0 $0xF7A, s2;
	p2 =	seq.s32 @!p0 s5, $0x0  }
0x1f: {  	s9 =	smul.u32 $0xF7A, s1;
	s8 =	simm.s32 @!p0 $0x1BF5;
	p2 =	por !p2, p0  }
0x20: {  	[sflag:s8] =	ssyncset.s32 @!p0 $0xFFFFF086;
	s6 =	sadd.s32 @!p0 s3, s7;
	s7 =	simm.s32 @!p0 $0x108  }
0x21: {  	s3 =	sadd.s32 s3, s9;
	s6 =	sadd.s32 @!p0 $0x88, s6;
	s7 =	simm.s32 @p2 $0x1082  }
0x22: {  	[simem:s7], [sflag:s8] =	dma.local @!p0 [hbm:s6], $0xF7A  }
0x23: {  	s9 =	sor.u32 $0xD0000000, s2;
	s6 =	simm.s32 $0x108;
	_ =	swait.ge @!p0 [sflag:s8], $0x0  }
0x24: {  	s3 =	sadd.s32 $0x88, s3;
	s6 =	simm.s32 @!p1 $0x1082;
	[sflag:s4] =	ssyncset.s32 $0xFFFFF086  }
0x25: {  	[simem:s6], [sflag:s4] =	dma.local [hbm:s3], $0xF7A  }
0x26: {  	[smem:$0x3F71] =	sst s1;
	(tag) =	ssettag s2;
	_ =	strace s9  }
0x27: {  	s1 =	sld [smem:$0x3F81]  }
0x28: {  	s2 =	sld [smem:$0x3F82]  }
0x29: {  	s4 =	sld [smem:$0x3F84]  }
0x2a: {  	p0 =	seq.s32 s5, $0x0;
	s5 =	sld [smem:$0x3F85]  }
0x2b: {  	s6 =	sld [smem:$0x3F86]  }
0x2c: {  	s7 =	sld [smem:$0x3F87]  }
0x2d: {  	s3 =	simm.s32 $0x108;
	s8 =	sld [smem:$0x3F88]  }
0x2e: {  	s3 =	simm.s32 @!p0 $0x1082;
	s9 =	sld [smem:$0x3F89]  }
0x2f: {  	lr =	sadd.s32 s0, s3;
	s0 =	sld [smem:$0x3F80]  }
0x30: {  	s3 =	sld [smem:$0x3F83]  }
0x31: {  	[smem:$0x3F8C] =	sst s10  }
0x32: {  	s10 =	sld [smem:$0x3F8A];
	_ =	sdelay $0x3  }
0x33: {  	p0 =	seq.s32 s10, $0x1;
	s10 =	sld [smem:$0x3F8C];
	_ =	sdelay $0x3  }
0x34: {  	[smem:$0x3F8C] =	sst s10  }
0x35: {  	s10 =	sld [smem:$0x3F8B];
	_ =	sdelay $0x3  }
0x36: {  	p1 =	seq.s32 s10, $0x1;
	s10 =	sld [smem:$0x3F8C];
	_ =	sdelay $0x3  }
0x37: {  	[smem:$0x3F8C] =	sst s10  }
0x38: {  	s10 =	sld [smem:$0x3F8D]  }
0x39: {  	_ = 	snop;
	(pc) =	sbr.ind lr, $3  }
0x3a: {  	_ = 	snop  }
0x3b: {  	_ = 	snop  }
0x3c: {  	p2 =	seq.s32 s10, $0x1;
	s10 =	sld [smem:$0x3F8C]  }
0x3d: {  	_ =	shalt  }
0x3e: {  	_ =	shalt  }
0x3f: {  	_ =	shalt  }
0x40: {  	_ =	shalt  }
0x41: {  	_ =	shalt  }
0x42: {  	_ =	shalt  }
0x43: {  	_ =	shalt  }
0x44: {  	_ =	shalt  }
0x45: {  	_ =	shalt  }
0x46: {  	_ =	shalt  }
0x47: {  	_ =	shalt  }
0x48: {  	_ =	shalt  }
0x49: {  	_ =	shalt  }
0x4a: {  	_ =	shalt  }
0x4b: {  	_ =	shalt  }
0x4c: {  	_ =	shalt  }
0x4d: {  	_ =	shalt  }
0x4e: {  	_ =	shalt  }
0x4f: {  	_ =	shalt  }
0x50: {  	_ =	shalt  }
0x51: {  	_ =	shalt  }
0x52: {  	_ =	shalt  }
0x53: {  	_ =	shalt  }
0x54: {  	_ =	shalt  }
0x55: {  	_ =	shalt  }
0x56: {  	_ =	shalt  }
0x57: {  	_ =	shalt  }
0x58: {  	_ =	shalt  }
0x59: {  	_ =	shalt  }
0x5a: {  	_ =	shalt  }
0x5b: {  	_ =	shalt  }
0x5c: {  	_ =	shalt  }
0x5d: {  	_ =	shalt  }
0x5e: {  	_ =	shalt  }
0x5f: {  	_ =	shalt  }
0x60: {  	_ =	shalt  }
0x61: {  	_ =	shalt  }
0x62: {  	_ =	shalt  }
0x63: {  	_ =	shalt  }
0x64: {  	_ =	shalt  }
0x65: {  	_ =	shalt  }
0x66: {  	_ =	shalt  }
0x67: {  	_ =	shalt  }
0x68: {  	_ =	shalt  }
0x69: {  	_ =	shalt  }
0x6a: {  	_ =	shalt  }
0x6b: {  	_ =	shalt  }
0x6c: {  	_ =	shalt  }
0x6d: {  	_ =	shalt  }
0x6e: {  	_ =	shalt  }
0x6f: {  	_ =	shalt  }
0x70: {  	_ =	shalt  }
0x71: {  	_ =	shalt  }
0x72: {  	_ =	shalt  }
0x73: {  	_ =	shalt  }
0x74: {  	_ =	shalt  }
0x75: {  	_ =	shalt  }
0x76: {  	_ =	shalt  }
0x77: {  	_ =	shalt  }
0x78: {  	_ =	shalt  }
0x79: {  	_ =	shalt  }
0x7a: {  	_ =	shalt  }
0x7b: {  	_ =	shalt  }
0x7c: {  	_ =	shalt  }
0x7d: {  	_ =	shalt  }
0x7e: {  	_ =	shalt  }
0x7f: {  	_ =	shalt  }
0x80: {  	_ =	shalt  }
0x81: {  	_ =	shalt  }
0x82: {  	_ =	shalt  }
0x83: {  	_ =	shalt  }
0x84: {  	_ =	shalt  }
0x85: {  	_ =	shalt  }
0x86: {  	_ =	shalt  }
0x87: {  	_ =	shalt  }
.Lfunc_end0:
.L_simem_size_0:
called_computation.7_lowered:
.L_overlay_start_0:
0x88: {  	s2 =	sld [smem:$0x3FD9]  }
0x89: {  	s3 =	sld [smem:$0x3FFE];
	_ =	sdelay $0x1  }
0x8a: {  	s1 =	srdreg.scid  }
0x8b: {  	s0 =	sand.u32 $0x1, s1  }
0x8c: {  	s15 =	sshll.u32 s0, $0xA;
	s2 =	sadd.s32 s3, s2  }
0x8d: {  	s2 =	sadd.s32 s2, s15  }
0x8e: {  	[smem:$0x3F98] =	sst s2  }
0x8f: {  	_ = 	snop  }
0x90: {  	s2 =	sld [smem:$0x3FD0];
	_ =	sdelay $0x2  }
0x91: {  	s16 =	simm.s32 $0xC;
	s4 =	simm.s32 $0x10  }
0x92: {  	[smem:s4], [sflag:s16] =	dma.local [hbm:s2], $0x1  }
0x93: {  	_ =	swait.eq [sflag:s16], $0x1  }
0x94: {  	[sflag:s16] =	ssyncset.done $0x0  }
0x95: {  	[sflag:s16] =	ssyncadd.s32 $0xFFFFFFFF  }
0x96: {  	s17 =	sld [smem:$0x13];
	(tm) =	ssettm $0x1  }
0x97: {  	s18 =	sld [smem:$0x3FFB];
	_ =	sdelay $0x3  }
0x98: {  	_ =	strace s18  }
0x99: {  	s2 =	sld [smem:$0x3FFC];
	_ =	sdelay $0x3  }
0x9a: {  	_ =	strace s2  }
0x9b: {  	s2 =	sld [smem:$0x3FFD];
	_ =	sdelay $0x3  }
0x9c: {  	_ =	strace s2  }
0x9d: {  	_ =	strace $0x8FFFFFFF  }
0x9e: {  	s19 =	sld [smem:$0x3FDB];
	_ =	sdelay $0x1  }
0x9f: {  	s20 =	simm.s32 $_scs_section_size  }
0xa0: {  	s5 =	simm.s32 $_size__tile_overlayer_lowered;
	s6 =	simm.s32 $_tile_overlayer_lowered  }
0xa1: {  	s7 =	simm.s32 $0x1BFF;
	s21 =	sshll.u32 s6, $0x1;
	s4 =	sadd.s32 s20, s19  }
0xa2: {  	s22 =	simm.s32 $0x0;
	s5 =	sshll.u32 s5, $0x1;
	s6 =	sadd.s32 s21, s4  }
0xa3: {  	[timem:s22], [sflag:s7] =	dma.local [hbm:s6], s5  }
0xa4: {  	_ =	swait.ge [sflag:s7], s5  }
0xa5: {  	s5 =	ssub.s32 $0x0, s5;
	[sflag:s7] =	ssyncset.done $0x0  }
0xa6: {  	[sflag:s7] =	ssyncadd.s32 s5;
	_ =	sdelay $0x1  }
0xa7: {  	s23 =	simm.s32 $0x1B8B  }
0xa8: {  	_ =	swait.ge [sflag:s23], $0x1  }
0xa9: {  	[sflag:s23] =	ssyncset.done $0x0  }
0xaa: {  	[sflag:s23] =	ssyncadd.s32 $0xFFFFFFFF  }
0xab: {  	s5 =	sld [smem:$0x0]  }
0xac: {  	s6 =	sand.u32 $0xFFFFFFFE, s1  }
0xad: {  	p0 =	sne.s32 s1, s6  }
0xae: {  	s6 =	sshll.u32 @p0 s6, $0xE  }
0xaf: {  	s6 =	sadd.s32 @p0 $0x11B8D, s6;
	s7 =	sshll.u32 @p0 s5, $0x11  }
0xb0: {  	s6 =	sor.u32 @p0 s7, s6  }
0xb1: {  	[sflag:s6] =	ssyncadd.remote.s32 @p0 $0x1;
	_ =	sdelay $0x1  }
0xb2: {  	s6 =	simm.s32 @p0 $0x1B8D  }
0xb3: {  	_ =	swait.eq @p0 [sflag:s6], $0x1  }
0xb4: {  	[sflag:s6] =	ssyncadd.s32 @p0 $0xFFFFFFFF  }
0xb5: {  	s7 =	sshll.u32 @!p0 s1, $0xE  }
0xb6: {  	s7 =	sor.u32 @!p0 $0x4000, s7;
	s6 =	simm.s32 @!p0 $0x1B8D  }
0xb7: {  	s5 =	sshll.u32 @!p0 s5, $0x11;
	s7 =	sadd.s32 @!p0 $0x11B8D, s7;
	_ =	swait.eq @!p0 [sflag:s6], $0x1  }
0xb8: {  	s5 =	sor.u32 @!p0 s5, s7;
	[sflag:s6] =	ssyncadd.s32 @!p0 $0xFFFFFFFF  }
0xb9: {  	s25 =	simm.s32 $0x1B8E;
	s24 =	sld [smem:$0x3FFE];
	[sflag:s5] =	ssyncadd.remote.s32 @!p0 $0x1  }
0xba: {  	s26 =	simm.s32 $execute0_lowered;
	[smem:$0x3FD2] =	sst s25  }
0xbb: {  	s6 =	sshll.u32 s26, $0x1;
	_ =	strace $0x8000005B;
	[dreg:$0x1] =	wrdreg $0xFFFFFFFF  }
0xbc: {  	s28 =	simm.s32 $_size_execute0_lowered;
	s4 =	sadd.s32 s4, s6;
	[dreg:$0x0] =	wrdreg $0x0  }
0xbd: {  	s6 =	sshll.u32 s28, $0x1;
	[dreg:$0x2] =	wrdreg s4  }
0xbe: {  	[dreg:$0x3] =	wrdreg s6  }
0xbf: {  	[dreg:$0x4] =	wrdreg $0xC0  }
0xc0: {  	_ =	task [dreg:s22], $0x5FFFF  }
0xc1: {  	[dreg:$0x1] =	wrdreg $0xFFFFFFFF  }
0xc2: {  	[dreg:$0x0] =	wrdreg $0x60  }
0xc3: {  	[dreg:$0x2] =	wrdreg s17  }
0xc4: {  	[dreg:$0x3] =	wrdreg s24  }
0xc5: {  	[dreg:$0x4] =	wrdreg $0x28800  }
0xc6: {  	[dreg:$0x5] =	wrdreg $0xB  }
0xc7: {  	_ =	task.clear_ibuf [dreg:s22], $0x6FFFF;
	_ =	strace $0x9000005B  }
0xc8: {  	s29 =	simm.s32 $0xB;
	_ =	strace $0x8000005D  }
0xc9: {  	_ =	swait.ge [sflag:s29], $0x1  }
0xca: {  	[sflag:s29] =	ssyncadd.s32 $0xFFFFFFFF  }
0xcb: {  	_ =	strace $0x9000005D  }
0xcc: {  	_ =	sfence  }
0xcd: {  	s30 =	sld [smem:$0x0];
	_ =	sdelay $0x2  }
0xce: {  	s31 =	sshll.u32 s1, $0xD;
	s1 =	sshrl.u32 s1, $0x2  }
0xcf: {  	s4 =	sand.u32 $0x4000, s31;
	s1 =	sadd.s32 s1, s30  }
0xd0: {  	s0 =	sor.u32 s4, s0;
	s1 =	sshll.u32 s1, $0x11  }
0xd1: {  	s0 =	sor.u32 s1, s0  }
0xd2: {  	s0 =	sadd.s32 $0x8F2B, s0  }
0xd3: {  	[sflag:s0] =	ssyncadd.remote.s32 $0x1  }
0xd4: {  	_ =	sfence.sel $0xFFFF  }
0xd5: {  	[dreg:$0x0] =	wrdreg $0xFFFFFFFF;
	(pc) =	sbr.abs _section_cstart, $3  }
0xd6: {  	[dreg:$0x1] =	wrdreg $0xFFFFFFFF  }
0xd7: {  	_ =	task.clear_ibuf [dreg:s22], $0x2FFFF;
	_ =	strace $0x9FFFFFFF  }
0xd8: {  	(tm) =	ssettm $0x7FFFFFFF  }
0xd9: {  	_ =	shalt  }
tec
execute0_lowered:
.L_overlay_start_1:
0x0: {  	(tag) =	ssettag $0x1  }
0x1: {  	s0 =	stileid.u32  }
0x2: {  	s6 =	rddreg [dreg:$0x0];
	s4 =	smul.u32 $0x4E20, s0  }
0x3: {  	s5 =	rddreg [dreg:$0x1];
	s12 =	smul.u32 $0x50000, s0  }
0x4: {  	s1 =	srdreg.scid;
	s30 =	smul.u32 $0x4E200, s0  }
0x5: {  	s2 =	rddreg [dreg:$0x2];
	s7 =	sand.u32 $0x1, s1;
	s15 =	smul.u32 $0x2800, s0  }
0x6: {  	s3 =	simm.s32 $0x0;
	s1 =	rddreg [dreg:$0x3];
	s8 =	smul.u32 $0x2710, s7  }
0x7: {  	[smem:$0x7FF] =	sst s3;
	s29 =	sshll.u32 s0, $0x6;
	s26 =	smul.u32 $0x28000, s7  }
0x8: {  	_ =	strace $0x8000005C;
	s9 =	ssub.s32 $0x2, s7;
	s7 =	smul.u32 $0x27100, s7  }
0x9: {  	s11 =	sshrl.u32 s9, $0x1;
	s28 =	sshrl.u32 s12, $0x2;
	s31 =	sadd.s32 s30, s6  }
0xa: {  	s12 =	simm.s32 $0x50;
	s4 =	sadd.s32 s8, s4;
	s8 =	sadd.s32 s26, s5  }
0xb: {  	s9 =	ssub.s32 s9, s11;
	s13 =	sadd.s32 s28, s2;
	s7 =	sadd.s32 s7, s31  }
0xc: {  	s11 =	simm.s32 $0x80;
	s4 =	sshrl.u32 s4, $0x3;
	s14 =	sadd.s32 $0x593C00, s8  }
0xd: {  	s6 =	smax.u32 s9, $0x1;
	s9 =	sshrl.u32 s13, $0x3;
	s10 =	sadd.s32 s4, s5  }
0xe: {  	s4 =	sadd.s32 $0xEE00, s5;
	s5 =	sor.u32 $0x1C01, s29;
	s13 =	sadd.s32 s15, s14  }
0xf: {  	s14 =	simm.s32 $0x0;
	s8 =	sadd.s32 $0x5000, s10;
	s10 =	simm.s32 $0x1  }
.LBB2_1:
0x10: {  	[spmem:s9], [sflag:s5] =	dma.local [hbm:s4], $0x2800  }
0x11: {  	_ =	swait.ge [sflag:s10], $0x2800  }
0x12: {  	[sflag:s10] =	ssyncset.done $0x0  }
0x13: {  	[sflag:s10] =	ssyncadd.s32 $0xFFFFD800  }
0x14: {  	s15 =	sadd.s32 $0x0, s8;
	[bflag:$0x0] =	sbarrier.arrive $0xFFFF  }
0x15: {  	[tilespmem:s3], [sflag:$0x1] =	stream.linear.gather [hbm4b:s15+s3], $0x50, $0x38;
	[tilespmem:$0x16880] =	vst v63  }
0x16: {  	_ =	swait.ge [sflag:s10], $0x50  }
0x17: {  	[sflag:s10] =	ssyncset.done $0x0  }
0x18: {  	[sflag:s10] =	ssyncadd.s32 $0xFFFFFFB0  }
0x19: {  	[tilespmem:s11], [sflag:$0x1] =	stream.linear.gather [hbm4b:s7+s3], $0x2800, $0x38;
	[tilespmem:$0x16880] =	vst v63  }
0x1a: {  	_ =	swait.ge [sflag:s10], $0x2800  }
0x1b: {  	[sflag:s10] =	ssyncset.done $0x0  }
0x1c: {  	[sflag:s10] =	ssyncadd.s32 $0xFFFFD800  }
0x1d: {  	[spmem:s2] =	stream.indirect.scatter.add.f32 [tilespmem:s11], [sflag:$0x1], $0x80, s3, s12, $0xb8;
	[tilespmem:$0x16880] =	vst v63  }
0x1e: {  	s16 =	simm.s32 $0xA;
	_ =	swait.ge [sflag:s10], $0x2800  }
0x1f: {  	s17 =	simm.s32 $0x14;
	s15 =	sadd.s32 $0x500, s7;
	[sflag:s10] =	ssyncset.done $0x0  }
.LBB2_2:
0x20: {  	s18 =	sadd.s32 s16, s8  }
0x21: {  	[sflag:s10] =	ssyncadd.s32 $0xFFFFD800;
	s16 =	smov.u32 s17;
	s19 =	sadd.s32 $0xA, s17  }
0x22: {  	[tilespmem:s3], [sflag:$0x1] =	stream.linear.gather [hbm4b:s18+s3], $0x50, $0x38;
	[tilespmem:$0x16880] =	vst v63  }
0x23: {  	p0 =	sne.s32 s17, $0x4D8;
	_ =	swait.ge [sflag:s10], $0x50  }
0x24: {  	[sflag:s10] =	ssyncset.done $0x0  }
0x25: {  	[sflag:s10] =	ssyncadd.s32 $0xFFFFFFB0  }
0x26: {  	[tilespmem:s11], [sflag:$0x1] =	stream.linear.gather [hbm4b:s15+s3], $0x2800, $0x38;
	[tilespmem:$0x16880] =	vst v63  }
0x27: {  	_ =	swait.ge [sflag:s10], $0x2800  }
.Ltmp0:
0x28: {  	[sflag:s10] =	ssyncset.done $0x0;
	(pc) =	sbr.rel @p0 .LBB2_2-.Ltmp0, $4  }
0x29: {  	[sflag:s10] =	ssyncadd.s32 $0xFFFFD800  }
0x2a: {  	[spmem:s2] =	stream.indirect.scatter.add.f32 [tilespmem:s11], [sflag:$0x1], $0x80, s3, s12, $0xb8;
	[tilespmem:$0x16880] =	vst v63  }
0x2b: {  	_ =	swait.ge [sflag:s10], $0x2800  }
0x2c: {  	s17 =	smov.u32 s19;
	s15 =	sadd.s32 $0x500, s15;
	[sflag:s10] =	ssyncset.done $0x0  }
0x2d: {  	s16 =	sadd.s32 s16, s8;
	[sflag:s10] =	ssyncadd.s32 $0xFFFFD800  }
0x2e: {  	[tilespmem:s3], [sflag:$0x1] =	stream.linear.gather [hbm4b:s16+s3], $0x50, $0x38;
	[tilespmem:$0x16880] =	vst v63  }
0x2f: {  	_ =	swait.ge [sflag:s10], $0x50  }
0x30: {  	[sflag:s10] =	ssyncset.done $0x0  }
0x31: {  	[sflag:s10] =	ssyncadd.s32 $0xFFFFFFB0  }
0x32: {  	[tilespmem:s11], [sflag:$0x1] =	stream.linear.gather [hbm4b:s15+s3], $0x2800, $0x38;
	[tilespmem:$0x16880] =	vst v63  }
0x33: {  	_ =	swait.ge [sflag:s10], $0x2800  }
0x34: {  	[sflag:s10] =	ssyncset.done $0x0  }
0x35: {  	[sflag:s10] =	ssyncadd.s32 $0xFFFFD800  }
0x36: {  	[spmem:s2] =	stream.indirect.scatter.add.f32 [tilespmem:s11], [sflag:$0x1], $0x80, s3, s12, $0xb8;
	[tilespmem:$0x16880] =	vst v63  }
0x37: {  	_ =	swait.ge [sflag:s10], $0x2800  }
0x38: {  	s14 =	sadd.s32 $0x1, s14;
	[sflag:s10] =	ssyncset.done $0x0  }
0x39: {  	p0 =	sne.s32 s14, s6;
	[sflag:s10] =	ssyncadd.s32 $0xFFFFD800  }
.Ltmp1:
0x3a: {  	[bflag:$0x0] =	sbarrier.arrive $0xFFFF;
	(pc) =	sbr.rel @p0 .LBB2_1-.Ltmp1, $4  }
0x3b: {  	[hbm:s13], [sflag:s5] =	dma.local [spmem:s9], $0x2800  }
0x3c: {  	_ =	swait.ge [sflag:s10], $0x2800  }
0x3d: {  	[sflag:s10] =	ssyncset.done $0x0  }
0x3e: {  	[sflag:s10] =	ssyncadd.s32 $0xFFFFD800  }
0x3f: {  	_ =	sfence.sel $0x180000  }
0x40: {  	[bflag:$0x0] =	sbarrier.arrive $0xFFFF  }
0x41: {  	p0 =	sne.s32 s0, $0x0;
	_ =	strace $0x9000005C  }
0x42: {  	s0 =	sadd.s32 @!p0 $0x100000, s1;
	[bflag:$0x2] =	sbarrier.arrive $0xFFFF  }
0x43: {  	[sflag:s0] =	ssyncadd.tile.s32 @!p0 $0x1;
	_ =	shalt  }
.Lfunc_end2:
_tile_overlayer_lowered:
.L_overlay_start_2:
0x44: {  	(tag) =	ssettag $0x2  }
0x45: {  	s0 =	rddreg [dreg:$0x0];
	s2 =	stileid.u32  }
0x46: {  	s1 =	rddreg [dreg:$0x1];
	p0 =	sne.s32 s2, $0x0  }
0x47: {  	s3 =	rddreg [dreg:$0x2];
	[bflag:$0x3] =	sbarrier.arrive $0xFFFF;
	s2 =	simm.s32 @!p0 $0x1C01  }
0x48: {  	[timem:s3], [sflag:s2] =	dma.local @!p0 [hbm:s0], s1  }
0x49: {  	s0 =	simm.s32 @!p0 $0x1  }
0x4a: {  	_ =	swait.ge @!p0 [sflag:s0], s1  }
0x4b: {  	s1 =	ssub.s32 @!p0 $0x0, s1;
	[sflag:s0] =	ssyncset.done @!p0 $0x0  }
0x4c: {  	[sflag:s0] =	ssyncadd.s32 @!p0 s1  }
0x4d: {  	[bflag:$0x3] =	sbarrier.arrive $0xFFFF  }
0x4e: {  	_ =	shalt  }

</sc_bundles>
